<compile_context>
chip_gen: v7x
topology: tpu7x:2x2x1
jax: 0.10.2.dev20260603
libtpu: 0.0.44.dev20260713+nightly
codegen_flags: <defaults>
</compile_context>

<pallas_src>
import functools

import jax
import jax.numpy as jnp
from jax import lax
from jax.experimental import pallas as pl
from jax.experimental.pallas import tpu as pltpu
from jax.experimental.pallas import tpu_sc as plsc

VOCAB = 1000000
DIM = 32
B = 4096
L = 200

_R = 5
_W = 128
_TP = 131


def _make_kernel():
    info = plsc.get_sparse_core_info()
    nc = info.num_cores
    nw = nc * info.num_subcores
    assert nw * _W == B and L % _R == 0

    mesh = plsc.VectorSubcoreMesh(core_axis_name="c", subcore_axis_name="s")

    @functools.partial(
        pl.kernel,
        mesh=mesh,
        out_type=jax.ShapeDtypeStruct((L, DIM // 8, B // _W, 8, _W),
                                      jnp.float32),
        scratch_types=(
            [pltpu.VMEM((L // 8, 8, _W), jnp.int32)]
            + [pltpu.VMEM((_W, DIM), jnp.float32) for _ in range(_R)]
            + [pltpu.VMEM((DIM // 8, 8, _TP), jnp.float32)
               for _ in range(_R)]
            + [pltpu.SemaphoreType.DMA] * (2 * _R + 1)
        ),
        compiler_params=pltpu.CompilerParams(use_tc_tiling_on_sc=False,
                                             needs_layout_passes=False),
    )
    def k(xq_hbm, tbl_hbm, out_hbm, *refs):
        idxs = refs[0]
        rows = refs[1:1 + _R]
        touts = refs[1 + _R:1 + 2 * _R]
        sem_g = refs[1 + 2 * _R:1 + 3 * _R]
        sem_s = refs[1 + 3 * _R:1 + 4 * _R]
        sem_i = refs[1 + 4 * _R]

        wid = lax.axis_index("s") * nc + lax.axis_index("c")

        pltpu.async_copy(xq_hbm.at[:, wid], idxs, sem_i).wait()

        iota = lax.iota(jnp.int32, 16)

        def idx_ref(l):
            return idxs.at[l // 8, l % 8]

        def g_start(l, s):
            pltpu.async_copy(tbl_hbm.at[idx_ref(l)], rows[s], sem_g[s])

        def g_wait(l, s):
            pltpu.make_async_copy(tbl_hbm.at[idx_ref(l)], rows[s],
                                  sem_g[s]).wait()

        def out_slice(l):
            return out_hbm.at[l, :, wid]

        def tout_src(s):
            return touts[s].at[:, :, pl.ds(0, _W)]

        def s_start(l, s):
            pltpu.async_copy(tout_src(s), out_slice(l), sem_s[s])

        def s_wait(l, s):
            pltpu.make_async_copy(tout_src(s), out_slice(l), sem_s[s]).wait()

        d_hi1, d_lo1 = iota // 8, iota % 8
        d_hi2, d_lo2 = (16 + iota) // 8, (16 + iota) % 8

        def transpose(s):
            def per_j(j, carry):
                jcol = jnp.full((16,), 0, jnp.int32) + j
                v1 = rows[s][j, pl.ds(0, 16)]
                v2 = rows[s][j, pl.ds(16, 16)]
                plsc.store_scatter(touts[s], [d_hi1, d_lo1, jcol], v1)
                plsc.store_scatter(touts[s], [d_hi2, d_lo2, jcol], v2)
                return carry

            lax.fori_loop(0, _W, per_j, 0, unroll=4)

        def step(l, s, wait_store, start_gather):
            g_wait(l, s)
            if start_gather:
                g_start(l + (_R - 1), (s + _R - 1) % _R)
            if wait_store:
                s_wait(l - _R, s)
            transpose(s)
            s_start(l, s)

        for s in range(_R - 1):
            g_start(s, s)
        for i in range(_R):
            step(i, i, False, True)

        def block(blk, carry):
            for i in range(_R):
                step(blk * _R + i, i, True, True)
            return carry

        lax.fori_loop(1, L // _R - 1, block, 0)

        for i in range(_R):
            l = L - _R + i
            step(l, i, True, i == 0)
        for i in range(_R):
            s_wait(L - _R + i, i)

    return k


_gather = _make_kernel()


@jax.jit
def kernel(x, weight):
    xq = (jnp.swapaxes(x.astype(jnp.int32), 0, 1)
          .reshape(L // 8, 8, B // _W, _W)
          .transpose(0, 2, 1, 3))
    o5 = _gather(xq, weight)
    return (o5.transpose(0, 1, 3, 2, 4)
            .reshape(L, DIM, B)
            .transpose(2, 0, 1))

# --- scband reference (transcript-rebuilt; emitter-appended) ---
"""Pipeline reference for scband-embedding-layer-21552145891398 (READ-ONLY COPY).

The authoritative reference and input builder live on the scoring server;
editing this copy changes nothing except your own understanding.
"""

import jax, jax.numpy as jnp
import numpy as np

VOCAB = 1000000
DIM = 32
PAD = 0
B = 4096
L = 200


def setup_inputs(seed: int = 0) -> dict:
    key = jax.random.key(seed)
    k1, k2 = jax.random.split(key)
    x = jax.random.randint(k1, (B, L), 0, VOCAB)
    weight = jax.random.normal(k2, (VOCAB, DIM), dtype=jnp.float32)
    # nn.Embedding zeroes the padding_idx row at init
    weight = weight.at[PAD].set(0.0)
    return {"x": x, "weight": weight}


def reference(x, weight):
    # nn.Embedding forward: plain row gather from the table
    return jnp.take(weight, x, axis=0)

if __name__ == "__main__":
    import jax
    _d = setup_inputs()
    print(jax.jit(kernel)(*tuple(_d.values())))

</pallas_src>

<mosaic_0001>
#map = affine_map<(d0, d1) -> (0, 0, 0, 0)>
#map1 = affine_map<(d0, d1) -> (0, 0)>
#map2 = affine_map<(d0, d1) -> (0, 0, 0, 0, 0)>
module attributes {stable_mosaic.version = 14 : i64} {
  func.func @k(%arg0: i32, %arg1: i32, %arg2: memref<25x32x8x128xi32, #tpu.memory_space<hbm>>, %arg3: memref<1000000x32xf32, #tpu.memory_space<hbm>>, %arg4: memref<200x4x32x8x128xf32, #tpu.memory_space<hbm>>, %arg5: memref<25x8x128xi32, #tpu.memory_space<vmem>>, %arg6: memref<128x32xf32, #tpu.memory_space<vmem>>, %arg7: memref<128x32xf32, #tpu.memory_space<vmem>>, %arg8: memref<128x32xf32, #tpu.memory_space<vmem>>, %arg9: memref<128x32xf32, #tpu.memory_space<vmem>>, %arg10: memref<128x32xf32, #tpu.memory_space<vmem>>, %arg11: memref<4x8x131xf32, #tpu.memory_space<vmem>>, %arg12: memref<4x8x131xf32, #tpu.memory_space<vmem>>, %arg13: memref<4x8x131xf32, #tpu.memory_space<vmem>>, %arg14: memref<4x8x131xf32, #tpu.memory_space<vmem>>, %arg15: memref<4x8x131xf32, #tpu.memory_space<vmem>>, %arg16: memref<!tpu.dma_semaphore, #tpu.memory_space<semaphore_mem>>, %arg17: memref<!tpu.dma_semaphore, #tpu.memory_space<semaphore_mem>>, %arg18: memref<!tpu.dma_semaphore, #tpu.memory_space<semaphore_mem>>, %arg19: memref<!tpu.dma_semaphore, #tpu.memory_space<semaphore_mem>>, %arg20: memref<!tpu.dma_semaphore, #tpu.memory_space<semaphore_mem>>, %arg21: memref<!tpu.dma_semaphore, #tpu.memory_space<semaphore_mem>>, %arg22: memref<!tpu.dma_semaphore, #tpu.memory_space<semaphore_mem>>, %arg23: memref<!tpu.dma_semaphore, #tpu.memory_space<semaphore_mem>>, %arg24: memref<!tpu.dma_semaphore, #tpu.memory_space<semaphore_mem>>, %arg25: memref<!tpu.dma_semaphore, #tpu.memory_space<semaphore_mem>>, %arg26: memref<!tpu.dma_semaphore, #tpu.memory_space<semaphore_mem>>) attributes {dimension_semantics = [#tpu.dimension_semantics<core_parallel>, #tpu.dimension_semantics<subcore_parallel>], iteration_bounds = array<i64: 2, 16>, scalar_prefetch = 0 : i64, scratch_operands = 22 : i64, tpu.core_type = #tpu.core_type<sc_vector_subcore>, window_params = [{transform_indices = #map}, {transform_indices = #map1}, {transform_indices = #map2}]} {
    %mul3A = arith.constant 2 : i32
    %mul3A_0 = arith.muli %arg1, %mul3A : i32
    %add3A = arith.addi %mul3A_0, %arg0 : i32
    %dma_start3A = arith.constant 0 : i32
    %dma_start3A_1 = arith.constant 0 : i32
    %dma_start3A_2 = arith.constant 0 : i32
    %dma_start3A_3 = tpu.memref_slice %arg2[%dma_start3A, %add3A, %dma_start3A_1, %dma_start3A_2] : memref<25x32x8x128xi32, #tpu.memory_space<hbm>> -> memref<25x1x8x128xi32, #tpu.memory_space<hbm>>
    %dma_start3A_4 = tpu.memref_squeeze %dma_start3A_3 : memref<25x1x8x128xi32, #tpu.memory_space<hbm>> -> memref<25x8x128xi32, #tpu.memory_space<hbm>>
    %dma_start3A_5 = arith.constant 0 : i32
    %dma_start3A_6 = arith.constant 0 : i32
    %dma_start3A_7 = arith.constant 0 : i32
    %dma_start3A_8 = tpu.memref_slice %arg2[%dma_start3A_5, %add3A, %dma_start3A_6, %dma_start3A_7] : memref<25x32x8x128xi32, #tpu.memory_space<hbm>> -> memref<25x1x8x128xi32, #tpu.memory_space<hbm>>
    %dma_start3A_9 = tpu.memref_squeeze %dma_start3A_8 : memref<25x1x8x128xi32, #tpu.memory_space<hbm>> -> memref<25x8x128xi32, #tpu.memory_space<hbm>>
    tpu.enqueue_dma source(%dma_start3A_9 : memref<25x8x128xi32, #tpu.memory_space<hbm>>) target(%arg5 : memref<25x8x128xi32, #tpu.memory_space<vmem>>) target_semaphore(%arg26 : memref<!tpu.dma_semaphore, #tpu.memory_space<semaphore_mem>>)
    %dma_wait3A = arith.constant 0 : i32
    %dma_wait3A_10 = arith.constant 0 : i32
    %dma_wait3A_11 = arith.constant 0 : i32
    %dma_wait3A_12 = tpu.memref_slice %arg2[%dma_wait3A, %add3A, %dma_wait3A_10, %dma_wait3A_11] : memref<25x32x8x128xi32, #tpu.memory_space<hbm>> -> memref<25x1x8x128xi32, #tpu.memory_space<hbm>>
    %dma_wait3A_13 = tpu.memref_squeeze %dma_wait3A_12 : memref<25x1x8x128xi32, #tpu.memory_space<hbm>> -> memref<25x8x128xi32, #tpu.memory_space<hbm>>
    %dma_wait3A_14 = arith.constant 0 : i32
    %dma_wait3A_15 = arith.constant 0 : i32
    %dma_wait3A_16 = arith.constant 0 : i32
    %dma_wait3A_17 = tpu.memref_slice %arg2[%dma_wait3A_14, %add3A, %dma_wait3A_15, %dma_wait3A_16] : memref<25x32x8x128xi32, #tpu.memory_space<hbm>> -> memref<25x1x8x128xi32, #tpu.memory_space<hbm>>
    %dma_wait3A_18 = tpu.memref_squeeze %dma_wait3A_17 : memref<25x1x8x128xi32, #tpu.memory_space<hbm>> -> memref<25x8x128xi32, #tpu.memory_space<hbm>>
    tpu.wait_dma2 semaphore(%arg26 : memref<!tpu.dma_semaphore, #tpu.memory_space<semaphore_mem>>) src(%dma_wait3A_18 : memref<25x8x128xi32, #tpu.memory_space<hbm>>) dst(%arg5 : memref<25x8x128xi32, #tpu.memory_space<vmem>>)
    %iota3A = tpu.iota {dimensions = array<i32: 0>} : vector<16xi32>
    %jit3A = arith.constant 8 : i32
    %div3A = vector.broadcast %jit3A : i32 to vector<16xi32>
    %div3A_19 = arith.divsi %iota3A, %div3A : vector<16xi32>
    %sign3A = arith.constant 0 : i32
    %sign3A_20 = vector.broadcast %sign3A : i32 to vector<16xi32>
    %sign3A_21 = arith.cmpi sgt, %iota3A, %sign3A_20 : vector<16xi32>
    %sign3A_22 = arith.extui %sign3A_21 : vector<16xi1> to vector<16xi32>
    %sign3A_23 = arith.constant 0 : i32
    %sign3A_24 = vector.broadcast %sign3A_23 : i32 to vector<16xi32>
    %sign3A_25 = arith.cmpi slt, %iota3A, %sign3A_24 : vector<16xi32>
    %sign3A_26 = arith.extui %sign3A_25 : vector<16xi1> to vector<16xi32>
    %sign3A_27 = arith.subi %sign3A_22, %sign3A_26 : vector<16xi32>
    %sign3A_28 = arith.constant 0 : i32
    %sign3A_29 = arith.cmpi sgt, %jit3A, %sign3A_28 : i32
    %sign3A_30 = arith.extui %sign3A_29 : i1 to i32
    %sign3A_31 = arith.constant 0 : i32
    %sign3A_32 = arith.cmpi slt, %jit3A, %sign3A_31 : i32
    %sign3A_33 = arith.extui %sign3A_32 : i1 to i32
    %sign3A_34 = arith.subi %sign3A_30, %sign3A_33 : i32
    %ne3A = vector.broadcast %sign3A_34 : i32 to vector<16xi32>
    %ne3A_35 = arith.cmpi ne, %sign3A_27, %ne3A : vector<16xi32>
    %rem3A = vector.broadcast %jit3A : i32 to vector<16xi32>
    %rem3A_36 = arith.remsi %iota3A, %rem3A : vector<16xi32>
    %ne3A_37 = arith.constant 0 : i32
    %ne3A_38 = vector.broadcast %ne3A_37 : i32 to vector<16xi32>
    %ne3A_39 = arith.cmpi ne, %rem3A_36, %ne3A_38 : vector<16xi32>
    %and3A = arith.andi %ne3A_35, %ne3A_39 : vector<16xi1>
    %sub3A = arith.constant 1 : i32
    %sub3A_40 = vector.broadcast %sub3A : i32 to vector<16xi32>
    %sub3A_41 = arith.subi %div3A_19, %sub3A_40 : vector<16xi32>
    %select_n3A = arith.select %and3A, %sub3A_41, %div3A_19 : vector<16xi1>, vector<16xi32>
    %jit3A_42 = arith.constant 8 : i32
    %eq3A = arith.constant 0 : i32
    %eq3A_43 = arith.cmpi eq, %jit3A_42, %eq3A : i32
    %jit3A_44 = arith.constant 1 : i32
    %select_n3A_45 = arith.select %eq3A_43, %jit3A_44, %jit3A_42 : i32
    %rem3A_46 = vector.broadcast %select_n3A_45 : i32 to vector<16xi32>
    %rem3A_47 = arith.remsi %iota3A, %rem3A_46 : vector<16xi32>
    %ne3A_48 = arith.constant 0 : i32
    %ne3A_49 = vector.broadcast %ne3A_48 : i32 to vector<16xi32>
    %ne3A_50 = arith.cmpi ne, %rem3A_47, %ne3A_49 : vector<16xi32>
    %lt3A = arith.constant 0 : i32
    %lt3A_51 = vector.broadcast %lt3A : i32 to vector<16xi32>
    %lt3A_52 = arith.cmpi slt, %rem3A_47, %lt3A_51 : vector<16xi32>
    %lt3A_53 = arith.constant 0 : i32
    %lt3A_54 = arith.cmpi slt, %select_n3A_45, %lt3A_53 : i32
    %ne3A_55 = vector.broadcast %lt3A_54 : i1 to vector<16xi1>
    %ne3A_56 = vector.broadcast %ne3A_55 : vector<16xi1> to vector<16xi1>
    %ne3A_57 = arith.xori %lt3A_52, %ne3A_56 : vector<16xi1>
    %and3A_58 = arith.andi %ne3A_57, %ne3A_50 : vector<16xi1>
    %add3A_59 = vector.broadcast %select_n3A_45 : i32 to vector<16xi32>
    %add3A_60 = arith.addi %rem3A_47, %add3A_59 : vector<16xi32>
    %select_n3A_61 = arith.select %and3A_58, %add3A_60, %rem3A_47 : vector<16xi1>, vector<16xi32>
    %add3A_62 = arith.constant 16 : i32
    %add3A_63 = vector.broadcast %add3A_62 : i32 to vector<16xi32>
    %add3A_64 = arith.addi %add3A_63, %iota3A : vector<16xi32>
    %jit3A_65 = arith.constant 8 : i32
    %div3A_66 = vector.broadcast %jit3A_65 : i32 to vector<16xi32>
    %div3A_67 = arith.divsi %add3A_64, %div3A_66 : vector<16xi32>
    %sign3A_68 = arith.constant 0 : i32
    %sign3A_69 = vector.broadcast %sign3A_68 : i32 to vector<16xi32>
    %sign3A_70 = arith.cmpi sgt, %add3A_64, %sign3A_69 : vector<16xi32>
    %sign3A_71 = arith.extui %sign3A_70 : vector<16xi1> to vector<16xi32>
    %sign3A_72 = arith.constant 0 : i32
    %sign3A_73 = vector.broadcast %sign3A_72 : i32 to vector<16xi32>
    %sign3A_74 = arith.cmpi slt, %add3A_64, %sign3A_73 : vector<16xi32>
    %sign3A_75 = arith.extui %sign3A_74 : vector<16xi1> to vector<16xi32>
    %sign3A_76 = arith.subi %sign3A_71, %sign3A_75 : vector<16xi32>
    %sign3A_77 = arith.constant 0 : i32
    %sign3A_78 = arith.cmpi sgt, %jit3A_65, %sign3A_77 : i32
    %sign3A_79 = arith.extui %sign3A_78 : i1 to i32
    %sign3A_80 = arith.constant 0 : i32
    %sign3A_81 = arith.cmpi slt, %jit3A_65, %sign3A_80 : i32
    %sign3A_82 = arith.extui %sign3A_81 : i1 to i32
    %sign3A_83 = arith.subi %sign3A_79, %sign3A_82 : i32
    %ne3A_84 = vector.broadcast %sign3A_83 : i32 to vector<16xi32>
    %ne3A_85 = arith.cmpi ne, %sign3A_76, %ne3A_84 : vector<16xi32>
    %rem3A_86 = vector.broadcast %jit3A_65 : i32 to vector<16xi32>
    %rem3A_87 = arith.remsi %add3A_64, %rem3A_86 : vector<16xi32>
    %ne3A_88 = arith.constant 0 : i32
    %ne3A_89 = vector.broadcast %ne3A_88 : i32 to vector<16xi32>
    %ne3A_90 = arith.cmpi ne, %rem3A_87, %ne3A_89 : vector<16xi32>
    %and3A_91 = arith.andi %ne3A_85, %ne3A_90 : vector<16xi1>
    %sub3A_92 = arith.constant 1 : i32
    %sub3A_93 = vector.broadcast %sub3A_92 : i32 to vector<16xi32>
    %sub3A_94 = arith.subi %div3A_67, %sub3A_93 : vector<16xi32>
    %select_n3A_95 = arith.select %and3A_91, %sub3A_94, %div3A_67 : vector<16xi1>, vector<16xi32>
    %add3A_96 = arith.constant 16 : i32
    %add3A_97 = vector.broadcast %add3A_96 : i32 to vector<16xi32>
    %add3A_98 = arith.addi %add3A_97, %iota3A : vector<16xi32>
    %jit3A_99 = arith.constant 8 : i32
    %eq3A_100 = arith.constant 0 : i32
    %eq3A_101 = arith.cmpi eq, %jit3A_99, %eq3A_100 : i32
    %jit3A_102 = arith.constant 1 : i32
    %select_n3A_103 = arith.select %eq3A_101, %jit3A_102, %jit3A_99 : i32
    %rem3A_104 = vector.broadcast %select_n3A_103 : i32 to vector<16xi32>
    %rem3A_105 = arith.remsi %add3A_98, %rem3A_104 : vector<16xi32>
    %ne3A_106 = arith.constant 0 : i32
    %ne3A_107 = vector.broadcast %ne3A_106 : i32 to vector<16xi32>
    %ne3A_108 = arith.cmpi ne, %rem3A_105, %ne3A_107 : vector<16xi32>
    %lt3A_109 = arith.constant 0 : i32
    %lt3A_110 = vector.broadcast %lt3A_109 : i32 to vector<16xi32>
    %lt3A_111 = arith.cmpi slt, %rem3A_105, %lt3A_110 : vector<16xi32>
    %lt3A_112 = arith.constant 0 : i32
    %lt3A_113 = arith.cmpi slt, %select_n3A_103, %lt3A_112 : i32
    %ne3A_114 = vector.broadcast %lt3A_113 : i1 to vector<16xi1>
    %ne3A_115 = vector.broadcast %ne3A_114 : vector<16xi1> to vector<16xi1>
    %ne3A_116 = arith.xori %lt3A_111, %ne3A_115 : vector<16xi1>
    %and3A_117 = arith.andi %ne3A_116, %ne3A_108 : vector<16xi1>
    %add3A_118 = vector.broadcast %select_n3A_103 : i32 to vector<16xi32>
    %add3A_119 = arith.addi %rem3A_105, %add3A_118 : vector<16xi32>
    %select_n3A_120 = arith.select %and3A_117, %add3A_119, %rem3A_105 : vector<16xi1>, vector<16xi32>
    %dma_start3A_121 = arith.constant 0 : i32
    %dma_start3A_122 = arith.constant 0 : i32
    %dma_start3A_123 = arith.constant 0 : i32
    %dma_start3A_124 = tpu.memref_slice %arg5[%dma_start3A_121, %dma_start3A_122, %dma_start3A_123] : memref<25x8x128xi32, #tpu.memory_space<vmem>> -> memref<1x1x128xi32, #tpu.memory_space<vmem>>
    %dma_start3A_125 = tpu.memref_squeeze %dma_start3A_124 : memref<1x1x128xi32, #tpu.memory_space<vmem>> -> memref<128xi32, #tpu.memory_space<vmem>>
    %dma_start3A_126 = arith.constant 0 : i32
    %dma_start3A_127 = arith.constant 0 : i32
    %dma_start3A_128 = tpu.memref_slice %arg3[%dma_start3A_126, %dma_start3A_127] : memref<1000000x32xf32, #tpu.memory_space<hbm>> -> memref<1000000x32xf32, #tpu.memory_space<hbm>>
    tpu.enqueue_indirect_dma source(%dma_start3A_128 : memref<1000000x32xf32, #tpu.memory_space<hbm>>) target(%arg6 : memref<128x32xf32, #tpu.memory_space<vmem>>) offsets(%dma_start3A_125 : memref<128xi32, #tpu.memory_space<vmem>>) semaphore(%arg16 : memref<!tpu.dma_semaphore, #tpu.memory_space<semaphore_mem>>)
    %dma_start3A_129 = arith.constant 0 : i32
    %dma_start3A_130 = arith.constant 1 : i32
    %dma_start3A_131 = arith.constant 0 : i32
    %dma_start3A_132 = tpu.memref_slice %arg5[%dma_start3A_129, %dma_start3A_130, %dma_start3A_131] : memref<25x8x128xi32, #tpu.memory_space<vmem>> -> memref<1x1x128xi32, #tpu.memory_space<vmem>>
    %dma_start3A_133 = tpu.memref_squeeze %dma_start3A_132 : memref<1x1x128xi32, #tpu.memory_space<vmem>> -> memref<128xi32, #tpu.memory_space<vmem>>
    %dma_start3A_134 = arith.constant 0 : i32
    %dma_start3A_135 = arith.constant 0 : i32
    %dma_start3A_136 = tpu.memref_slice %arg3[%dma_start3A_134, %dma_start3A_135] : memref<1000000x32xf32, #tpu.memory_space<hbm>> -> memref<1000000x32xf32, #tpu.memory_space<hbm>>
    tpu.enqueue_indirect_dma source(%dma_start3A_136 : memref<1000000x32xf32, #tpu.memory_space<hbm>>) target(%arg7 : memref<128x32xf32, #tpu.memory_space<vmem>>) offsets(%dma_start3A_133 : memref<128xi32, #tpu.memory_space<vmem>>) semaphore(%arg17 : memref<!tpu.dma_semaphore, #tpu.memory_space<semaphore_mem>>)
    %dma_start3A_137 = arith.constant 0 : i32
    %dma_start3A_138 = arith.constant 2 : i32
    %dma_start3A_139 = arith.constant 0 : i32
    %dma_start3A_140 = tpu.memref_slice %arg5[%dma_start3A_137, %dma_start3A_138, %dma_start3A_139] : memref<25x8x128xi32, #tpu.memory_space<vmem>> -> memref<1x1x128xi32, #tpu.memory_space<vmem>>
    %dma_start3A_141 = tpu.memref_squeeze %dma_start3A_140 : memref<1x1x128xi32, #tpu.memory_space<vmem>> -> memref<128xi32, #tpu.memory_space<vmem>>
    %dma_start3A_142 = arith.constant 0 : i32
    %dma_start3A_143 = arith.constant 0 : i32
    %dma_start3A_144 = tpu.memref_slice %arg3[%dma_start3A_142, %dma_start3A_143] : memref<1000000x32xf32, #tpu.memory_space<hbm>> -> memref<1000000x32xf32, #tpu.memory_space<hbm>>
    tpu.enqueue_indirect_dma source(%dma_start3A_144 : memref<1000000x32xf32, #tpu.memory_space<hbm>>) target(%arg8 : memref<128x32xf32, #tpu.memory_space<vmem>>) offsets(%dma_start3A_141 : memref<128xi32, #tpu.memory_space<vmem>>) semaphore(%arg18 : memref<!tpu.dma_semaphore, #tpu.memory_space<semaphore_mem>>)
    %dma_start3A_145 = arith.constant 0 : i32
    %dma_start3A_146 = arith.constant 3 : i32
    %dma_start3A_147 = arith.constant 0 : i32
    %dma_start3A_148 = tpu.memref_slice %arg5[%dma_start3A_145, %dma_start3A_146, %dma_start3A_147] : memref<25x8x128xi32, #tpu.memory_space<vmem>> -> memref<1x1x128xi32, #tpu.memory_space<vmem>>
    %dma_start3A_149 = tpu.memref_squeeze %dma_start3A_148 : memref<1x1x128xi32, #tpu.memory_space<vmem>> -> memref<128xi32, #tpu.memory_space<vmem>>
    %dma_start3A_150 = arith.constant 0 : i32
    %dma_start3A_151 = arith.constant 0 : i32
    %dma_start3A_152 = tpu.memref_slice %arg3[%dma_start3A_150, %dma_start3A_151] : memref<1000000x32xf32, #tpu.memory_space<hbm>> -> memref<1000000x32xf32, #tpu.memory_space<hbm>>
    tpu.enqueue_indirect_dma source(%dma_start3A_152 : memref<1000000x32xf32, #tpu.memory_space<hbm>>) target(%arg9 : memref<128x32xf32, #tpu.memory_space<vmem>>) offsets(%dma_start3A_149 : memref<128xi32, #tpu.memory_space<vmem>>) semaphore(%arg19 : memref<!tpu.dma_semaphore, #tpu.memory_space<semaphore_mem>>)
    %dma_wait3A_153 = arith.constant 0 : i32
    %dma_wait3A_154 = arith.constant 0 : i32
    %dma_wait3A_155 = arith.constant 0 : i32
    %dma_wait3A_156 = tpu.memref_slice %arg5[%dma_wait3A_153, %dma_wait3A_154, %dma_wait3A_155] : memref<25x8x128xi32, #tpu.memory_space<vmem>> -> memref<1x1x128xi32, #tpu.memory_space<vmem>>
    %dma_wait3A_157 = tpu.memref_squeeze %dma_wait3A_156 : memref<1x1x128xi32, #tpu.memory_space<vmem>> -> memref<128xi32, #tpu.memory_space<vmem>>
    %dma_wait3A_158 = arith.constant 0 : i32
    %dma_wait3A_159 = arith.constant 0 : i32
    %dma_wait3A_160 = tpu.memref_slice %arg3[%dma_wait3A_158, %dma_wait3A_159] : memref<1000000x32xf32, #tpu.memory_space<hbm>> -> memref<1000000x32xf32, #tpu.memory_space<hbm>>
    tpu.wait_indirect_dma semaphore(%arg16 : memref<!tpu.dma_semaphore, #tpu.memory_space<semaphore_mem>>) src(%dma_wait3A_160 : memref<1000000x32xf32, #tpu.memory_space<hbm>>) dst(%arg6 : memref<128x32xf32, #tpu.memory_space<vmem>>)
    %dma_start3A_161 = arith.constant 0 : i32
    %dma_start3A_162 = arith.constant 4 : i32
    %dma_start3A_163 = arith.constant 0 : i32
    %dma_start3A_164 = tpu.memref_slice %arg5[%dma_start3A_161, %dma_start3A_162, %dma_start3A_163] : memref<25x8x128xi32, #tpu.memory_space<vmem>> -> memref<1x1x128xi32, #tpu.memory_space<vmem>>
    %dma_start3A_165 = tpu.memref_squeeze %dma_start3A_164 : memref<1x1x128xi32, #tpu.memory_space<vmem>> -> memref<128xi32, #tpu.memory_space<vmem>>
    %dma_start3A_166 = arith.constant 0 : i32
    %dma_start3A_167 = arith.constant 0 : i32
    %dma_start3A_168 = tpu.memref_slice %arg3[%dma_start3A_166, %dma_start3A_167] : memref<1000000x32xf32, #tpu.memory_space<hbm>> -> memref<1000000x32xf32, #tpu.memory_space<hbm>>
    tpu.enqueue_indirect_dma source(%dma_start3A_168 : memref<1000000x32xf32, #tpu.memory_space<hbm>>) target(%arg10 : memref<128x32xf32, #tpu.memory_space<vmem>>) offsets(%dma_start3A_165 : memref<128xi32, #tpu.memory_space<vmem>>) semaphore(%arg20 : memref<!tpu.dma_semaphore, #tpu.memory_space<semaphore_mem>>)
    %scan3A = arith.constant 0 : i32
    %scan3A_169 = arith.constant 0 : i32
    %scan3A_170 = arith.constant 128 : i32
    %scan3A_171 = arith.addi %scan3A_169, %scan3A_170 : i32
    %scan3A_172 = arith.constant 4 : i32
    scf.for %scan3A_726 = %scan3A_169 to %scan3A_171 step %scan3A_172  : i32 {
      %broadcast_in_dim3A = arith.constant 0 : i32
      %broadcast_in_dim3A_727 = vector.broadcast %broadcast_in_dim3A : i32 to vector<16xi32>
      %add3A_728 = vector.broadcast %scan3A_726 : i32 to vector<16xi32>
      %add3A_729 = arith.addi %broadcast_in_dim3A_727, %add3A_728 : vector<16xi32>
      %get3A = arith.index_cast %scan3A_726 : i32 to index
      %get3A_730 = arith.constant 0 : index
      %get3A_731 = tpu.vector_load %arg6[%get3A, %get3A_730] {strides = array<i32>} : memref<128x32xf32, #tpu.memory_space<vmem>>, vector<16xf32>,
      %get3A_732 = arith.index_cast %scan3A_726 : i32 to index
      %get3A_733 = arith.constant 16 : index
      %get3A_734 = tpu.vector_load %arg6[%get3A_732, %get3A_733] {strides = array<i32>} : memref<128x32xf32, #tpu.memory_space<vmem>>, vector<16xf32>,
      tpu.vector_store_idx %arg11[%select_n3A, %select_n3A_61, %add3A_729], %get3A_731 : memref<4x8x131xf32, #tpu.memory_space<vmem>>[vector<16xi32>, vector<16xi32>, vector<16xi32>], vector<16xf32>,
      tpu.vector_store_idx %arg11[%select_n3A_95, %select_n3A_120, %add3A_729], %get3A_734 : memref<4x8x131xf32, #tpu.memory_space<vmem>>[vector<16xi32>, vector<16xi32>, vector<16xi32>], vector<16xf32>,
      %scan3A_735 = arith.constant 1 : i32
      %scan3A_736 = arith.addi %scan3A_726, %scan3A_735 : i32
      %broadcast_in_dim3A_737 = arith.constant 0 : i32
      %broadcast_in_dim3A_738 = vector.broadcast %broadcast_in_dim3A_737 : i32 to vector<16xi32>
      %add3A_739 = vector.broadcast %scan3A_736 : i32 to vector<16xi32>
      %add3A_740 = arith.addi %broadcast_in_dim3A_738, %add3A_739 : vector<16xi32>
      %get3A_741 = arith.index_cast %scan3A_736 : i32 to index
      %get3A_742 = arith.constant 0 : index
      %get3A_743 = tpu.vector_load %arg6[%get3A_741, %get3A_742] {strides = array<i32>} : memref<128x32xf32, #tpu.memory_space<vmem>>, vector<16xf32>,
      %get3A_744 = arith.index_cast %scan3A_736 : i32 to index
      %get3A_745 = arith.constant 16 : index
      %get3A_746 = tpu.vector_load %arg6[%get3A_744, %get3A_745] {strides = array<i32>} : memref<128x32xf32, #tpu.memory_space<vmem>>, vector<16xf32>,
      tpu.vector_store_idx %arg11[%select_n3A, %select_n3A_61, %add3A_740], %get3A_743 : memref<4x8x131xf32, #tpu.memory_space<vmem>>[vector<16xi32>, vector<16xi32>, vector<16xi32>], vector<16xf32>,
      tpu.vector_store_idx %arg11[%select_n3A_95, %select_n3A_120, %add3A_740], %get3A_746 : memref<4x8x131xf32, #tpu.memory_space<vmem>>[vector<16xi32>, vector<16xi32>, vector<16xi32>], vector<16xf32>,
      %scan3A_747 = arith.constant 2 : i32
      %scan3A_748 = arith.addi %scan3A_726, %scan3A_747 : i32
      %broadcast_in_dim3A_749 = arith.constant 0 : i32
      %broadcast_in_dim3A_750 = vector.broadcast %broadcast_in_dim3A_749 : i32 to vector<16xi32>
      %add3A_751 = vector.broadcast %scan3A_748 : i32 to vector<16xi32>
      %add3A_752 = arith.addi %broadcast_in_dim3A_750, %add3A_751 : vector<16xi32>
      %get3A_753 = arith.index_cast %scan3A_748 : i32 to index
      %get3A_754 = arith.constant 0 : index
      %get3A_755 = tpu.vector_load %arg6[%get3A_753, %get3A_754] {strides = array<i32>} : memref<128x32xf32, #tpu.memory_space<vmem>>, vector<16xf32>,
      %get3A_756 = arith.index_cast %scan3A_748 : i32 to index
      %get3A_757 = arith.constant 16 : index
      %get3A_758 = tpu.vector_load %arg6[%get3A_756, %get3A_757] {strides = array<i32>} : memref<128x32xf32, #tpu.memory_space<vmem>>, vector<16xf32>,
      tpu.vector_store_idx %arg11[%select_n3A, %select_n3A_61, %add3A_752], %get3A_755 : memref<4x8x131xf32, #tpu.memory_space<vmem>>[vector<16xi32>, vector<16xi32>, vector<16xi32>], vector<16xf32>,
      tpu.vector_store_idx %arg11[%select_n3A_95, %select_n3A_120, %add3A_752], %get3A_758 : memref<4x8x131xf32, #tpu.memory_space<vmem>>[vector<16xi32>, vector<16xi32>, vector<16xi32>], vector<16xf32>,
      %scan3A_759 = arith.constant 3 : i32
      %scan3A_760 = arith.addi %scan3A_726, %scan3A_759 : i32
      %broadcast_in_dim3A_761 = arith.constant 0 : i32
      %broadcast_in_dim3A_762 = vector.broadcast %broadcast_in_dim3A_761 : i32 to vector<16xi32>
      %add3A_763 = vector.broadcast %scan3A_760 : i32 to vector<16xi32>
      %add3A_764 = arith.addi %broadcast_in_dim3A_762, %add3A_763 : vector<16xi32>
      %get3A_765 = arith.index_cast %scan3A_760 : i32 to index
      %get3A_766 = arith.constant 0 : index
      %get3A_767 = tpu.vector_load %arg6[%get3A_765, %get3A_766] {strides = array<i32>} : memref<128x32xf32, #tpu.memory_space<vmem>>, vector<16xf32>,
      %get3A_768 = arith.index_cast %scan3A_760 : i32 to index
      %get3A_769 = arith.constant 16 : index
      %get3A_770 = tpu.vector_load %arg6[%get3A_768, %get3A_769] {strides = array<i32>} : memref<128x32xf32, #tpu.memory_space<vmem>>, vector<16xf32>,
      tpu.vector_store_idx %arg11[%select_n3A, %select_n3A_61, %add3A_764], %get3A_767 : memref<4x8x131xf32, #tpu.memory_space<vmem>>[vector<16xi32>, vector<16xi32>, vector<16xi32>], vector<16xf32>,
      tpu.vector_store_idx %arg11[%select_n3A_95, %select_n3A_120, %add3A_764], %get3A_770 : memref<4x8x131xf32, #tpu.memory_space<vmem>>[vector<16xi32>, vector<16xi32>, vector<16xi32>], vector<16xf32>,
    }
    %scan3A_173 = arith.constant 128 : i32
    %dma_start3A_174 = arith.constant 0 : i32
    %dma_start3A_175 = arith.constant 0 : i32
    %dma_start3A_176 = arith.constant 0 : i32
    %dma_start3A_177 = arith.constant 0 : i32
    %dma_start3A_178 = tpu.memref_slice %arg11[%dma_start3A_175, %dma_start3A_176, %dma_start3A_177] : memref<4x8x131xf32, #tpu.memory_space<vmem>> -> memref<4x8x128xf32, #tpu.memory_space<vmem>>
    %dma_start3A_179 = arith.constant 0 : i32
    %dma_start3A_180 = arith.constant 0 : i32
    %dma_start3A_181 = arith.constant 0 : i32
    %dma_start3A_182 = tpu.memref_slice %arg4[%dma_start3A_174, %dma_start3A_179, %add3A, %dma_start3A_180, %dma_start3A_181] : memref<200x4x32x8x128xf32, #tpu.memory_space<hbm>> -> memref<1x4x1x8x128xf32, #tpu.memory_space<hbm>>
    %dma_start3A_183 = tpu.memref_squeeze %dma_start3A_182 : memref<1x4x1x8x128xf32, #tpu.memory_space<hbm>> -> memref<4x8x128xf32, #tpu.memory_space<hbm>>
    %dma_start3A_184 = arith.constant 0 : i32
    %dma_start3A_185 = arith.constant 0 : i32
    %dma_start3A_186 = arith.constant 0 : i32
    %dma_start3A_187 = tpu.memref_slice %arg4[%dma_start3A_174, %dma_start3A_184, %add3A, %dma_start3A_185, %dma_start3A_186] : memref<200x4x32x8x128xf32, #tpu.memory_space<hbm>> -> memref<1x4x1x8x128xf32, #tpu.memory_space<hbm>>
    %dma_start3A_188 = tpu.memref_squeeze %dma_start3A_187 : memref<1x4x1x8x128xf32, #tpu.memory_space<hbm>> -> memref<4x8x128xf32, #tpu.memory_space<hbm>>
    %dma_start3A_189 = arith.constant 0 : i32
    %dma_start3A_190 = arith.constant 0 : i32
    %dma_start3A_191 = arith.constant 0 : i32
    %dma_start3A_192 = tpu.memref_slice %arg11[%dma_start3A_189, %dma_start3A_190, %dma_start3A_191] : memref<4x8x131xf32, #tpu.memory_space<vmem>> -> memref<4x8x128xf32, #tpu.memory_space<vmem>>
    tpu.enqueue_dma source(%dma_start3A_192 : memref<4x8x128xf32, #tpu.memory_space<vmem>>) target(%dma_start3A_188 : memref<4x8x128xf32, #tpu.memory_space<hbm>>) target_semaphore(%arg21 : memref<!tpu.dma_semaphore, #tpu.memory_space<semaphore_mem>>)
    %dma_wait3A_193 = arith.constant 0 : i32
    %dma_wait3A_194 = arith.constant 1 : i32
    %dma_wait3A_195 = arith.constant 0 : i32
    %dma_wait3A_196 = tpu.memref_slice %arg5[%dma_wait3A_193, %dma_wait3A_194, %dma_wait3A_195] : memref<25x8x128xi32, #tpu.memory_space<vmem>> -> memref<1x1x128xi32, #tpu.memory_space<vmem>>
    %dma_wait3A_197 = tpu.memref_squeeze %dma_wait3A_196 : memref<1x1x128xi32, #tpu.memory_space<vmem>> -> memref<128xi32, #tpu.memory_space<vmem>>
    %dma_wait3A_198 = arith.constant 0 : i32
    %dma_wait3A_199 = arith.constant 0 : i32
    %dma_wait3A_200 = tpu.memref_slice %arg3[%dma_wait3A_198, %dma_wait3A_199] : memref<1000000x32xf32, #tpu.memory_space<hbm>> -> memref<1000000x32xf32, #tpu.memory_space<hbm>>
    tpu.wait_indirect_dma semaphore(%arg17 : memref<!tpu.dma_semaphore, #tpu.memory_space<semaphore_mem>>) src(%dma_wait3A_200 : memref<1000000x32xf32, #tpu.memory_space<hbm>>) dst(%arg7 : memref<128x32xf32, #tpu.memory_space<vmem>>)
    %dma_start3A_201 = arith.constant 0 : i32
    %dma_start3A_202 = arith.constant 5 : i32
    %dma_start3A_203 = arith.constant 0 : i32
    %dma_start3A_204 = tpu.memref_slice %arg5[%dma_start3A_201, %dma_start3A_202, %dma_start3A_203] : memref<25x8x128xi32, #tpu.memory_space<vmem>> -> memref<1x1x128xi32, #tpu.memory_space<vmem>>
    %dma_start3A_205 = tpu.memref_squeeze %dma_start3A_204 : memref<1x1x128xi32, #tpu.memory_space<vmem>> -> memref<128xi32, #tpu.memory_space<vmem>>
    %dma_start3A_206 = arith.constant 0 : i32
    %dma_start3A_207 = arith.constant 0 : i32
    %dma_start3A_208 = tpu.memref_slice %arg3[%dma_start3A_206, %dma_start3A_207] : memref<1000000x32xf32, #tpu.memory_space<hbm>> -> memref<1000000x32xf32, #tpu.memory_space<hbm>>
    tpu.enqueue_indirect_dma source(%dma_start3A_208 : memref<1000000x32xf32, #tpu.memory_space<hbm>>) target(%arg6 : memref<128x32xf32, #tpu.memory_space<vmem>>) offsets(%dma_start3A_205 : memref<128xi32, #tpu.memory_space<vmem>>) semaphore(%arg16 : memref<!tpu.dma_semaphore, #tpu.memory_space<semaphore_mem>>)
    %scan3A_209 = arith.constant 0 : i32
    %scan3A_210 = arith.constant 0 : i32
    %scan3A_211 = arith.constant 128 : i32
    %scan3A_212 = arith.addi %scan3A_210, %scan3A_211 : i32
    %scan3A_213 = arith.constant 4 : i32
    scf.for %scan3A_726 = %scan3A_210 to %scan3A_212 step %scan3A_213  : i32 {
      %broadcast_in_dim3A = arith.constant 0 : i32
      %broadcast_in_dim3A_727 = vector.broadcast %broadcast_in_dim3A : i32 to vector<16xi32>
      %add3A_728 = vector.broadcast %scan3A_726 : i32 to vector<16xi32>
      %add3A_729 = arith.addi %broadcast_in_dim3A_727, %add3A_728 : vector<16xi32>
      %get3A = arith.index_cast %scan3A_726 : i32 to index
      %get3A_730 = arith.constant 0 : index
      %get3A_731 = tpu.vector_load %arg7[%get3A, %get3A_730] {strides = array<i32>} : memref<128x32xf32, #tpu.memory_space<vmem>>, vector<16xf32>,
      %get3A_732 = arith.index_cast %scan3A_726 : i32 to index
      %get3A_733 = arith.constant 16 : index
      %get3A_734 = tpu.vector_load %arg7[%get3A_732, %get3A_733] {strides = array<i32>} : memref<128x32xf32, #tpu.memory_space<vmem>>, vector<16xf32>,
      tpu.vector_store_idx %arg12[%select_n3A, %select_n3A_61, %add3A_729], %get3A_731 : memref<4x8x131xf32, #tpu.memory_space<vmem>>[vector<16xi32>, vector<16xi32>, vector<16xi32>], vector<16xf32>,
      tpu.vector_store_idx %arg12[%select_n3A_95, %select_n3A_120, %add3A_729], %get3A_734 : memref<4x8x131xf32, #tpu.memory_space<vmem>>[vector<16xi32>, vector<16xi32>, vector<16xi32>], vector<16xf32>,
      %scan3A_735 = arith.constant 1 : i32
      %scan3A_736 = arith.addi %scan3A_726, %scan3A_735 : i32
      %broadcast_in_dim3A_737 = arith.constant 0 : i32
      %broadcast_in_dim3A_738 = vector.broadcast %broadcast_in_dim3A_737 : i32 to vector<16xi32>
      %add3A_739 = vector.broadcast %scan3A_736 : i32 to vector<16xi32>
      %add3A_740 = arith.addi %broadcast_in_dim3A_738, %add3A_739 : vector<16xi32>
      %get3A_741 = arith.index_cast %scan3A_736 : i32 to index
      %get3A_742 = arith.constant 0 : index
      %get3A_743 = tpu.vector_load %arg7[%get3A_741, %get3A_742] {strides = array<i32>} : memref<128x32xf32, #tpu.memory_space<vmem>>, vector<16xf32>,
      %get3A_744 = arith.index_cast %scan3A_736 : i32 to index
      %get3A_745 = arith.constant 16 : index
      %get3A_746 = tpu.vector_load %arg7[%get3A_744, %get3A_745] {strides = array<i32>} : memref<128x32xf32, #tpu.memory_space<vmem>>, vector<16xf32>,
      tpu.vector_store_idx %arg12[%select_n3A, %select_n3A_61, %add3A_740], %get3A_743 : memref<4x8x131xf32, #tpu.memory_space<vmem>>[vector<16xi32>, vector<16xi32>, vector<16xi32>], vector<16xf32>,
      tpu.vector_store_idx %arg12[%select_n3A_95, %select_n3A_120, %add3A_740], %get3A_746 : memref<4x8x131xf32, #tpu.memory_space<vmem>>[vector<16xi32>, vector<16xi32>, vector<16xi32>], vector<16xf32>,
      %scan3A_747 = arith.constant 2 : i32
      %scan3A_748 = arith.addi %scan3A_726, %scan3A_747 : i32
      %broadcast_in_dim3A_749 = arith.constant 0 : i32
      %broadcast_in_dim3A_750 = vector.broadcast %broadcast_in_dim3A_749 : i32 to vector<16xi32>
      %add3A_751 = vector.broadcast %scan3A_748 : i32 to vector<16xi32>
      %add3A_752 = arith.addi %broadcast_in_dim3A_750, %add3A_751 : vector<16xi32>
      %get3A_753 = arith.index_cast %scan3A_748 : i32 to index
      %get3A_754 = arith.constant 0 : index
      %get3A_755 = tpu.vector_load %arg7[%get3A_753, %get3A_754] {strides = array<i32>} : memref<128x32xf32, #tpu.memory_space<vmem>>, vector<16xf32>,
      %get3A_756 = arith.index_cast %scan3A_748 : i32 to index
      %get3A_757 = arith.constant 16 : index
      %get3A_758 = tpu.vector_load %arg7[%get3A_756, %get3A_757] {strides = array<i32>} : memref<128x32xf32, #tpu.memory_space<vmem>>, vector<16xf32>,
      tpu.vector_store_idx %arg12[%select_n3A, %select_n3A_61, %add3A_752], %get3A_755 : memref<4x8x131xf32, #tpu.memory_space<vmem>>[vector<16xi32>, vector<16xi32>, vector<16xi32>], vector<16xf32>,
      tpu.vector_store_idx %arg12[%select_n3A_95, %select_n3A_120, %add3A_752], %get3A_758 : memref<4x8x131xf32, #tpu.memory_space<vmem>>[vector<16xi32>, vector<16xi32>, vector<16xi32>], vector<16xf32>,
      %scan3A_759 = arith.constant 3 : i32
      %scan3A_760 = arith.addi %scan3A_726, %scan3A_759 : i32
      %broadcast_in_dim3A_761 = arith.constant 0 : i32
      %broadcast_in_dim3A_762 = vector.broadcast %broadcast_in_dim3A_761 : i32 to vector<16xi32>
      %add3A_763 = vector.broadcast %scan3A_760 : i32 to vector<16xi32>
      %add3A_764 = arith.addi %broadcast_in_dim3A_762, %add3A_763 : vector<16xi32>
      %get3A_765 = arith.index_cast %scan3A_760 : i32 to index
      %get3A_766 = arith.constant 0 : index
      %get3A_767 = tpu.vector_load %arg7[%get3A_765, %get3A_766] {strides = array<i32>} : memref<128x32xf32, #tpu.memory_space<vmem>>, vector<16xf32>,
      %get3A_768 = arith.index_cast %scan3A_760 : i32 to index
      %get3A_769 = arith.constant 16 : index
      %get3A_770 = tpu.vector_load %arg7[%get3A_768, %get3A_769] {strides = array<i32>} : memref<128x32xf32, #tpu.memory_space<vmem>>, vector<16xf32>,
      tpu.vector_store_idx %arg12[%select_n3A, %select_n3A_61, %add3A_764], %get3A_767 : memref<4x8x131xf32, #tpu.memory_space<vmem>>[vector<16xi32>, vector<16xi32>, vector<16xi32>], vector<16xf32>,
      tpu.vector_store_idx %arg12[%select_n3A_95, %select_n3A_120, %add3A_764], %get3A_770 : memref<4x8x131xf32, #tpu.memory_space<vmem>>[vector<16xi32>, vector<16xi32>, vector<16xi32>], vector<16xf32>,
    }
    %scan3A_214 = arith.constant 128 : i32
    %dma_start3A_215 = arith.constant 1 : i32
    %dma_start3A_216 = arith.constant 0 : i32
    %dma_start3A_217 = arith.constant 0 : i32
    %dma_start3A_218 = arith.constant 0 : i32
    %dma_start3A_219 = tpu.memref_slice %arg12[%dma_start3A_216, %dma_start3A_217, %dma_start3A_218] : memref<4x8x131xf32, #tpu.memory_space<vmem>> -> memref<4x8x128xf32, #tpu.memory_space<vmem>>
    %dma_start3A_220 = arith.constant 0 : i32
    %dma_start3A_221 = arith.constant 0 : i32
    %dma_start3A_222 = arith.constant 0 : i32
    %dma_start3A_223 = tpu.memref_slice %arg4[%dma_start3A_215, %dma_start3A_220, %add3A, %dma_start3A_221, %dma_start3A_222] : memref<200x4x32x8x128xf32, #tpu.memory_space<hbm>> -> memref<1x4x1x8x128xf32, #tpu.memory_space<hbm>>
    %dma_start3A_224 = tpu.memref_squeeze %dma_start3A_223 : memref<1x4x1x8x128xf32, #tpu.memory_space<hbm>> -> memref<4x8x128xf32, #tpu.memory_space<hbm>>
    %dma_start3A_225 = arith.constant 0 : i32
    %dma_start3A_226 = arith.constant 0 : i32
    %dma_start3A_227 = arith.constant 0 : i32
    %dma_start3A_228 = tpu.memref_slice %arg4[%dma_start3A_215, %dma_start3A_225, %add3A, %dma_start3A_226, %dma_start3A_227] : memref<200x4x32x8x128xf32, #tpu.memory_space<hbm>> -> memref<1x4x1x8x128xf32, #tpu.memory_space<hbm>>
    %dma_start3A_229 = tpu.memref_squeeze %dma_start3A_228 : memref<1x4x1x8x128xf32, #tpu.memory_space<hbm>> -> memref<4x8x128xf32, #tpu.memory_space<hbm>>
    %dma_start3A_230 = arith.constant 0 : i32
    %dma_start3A_231 = arith.constant 0 : i32
    %dma_start3A_232 = arith.constant 0 : i32
    %dma_start3A_233 = tpu.memref_slice %arg12[%dma_start3A_230, %dma_start3A_231, %dma_start3A_232] : memref<4x8x131xf32, #tpu.memory_space<vmem>> -> memref<4x8x128xf32, #tpu.memory_space<vmem>>
    tpu.enqueue_dma source(%dma_start3A_233 : memref<4x8x128xf32, #tpu.memory_space<vmem>>) target(%dma_start3A_229 : memref<4x8x128xf32, #tpu.memory_space<hbm>>) target_semaphore(%arg22 : memref<!tpu.dma_semaphore, #tpu.memory_space<semaphore_mem>>)
    %dma_wait3A_234 = arith.constant 0 : i32
    %dma_wait3A_235 = arith.constant 2 : i32
    %dma_wait3A_236 = arith.constant 0 : i32
    %dma_wait3A_237 = tpu.memref_slice %arg5[%dma_wait3A_234, %dma_wait3A_235, %dma_wait3A_236] : memref<25x8x128xi32, #tpu.memory_space<vmem>> -> memref<1x1x128xi32, #tpu.memory_space<vmem>>
    %dma_wait3A_238 = tpu.memref_squeeze %dma_wait3A_237 : memref<1x1x128xi32, #tpu.memory_space<vmem>> -> memref<128xi32, #tpu.memory_space<vmem>>
    %dma_wait3A_239 = arith.constant 0 : i32
    %dma_wait3A_240 = arith.constant 0 : i32
    %dma_wait3A_241 = tpu.memref_slice %arg3[%dma_wait3A_239, %dma_wait3A_240] : memref<1000000x32xf32, #tpu.memory_space<hbm>> -> memref<1000000x32xf32, #tpu.memory_space<hbm>>
    tpu.wait_indirect_dma semaphore(%arg18 : memref<!tpu.dma_semaphore, #tpu.memory_space<semaphore_mem>>) src(%dma_wait3A_241 : memref<1000000x32xf32, #tpu.memory_space<hbm>>) dst(%arg8 : memref<128x32xf32, #tpu.memory_space<vmem>>)
    %dma_start3A_242 = arith.constant 0 : i32
    %dma_start3A_243 = arith.constant 6 : i32
    %dma_start3A_244 = arith.constant 0 : i32
    %dma_start3A_245 = tpu.memref_slice %arg5[%dma_start3A_242, %dma_start3A_243, %dma_start3A_244] : memref<25x8x128xi32, #tpu.memory_space<vmem>> -> memref<1x1x128xi32, #tpu.memory_space<vmem>>
    %dma_start3A_246 = tpu.memref_squeeze %dma_start3A_245 : memref<1x1x128xi32, #tpu.memory_space<vmem>> -> memref<128xi32, #tpu.memory_space<vmem>>
    %dma_start3A_247 = arith.constant 0 : i32
    %dma_start3A_248 = arith.constant 0 : i32
    %dma_start3A_249 = tpu.memref_slice %arg3[%dma_start3A_247, %dma_start3A_248] : memref<1000000x32xf32, #tpu.memory_space<hbm>> -> memref<1000000x32xf32, #tpu.memory_space<hbm>>
    tpu.enqueue_indirect_dma source(%dma_start3A_249 : memref<1000000x32xf32, #tpu.memory_space<hbm>>) target(%arg7 : memref<128x32xf32, #tpu.memory_space<vmem>>) offsets(%dma_start3A_246 : memref<128xi32, #tpu.memory_space<vmem>>) semaphore(%arg17 : memref<!tpu.dma_semaphore, #tpu.memory_space<semaphore_mem>>)
    %scan3A_250 = arith.constant 0 : i32
    %scan3A_251 = arith.constant 0 : i32
    %scan3A_252 = arith.constant 128 : i32
    %scan3A_253 = arith.addi %scan3A_251, %scan3A_252 : i32
    %scan3A_254 = arith.constant 4 : i32
    scf.for %scan3A_726 = %scan3A_251 to %scan3A_253 step %scan3A_254  : i32 {
      %broadcast_in_dim3A = arith.constant 0 : i32
      %broadcast_in_dim3A_727 = vector.broadcast %broadcast_in_dim3A : i32 to vector<16xi32>
      %add3A_728 = vector.broadcast %scan3A_726 : i32 to vector<16xi32>
      %add3A_729 = arith.addi %broadcast_in_dim3A_727, %add3A_728 : vector<16xi32>
      %get3A = arith.index_cast %scan3A_726 : i32 to index
      %get3A_730 = arith.constant 0 : index
      %get3A_731 = tpu.vector_load %arg8[%get3A, %get3A_730] {strides = array<i32>} : memref<128x32xf32, #tpu.memory_space<vmem>>, vector<16xf32>,
      %get3A_732 = arith.index_cast %scan3A_726 : i32 to index
      %get3A_733 = arith.constant 16 : index
      %get3A_734 = tpu.vector_load %arg8[%get3A_732, %get3A_733] {strides = array<i32>} : memref<128x32xf32, #tpu.memory_space<vmem>>, vector<16xf32>,
      tpu.vector_store_idx %arg13[%select_n3A, %select_n3A_61, %add3A_729], %get3A_731 : memref<4x8x131xf32, #tpu.memory_space<vmem>>[vector<16xi32>, vector<16xi32>, vector<16xi32>], vector<16xf32>,
      tpu.vector_store_idx %arg13[%select_n3A_95, %select_n3A_120, %add3A_729], %get3A_734 : memref<4x8x131xf32, #tpu.memory_space<vmem>>[vector<16xi32>, vector<16xi32>, vector<16xi32>], vector<16xf32>,
      %scan3A_735 = arith.constant 1 : i32
      %scan3A_736 = arith.addi %scan3A_726, %scan3A_735 : i32
      %broadcast_in_dim3A_737 = arith.constant 0 : i32
      %broadcast_in_dim3A_738 = vector.broadcast %broadcast_in_dim3A_737 : i32 to vector<16xi32>
      %add3A_739 = vector.broadcast %scan3A_736 : i32 to vector<16xi32>
      %add3A_740 = arith.addi %broadcast_in_dim3A_738, %add3A_739 : vector<16xi32>
      %get3A_741 = arith.index_cast %scan3A_736 : i32 to index
      %get3A_742 = arith.constant 0 : index
      %get3A_743 = tpu.vector_load %arg8[%get3A_741, %get3A_742] {strides = array<i32>} : memref<128x32xf32, #tpu.memory_space<vmem>>, vector<16xf32>,
      %get3A_744 = arith.index_cast %scan3A_736 : i32 to index
      %get3A_745 = arith.constant 16 : index
      %get3A_746 = tpu.vector_load %arg8[%get3A_744, %get3A_745] {strides = array<i32>} : memref<128x32xf32, #tpu.memory_space<vmem>>, vector<16xf32>,
      tpu.vector_store_idx %arg13[%select_n3A, %select_n3A_61, %add3A_740], %get3A_743 : memref<4x8x131xf32, #tpu.memory_space<vmem>>[vector<16xi32>, vector<16xi32>, vector<16xi32>], vector<16xf32>,
      tpu.vector_store_idx %arg13[%select_n3A_95, %select_n3A_120, %add3A_740], %get3A_746 : memref<4x8x131xf32, #tpu.memory_space<vmem>>[vector<16xi32>, vector<16xi32>, vector<16xi32>], vector<16xf32>,
      %scan3A_747 = arith.constant 2 : i32
      %scan3A_748 = arith.addi %scan3A_726, %scan3A_747 : i32
      %broadcast_in_dim3A_749 = arith.constant 0 : i32
      %broadcast_in_dim3A_750 = vector.broadcast %broadcast_in_dim3A_749 : i32 to vector<16xi32>
      %add3A_751 = vector.broadcast %scan3A_748 : i32 to vector<16xi32>
      %add3A_752 = arith.addi %broadcast_in_dim3A_750, %add3A_751 : vector<16xi32>
      %get3A_753 = arith.index_cast %scan3A_748 : i32 to index
      %get3A_754 = arith.constant 0 : index
      %get3A_755 = tpu.vector_load %arg8[%get3A_753, %get3A_754] {strides = array<i32>} : memref<128x32xf32, #tpu.memory_space<vmem>>, vector<16xf32>,
      %get3A_756 = arith.index_cast %scan3A_748 : i32 to index
      %get3A_757 = arith.constant 16 : index
      %get3A_758 = tpu.vector_load %arg8[%get3A_756, %get3A_757] {strides = array<i32>} : memref<128x32xf32, #tpu.memory_space<vmem>>, vector<16xf32>,
      tpu.vector_store_idx %arg13[%select_n3A, %select_n3A_61, %add3A_752], %get3A_755 : memref<4x8x131xf32, #tpu.memory_space<vmem>>[vector<16xi32>, vector<16xi32>, vector<16xi32>], vector<16xf32>,
      tpu.vector_store_idx %arg13[%select_n3A_95, %select_n3A_120, %add3A_752], %get3A_758 : memref<4x8x131xf32, #tpu.memory_space<vmem>>[vector<16xi32>, vector<16xi32>, vector<16xi32>], vector<16xf32>,
      %scan3A_759 = arith.constant 3 : i32
      %scan3A_760 = arith.addi %scan3A_726, %scan3A_759 : i32
      %broadcast_in_dim3A_761 = arith.constant 0 : i32
      %broadcast_in_dim3A_762 = vector.broadcast %broadcast_in_dim3A_761 : i32 to vector<16xi32>
      %add3A_763 = vector.broadcast %scan3A_760 : i32 to vector<16xi32>
      %add3A_764 = arith.addi %broadcast_in_dim3A_762, %add3A_763 : vector<16xi32>
      %get3A_765 = arith.index_cast %scan3A_760 : i32 to index
      %get3A_766 = arith.constant 0 : index
      %get3A_767 = tpu.vector_load %arg8[%get3A_765, %get3A_766] {strides = array<i32>} : memref<128x32xf32, #tpu.memory_space<vmem>>, vector<16xf32>,
      %get3A_768 = arith.index_cast %scan3A_760 : i32 to index
      %get3A_769 = arith.constant 16 : index
      %get3A_770 = tpu.vector_load %arg8[%get3A_768, %get3A_769] {strides = array<i32>} : memref<128x32xf32, #tpu.memory_space<vmem>>, vector<16xf32>,
      tpu.vector_store_idx %arg13[%select_n3A, %select_n3A_61, %add3A_764], %get3A_767 : memref<4x8x131xf32, #tpu.memory_space<vmem>>[vector<16xi32>, vector<16xi32>, vector<16xi32>], vector<16xf32>,
      tpu.vector_store_idx %arg13[%select_n3A_95, %select_n3A_120, %add3A_764], %get3A_770 : memref<4x8x131xf32, #tpu.memory_space<vmem>>[vector<16xi32>, vector<16xi32>, vector<16xi32>], vector<16xf32>,
    }
    %scan3A_255 = arith.constant 128 : i32
    %dma_start3A_256 = arith.constant 2 : i32
    %dma_start3A_257 = arith.constant 0 : i32
    %dma_start3A_258 = arith.constant 0 : i32
    %dma_start3A_259 = arith.constant 0 : i32
    %dma_start3A_260 = tpu.memref_slice %arg13[%dma_start3A_257, %dma_start3A_258, %dma_start3A_259] : memref<4x8x131xf32, #tpu.memory_space<vmem>> -> memref<4x8x128xf32, #tpu.memory_space<vmem>>
    %dma_start3A_261 = arith.constant 0 : i32
    %dma_start3A_262 = arith.constant 0 : i32
    %dma_start3A_263 = arith.constant 0 : i32
    %dma_start3A_264 = tpu.memref_slice %arg4[%dma_start3A_256, %dma_start3A_261, %add3A, %dma_start3A_262, %dma_start3A_263] : memref<200x4x32x8x128xf32, #tpu.memory_space<hbm>> -> memref<1x4x1x8x128xf32, #tpu.memory_space<hbm>>
    %dma_start3A_265 = tpu.memref_squeeze %dma_start3A_264 : memref<1x4x1x8x128xf32, #tpu.memory_space<hbm>> -> memref<4x8x128xf32, #tpu.memory_space<hbm>>
    %dma_start3A_266 = arith.constant 0 : i32
    %dma_start3A_267 = arith.constant 0 : i32
    %dma_start3A_268 = arith.constant 0 : i32
    %dma_start3A_269 = tpu.memref_slice %arg4[%dma_start3A_256, %dma_start3A_266, %add3A, %dma_start3A_267, %dma_start3A_268] : memref<200x4x32x8x128xf32, #tpu.memory_space<hbm>> -> memref<1x4x1x8x128xf32, #tpu.memory_space<hbm>>
    %dma_start3A_270 = tpu.memref_squeeze %dma_start3A_269 : memref<1x4x1x8x128xf32, #tpu.memory_space<hbm>> -> memref<4x8x128xf32, #tpu.memory_space<hbm>>
    %dma_start3A_271 = arith.constant 0 : i32
    %dma_start3A_272 = arith.constant 0 : i32
    %dma_start3A_273 = arith.constant 0 : i32
    %dma_start3A_274 = tpu.memref_slice %arg13[%dma_start3A_271, %dma_start3A_272, %dma_start3A_273] : memref<4x8x131xf32, #tpu.memory_space<vmem>> -> memref<4x8x128xf32, #tpu.memory_space<vmem>>
    tpu.enqueue_dma source(%dma_start3A_274 : memref<4x8x128xf32, #tpu.memory_space<vmem>>) target(%dma_start3A_270 : memref<4x8x128xf32, #tpu.memory_space<hbm>>) target_semaphore(%arg23 : memref<!tpu.dma_semaphore, #tpu.memory_space<semaphore_mem>>)
    %dma_wait3A_275 = arith.constant 0 : i32
    %dma_wait3A_276 = arith.constant 3 : i32
    %dma_wait3A_277 = arith.constant 0 : i32
    %dma_wait3A_278 = tpu.memref_slice %arg5[%dma_wait3A_275, %dma_wait3A_276, %dma_wait3A_277] : memref<25x8x128xi32, #tpu.memory_space<vmem>> -> memref<1x1x128xi32, #tpu.memory_space<vmem>>
    %dma_wait3A_279 = tpu.memref_squeeze %dma_wait3A_278 : memref<1x1x128xi32, #tpu.memory_space<vmem>> -> memref<128xi32, #tpu.memory_space<vmem>>
    %dma_wait3A_280 = arith.constant 0 : i32
    %dma_wait3A_281 = arith.constant 0 : i32
    %dma_wait3A_282 = tpu.memref_slice %arg3[%dma_wait3A_280, %dma_wait3A_281] : memref<1000000x32xf32, #tpu.memory_space<hbm>> -> memref<1000000x32xf32, #tpu.memory_space<hbm>>
    tpu.wait_indirect_dma semaphore(%arg19 : memref<!tpu.dma_semaphore, #tpu.memory_space<semaphore_mem>>) src(%dma_wait3A_282 : memref<1000000x32xf32, #tpu.memory_space<hbm>>) dst(%arg9 : memref<128x32xf32, #tpu.memory_space<vmem>>)
    %dma_start3A_283 = arith.constant 0 : i32
    %dma_start3A_284 = arith.constant 7 : i32
    %dma_start3A_285 = arith.constant 0 : i32
    %dma_start3A_286 = tpu.memref_slice %arg5[%dma_start3A_283, %dma_start3A_284, %dma_start3A_285] : memref<25x8x128xi32, #tpu.memory_space<vmem>> -> memref<1x1x128xi32, #tpu.memory_space<vmem>>
    %dma_start3A_287 = tpu.memref_squeeze %dma_start3A_286 : memref<1x1x128xi32, #tpu.memory_space<vmem>> -> memref<128xi32, #tpu.memory_space<vmem>>
    %dma_start3A_288 = arith.constant 0 : i32
    %dma_start3A_289 = arith.constant 0 : i32
    %dma_start3A_290 = tpu.memref_slice %arg3[%dma_start3A_288, %dma_start3A_289] : memref<1000000x32xf32, #tpu.memory_space<hbm>> -> memref<1000000x32xf32, #tpu.memory_space<hbm>>
    tpu.enqueue_indirect_dma source(%dma_start3A_290 : memref<1000000x32xf32, #tpu.memory_space<hbm>>) target(%arg8 : memref<128x32xf32, #tpu.memory_space<vmem>>) offsets(%dma_start3A_287 : memref<128xi32, #tpu.memory_space<vmem>>) semaphore(%arg18 : memref<!tpu.dma_semaphore, #tpu.memory_space<semaphore_mem>>)
    %scan3A_291 = arith.constant 0 : i32
    %scan3A_292 = arith.constant 0 : i32
    %scan3A_293 = arith.constant 128 : i32
    %scan3A_294 = arith.addi %scan3A_292, %scan3A_293 : i32
    %scan3A_295 = arith.constant 4 : i32
    scf.for %scan3A_726 = %scan3A_292 to %scan3A_294 step %scan3A_295  : i32 {
      %broadcast_in_dim3A = arith.constant 0 : i32
      %broadcast_in_dim3A_727 = vector.broadcast %broadcast_in_dim3A : i32 to vector<16xi32>
      %add3A_728 = vector.broadcast %scan3A_726 : i32 to vector<16xi32>
      %add3A_729 = arith.addi %broadcast_in_dim3A_727, %add3A_728 : vector<16xi32>
      %get3A = arith.index_cast %scan3A_726 : i32 to index
      %get3A_730 = arith.constant 0 : index
      %get3A_731 = tpu.vector_load %arg9[%get3A, %get3A_730] {strides = array<i32>} : memref<128x32xf32, #tpu.memory_space<vmem>>, vector<16xf32>,
      %get3A_732 = arith.index_cast %scan3A_726 : i32 to index
      %get3A_733 = arith.constant 16 : index
      %get3A_734 = tpu.vector_load %arg9[%get3A_732, %get3A_733] {strides = array<i32>} : memref<128x32xf32, #tpu.memory_space<vmem>>, vector<16xf32>,
      tpu.vector_store_idx %arg14[%select_n3A, %select_n3A_61, %add3A_729], %get3A_731 : memref<4x8x131xf32, #tpu.memory_space<vmem>>[vector<16xi32>, vector<16xi32>, vector<16xi32>], vector<16xf32>,
      tpu.vector_store_idx %arg14[%select_n3A_95, %select_n3A_120, %add3A_729], %get3A_734 : memref<4x8x131xf32, #tpu.memory_space<vmem>>[vector<16xi32>, vector<16xi32>, vector<16xi32>], vector<16xf32>,
      %scan3A_735 = arith.constant 1 : i32
      %scan3A_736 = arith.addi %scan3A_726, %scan3A_735 : i32
      %broadcast_in_dim3A_737 = arith.constant 0 : i32
      %broadcast_in_dim3A_738 = vector.broadcast %broadcast_in_dim3A_737 : i32 to vector<16xi32>
      %add3A_739 = vector.broadcast %scan3A_736 : i32 to vector<16xi32>
      %add3A_740 = arith.addi %broadcast_in_dim3A_738, %add3A_739 : vector<16xi32>
      %get3A_741 = arith.index_cast %scan3A_736 : i32 to index
      %get3A_742 = arith.constant 0 : index
      %get3A_743 = tpu.vector_load %arg9[%get3A_741, %get3A_742] {strides = array<i32>} : memref<128x32xf32, #tpu.memory_space<vmem>>, vector<16xf32>,
      %get3A_744 = arith.index_cast %scan3A_736 : i32 to index
      %get3A_745 = arith.constant 16 : index
      %get3A_746 = tpu.vector_load %arg9[%get3A_744, %get3A_745] {strides = array<i32>} : memref<128x32xf32, #tpu.memory_space<vmem>>, vector<16xf32>,
      tpu.vector_store_idx %arg14[%select_n3A, %select_n3A_61, %add3A_740], %get3A_743 : memref<4x8x131xf32, #tpu.memory_space<vmem>>[vector<16xi32>, vector<16xi32>, vector<16xi32>], vector<16xf32>,
      tpu.vector_store_idx %arg14[%select_n3A_95, %select_n3A_120, %add3A_740], %get3A_746 : memref<4x8x131xf32, #tpu.memory_space<vmem>>[vector<16xi32>, vector<16xi32>, vector<16xi32>], vector<16xf32>,
      %scan3A_747 = arith.constant 2 : i32
      %scan3A_748 = arith.addi %scan3A_726, %scan3A_747 : i32
      %broadcast_in_dim3A_749 = arith.constant 0 : i32
      %broadcast_in_dim3A_750 = vector.broadcast %broadcast_in_dim3A_749 : i32 to vector<16xi32>
      %add3A_751 = vector.broadcast %scan3A_748 : i32 to vector<16xi32>
      %add3A_752 = arith.addi %broadcast_in_dim3A_750, %add3A_751 : vector<16xi32>
      %get3A_753 = arith.index_cast %scan3A_748 : i32 to index
      %get3A_754 = arith.constant 0 : index
      %get3A_755 = tpu.vector_load %arg9[%get3A_753, %get3A_754] {strides = array<i32>} : memref<128x32xf32, #tpu.memory_space<vmem>>, vector<16xf32>,
      %get3A_756 = arith.index_cast %scan3A_748 : i32 to index
      %get3A_757 = arith.constant 16 : index
      %get3A_758 = tpu.vector_load %arg9[%get3A_756, %get3A_757] {strides = array<i32>} : memref<128x32xf32, #tpu.memory_space<vmem>>, vector<16xf32>,
      tpu.vector_store_idx %arg14[%select_n3A, %select_n3A_61, %add3A_752], %get3A_755 : memref<4x8x131xf32, #tpu.memory_space<vmem>>[vector<16xi32>, vector<16xi32>, vector<16xi32>], vector<16xf32>,
      tpu.vector_store_idx %arg14[%select_n3A_95, %select_n3A_120, %add3A_752], %get3A_758 : memref<4x8x131xf32, #tpu.memory_space<vmem>>[vector<16xi32>, vector<16xi32>, vector<16xi32>], vector<16xf32>,
      %scan3A_759 = arith.constant 3 : i32
      %scan3A_760 = arith.addi %scan3A_726, %scan3A_759 : i32
      %broadcast_in_dim3A_761 = arith.constant 0 : i32
      %broadcast_in_dim3A_762 = vector.broadcast %broadcast_in_dim3A_761 : i32 to vector<16xi32>
      %add3A_763 = vector.broadcast %scan3A_760 : i32 to vector<16xi32>
      %add3A_764 = arith.addi %broadcast_in_dim3A_762, %add3A_763 : vector<16xi32>
      %get3A_765 = arith.index_cast %scan3A_760 : i32 to index
      %get3A_766 = arith.constant 0 : index
      %get3A_767 = tpu.vector_load %arg9[%get3A_765, %get3A_766] {strides = array<i32>} : memref<128x32xf32, #tpu.memory_space<vmem>>, vector<16xf32>,
      %get3A_768 = arith.index_cast %scan3A_760 : i32 to index
      %get3A_769 = arith.constant 16 : index
      %get3A_770 = tpu.vector_load %arg9[%get3A_768, %get3A_769] {strides = array<i32>} : memref<128x32xf32, #tpu.memory_space<vmem>>, vector<16xf32>,
      tpu.vector_store_idx %arg14[%select_n3A, %select_n3A_61, %add3A_764], %get3A_767 : memref<4x8x131xf32, #tpu.memory_space<vmem>>[vector<16xi32>, vector<16xi32>, vector<16xi32>], vector<16xf32>,
      tpu.vector_store_idx %arg14[%select_n3A_95, %select_n3A_120, %add3A_764], %get3A_770 : memref<4x8x131xf32, #tpu.memory_space<vmem>>[vector<16xi32>, vector<16xi32>, vector<16xi32>], vector<16xf32>,
    }
    %scan3A_296 = arith.constant 128 : i32
    %dma_start3A_297 = arith.constant 3 : i32
    %dma_start3A_298 = arith.constant 0 : i32
    %dma_start3A_299 = arith.constant 0 : i32
    %dma_start3A_300 = arith.constant 0 : i32
    %dma_start3A_301 = tpu.memref_slice %arg14[%dma_start3A_298, %dma_start3A_299, %dma_start3A_300] : memref<4x8x131xf32, #tpu.memory_space<vmem>> -> memref<4x8x128xf32, #tpu.memory_space<vmem>>
    %dma_start3A_302 = arith.constant 0 : i32
    %dma_start3A_303 = arith.constant 0 : i32
    %dma_start3A_304 = arith.constant 0 : i32
    %dma_start3A_305 = tpu.memref_slice %arg4[%dma_start3A_297, %dma_start3A_302, %add3A, %dma_start3A_303, %dma_start3A_304] : memref<200x4x32x8x128xf32, #tpu.memory_space<hbm>> -> memref<1x4x1x8x128xf32, #tpu.memory_space<hbm>>
    %dma_start3A_306 = tpu.memref_squeeze %dma_start3A_305 : memref<1x4x1x8x128xf32, #tpu.memory_space<hbm>> -> memref<4x8x128xf32, #tpu.memory_space<hbm>>
    %dma_start3A_307 = arith.constant 0 : i32
    %dma_start3A_308 = arith.constant 0 : i32
    %dma_start3A_309 = arith.constant 0 : i32
    %dma_start3A_310 = tpu.memref_slice %arg4[%dma_start3A_297, %dma_start3A_307, %add3A, %dma_start3A_308, %dma_start3A_309] : memref<200x4x32x8x128xf32, #tpu.memory_space<hbm>> -> memref<1x4x1x8x128xf32, #tpu.memory_space<hbm>>
    %dma_start3A_311 = tpu.memref_squeeze %dma_start3A_310 : memref<1x4x1x8x128xf32, #tpu.memory_space<hbm>> -> memref<4x8x128xf32, #tpu.memory_space<hbm>>
    %dma_start3A_312 = arith.constant 0 : i32
    %dma_start3A_313 = arith.constant 0 : i32
    %dma_start3A_314 = arith.constant 0 : i32
    %dma_start3A_315 = tpu.memref_slice %arg14[%dma_start3A_312, %dma_start3A_313, %dma_start3A_314] : memref<4x8x131xf32, #tpu.memory_space<vmem>> -> memref<4x8x128xf32, #tpu.memory_space<vmem>>
    tpu.enqueue_dma source(%dma_start3A_315 : memref<4x8x128xf32, #tpu.memory_space<vmem>>) target(%dma_start3A_311 : memref<4x8x128xf32, #tpu.memory_space<hbm>>) target_semaphore(%arg24 : memref<!tpu.dma_semaphore, #tpu.memory_space<semaphore_mem>>)
    %dma_wait3A_316 = arith.constant 0 : i32
    %dma_wait3A_317 = arith.constant 4 : i32
    %dma_wait3A_318 = arith.constant 0 : i32
    %dma_wait3A_319 = tpu.memref_slice %arg5[%dma_wait3A_316, %dma_wait3A_317, %dma_wait3A_318] : memref<25x8x128xi32, #tpu.memory_space<vmem>> -> memref<1x1x128xi32, #tpu.memory_space<vmem>>
    %dma_wait3A_320 = tpu.memref_squeeze %dma_wait3A_319 : memref<1x1x128xi32, #tpu.memory_space<vmem>> -> memref<128xi32, #tpu.memory_space<vmem>>
    %dma_wait3A_321 = arith.constant 0 : i32
    %dma_wait3A_322 = arith.constant 0 : i32
    %dma_wait3A_323 = tpu.memref_slice %arg3[%dma_wait3A_321, %dma_wait3A_322] : memref<1000000x32xf32, #tpu.memory_space<hbm>> -> memref<1000000x32xf32, #tpu.memory_space<hbm>>
    tpu.wait_indirect_dma semaphore(%arg20 : memref<!tpu.dma_semaphore, #tpu.memory_space<semaphore_mem>>) src(%dma_wait3A_323 : memref<1000000x32xf32, #tpu.memory_space<hbm>>) dst(%arg10 : memref<128x32xf32, #tpu.memory_space<vmem>>)
    %dma_start3A_324 = arith.constant 1 : i32
    %dma_start3A_325 = arith.constant 0 : i32
    %dma_start3A_326 = arith.constant 0 : i32
    %dma_start3A_327 = tpu.memref_slice %arg5[%dma_start3A_324, %dma_start3A_325, %dma_start3A_326] : memref<25x8x128xi32, #tpu.memory_space<vmem>> -> memref<1x1x128xi32, #tpu.memory_space<vmem>>
    %dma_start3A_328 = tpu.memref_squeeze %dma_start3A_327 : memref<1x1x128xi32, #tpu.memory_space<vmem>> -> memref<128xi32, #tpu.memory_space<vmem>>
    %dma_start3A_329 = arith.constant 0 : i32
    %dma_start3A_330 = arith.constant 0 : i32
    %dma_start3A_331 = tpu.memref_slice %arg3[%dma_start3A_329, %dma_start3A_330] : memref<1000000x32xf32, #tpu.memory_space<hbm>> -> memref<1000000x32xf32, #tpu.memory_space<hbm>>
    tpu.enqueue_indirect_dma source(%dma_start3A_331 : memref<1000000x32xf32, #tpu.memory_space<hbm>>) target(%arg9 : memref<128x32xf32, #tpu.memory_space<vmem>>) offsets(%dma_start3A_328 : memref<128xi32, #tpu.memory_space<vmem>>) semaphore(%arg19 : memref<!tpu.dma_semaphore, #tpu.memory_space<semaphore_mem>>)
    %scan3A_332 = arith.constant 0 : i32
    %scan3A_333 = arith.constant 0 : i32
    %scan3A_334 = arith.constant 128 : i32
    %scan3A_335 = arith.addi %scan3A_333, %scan3A_334 : i32
    %scan3A_336 = arith.constant 4 : i32
    scf.for %scan3A_726 = %scan3A_333 to %scan3A_335 step %scan3A_336  : i32 {
      %broadcast_in_dim3A = arith.constant 0 : i32
      %broadcast_in_dim3A_727 = vector.broadcast %broadcast_in_dim3A : i32 to vector<16xi32>
      %add3A_728 = vector.broadcast %scan3A_726 : i32 to vector<16xi32>
      %add3A_729 = arith.addi %broadcast_in_dim3A_727, %add3A_728 : vector<16xi32>
      %get3A = arith.index_cast %scan3A_726 : i32 to index
      %get3A_730 = arith.constant 0 : index
      %get3A_731 = tpu.vector_load %arg10[%get3A, %get3A_730] {strides = array<i32>} : memref<128x32xf32, #tpu.memory_space<vmem>>, vector<16xf32>,
      %get3A_732 = arith.index_cast %scan3A_726 : i32 to index
      %get3A_733 = arith.constant 16 : index
      %get3A_734 = tpu.vector_load %arg10[%get3A_732, %get3A_733] {strides = array<i32>} : memref<128x32xf32, #tpu.memory_space<vmem>>, vector<16xf32>,
      tpu.vector_store_idx %arg15[%select_n3A, %select_n3A_61, %add3A_729], %get3A_731 : memref<4x8x131xf32, #tpu.memory_space<vmem>>[vector<16xi32>, vector<16xi32>, vector<16xi32>], vector<16xf32>,
      tpu.vector_store_idx %arg15[%select_n3A_95, %select_n3A_120, %add3A_729], %get3A_734 : memref<4x8x131xf32, #tpu.memory_space<vmem>>[vector<16xi32>, vector<16xi32>, vector<16xi32>], vector<16xf32>,
      %scan3A_735 = arith.constant 1 : i32
      %scan3A_736 = arith.addi %scan3A_726, %scan3A_735 : i32
      %broadcast_in_dim3A_737 = arith.constant 0 : i32
      %broadcast_in_dim3A_738 = vector.broadcast %broadcast_in_dim3A_737 : i32 to vector<16xi32>
      %add3A_739 = vector.broadcast %scan3A_736 : i32 to vector<16xi32>
      %add3A_740 = arith.addi %broadcast_in_dim3A_738, %add3A_739 : vector<16xi32>
      %get3A_741 = arith.index_cast %scan3A_736 : i32 to index
      %get3A_742 = arith.constant 0 : index
      %get3A_743 = tpu.vector_load %arg10[%get3A_741, %get3A_742] {strides = array<i32>} : memref<128x32xf32, #tpu.memory_space<vmem>>, vector<16xf32>,
      %get3A_744 = arith.index_cast %scan3A_736 : i32 to index
      %get3A_745 = arith.constant 16 : index
      %get3A_746 = tpu.vector_load %arg10[%get3A_744, %get3A_745] {strides = array<i32>} : memref<128x32xf32, #tpu.memory_space<vmem>>, vector<16xf32>,
      tpu.vector_store_idx %arg15[%select_n3A, %select_n3A_61, %add3A_740], %get3A_743 : memref<4x8x131xf32, #tpu.memory_space<vmem>>[vector<16xi32>, vector<16xi32>, vector<16xi32>], vector<16xf32>,
      tpu.vector_store_idx %arg15[%select_n3A_95, %select_n3A_120, %add3A_740], %get3A_746 : memref<4x8x131xf32, #tpu.memory_space<vmem>>[vector<16xi32>, vector<16xi32>, vector<16xi32>], vector<16xf32>,
      %scan3A_747 = arith.constant 2 : i32
      %scan3A_748 = arith.addi %scan3A_726, %scan3A_747 : i32
      %broadcast_in_dim3A_749 = arith.constant 0 : i32
      %broadcast_in_dim3A_750 = vector.broadcast %broadcast_in_dim3A_749 : i32 to vector<16xi32>
      %add3A_751 = vector.broadcast %scan3A_748 : i32 to vector<16xi32>
      %add3A_752 = arith.addi %broadcast_in_dim3A_750, %add3A_751 : vector<16xi32>
      %get3A_753 = arith.index_cast %scan3A_748 : i32 to index
      %get3A_754 = arith.constant 0 : index
      %get3A_755 = tpu.vector_load %arg10[%get3A_753, %get3A_754] {strides = array<i32>} : memref<128x32xf32, #tpu.memory_space<vmem>>, vector<16xf32>,
      %get3A_756 = arith.index_cast %scan3A_748 : i32 to index
      %get3A_757 = arith.constant 16 : index
      %get3A_758 = tpu.vector_load %arg10[%get3A_756, %get3A_757] {strides = array<i32>} : memref<128x32xf32, #tpu.memory_space<vmem>>, vector<16xf32>,
      tpu.vector_store_idx %arg15[%select_n3A, %select_n3A_61, %add3A_752], %get3A_755 : memref<4x8x131xf32, #tpu.memory_space<vmem>>[vector<16xi32>, vector<16xi32>, vector<16xi32>], vector<16xf32>,
      tpu.vector_store_idx %arg15[%select_n3A_95, %select_n3A_120, %add3A_752], %get3A_758 : memref<4x8x131xf32, #tpu.memory_space<vmem>>[vector<16xi32>, vector<16xi32>, vector<16xi32>], vector<16xf32>,
      %scan3A_759 = arith.constant 3 : i32
      %scan3A_760 = arith.addi %scan3A_726, %scan3A_759 : i32
      %broadcast_in_dim3A_761 = arith.constant 0 : i32
      %broadcast_in_dim3A_762 = vector.broadcast %broadcast_in_dim3A_761 : i32 to vector<16xi32>
      %add3A_763 = vector.broadcast %scan3A_760 : i32 to vector<16xi32>
      %add3A_764 = arith.addi %broadcast_in_dim3A_762, %add3A_763 : vector<16xi32>
      %get3A_765 = arith.index_cast %scan3A_760 : i32 to index
      %get3A_766 = arith.constant 0 : index
      %get3A_767 = tpu.vector_load %arg10[%get3A_765, %get3A_766] {strides = array<i32>} : memref<128x32xf32, #tpu.memory_space<vmem>>, vector<16xf32>,
      %get3A_768 = arith.index_cast %scan3A_760 : i32 to index
      %get3A_769 = arith.constant 16 : index
      %get3A_770 = tpu.vector_load %arg10[%get3A_768, %get3A_769] {strides = array<i32>} : memref<128x32xf32, #tpu.memory_space<vmem>>, vector<16xf32>,
      tpu.vector_store_idx %arg15[%select_n3A, %select_n3A_61, %add3A_764], %get3A_767 : memref<4x8x131xf32, #tpu.memory_space<vmem>>[vector<16xi32>, vector<16xi32>, vector<16xi32>], vector<16xf32>,
      tpu.vector_store_idx %arg15[%select_n3A_95, %select_n3A_120, %add3A_764], %get3A_770 : memref<4x8x131xf32, #tpu.memory_space<vmem>>[vector<16xi32>, vector<16xi32>, vector<16xi32>], vector<16xf32>,
    }
    %scan3A_337 = arith.constant 128 : i32
    %dma_start3A_338 = arith.constant 4 : i32
    %dma_start3A_339 = arith.constant 0 : i32
    %dma_start3A_340 = arith.constant 0 : i32
    %dma_start3A_341 = arith.constant 0 : i32
    %dma_start3A_342 = tpu.memref_slice %arg15[%dma_start3A_339, %dma_start3A_340, %dma_start3A_341] : memref<4x8x131xf32, #tpu.memory_space<vmem>> -> memref<4x8x128xf32, #tpu.memory_space<vmem>>
    %dma_start3A_343 = arith.constant 0 : i32
    %dma_start3A_344 = arith.constant 0 : i32
    %dma_start3A_345 = arith.constant 0 : i32
    %dma_start3A_346 = tpu.memref_slice %arg4[%dma_start3A_338, %dma_start3A_343, %add3A, %dma_start3A_344, %dma_start3A_345] : memref<200x4x32x8x128xf32, #tpu.memory_space<hbm>> -> memref<1x4x1x8x128xf32, #tpu.memory_space<hbm>>
    %dma_start3A_347 = tpu.memref_squeeze %dma_start3A_346 : memref<1x4x1x8x128xf32, #tpu.memory_space<hbm>> -> memref<4x8x128xf32, #tpu.memory_space<hbm>>
    %dma_start3A_348 = arith.constant 0 : i32
    %dma_start3A_349 = arith.constant 0 : i32
    %dma_start3A_350 = arith.constant 0 : i32
    %dma_start3A_351 = tpu.memref_slice %arg4[%dma_start3A_338, %dma_start3A_348, %add3A, %dma_start3A_349, %dma_start3A_350] : memref<200x4x32x8x128xf32, #tpu.memory_space<hbm>> -> memref<1x4x1x8x128xf32, #tpu.memory_space<hbm>>
    %dma_start3A_352 = tpu.memref_squeeze %dma_start3A_351 : memref<1x4x1x8x128xf32, #tpu.memory_space<hbm>> -> memref<4x8x128xf32, #tpu.memory_space<hbm>>
    %dma_start3A_353 = arith.constant 0 : i32
    %dma_start3A_354 = arith.constant 0 : i32
    %dma_start3A_355 = arith.constant 0 : i32
    %dma_start3A_356 = tpu.memref_slice %arg15[%dma_start3A_353, %dma_start3A_354, %dma_start3A_355] : memref<4x8x131xf32, #tpu.memory_space<vmem>> -> memref<4x8x128xf32, #tpu.memory_space<vmem>>
    tpu.enqueue_dma source(%dma_start3A_356 : memref<4x8x128xf32, #tpu.memory_space<vmem>>) target(%dma_start3A_352 : memref<4x8x128xf32, #tpu.memory_space<hbm>>) target_semaphore(%arg25 : memref<!tpu.dma_semaphore, #tpu.memory_space<semaphore_mem>>)
    %scan3A_357 = arith.constant 0 : i32
    %scan3A_358 = arith.constant 1 : i32
    %scan3A_359 = arith.constant 38 : i32
    %scan3A_360 = arith.addi %scan3A_358, %scan3A_359 : i32
    %scan3A_361 = arith.constant 1 : i32
    scf.for %scan3A_726 = %scan3A_358 to %scan3A_360 step %scan3A_361  : i32 {
      %mul3A_727 = arith.constant 5 : i32
      %mul3A_728 = arith.muli %scan3A_726, %mul3A_727 : i32
      %add3A_729 = arith.constant 0 : i32
      %add3A_730 = arith.addi %mul3A_728, %add3A_729 : i32
      %jit3A_731 = arith.constant 8 : i32
      %div3A_732 = arith.divsi %add3A_730, %jit3A_731 : i32
      %sign3A_733 = arith.constant 0 : i32
      %sign3A_734 = arith.cmpi sgt, %add3A_730, %sign3A_733 : i32
      %sign3A_735 = arith.extui %sign3A_734 : i1 to i32
      %sign3A_736 = arith.constant 0 : i32
      %sign3A_737 = arith.cmpi slt, %add3A_730, %sign3A_736 : i32
      %sign3A_738 = arith.extui %sign3A_737 : i1 to i32
      %sign3A_739 = arith.subi %sign3A_735, %sign3A_738 : i32
      %sign3A_740 = arith.constant 0 : i32
      %sign3A_741 = arith.cmpi sgt, %jit3A_731, %sign3A_740 : i32
      %sign3A_742 = arith.extui %sign3A_741 : i1 to i32
      %sign3A_743 = arith.constant 0 : i32
      %sign3A_744 = arith.cmpi slt, %jit3A_731, %sign3A_743 : i32
      %sign3A_745 = arith.extui %sign3A_744 : i1 to i32
      %sign3A_746 = arith.subi %sign3A_742, %sign3A_745 : i32
      %ne3A_747 = arith.cmpi ne, %sign3A_739, %sign3A_746 : i32
      %rem3A_748 = arith.remsi %add3A_730, %jit3A_731 : i32
      %ne3A_749 = arith.constant 0 : i32
      %ne3A_750 = arith.cmpi ne, %rem3A_748, %ne3A_749 : i32
      %and3A_751 = arith.andi %ne3A_747, %ne3A_750 : i1
      %sub3A_752 = arith.constant 1 : i32
      %sub3A_753 = arith.subi %div3A_732, %sub3A_752 : i32
      %select_n3A_754 = arith.select %and3A_751, %sub3A_753, %div3A_732 : i32
      %jit3A_755 = arith.constant 8 : i32
      %eq3A_756 = arith.constant 0 : i32
      %eq3A_757 = arith.cmpi eq, %jit3A_755, %eq3A_756 : i32
      %jit3A_758 = arith.constant 1 : i32
      %select_n3A_759 = arith.select %eq3A_757, %jit3A_758, %jit3A_755 : i32
      %rem3A_760 = arith.remsi %add3A_730, %select_n3A_759 : i32
      %ne3A_761 = arith.constant 0 : i32
      %ne3A_762 = arith.cmpi ne, %rem3A_760, %ne3A_761 : i32
      %lt3A_763 = arith.constant 0 : i32
      %lt3A_764 = arith.cmpi slt, %rem3A_760, %lt3A_763 : i32
      %lt3A_765 = arith.constant 0 : i32
      %lt3A_766 = arith.cmpi slt, %select_n3A_759, %lt3A_765 : i32
      %ne3A_767 = arith.xori %lt3A_764, %lt3A_766 : i1
      %and3A_768 = arith.andi %ne3A_767, %ne3A_762 : i1
      %add3A_769 = arith.addi %rem3A_760, %select_n3A_759 : i32
      %select_n3A_770 = arith.select %and3A_768, %add3A_769, %rem3A_760 : i32
      %dma_wait3A_771 = arith.constant 0 : i32
      %dma_wait3A_772 = tpu.memref_slice %arg5[%select_n3A_754, %select_n3A_770, %dma_wait3A_771] : memref<25x8x128xi32, #tpu.memory_space<vmem>> -> memref<1x1x128xi32, #tpu.memory_space<vmem>>
      %dma_wait3A_773 = tpu.memref_squeeze %dma_wait3A_772 : memref<1x1x128xi32, #tpu.memory_space<vmem>> -> memref<128xi32, #tpu.memory_space<vmem>>
      %dma_wait3A_774 = arith.constant 0 : i32
      %dma_wait3A_775 = arith.constant 0 : i32
      %dma_wait3A_776 = tpu.memref_slice %arg3[%dma_wait3A_774, %dma_wait3A_775] : memref<1000000x32xf32, #tpu.memory_space<hbm>> -> memref<1000000x32xf32, #tpu.memory_space<hbm>>
      tpu.wait_indirect_dma semaphore(%arg16 : memref<!tpu.dma_semaphore, #tpu.memory_space<semaphore_mem>>) src(%dma_wait3A_776 : memref<1000000x32xf32, #tpu.memory_space<hbm>>) dst(%arg6 : memref<128x32xf32, #tpu.memory_space<vmem>>)
      %add3A_777 = arith.constant 4 : i32
      %add3A_778 = arith.addi %add3A_730, %add3A_777 : i32
      %jit3A_779 = arith.constant 8 : i32
      %div3A_780 = arith.divsi %add3A_778, %jit3A_779 : i32
      %sign3A_781 = arith.constant 0 : i32
      %sign3A_782 = arith.cmpi sgt, %add3A_778, %sign3A_781 : i32
      %sign3A_783 = arith.extui %sign3A_782 : i1 to i32
      %sign3A_784 = arith.constant 0 : i32
      %sign3A_785 = arith.cmpi slt, %add3A_778, %sign3A_784 : i32
      %sign3A_786 = arith.extui %sign3A_785 : i1 to i32
      %sign3A_787 = arith.subi %sign3A_783, %sign3A_786 : i32
      %sign3A_788 = arith.constant 0 : i32
      %sign3A_789 = arith.cmpi sgt, %jit3A_779, %sign3A_788 : i32
      %sign3A_790 = arith.extui %sign3A_789 : i1 to i32
      %sign3A_791 = arith.constant 0 : i32
      %sign3A_792 = arith.cmpi slt, %jit3A_779, %sign3A_791 : i32
      %sign3A_793 = arith.extui %sign3A_792 : i1 to i32
      %sign3A_794 = arith.subi %sign3A_790, %sign3A_793 : i32
      %ne3A_795 = arith.cmpi ne, %sign3A_787, %sign3A_794 : i32
      %rem3A_796 = arith.remsi %add3A_778, %jit3A_779 : i32
      %ne3A_797 = arith.constant 0 : i32
      %ne3A_798 = arith.cmpi ne, %rem3A_796, %ne3A_797 : i32
      %and3A_799 = arith.andi %ne3A_795, %ne3A_798 : i1
      %sub3A_800 = arith.constant 1 : i32
      %sub3A_801 = arith.subi %div3A_780, %sub3A_800 : i32
      %select_n3A_802 = arith.select %and3A_799, %sub3A_801, %div3A_780 : i32
      %jit3A_803 = arith.constant 8 : i32
      %eq3A_804 = arith.constant 0 : i32
      %eq3A_805 = arith.cmpi eq, %jit3A_803, %eq3A_804 : i32
      %jit3A_806 = arith.constant 1 : i32
      %select_n3A_807 = arith.select %eq3A_805, %jit3A_806, %jit3A_803 : i32
      %rem3A_808 = arith.remsi %add3A_778, %select_n3A_807 : i32
      %ne3A_809 = arith.constant 0 : i32
      %ne3A_810 = arith.cmpi ne, %rem3A_808, %ne3A_809 : i32
      %lt3A_811 = arith.constant 0 : i32
      %lt3A_812 = arith.cmpi slt, %rem3A_808, %lt3A_811 : i32
      %lt3A_813 = arith.constant 0 : i32
      %lt3A_814 = arith.cmpi slt, %select_n3A_807, %lt3A_813 : i32
      %ne3A_815 = arith.xori %lt3A_812, %lt3A_814 : i1
      %and3A_816 = arith.andi %ne3A_815, %ne3A_810 : i1
      %add3A_817 = arith.addi %rem3A_808, %select_n3A_807 : i32
      %select_n3A_818 = arith.select %and3A_816, %add3A_817, %rem3A_808 : i32
      %dma_start3A_819 = arith.constant 0 : i32
      %dma_start3A_820 = tpu.memref_slice %arg5[%select_n3A_802, %select_n3A_818, %dma_start3A_819] : memref<25x8x128xi32, #tpu.memory_space<vmem>> -> memref<1x1x128xi32, #tpu.memory_space<vmem>>
      %dma_start3A_821 = tpu.memref_squeeze %dma_start3A_820 : memref<1x1x128xi32, #tpu.memory_space<vmem>> -> memref<128xi32, #tpu.memory_space<vmem>>
      %dma_start3A_822 = arith.constant 0 : i32
      %dma_start3A_823 = arith.constant 0 : i32
      %dma_start3A_824 = tpu.memref_slice %arg3[%dma_start3A_822, %dma_start3A_823] : memref<1000000x32xf32, #tpu.memory_space<hbm>> -> memref<1000000x32xf32, #tpu.memory_space<hbm>>
      tpu.enqueue_indirect_dma source(%dma_start3A_824 : memref<1000000x32xf32, #tpu.memory_space<hbm>>) target(%arg10 : memref<128x32xf32, #tpu.memory_space<vmem>>) offsets(%dma_start3A_821 : memref<128xi32, #tpu.memory_space<vmem>>) semaphore(%arg20 : memref<!tpu.dma_semaphore, #tpu.memory_space<semaphore_mem>>)
      %sub3A_825 = arith.constant 5 : i32
      %sub3A_826 = arith.subi %add3A_730, %sub3A_825 : i32
      %dma_wait3A_827 = arith.constant 0 : i32
      %dma_wait3A_828 = arith.constant 0 : i32
      %dma_wait3A_829 = arith.constant 0 : i32
      %dma_wait3A_830 = tpu.memref_slice %arg11[%dma_wait3A_827, %dma_wait3A_828, %dma_wait3A_829] : memref<4x8x131xf32, #tpu.memory_space<vmem>> -> memref<4x8x128xf32, #tpu.memory_space<vmem>>
      %dma_wait3A_831 = arith.constant 0 : i32
      %dma_wait3A_832 = arith.constant 0 : i32
      %dma_wait3A_833 = arith.constant 0 : i32
      %dma_wait3A_834 = tpu.memref_slice %arg4[%sub3A_826, %dma_wait3A_831, %add3A, %dma_wait3A_832, %dma_wait3A_833] : memref<200x4x32x8x128xf32, #tpu.memory_space<hbm>> -> memref<1x4x1x8x128xf32, #tpu.memory_space<hbm>>
      %dma_wait3A_835 = tpu.memref_squeeze %dma_wait3A_834 : memref<1x4x1x8x128xf32, #tpu.memory_space<hbm>> -> memref<4x8x128xf32, #tpu.memory_space<hbm>>
      %dma_wait3A_836 = arith.constant 0 : i32
      %dma_wait3A_837 = arith.constant 0 : i32
      %dma_wait3A_838 = arith.constant 0 : i32
      %dma_wait3A_839 = tpu.memref_slice %arg4[%sub3A_826, %dma_wait3A_836, %add3A, %dma_wait3A_837, %dma_wait3A_838] : memref<200x4x32x8x128xf32, #tpu.memory_space<hbm>> -> memref<1x4x1x8x128xf32, #tpu.memory_space<hbm>>
      %dma_wait3A_840 = tpu.memref_squeeze %dma_wait3A_839 : memref<1x4x1x8x128xf32, #tpu.memory_space<hbm>> -> memref<4x8x128xf32, #tpu.memory_space<hbm>>
      %dma_wait3A_841 = arith.constant 0 : i32
      %dma_wait3A_842 = arith.constant 0 : i32
      %dma_wait3A_843 = arith.constant 0 : i32
      %dma_wait3A_844 = tpu.memref_slice %arg11[%dma_wait3A_841, %dma_wait3A_842, %dma_wait3A_843] : memref<4x8x131xf32, #tpu.memory_space<vmem>> -> memref<4x8x128xf32, #tpu.memory_space<vmem>>
      tpu.wait_dma2 semaphore(%arg21 : memref<!tpu.dma_semaphore, #tpu.memory_space<semaphore_mem>>) src(%dma_wait3A_844 : memref<4x8x128xf32, #tpu.memory_space<vmem>>) dst(%dma_wait3A_840 : memref<4x8x128xf32, #tpu.memory_space<hbm>>)
      %scan3A_845 = arith.constant 0 : i32
      %scan3A_846 = arith.constant 0 : i32
      %scan3A_847 = arith.constant 128 : i32
      %scan3A_848 = arith.addi %scan3A_846, %scan3A_847 : i32
      %scan3A_849 = arith.constant 4 : i32
      scf.for %scan3A_1437 = %scan3A_846 to %scan3A_848 step %scan3A_849  : i32 {
        %broadcast_in_dim3A = arith.constant 0 : i32
        %broadcast_in_dim3A_1438 = vector.broadcast %broadcast_in_dim3A : i32 to vector<16xi32>
        %add3A_1439 = vector.broadcast %scan3A_1437 : i32 to vector<16xi32>
        %add3A_1440 = arith.addi %broadcast_in_dim3A_1438, %add3A_1439 : vector<16xi32>
        %get3A = arith.index_cast %scan3A_1437 : i32 to index
        %get3A_1441 = arith.constant 0 : index
        %get3A_1442 = tpu.vector_load %arg6[%get3A, %get3A_1441] {strides = array<i32>} : memref<128x32xf32, #tpu.memory_space<vmem>>, vector<16xf32>,
        %get3A_1443 = arith.index_cast %scan3A_1437 : i32 to index
        %get3A_1444 = arith.constant 16 : index
        %get3A_1445 = tpu.vector_load %arg6[%get3A_1443, %get3A_1444] {strides = array<i32>} : memref<128x32xf32, #tpu.memory_space<vmem>>, vector<16xf32>,
        tpu.vector_store_idx %arg11[%select_n3A, %select_n3A_61, %add3A_1440], %get3A_1442 : memref<4x8x131xf32, #tpu.memory_space<vmem>>[vector<16xi32>, vector<16xi32>, vector<16xi32>], vector<16xf32>,
        tpu.vector_store_idx %arg11[%select_n3A_95, %select_n3A_120, %add3A_1440], %get3A_1445 : memref<4x8x131xf32, #tpu.memory_space<vmem>>[vector<16xi32>, vector<16xi32>, vector<16xi32>], vector<16xf32>,
        %scan3A_1446 = arith.constant 1 : i32
        %scan3A_1447 = arith.addi %scan3A_1437, %scan3A_1446 : i32
        %broadcast_in_dim3A_1448 = arith.constant 0 : i32
        %broadcast_in_dim3A_1449 = vector.broadcast %broadcast_in_dim3A_1448 : i32 to vector<16xi32>
        %add3A_1450 = vector.broadcast %scan3A_1447 : i32 to vector<16xi32>
        %add3A_1451 = arith.addi %broadcast_in_dim3A_1449, %add3A_1450 : vector<16xi32>
        %get3A_1452 = arith.index_cast %scan3A_1447 : i32 to index
        %get3A_1453 = arith.constant 0 : index
        %get3A_1454 = tpu.vector_load %arg6[%get3A_1452, %get3A_1453] {strides = array<i32>} : memref<128x32xf32, #tpu.memory_space<vmem>>, vector<16xf32>,
        %get3A_1455 = arith.index_cast %scan3A_1447 : i32 to index
        %get3A_1456 = arith.constant 16 : index
        %get3A_1457 = tpu.vector_load %arg6[%get3A_1455, %get3A_1456] {strides = array<i32>} : memref<128x32xf32, #tpu.memory_space<vmem>>, vector<16xf32>,
        tpu.vector_store_idx %arg11[%select_n3A, %select_n3A_61, %add3A_1451], %get3A_1454 : memref<4x8x131xf32, #tpu.memory_space<vmem>>[vector<16xi32>, vector<16xi32>, vector<16xi32>], vector<16xf32>,
        tpu.vector_store_idx %arg11[%select_n3A_95, %select_n3A_120, %add3A_1451], %get3A_1457 : memref<4x8x131xf32, #tpu.memory_space<vmem>>[vector<16xi32>, vector<16xi32>, vector<16xi32>], vector<16xf32>,
        %scan3A_1458 = arith.constant 2 : i32
        %scan3A_1459 = arith.addi %scan3A_1437, %scan3A_1458 : i32
        %broadcast_in_dim3A_1460 = arith.constant 0 : i32
        %broadcast_in_dim3A_1461 = vector.broadcast %broadcast_in_dim3A_1460 : i32 to vector<16xi32>
        %add3A_1462 = vector.broadcast %scan3A_1459 : i32 to vector<16xi32>
        %add3A_1463 = arith.addi %broadcast_in_dim3A_1461, %add3A_1462 : vector<16xi32>
        %get3A_1464 = arith.index_cast %scan3A_1459 : i32 to index
        %get3A_1465 = arith.constant 0 : index
        %get3A_1466 = tpu.vector_load %arg6[%get3A_1464, %get3A_1465] {strides = array<i32>} : memref<128x32xf32, #tpu.memory_space<vmem>>, vector<16xf32>,
        %get3A_1467 = arith.index_cast %scan3A_1459 : i32 to index
        %get3A_1468 = arith.constant 16 : index
        %get3A_1469 = tpu.vector_load %arg6[%get3A_1467, %get3A_1468] {strides = array<i32>} : memref<128x32xf32, #tpu.memory_space<vmem>>, vector<16xf32>,
        tpu.vector_store_idx %arg11[%select_n3A, %select_n3A_61, %add3A_1463], %get3A_1466 : memref<4x8x131xf32, #tpu.memory_space<vmem>>[vector<16xi32>, vector<16xi32>, vector<16xi32>], vector<16xf32>,
        tpu.vector_store_idx %arg11[%select_n3A_95, %select_n3A_120, %add3A_1463], %get3A_1469 : memref<4x8x131xf32, #tpu.memory_space<vmem>>[vector<16xi32>, vector<16xi32>, vector<16xi32>], vector<16xf32>,
        %scan3A_1470 = arith.constant 3 : i32
        %scan3A_1471 = arith.addi %scan3A_1437, %scan3A_1470 : i32
        %broadcast_in_dim3A_1472 = arith.constant 0 : i32
        %broadcast_in_dim3A_1473 = vector.broadcast %broadcast_in_dim3A_1472 : i32 to vector<16xi32>
        %add3A_1474 = vector.broadcast %scan3A_1471 : i32 to vector<16xi32>
        %add3A_1475 = arith.addi %broadcast_in_dim3A_1473, %add3A_1474 : vector<16xi32>
        %get3A_1476 = arith.index_cast %scan3A_1471 : i32 to index
        %get3A_1477 = arith.constant 0 : index
        %get3A_1478 = tpu.vector_load %arg6[%get3A_1476, %get3A_1477] {strides = array<i32>} : memref<128x32xf32, #tpu.memory_space<vmem>>, vector<16xf32>,
        %get3A_1479 = arith.index_cast %scan3A_1471 : i32 to index
        %get3A_1480 = arith.constant 16 : index
        %get3A_1481 = tpu.vector_load %arg6[%get3A_1479, %get3A_1480] {strides = array<i32>} : memref<128x32xf32, #tpu.memory_space<vmem>>, vector<16xf32>,
        tpu.vector_store_idx %arg11[%select_n3A, %select_n3A_61, %add3A_1475], %get3A_1478 : memref<4x8x131xf32, #tpu.memory_space<vmem>>[vector<16xi32>, vector<16xi32>, vector<16xi32>], vector<16xf32>,
        tpu.vector_store_idx %arg11[%select_n3A_95, %select_n3A_120, %add3A_1475], %get3A_1481 : memref<4x8x131xf32, #tpu.memory_space<vmem>>[vector<16xi32>, vector<16xi32>, vector<16xi32>], vector<16xf32>,
      }
      %scan3A_850 = arith.constant 128 : i32
      %dma_start3A_851 = arith.constant 0 : i32
      %dma_start3A_852 = arith.constant 0 : i32
      %dma_start3A_853 = arith.constant 0 : i32
      %dma_start3A_854 = tpu.memref_slice %arg11[%dma_start3A_851, %dma_start3A_852, %dma_start3A_853] : memref<4x8x131xf32, #tpu.memory_space<vmem>> -> memref<4x8x128xf32, #tpu.memory_space<vmem>>
      %dma_start3A_855 = arith.constant 0 : i32
      %dma_start3A_856 = arith.constant 0 : i32
      %dma_start3A_857 = arith.constant 0 : i32
      %dma_start3A_858 = tpu.memref_slice %arg4[%add3A_730, %dma_start3A_855, %add3A, %dma_start3A_856, %dma_start3A_857] : memref<200x4x32x8x128xf32, #tpu.memory_space<hbm>> -> memref<1x4x1x8x128xf32, #tpu.memory_space<hbm>>
      %dma_start3A_859 = tpu.memref_squeeze %dma_start3A_858 : memref<1x4x1x8x128xf32, #tpu.memory_space<hbm>> -> memref<4x8x128xf32, #tpu.memory_space<hbm>>
      %dma_start3A_860 = arith.constant 0 : i32
      %dma_start3A_861 = arith.constant 0 : i32
      %dma_start3A_862 = arith.constant 0 : i32
      %dma_start3A_863 = tpu.memref_slice %arg4[%add3A_730, %dma_start3A_860, %add3A, %dma_start3A_861, %dma_start3A_862] : memref<200x4x32x8x128xf32, #tpu.memory_space<hbm>> -> memref<1x4x1x8x128xf32, #tpu.memory_space<hbm>>
      %dma_start3A_864 = tpu.memref_squeeze %dma_start3A_863 : memref<1x4x1x8x128xf32, #tpu.memory_space<hbm>> -> memref<4x8x128xf32, #tpu.memory_space<hbm>>
      %dma_start3A_865 = arith.constant 0 : i32
      %dma_start3A_866 = arith.constant 0 : i32
      %dma_start3A_867 = arith.constant 0 : i32
      %dma_start3A_868 = tpu.memref_slice %arg11[%dma_start3A_865, %dma_start3A_866, %dma_start3A_867] : memref<4x8x131xf32, #tpu.memory_space<vmem>> -> memref<4x8x128xf32, #tpu.memory_space<vmem>>
      tpu.enqueue_dma source(%dma_start3A_868 : memref<4x8x128xf32, #tpu.memory_space<vmem>>) target(%dma_start3A_864 : memref<4x8x128xf32, #tpu.memory_space<hbm>>) target_semaphore(%arg21 : memref<!tpu.dma_semaphore, #tpu.memory_space<semaphore_mem>>)
      %mul3A_869 = arith.constant 5 : i32
      %mul3A_870 = arith.muli %scan3A_726, %mul3A_869 : i32
      %add3A_871 = arith.constant 1 : i32
      %add3A_872 = arith.addi %mul3A_870, %add3A_871 : i32
      %jit3A_873 = arith.constant 8 : i32
      %div3A_874 = arith.divsi %add3A_872, %jit3A_873 : i32
      %sign3A_875 = arith.constant 0 : i32
      %sign3A_876 = arith.cmpi sgt, %add3A_872, %sign3A_875 : i32
      %sign3A_877 = arith.extui %sign3A_876 : i1 to i32
      %sign3A_878 = arith.constant 0 : i32
      %sign3A_879 = arith.cmpi slt, %add3A_872, %sign3A_878 : i32
      %sign3A_880 = arith.extui %sign3A_879 : i1 to i32
      %sign3A_881 = arith.subi %sign3A_877, %sign3A_880 : i32
      %sign3A_882 = arith.constant 0 : i32
      %sign3A_883 = arith.cmpi sgt, %jit3A_873, %sign3A_882 : i32
      %sign3A_884 = arith.extui %sign3A_883 : i1 to i32
      %sign3A_885 = arith.constant 0 : i32
      %sign3A_886 = arith.cmpi slt, %jit3A_873, %sign3A_885 : i32
      %sign3A_887 = arith.extui %sign3A_886 : i1 to i32
      %sign3A_888 = arith.subi %sign3A_884, %sign3A_887 : i32
      %ne3A_889 = arith.cmpi ne, %sign3A_881, %sign3A_888 : i32
      %rem3A_890 = arith.remsi %add3A_872, %jit3A_873 : i32
      %ne3A_891 = arith.constant 0 : i32
      %ne3A_892 = arith.cmpi ne, %rem3A_890, %ne3A_891 : i32
      %and3A_893 = arith.andi %ne3A_889, %ne3A_892 : i1
      %sub3A_894 = arith.constant 1 : i32
      %sub3A_895 = arith.subi %div3A_874, %sub3A_894 : i32
      %select_n3A_896 = arith.select %and3A_893, %sub3A_895, %div3A_874 : i32
      %jit3A_897 = arith.constant 8 : i32
      %eq3A_898 = arith.constant 0 : i32
      %eq3A_899 = arith.cmpi eq, %jit3A_897, %eq3A_898 : i32
      %jit3A_900 = arith.constant 1 : i32
      %select_n3A_901 = arith.select %eq3A_899, %jit3A_900, %jit3A_897 : i32
      %rem3A_902 = arith.remsi %add3A_872, %select_n3A_901 : i32
      %ne3A_903 = arith.constant 0 : i32
      %ne3A_904 = arith.cmpi ne, %rem3A_902, %ne3A_903 : i32
      %lt3A_905 = arith.constant 0 : i32
      %lt3A_906 = arith.cmpi slt, %rem3A_902, %lt3A_905 : i32
      %lt3A_907 = arith.constant 0 : i32
      %lt3A_908 = arith.cmpi slt, %select_n3A_901, %lt3A_907 : i32
      %ne3A_909 = arith.xori %lt3A_906, %lt3A_908 : i1
      %and3A_910 = arith.andi %ne3A_909, %ne3A_904 : i1
      %add3A_911 = arith.addi %rem3A_902, %select_n3A_901 : i32
      %select_n3A_912 = arith.select %and3A_910, %add3A_911, %rem3A_902 : i32
      %dma_wait3A_913 = arith.constant 0 : i32
      %dma_wait3A_914 = tpu.memref_slice %arg5[%select_n3A_896, %select_n3A_912, %dma_wait3A_913] : memref<25x8x128xi32, #tpu.memory_space<vmem>> -> memref<1x1x128xi32, #tpu.memory_space<vmem>>
      %dma_wait3A_915 = tpu.memref_squeeze %dma_wait3A_914 : memref<1x1x128xi32, #tpu.memory_space<vmem>> -> memref<128xi32, #tpu.memory_space<vmem>>
      %dma_wait3A_916 = arith.constant 0 : i32
      %dma_wait3A_917 = arith.constant 0 : i32
      %dma_wait3A_918 = tpu.memref_slice %arg3[%dma_wait3A_916, %dma_wait3A_917] : memref<1000000x32xf32, #tpu.memory_space<hbm>> -> memref<1000000x32xf32, #tpu.memory_space<hbm>>
      tpu.wait_indirect_dma semaphore(%arg17 : memref<!tpu.dma_semaphore, #tpu.memory_space<semaphore_mem>>) src(%dma_wait3A_918 : memref<1000000x32xf32, #tpu.memory_space<hbm>>) dst(%arg7 : memref<128x32xf32, #tpu.memory_space<vmem>>)
      %add3A_919 = arith.constant 4 : i32
      %add3A_920 = arith.addi %add3A_872, %add3A_919 : i32
      %jit3A_921 = arith.constant 8 : i32
      %div3A_922 = arith.divsi %add3A_920, %jit3A_921 : i32
      %sign3A_923 = arith.constant 0 : i32
      %sign3A_924 = arith.cmpi sgt, %add3A_920, %sign3A_923 : i32
      %sign3A_925 = arith.extui %sign3A_924 : i1 to i32
      %sign3A_926 = arith.constant 0 : i32
      %sign3A_927 = arith.cmpi slt, %add3A_920, %sign3A_926 : i32
      %sign3A_928 = arith.extui %sign3A_927 : i1 to i32
      %sign3A_929 = arith.subi %sign3A_925, %sign3A_928 : i32
      %sign3A_930 = arith.constant 0 : i32
      %sign3A_931 = arith.cmpi sgt, %jit3A_921, %sign3A_930 : i32
      %sign3A_932 = arith.extui %sign3A_931 : i1 to i32
      %sign3A_933 = arith.constant 0 : i32
      %sign3A_934 = arith.cmpi slt, %jit3A_921, %sign3A_933 : i32
      %sign3A_935 = arith.extui %sign3A_934 : i1 to i32
      %sign3A_936 = arith.subi %sign3A_932, %sign3A_935 : i32
      %ne3A_937 = arith.cmpi ne, %sign3A_929, %sign3A_936 : i32
      %rem3A_938 = arith.remsi %add3A_920, %jit3A_921 : i32
      %ne3A_939 = arith.constant 0 : i32
      %ne3A_940 = arith.cmpi ne, %rem3A_938, %ne3A_939 : i32
      %and3A_941 = arith.andi %ne3A_937, %ne3A_940 : i1
      %sub3A_942 = arith.constant 1 : i32
      %sub3A_943 = arith.subi %div3A_922, %sub3A_942 : i32
      %select_n3A_944 = arith.select %and3A_941, %sub3A_943, %div3A_922 : i32
      %jit3A_945 = arith.constant 8 : i32
      %eq3A_946 = arith.constant 0 : i32
      %eq3A_947 = arith.cmpi eq, %jit3A_945, %eq3A_946 : i32
      %jit3A_948 = arith.constant 1 : i32
      %select_n3A_949 = arith.select %eq3A_947, %jit3A_948, %jit3A_945 : i32
      %rem3A_950 = arith.remsi %add3A_920, %select_n3A_949 : i32
      %ne3A_951 = arith.constant 0 : i32
      %ne3A_952 = arith.cmpi ne, %rem3A_950, %ne3A_951 : i32
      %lt3A_953 = arith.constant 0 : i32
      %lt3A_954 = arith.cmpi slt, %rem3A_950, %lt3A_953 : i32
      %lt3A_955 = arith.constant 0 : i32
      %lt3A_956 = arith.cmpi slt, %select_n3A_949, %lt3A_955 : i32
      %ne3A_957 = arith.xori %lt3A_954, %lt3A_956 : i1
      %and3A_958 = arith.andi %ne3A_957, %ne3A_952 : i1
      %add3A_959 = arith.addi %rem3A_950, %select_n3A_949 : i32
      %select_n3A_960 = arith.select %and3A_958, %add3A_959, %rem3A_950 : i32
      %dma_start3A_961 = arith.constant 0 : i32
      %dma_start3A_962 = tpu.memref_slice %arg5[%select_n3A_944, %select_n3A_960, %dma_start3A_961] : memref<25x8x128xi32, #tpu.memory_space<vmem>> -> memref<1x1x128xi32, #tpu.memory_space<vmem>>
      %dma_start3A_963 = tpu.memref_squeeze %dma_start3A_962 : memref<1x1x128xi32, #tpu.memory_space<vmem>> -> memref<128xi32, #tpu.memory_space<vmem>>
      %dma_start3A_964 = arith.constant 0 : i32
      %dma_start3A_965 = arith.constant 0 : i32
      %dma_start3A_966 = tpu.memref_slice %arg3[%dma_start3A_964, %dma_start3A_965] : memref<1000000x32xf32, #tpu.memory_space<hbm>> -> memref<1000000x32xf32, #tpu.memory_space<hbm>>
      tpu.enqueue_indirect_dma source(%dma_start3A_966 : memref<1000000x32xf32, #tpu.memory_space<hbm>>) target(%arg6 : memref<128x32xf32, #tpu.memory_space<vmem>>) offsets(%dma_start3A_963 : memref<128xi32, #tpu.memory_space<vmem>>) semaphore(%arg16 : memref<!tpu.dma_semaphore, #tpu.memory_space<semaphore_mem>>)
      %sub3A_967 = arith.constant 5 : i32
      %sub3A_968 = arith.subi %add3A_872, %sub3A_967 : i32
      %dma_wait3A_969 = arith.constant 0 : i32
      %dma_wait3A_970 = arith.constant 0 : i32
      %dma_wait3A_971 = arith.constant 0 : i32
      %dma_wait3A_972 = tpu.memref_slice %arg12[%dma_wait3A_969, %dma_wait3A_970, %dma_wait3A_971] : memref<4x8x131xf32, #tpu.memory_space<vmem>> -> memref<4x8x128xf32, #tpu.memory_space<vmem>>
      %dma_wait3A_973 = arith.constant 0 : i32
      %dma_wait3A_974 = arith.constant 0 : i32
      %dma_wait3A_975 = arith.constant 0 : i32
      %dma_wait3A_976 = tpu.memref_slice %arg4[%sub3A_968, %dma_wait3A_973, %add3A, %dma_wait3A_974, %dma_wait3A_975] : memref<200x4x32x8x128xf32, #tpu.memory_space<hbm>> -> memref<1x4x1x8x128xf32, #tpu.memory_space<hbm>>
      %dma_wait3A_977 = tpu.memref_squeeze %dma_wait3A_976 : memref<1x4x1x8x128xf32, #tpu.memory_space<hbm>> -> memref<4x8x128xf32, #tpu.memory_space<hbm>>
      %dma_wait3A_978 = arith.constant 0 : i32
      %dma_wait3A_979 = arith.constant 0 : i32
      %dma_wait3A_980 = arith.constant 0 : i32
      %dma_wait3A_981 = tpu.memref_slice %arg4[%sub3A_968, %dma_wait3A_978, %add3A, %dma_wait3A_979, %dma_wait3A_980] : memref<200x4x32x8x128xf32, #tpu.memory_space<hbm>> -> memref<1x4x1x8x128xf32, #tpu.memory_space<hbm>>
      %dma_wait3A_982 = tpu.memref_squeeze %dma_wait3A_981 : memref<1x4x1x8x128xf32, #tpu.memory_space<hbm>> -> memref<4x8x128xf32, #tpu.memory_space<hbm>>
      %dma_wait3A_983 = arith.constant 0 : i32
      %dma_wait3A_984 = arith.constant 0 : i32
      %dma_wait3A_985 = arith.constant 0 : i32
      %dma_wait3A_986 = tpu.memref_slice %arg12[%dma_wait3A_983, %dma_wait3A_984, %dma_wait3A_985] : memref<4x8x131xf32, #tpu.memory_space<vmem>> -> memref<4x8x128xf32, #tpu.memory_space<vmem>>
      tpu.wait_dma2 semaphore(%arg22 : memref<!tpu.dma_semaphore, #tpu.memory_space<semaphore_mem>>) src(%dma_wait3A_986 : memref<4x8x128xf32, #tpu.memory_space<vmem>>) dst(%dma_wait3A_982 : memref<4x8x128xf32, #tpu.memory_space<hbm>>)
      %scan3A_987 = arith.constant 0 : i32
      %scan3A_988 = arith.constant 0 : i32
      %scan3A_989 = arith.constant 128 : i32
      %scan3A_990 = arith.addi %scan3A_988, %scan3A_989 : i32
      %scan3A_991 = arith.constant 4 : i32
      scf.for %scan3A_1437 = %scan3A_988 to %scan3A_990 step %scan3A_991  : i32 {
        %broadcast_in_dim3A = arith.constant 0 : i32
        %broadcast_in_dim3A_1438 = vector.broadcast %broadcast_in_dim3A : i32 to vector<16xi32>
        %add3A_1439 = vector.broadcast %scan3A_1437 : i32 to vector<16xi32>
        %add3A_1440 = arith.addi %broadcast_in_dim3A_1438, %add3A_1439 : vector<16xi32>
        %get3A = arith.index_cast %scan3A_1437 : i32 to index
        %get3A_1441 = arith.constant 0 : index
        %get3A_1442 = tpu.vector_load %arg7[%get3A, %get3A_1441] {strides = array<i32>} : memref<128x32xf32, #tpu.memory_space<vmem>>, vector<16xf32>,
        %get3A_1443 = arith.index_cast %scan3A_1437 : i32 to index
        %get3A_1444 = arith.constant 16 : index
        %get3A_1445 = tpu.vector_load %arg7[%get3A_1443, %get3A_1444] {strides = array<i32>} : memref<128x32xf32, #tpu.memory_space<vmem>>, vector<16xf32>,
        tpu.vector_store_idx %arg12[%select_n3A, %select_n3A_61, %add3A_1440], %get3A_1442 : memref<4x8x131xf32, #tpu.memory_space<vmem>>[vector<16xi32>, vector<16xi32>, vector<16xi32>], vector<16xf32>,
        tpu.vector_store_idx %arg12[%select_n3A_95, %select_n3A_120, %add3A_1440], %get3A_1445 : memref<4x8x131xf32, #tpu.memory_space<vmem>>[vector<16xi32>, vector<16xi32>, vector<16xi32>], vector<16xf32>,
        %scan3A_1446 = arith.constant 1 : i32
        %scan3A_1447 = arith.addi %scan3A_1437, %scan3A_1446 : i32
        %broadcast_in_dim3A_1448 = arith.constant 0 : i32
        %broadcast_in_dim3A_1449 = vector.broadcast %broadcast_in_dim3A_1448 : i32 to vector<16xi32>
        %add3A_1450 = vector.broadcast %scan3A_1447 : i32 to vector<16xi32>
        %add3A_1451 = arith.addi %broadcast_in_dim3A_1449, %add3A_1450 : vector<16xi32>
        %get3A_1452 = arith.index_cast %scan3A_1447 : i32 to index
        %get3A_1453 = arith.constant 0 : index
        %get3A_1454 = tpu.vector_load %arg7[%get3A_1452, %get3A_1453] {strides = array<i32>} : memref<128x32xf32, #tpu.memory_space<vmem>>, vector<16xf32>,
        %get3A_1455 = arith.index_cast %scan3A_1447 : i32 to index
        %get3A_1456 = arith.constant 16 : index
        %get3A_1457 = tpu.vector_load %arg7[%get3A_1455, %get3A_1456] {strides = array<i32>} : memref<128x32xf32, #tpu.memory_space<vmem>>, vector<16xf32>,
        tpu.vector_store_idx %arg12[%select_n3A, %select_n3A_61, %add3A_1451], %get3A_1454 : memref<4x8x131xf32, #tpu.memory_space<vmem>>[vector<16xi32>, vector<16xi32>, vector<16xi32>], vector<16xf32>,
        tpu.vector_store_idx %arg12[%select_n3A_95, %select_n3A_120, %add3A_1451], %get3A_1457 : memref<4x8x131xf32, #tpu.memory_space<vmem>>[vector<16xi32>, vector<16xi32>, vector<16xi32>], vector<16xf32>,
        %scan3A_1458 = arith.constant 2 : i32
        %scan3A_1459 = arith.addi %scan3A_1437, %scan3A_1458 : i32
        %broadcast_in_dim3A_1460 = arith.constant 0 : i32
        %broadcast_in_dim3A_1461 = vector.broadcast %broadcast_in_dim3A_1460 : i32 to vector<16xi32>
        %add3A_1462 = vector.broadcast %scan3A_1459 : i32 to vector<16xi32>
        %add3A_1463 = arith.addi %broadcast_in_dim3A_1461, %add3A_1462 : vector<16xi32>
        %get3A_1464 = arith.index_cast %scan3A_1459 : i32 to index
        %get3A_1465 = arith.constant 0 : index
        %get3A_1466 = tpu.vector_load %arg7[%get3A_1464, %get3A_1465] {strides = array<i32>} : memref<128x32xf32, #tpu.memory_space<vmem>>, vector<16xf32>,
        %get3A_1467 = arith.index_cast %scan3A_1459 : i32 to index
        %get3A_1468 = arith.constant 16 : index
        %get3A_1469 = tpu.vector_load %arg7[%get3A_1467, %get3A_1468] {strides = array<i32>} : memref<128x32xf32, #tpu.memory_space<vmem>>, vector<16xf32>,
        tpu.vector_store_idx %arg12[%select_n3A, %select_n3A_61, %add3A_1463], %get3A_1466 : memref<4x8x131xf32, #tpu.memory_space<vmem>>[vector<16xi32>, vector<16xi32>, vector<16xi32>], vector<16xf32>,
        tpu.vector_store_idx %arg12[%select_n3A_95, %select_n3A_120, %add3A_1463], %get3A_1469 : memref<4x8x131xf32, #tpu.memory_space<vmem>>[vector<16xi32>, vector<16xi32>, vector<16xi32>], vector<16xf32>,
        %scan3A_1470 = arith.constant 3 : i32
        %scan3A_1471 = arith.addi %scan3A_1437, %scan3A_1470 : i32
        %broadcast_in_dim3A_1472 = arith.constant 0 : i32
        %broadcast_in_dim3A_1473 = vector.broadcast %broadcast_in_dim3A_1472 : i32 to vector<16xi32>
        %add3A_1474 = vector.broadcast %scan3A_1471 : i32 to vector<16xi32>
        %add3A_1475 = arith.addi %broadcast_in_dim3A_1473, %add3A_1474 : vector<16xi32>
        %get3A_1476 = arith.index_cast %scan3A_1471 : i32 to index
        %get3A_1477 = arith.constant 0 : index
        %get3A_1478 = tpu.vector_load %arg7[%get3A_1476, %get3A_1477] {strides = array<i32>} : memref<128x32xf32, #tpu.memory_space<vmem>>, vector<16xf32>,
        %get3A_1479 = arith.index_cast %scan3A_1471 : i32 to index
        %get3A_1480 = arith.constant 16 : index
        %get3A_1481 = tpu.vector_load %arg7[%get3A_1479, %get3A_1480] {strides = array<i32>} : memref<128x32xf32, #tpu.memory_space<vmem>>, vector<16xf32>,
        tpu.vector_store_idx %arg12[%select_n3A, %select_n3A_61, %add3A_1475], %get3A_1478 : memref<4x8x131xf32, #tpu.memory_space<vmem>>[vector<16xi32>, vector<16xi32>, vector<16xi32>], vector<16xf32>,
        tpu.vector_store_idx %arg12[%select_n3A_95, %select_n3A_120, %add3A_1475], %get3A_1481 : memref<4x8x131xf32, #tpu.memory_space<vmem>>[vector<16xi32>, vector<16xi32>, vector<16xi32>], vector<16xf32>,
      }
      %scan3A_992 = arith.constant 128 : i32
      %dma_start3A_993 = arith.constant 0 : i32
      %dma_start3A_994 = arith.constant 0 : i32
      %dma_start3A_995 = arith.constant 0 : i32
      %dma_start3A_996 = tpu.memref_slice %arg12[%dma_start3A_993, %dma_start3A_994, %dma_start3A_995] : memref<4x8x131xf32, #tpu.memory_space<vmem>> -> memref<4x8x128xf32, #tpu.memory_space<vmem>>
      %dma_start3A_997 = arith.constant 0 : i32
      %dma_start3A_998 = arith.constant 0 : i32
      %dma_start3A_999 = arith.constant 0 : i32
      %dma_start3A_1000 = tpu.memref_slice %arg4[%add3A_872, %dma_start3A_997, %add3A, %dma_start3A_998, %dma_start3A_999] : memref<200x4x32x8x128xf32, #tpu.memory_space<hbm>> -> memref<1x4x1x8x128xf32, #tpu.memory_space<hbm>>
      %dma_start3A_1001 = tpu.memref_squeeze %dma_start3A_1000 : memref<1x4x1x8x128xf32, #tpu.memory_space<hbm>> -> memref<4x8x128xf32, #tpu.memory_space<hbm>>
      %dma_start3A_1002 = arith.constant 0 : i32
      %dma_start3A_1003 = arith.constant 0 : i32
      %dma_start3A_1004 = arith.constant 0 : i32
      %dma_start3A_1005 = tpu.memref_slice %arg4[%add3A_872, %dma_start3A_1002, %add3A, %dma_start3A_1003, %dma_start3A_1004] : memref<200x4x32x8x128xf32, #tpu.memory_space<hbm>> -> memref<1x4x1x8x128xf32, #tpu.memory_space<hbm>>
      %dma_start3A_1006 = tpu.memref_squeeze %dma_start3A_1005 : memref<1x4x1x8x128xf32, #tpu.memory_space<hbm>> -> memref<4x8x128xf32, #tpu.memory_space<hbm>>
      %dma_start3A_1007 = arith.constant 0 : i32
      %dma_start3A_1008 = arith.constant 0 : i32
      %dma_start3A_1009 = arith.constant 0 : i32
      %dma_start3A_1010 = tpu.memref_slice %arg12[%dma_start3A_1007, %dma_start3A_1008, %dma_start3A_1009] : memref<4x8x131xf32, #tpu.memory_space<vmem>> -> memref<4x8x128xf32, #tpu.memory_space<vmem>>
      tpu.enqueue_dma source(%dma_start3A_1010 : memref<4x8x128xf32, #tpu.memory_space<vmem>>) target(%dma_start3A_1006 : memref<4x8x128xf32, #tpu.memory_space<hbm>>) target_semaphore(%arg22 : memref<!tpu.dma_semaphore, #tpu.memory_space<semaphore_mem>>)
      %mul3A_1011 = arith.constant 5 : i32
      %mul3A_1012 = arith.muli %scan3A_726, %mul3A_1011 : i32
      %add3A_1013 = arith.constant 2 : i32
      %add3A_1014 = arith.addi %mul3A_1012, %add3A_1013 : i32
      %jit3A_1015 = arith.constant 8 : i32
      %div3A_1016 = arith.divsi %add3A_1014, %jit3A_1015 : i32
      %sign3A_1017 = arith.constant 0 : i32
      %sign3A_1018 = arith.cmpi sgt, %add3A_1014, %sign3A_1017 : i32
      %sign3A_1019 = arith.extui %sign3A_1018 : i1 to i32
      %sign3A_1020 = arith.constant 0 : i32
      %sign3A_1021 = arith.cmpi slt, %add3A_1014, %sign3A_1020 : i32
      %sign3A_1022 = arith.extui %sign3A_1021 : i1 to i32
      %sign3A_1023 = arith.subi %sign3A_1019, %sign3A_1022 : i32
      %sign3A_1024 = arith.constant 0 : i32
      %sign3A_1025 = arith.cmpi sgt, %jit3A_1015, %sign3A_1024 : i32
      %sign3A_1026 = arith.extui %sign3A_1025 : i1 to i32
      %sign3A_1027 = arith.constant 0 : i32
      %sign3A_1028 = arith.cmpi slt, %jit3A_1015, %sign3A_1027 : i32
      %sign3A_1029 = arith.extui %sign3A_1028 : i1 to i32
      %sign3A_1030 = arith.subi %sign3A_1026, %sign3A_1029 : i32
      %ne3A_1031 = arith.cmpi ne, %sign3A_1023, %sign3A_1030 : i32
      %rem3A_1032 = arith.remsi %add3A_1014, %jit3A_1015 : i32
      %ne3A_1033 = arith.constant 0 : i32
      %ne3A_1034 = arith.cmpi ne, %rem3A_1032, %ne3A_1033 : i32
      %and3A_1035 = arith.andi %ne3A_1031, %ne3A_1034 : i1
      %sub3A_1036 = arith.constant 1 : i32
      %sub3A_1037 = arith.subi %div3A_1016, %sub3A_1036 : i32
      %select_n3A_1038 = arith.select %and3A_1035, %sub3A_1037, %div3A_1016 : i32
      %jit3A_1039 = arith.constant 8 : i32
      %eq3A_1040 = arith.constant 0 : i32
      %eq3A_1041 = arith.cmpi eq, %jit3A_1039, %eq3A_1040 : i32
      %jit3A_1042 = arith.constant 1 : i32
      %select_n3A_1043 = arith.select %eq3A_1041, %jit3A_1042, %jit3A_1039 : i32
      %rem3A_1044 = arith.remsi %add3A_1014, %select_n3A_1043 : i32
      %ne3A_1045 = arith.constant 0 : i32
      %ne3A_1046 = arith.cmpi ne, %rem3A_1044, %ne3A_1045 : i32
      %lt3A_1047 = arith.constant 0 : i32
      %lt3A_1048 = arith.cmpi slt, %rem3A_1044, %lt3A_1047 : i32
      %lt3A_1049 = arith.constant 0 : i32
      %lt3A_1050 = arith.cmpi slt, %select_n3A_1043, %lt3A_1049 : i32
      %ne3A_1051 = arith.xori %lt3A_1048, %lt3A_1050 : i1
      %and3A_1052 = arith.andi %ne3A_1051, %ne3A_1046 : i1
      %add3A_1053 = arith.addi %rem3A_1044, %select_n3A_1043 : i32
      %select_n3A_1054 = arith.select %and3A_1052, %add3A_1053, %rem3A_1044 : i32
      %dma_wait3A_1055 = arith.constant 0 : i32
      %dma_wait3A_1056 = tpu.memref_slice %arg5[%select_n3A_1038, %select_n3A_1054, %dma_wait3A_1055] : memref<25x8x128xi32, #tpu.memory_space<vmem>> -> memref<1x1x128xi32, #tpu.memory_space<vmem>>
      %dma_wait3A_1057 = tpu.memref_squeeze %dma_wait3A_1056 : memref<1x1x128xi32, #tpu.memory_space<vmem>> -> memref<128xi32, #tpu.memory_space<vmem>>
      %dma_wait3A_1058 = arith.constant 0 : i32
      %dma_wait3A_1059 = arith.constant 0 : i32
      %dma_wait3A_1060 = tpu.memref_slice %arg3[%dma_wait3A_1058, %dma_wait3A_1059] : memref<1000000x32xf32, #tpu.memory_space<hbm>> -> memref<1000000x32xf32, #tpu.memory_space<hbm>>
      tpu.wait_indirect_dma semaphore(%arg18 : memref<!tpu.dma_semaphore, #tpu.memory_space<semaphore_mem>>) src(%dma_wait3A_1060 : memref<1000000x32xf32, #tpu.memory_space<hbm>>) dst(%arg8 : memref<128x32xf32, #tpu.memory_space<vmem>>)
      %add3A_1061 = arith.constant 4 : i32
      %add3A_1062 = arith.addi %add3A_1014, %add3A_1061 : i32
      %jit3A_1063 = arith.constant 8 : i32
      %div3A_1064 = arith.divsi %add3A_1062, %jit3A_1063 : i32
      %sign3A_1065 = arith.constant 0 : i32
      %sign3A_1066 = arith.cmpi sgt, %add3A_1062, %sign3A_1065 : i32
      %sign3A_1067 = arith.extui %sign3A_1066 : i1 to i32
      %sign3A_1068 = arith.constant 0 : i32
      %sign3A_1069 = arith.cmpi slt, %add3A_1062, %sign3A_1068 : i32
      %sign3A_1070 = arith.extui %sign3A_1069 : i1 to i32
      %sign3A_1071 = arith.subi %sign3A_1067, %sign3A_1070 : i32
      %sign3A_1072 = arith.constant 0 : i32
      %sign3A_1073 = arith.cmpi sgt, %jit3A_1063, %sign3A_1072 : i32
      %sign3A_1074 = arith.extui %sign3A_1073 : i1 to i32
      %sign3A_1075 = arith.constant 0 : i32
      %sign3A_1076 = arith.cmpi slt, %jit3A_1063, %sign3A_1075 : i32
      %sign3A_1077 = arith.extui %sign3A_1076 : i1 to i32
      %sign3A_1078 = arith.subi %sign3A_1074, %sign3A_1077 : i32
      %ne3A_1079 = arith.cmpi ne, %sign3A_1071, %sign3A_1078 : i32
      %rem3A_1080 = arith.remsi %add3A_1062, %jit3A_1063 : i32
      %ne3A_1081 = arith.constant 0 : i32
      %ne3A_1082 = arith.cmpi ne, %rem3A_1080, %ne3A_1081 : i32
      %and3A_1083 = arith.andi %ne3A_1079, %ne3A_1082 : i1
      %sub3A_1084 = arith.constant 1 : i32
      %sub3A_1085 = arith.subi %div3A_1064, %sub3A_1084 : i32
      %select_n3A_1086 = arith.select %and3A_1083, %sub3A_1085, %div3A_1064 : i32
      %jit3A_1087 = arith.constant 8 : i32
      %eq3A_1088 = arith.constant 0 : i32
      %eq3A_1089 = arith.cmpi eq, %jit3A_1087, %eq3A_1088 : i32
      %jit3A_1090 = arith.constant 1 : i32
      %select_n3A_1091 = arith.select %eq3A_1089, %jit3A_1090, %jit3A_1087 : i32
      %rem3A_1092 = arith.remsi %add3A_1062, %select_n3A_1091 : i32
      %ne3A_1093 = arith.constant 0 : i32
      %ne3A_1094 = arith.cmpi ne, %rem3A_1092, %ne3A_1093 : i32
      %lt3A_1095 = arith.constant 0 : i32
      %lt3A_1096 = arith.cmpi slt, %rem3A_1092, %lt3A_1095 : i32
      %lt3A_1097 = arith.constant 0 : i32
      %lt3A_1098 = arith.cmpi slt, %select_n3A_1091, %lt3A_1097 : i32
      %ne3A_1099 = arith.xori %lt3A_1096, %lt3A_1098 : i1
      %and3A_1100 = arith.andi %ne3A_1099, %ne3A_1094 : i1
      %add3A_1101 = arith.addi %rem3A_1092, %select_n3A_1091 : i32
      %select_n3A_1102 = arith.select %and3A_1100, %add3A_1101, %rem3A_1092 : i32
      %dma_start3A_1103 = arith.constant 0 : i32
      %dma_start3A_1104 = tpu.memref_slice %arg5[%select_n3A_1086, %select_n3A_1102, %dma_start3A_1103] : memref<25x8x128xi32, #tpu.memory_space<vmem>> -> memref<1x1x128xi32, #tpu.memory_space<vmem>>
      %dma_start3A_1105 = tpu.memref_squeeze %dma_start3A_1104 : memref<1x1x128xi32, #tpu.memory_space<vmem>> -> memref<128xi32, #tpu.memory_space<vmem>>
      %dma_start3A_1106 = arith.constant 0 : i32
      %dma_start3A_1107 = arith.constant 0 : i32
      %dma_start3A_1108 = tpu.memref_slice %arg3[%dma_start3A_1106, %dma_start3A_1107] : memref<1000000x32xf32, #tpu.memory_space<hbm>> -> memref<1000000x32xf32, #tpu.memory_space<hbm>>
      tpu.enqueue_indirect_dma source(%dma_start3A_1108 : memref<1000000x32xf32, #tpu.memory_space<hbm>>) target(%arg7 : memref<128x32xf32, #tpu.memory_space<vmem>>) offsets(%dma_start3A_1105 : memref<128xi32, #tpu.memory_space<vmem>>) semaphore(%arg17 : memref<!tpu.dma_semaphore, #tpu.memory_space<semaphore_mem>>)
      %sub3A_1109 = arith.constant 5 : i32
      %sub3A_1110 = arith.subi %add3A_1014, %sub3A_1109 : i32
      %dma_wait3A_1111 = arith.constant 0 : i32
      %dma_wait3A_1112 = arith.constant 0 : i32
      %dma_wait3A_1113 = arith.constant 0 : i32
      %dma_wait3A_1114 = tpu.memref_slice %arg13[%dma_wait3A_1111, %dma_wait3A_1112, %dma_wait3A_1113] : memref<4x8x131xf32, #tpu.memory_space<vmem>> -> memref<4x8x128xf32, #tpu.memory_space<vmem>>
      %dma_wait3A_1115 = arith.constant 0 : i32
      %dma_wait3A_1116 = arith.constant 0 : i32
      %dma_wait3A_1117 = arith.constant 0 : i32
      %dma_wait3A_1118 = tpu.memref_slice %arg4[%sub3A_1110, %dma_wait3A_1115, %add3A, %dma_wait3A_1116, %dma_wait3A_1117] : memref<200x4x32x8x128xf32, #tpu.memory_space<hbm>> -> memref<1x4x1x8x128xf32, #tpu.memory_space<hbm>>
      %dma_wait3A_1119 = tpu.memref_squeeze %dma_wait3A_1118 : memref<1x4x1x8x128xf32, #tpu.memory_space<hbm>> -> memref<4x8x128xf32, #tpu.memory_space<hbm>>
      %dma_wait3A_1120 = arith.constant 0 : i32
      %dma_wait3A_1121 = arith.constant 0 : i32
      %dma_wait3A_1122 = arith.constant 0 : i32
      %dma_wait3A_1123 = tpu.memref_slice %arg4[%sub3A_1110, %dma_wait3A_1120, %add3A, %dma_wait3A_1121, %dma_wait3A_1122] : memref<200x4x32x8x128xf32, #tpu.memory_space<hbm>> -> memref<1x4x1x8x128xf32, #tpu.memory_space<hbm>>
      %dma_wait3A_1124 = tpu.memref_squeeze %dma_wait3A_1123 : memref<1x4x1x8x128xf32, #tpu.memory_space<hbm>> -> memref<4x8x128xf32, #tpu.memory_space<hbm>>
      %dma_wait3A_1125 = arith.constant 0 : i32
      %dma_wait3A_1126 = arith.constant 0 : i32
      %dma_wait3A_1127 = arith.constant 0 : i32
      %dma_wait3A_1128 = tpu.memref_slice %arg13[%dma_wait3A_1125, %dma_wait3A_1126, %dma_wait3A_1127] : memref<4x8x131xf32, #tpu.memory_space<vmem>> -> memref<4x8x128xf32, #tpu.memory_space<vmem>>
      tpu.wait_dma2 semaphore(%arg23 : memref<!tpu.dma_semaphore, #tpu.memory_space<semaphore_mem>>) src(%dma_wait3A_1128 : memref<4x8x128xf32, #tpu.memory_space<vmem>>) dst(%dma_wait3A_1124 : memref<4x8x128xf32, #tpu.memory_space<hbm>>)
      %scan3A_1129 = arith.constant 0 : i32
      %scan3A_1130 = arith.constant 0 : i32
      %scan3A_1131 = arith.constant 128 : i32
      %scan3A_1132 = arith.addi %scan3A_1130, %scan3A_1131 : i32
      %scan3A_1133 = arith.constant 4 : i32
      scf.for %scan3A_1437 = %scan3A_1130 to %scan3A_1132 step %scan3A_1133  : i32 {
        %broadcast_in_dim3A = arith.constant 0 : i32
        %broadcast_in_dim3A_1438 = vector.broadcast %broadcast_in_dim3A : i32 to vector<16xi32>
        %add3A_1439 = vector.broadcast %scan3A_1437 : i32 to vector<16xi32>
        %add3A_1440 = arith.addi %broadcast_in_dim3A_1438, %add3A_1439 : vector<16xi32>
        %get3A = arith.index_cast %scan3A_1437 : i32 to index
        %get3A_1441 = arith.constant 0 : index
        %get3A_1442 = tpu.vector_load %arg8[%get3A, %get3A_1441] {strides = array<i32>} : memref<128x32xf32, #tpu.memory_space<vmem>>, vector<16xf32>,
        %get3A_1443 = arith.index_cast %scan3A_1437 : i32 to index
        %get3A_1444 = arith.constant 16 : index
        %get3A_1445 = tpu.vector_load %arg8[%get3A_1443, %get3A_1444] {strides = array<i32>} : memref<128x32xf32, #tpu.memory_space<vmem>>, vector<16xf32>,
        tpu.vector_store_idx %arg13[%select_n3A, %select_n3A_61, %add3A_1440], %get3A_1442 : memref<4x8x131xf32, #tpu.memory_space<vmem>>[vector<16xi32>, vector<16xi32>, vector<16xi32>], vector<16xf32>,
        tpu.vector_store_idx %arg13[%select_n3A_95, %select_n3A_120, %add3A_1440], %get3A_1445 : memref<4x8x131xf32, #tpu.memory_space<vmem>>[vector<16xi32>, vector<16xi32>, vector<16xi32>], vector<16xf32>,
        %scan3A_1446 = arith.constant 1 : i32
        %scan3A_1447 = arith.addi %scan3A_1437, %scan3A_1446 : i32
        %broadcast_in_dim3A_1448 = arith.constant 0 : i32
        %broadcast_in_dim3A_1449 = vector.broadcast %broadcast_in_dim3A_1448 : i32 to vector<16xi32>
        %add3A_1450 = vector.broadcast %scan3A_1447 : i32 to vector<16xi32>
        %add3A_1451 = arith.addi %broadcast_in_dim3A_1449, %add3A_1450 : vector<16xi32>
        %get3A_1452 = arith.index_cast %scan3A_1447 : i32 to index
        %get3A_1453 = arith.constant 0 : index
        %get3A_1454 = tpu.vector_load %arg8[%get3A_1452, %get3A_1453] {strides = array<i32>} : memref<128x32xf32, #tpu.memory_space<vmem>>, vector<16xf32>,
        %get3A_1455 = arith.index_cast %scan3A_1447 : i32 to index
        %get3A_1456 = arith.constant 16 : index
        %get3A_1457 = tpu.vector_load %arg8[%get3A_1455, %get3A_1456] {strides = array<i32>} : memref<128x32xf32, #tpu.memory_space<vmem>>, vector<16xf32>,
        tpu.vector_store_idx %arg13[%select_n3A, %select_n3A_61, %add3A_1451], %get3A_1454 : memref<4x8x131xf32, #tpu.memory_space<vmem>>[vector<16xi32>, vector<16xi32>, vector<16xi32>], vector<16xf32>,
        tpu.vector_store_idx %arg13[%select_n3A_95, %select_n3A_120, %add3A_1451], %get3A_1457 : memref<4x8x131xf32, #tpu.memory_space<vmem>>[vector<16xi32>, vector<16xi32>, vector<16xi32>], vector<16xf32>,
        %scan3A_1458 = arith.constant 2 : i32
        %scan3A_1459 = arith.addi %scan3A_1437, %scan3A_1458 : i32
        %broadcast_in_dim3A_1460 = arith.constant 0 : i32
        %broadcast_in_dim3A_1461 = vector.broadcast %broadcast_in_dim3A_1460 : i32 to vector<16xi32>
        %add3A_1462 = vector.broadcast %scan3A_1459 : i32 to vector<16xi32>
        %add3A_1463 = arith.addi %broadcast_in_dim3A_1461, %add3A_1462 : vector<16xi32>
        %get3A_1464 = arith.index_cast %scan3A_1459 : i32 to index
        %get3A_1465 = arith.constant 0 : index
        %get3A_1466 = tpu.vector_load %arg8[%get3A_1464, %get3A_1465] {strides = array<i32>} : memref<128x32xf32, #tpu.memory_space<vmem>>, vector<16xf32>,
        %get3A_1467 = arith.index_cast %scan3A_1459 : i32 to index
        %get3A_1468 = arith.constant 16 : index
        %get3A_1469 = tpu.vector_load %arg8[%get3A_1467, %get3A_1468] {strides = array<i32>} : memref<128x32xf32, #tpu.memory_space<vmem>>, vector<16xf32>,
        tpu.vector_store_idx %arg13[%select_n3A, %select_n3A_61, %add3A_1463], %get3A_1466 : memref<4x8x131xf32, #tpu.memory_space<vmem>>[vector<16xi32>, vector<16xi32>, vector<16xi32>], vector<16xf32>,
        tpu.vector_store_idx %arg13[%select_n3A_95, %select_n3A_120, %add3A_1463], %get3A_1469 : memref<4x8x131xf32, #tpu.memory_space<vmem>>[vector<16xi32>, vector<16xi32>, vector<16xi32>], vector<16xf32>,
        %scan3A_1470 = arith.constant 3 : i32
        %scan3A_1471 = arith.addi %scan3A_1437, %scan3A_1470 : i32
        %broadcast_in_dim3A_1472 = arith.constant 0 : i32
        %broadcast_in_dim3A_1473 = vector.broadcast %broadcast_in_dim3A_1472 : i32 to vector<16xi32>
        %add3A_1474 = vector.broadcast %scan3A_1471 : i32 to vector<16xi32>
        %add3A_1475 = arith.addi %broadcast_in_dim3A_1473, %add3A_1474 : vector<16xi32>
        %get3A_1476 = arith.index_cast %scan3A_1471 : i32 to index
        %get3A_1477 = arith.constant 0 : index
        %get3A_1478 = tpu.vector_load %arg8[%get3A_1476, %get3A_1477] {strides = array<i32>} : memref<128x32xf32, #tpu.memory_space<vmem>>, vector<16xf32>,
        %get3A_1479 = arith.index_cast %scan3A_1471 : i32 to index
        %get3A_1480 = arith.constant 16 : index
        %get3A_1481 = tpu.vector_load %arg8[%get3A_1479, %get3A_1480] {strides = array<i32>} : memref<128x32xf32, #tpu.memory_space<vmem>>, vector<16xf32>,
        tpu.vector_store_idx %arg13[%select_n3A, %select_n3A_61, %add3A_1475], %get3A_1478 : memref<4x8x131xf32, #tpu.memory_space<vmem>>[vector<16xi32>, vector<16xi32>, vector<16xi32>], vector<16xf32>,
        tpu.vector_store_idx %arg13[%select_n3A_95, %select_n3A_120, %add3A_1475], %get3A_1481 : memref<4x8x131xf32, #tpu.memory_space<vmem>>[vector<16xi32>, vector<16xi32>, vector<16xi32>], vector<16xf32>,
      }
      %scan3A_1134 = arith.constant 128 : i32
      %dma_start3A_1135 = arith.constant 0 : i32
      %dma_start3A_1136 = arith.constant 0 : i32
      %dma_start3A_1137 = arith.constant 0 : i32
      %dma_start3A_1138 = tpu.memref_slice %arg13[%dma_start3A_1135, %dma_start3A_1136, %dma_start3A_1137] : memref<4x8x131xf32, #tpu.memory_space<vmem>> -> memref<4x8x128xf32, #tpu.memory_space<vmem>>
      %dma_start3A_1139 = arith.constant 0 : i32
      %dma_start3A_1140 = arith.constant 0 : i32
      %dma_start3A_1141 = arith.constant 0 : i32
      %dma_start3A_1142 = tpu.memref_slice %arg4[%add3A_1014, %dma_start3A_1139, %add3A, %dma_start3A_1140, %dma_start3A_1141] : memref<200x4x32x8x128xf32, #tpu.memory_space<hbm>> -> memref<1x4x1x8x128xf32, #tpu.memory_space<hbm>>
      %dma_start3A_1143 = tpu.memref_squeeze %dma_start3A_1142 : memref<1x4x1x8x128xf32, #tpu.memory_space<hbm>> -> memref<4x8x128xf32, #tpu.memory_space<hbm>>
      %dma_start3A_1144 = arith.constant 0 : i32
      %dma_start3A_1145 = arith.constant 0 : i32
      %dma_start3A_1146 = arith.constant 0 : i32
      %dma_start3A_1147 = tpu.memref_slice %arg4[%add3A_1014, %dma_start3A_1144, %add3A, %dma_start3A_1145, %dma_start3A_1146] : memref<200x4x32x8x128xf32, #tpu.memory_space<hbm>> -> memref<1x4x1x8x128xf32, #tpu.memory_space<hbm>>
      %dma_start3A_1148 = tpu.memref_squeeze %dma_start3A_1147 : memref<1x4x1x8x128xf32, #tpu.memory_space<hbm>> -> memref<4x8x128xf32, #tpu.memory_space<hbm>>
      %dma_start3A_1149 = arith.constant 0 : i32
      %dma_start3A_1150 = arith.constant 0 : i32
      %dma_start3A_1151 = arith.constant 0 : i32
      %dma_start3A_1152 = tpu.memref_slice %arg13[%dma_start3A_1149, %dma_start3A_1150, %dma_start3A_1151] : memref<4x8x131xf32, #tpu.memory_space<vmem>> -> memref<4x8x128xf32, #tpu.memory_space<vmem>>
      tpu.enqueue_dma source(%dma_start3A_1152 : memref<4x8x128xf32, #tpu.memory_space<vmem>>) target(%dma_start3A_1148 : memref<4x8x128xf32, #tpu.memory_space<hbm>>) target_semaphore(%arg23 : memref<!tpu.dma_semaphore, #tpu.memory_space<semaphore_mem>>)
      %mul3A_1153 = arith.constant 5 : i32
      %mul3A_1154 = arith.muli %scan3A_726, %mul3A_1153 : i32
      %add3A_1155 = arith.constant 3 : i32
      %add3A_1156 = arith.addi %mul3A_1154, %add3A_1155 : i32
      %jit3A_1157 = arith.constant 8 : i32
      %div3A_1158 = arith.divsi %add3A_1156, %jit3A_1157 : i32
      %sign3A_1159 = arith.constant 0 : i32
      %sign3A_1160 = arith.cmpi sgt, %add3A_1156, %sign3A_1159 : i32
      %sign3A_1161 = arith.extui %sign3A_1160 : i1 to i32
      %sign3A_1162 = arith.constant 0 : i32
      %sign3A_1163 = arith.cmpi slt, %add3A_1156, %sign3A_1162 : i32
      %sign3A_1164 = arith.extui %sign3A_1163 : i1 to i32
      %sign3A_1165 = arith.subi %sign3A_1161, %sign3A_1164 : i32
      %sign3A_1166 = arith.constant 0 : i32
      %sign3A_1167 = arith.cmpi sgt, %jit3A_1157, %sign3A_1166 : i32
      %sign3A_1168 = arith.extui %sign3A_1167 : i1 to i32
      %sign3A_1169 = arith.constant 0 : i32
      %sign3A_1170 = arith.cmpi slt, %jit3A_1157, %sign3A_1169 : i32
      %sign3A_1171 = arith.extui %sign3A_1170 : i1 to i32
      %sign3A_1172 = arith.subi %sign3A_1168, %sign3A_1171 : i32
      %ne3A_1173 = arith.cmpi ne, %sign3A_1165, %sign3A_1172 : i32
      %rem3A_1174 = arith.remsi %add3A_1156, %jit3A_1157 : i32
      %ne3A_1175 = arith.constant 0 : i32
      %ne3A_1176 = arith.cmpi ne, %rem3A_1174, %ne3A_1175 : i32
      %and3A_1177 = arith.andi %ne3A_1173, %ne3A_1176 : i1
      %sub3A_1178 = arith.constant 1 : i32
      %sub3A_1179 = arith.subi %div3A_1158, %sub3A_1178 : i32
      %select_n3A_1180 = arith.select %and3A_1177, %sub3A_1179, %div3A_1158 : i32
      %jit3A_1181 = arith.constant 8 : i32
      %eq3A_1182 = arith.constant 0 : i32
      %eq3A_1183 = arith.cmpi eq, %jit3A_1181, %eq3A_1182 : i32
      %jit3A_1184 = arith.constant 1 : i32
      %select_n3A_1185 = arith.select %eq3A_1183, %jit3A_1184, %jit3A_1181 : i32
      %rem3A_1186 = arith.remsi %add3A_1156, %select_n3A_1185 : i32
      %ne3A_1187 = arith.constant 0 : i32
      %ne3A_1188 = arith.cmpi ne, %rem3A_1186, %ne3A_1187 : i32
      %lt3A_1189 = arith.constant 0 : i32
      %lt3A_1190 = arith.cmpi slt, %rem3A_1186, %lt3A_1189 : i32
      %lt3A_1191 = arith.constant 0 : i32
      %lt3A_1192 = arith.cmpi slt, %select_n3A_1185, %lt3A_1191 : i32
      %ne3A_1193 = arith.xori %lt3A_1190, %lt3A_1192 : i1
      %and3A_1194 = arith.andi %ne3A_1193, %ne3A_1188 : i1
      %add3A_1195 = arith.addi %rem3A_1186, %select_n3A_1185 : i32
      %select_n3A_1196 = arith.select %and3A_1194, %add3A_1195, %rem3A_1186 : i32
      %dma_wait3A_1197 = arith.constant 0 : i32
      %dma_wait3A_1198 = tpu.memref_slice %arg5[%select_n3A_1180, %select_n3A_1196, %dma_wait3A_1197] : memref<25x8x128xi32, #tpu.memory_space<vmem>> -> memref<1x1x128xi32, #tpu.memory_space<vmem>>
      %dma_wait3A_1199 = tpu.memref_squeeze %dma_wait3A_1198 : memref<1x1x128xi32, #tpu.memory_space<vmem>> -> memref<128xi32, #tpu.memory_space<vmem>>
      %dma_wait3A_1200 = arith.constant 0 : i32
      %dma_wait3A_1201 = arith.constant 0 : i32
      %dma_wait3A_1202 = tpu.memref_slice %arg3[%dma_wait3A_1200, %dma_wait3A_1201] : memref<1000000x32xf32, #tpu.memory_space<hbm>> -> memref<1000000x32xf32, #tpu.memory_space<hbm>>
      tpu.wait_indirect_dma semaphore(%arg19 : memref<!tpu.dma_semaphore, #tpu.memory_space<semaphore_mem>>) src(%dma_wait3A_1202 : memref<1000000x32xf32, #tpu.memory_space<hbm>>) dst(%arg9 : memref<128x32xf32, #tpu.memory_space<vmem>>)
      %add3A_1203 = arith.constant 4 : i32
      %add3A_1204 = arith.addi %add3A_1156, %add3A_1203 : i32
      %jit3A_1205 = arith.constant 8 : i32
      %div3A_1206 = arith.divsi %add3A_1204, %jit3A_1205 : i32
      %sign3A_1207 = arith.constant 0 : i32
      %sign3A_1208 = arith.cmpi sgt, %add3A_1204, %sign3A_1207 : i32
      %sign3A_1209 = arith.extui %sign3A_1208 : i1 to i32
      %sign3A_1210 = arith.constant 0 : i32
      %sign3A_1211 = arith.cmpi slt, %add3A_1204, %sign3A_1210 : i32
      %sign3A_1212 = arith.extui %sign3A_1211 : i1 to i32
      %sign3A_1213 = arith.subi %sign3A_1209, %sign3A_1212 : i32
      %sign3A_1214 = arith.constant 0 : i32
      %sign3A_1215 = arith.cmpi sgt, %jit3A_1205, %sign3A_1214 : i32
      %sign3A_1216 = arith.extui %sign3A_1215 : i1 to i32
      %sign3A_1217 = arith.constant 0 : i32
      %sign3A_1218 = arith.cmpi slt, %jit3A_1205, %sign3A_1217 : i32
      %sign3A_1219 = arith.extui %sign3A_1218 : i1 to i32
      %sign3A_1220 = arith.subi %sign3A_1216, %sign3A_1219 : i32
      %ne3A_1221 = arith.cmpi ne, %sign3A_1213, %sign3A_1220 : i32
      %rem3A_1222 = arith.remsi %add3A_1204, %jit3A_1205 : i32
      %ne3A_1223 = arith.constant 0 : i32
      %ne3A_1224 = arith.cmpi ne, %rem3A_1222, %ne3A_1223 : i32
      %and3A_1225 = arith.andi %ne3A_1221, %ne3A_1224 : i1
      %sub3A_1226 = arith.constant 1 : i32
      %sub3A_1227 = arith.subi %div3A_1206, %sub3A_1226 : i32
      %select_n3A_1228 = arith.select %and3A_1225, %sub3A_1227, %div3A_1206 : i32
      %jit3A_1229 = arith.constant 8 : i32
      %eq3A_1230 = arith.constant 0 : i32
      %eq3A_1231 = arith.cmpi eq, %jit3A_1229, %eq3A_1230 : i32
      %jit3A_1232 = arith.constant 1 : i32
      %select_n3A_1233 = arith.select %eq3A_1231, %jit3A_1232, %jit3A_1229 : i32
      %rem3A_1234 = arith.remsi %add3A_1204, %select_n3A_1233 : i32
      %ne3A_1235 = arith.constant 0 : i32
      %ne3A_1236 = arith.cmpi ne, %rem3A_1234, %ne3A_1235 : i32
      %lt3A_1237 = arith.constant 0 : i32
      %lt3A_1238 = arith.cmpi slt, %rem3A_1234, %lt3A_1237 : i32
      %lt3A_1239 = arith.constant 0 : i32
      %lt3A_1240 = arith.cmpi slt, %select_n3A_1233, %lt3A_1239 : i32
      %ne3A_1241 = arith.xori %lt3A_1238, %lt3A_1240 : i1
      %and3A_1242 = arith.andi %ne3A_1241, %ne3A_1236 : i1
      %add3A_1243 = arith.addi %rem3A_1234, %select_n3A_1233 : i32
      %select_n3A_1244 = arith.select %and3A_1242, %add3A_1243, %rem3A_1234 : i32
      %dma_start3A_1245 = arith.constant 0 : i32
      %dma_start3A_1246 = tpu.memref_slice %arg5[%select_n3A_1228, %select_n3A_1244, %dma_start3A_1245] : memref<25x8x128xi32, #tpu.memory_space<vmem>> -> memref<1x1x128xi32, #tpu.memory_space<vmem>>
      %dma_start3A_1247 = tpu.memref_squeeze %dma_start3A_1246 : memref<1x1x128xi32, #tpu.memory_space<vmem>> -> memref<128xi32, #tpu.memory_space<vmem>>
      %dma_start3A_1248 = arith.constant 0 : i32
      %dma_start3A_1249 = arith.constant 0 : i32
      %dma_start3A_1250 = tpu.memref_slice %arg3[%dma_start3A_1248, %dma_start3A_1249] : memref<1000000x32xf32, #tpu.memory_space<hbm>> -> memref<1000000x32xf32, #tpu.memory_space<hbm>>
      tpu.enqueue_indirect_dma source(%dma_start3A_1250 : memref<1000000x32xf32, #tpu.memory_space<hbm>>) target(%arg8 : memref<128x32xf32, #tpu.memory_space<vmem>>) offsets(%dma_start3A_1247 : memref<128xi32, #tpu.memory_space<vmem>>) semaphore(%arg18 : memref<!tpu.dma_semaphore, #tpu.memory_space<semaphore_mem>>)
      %sub3A_1251 = arith.constant 5 : i32
      %sub3A_1252 = arith.subi %add3A_1156, %sub3A_1251 : i32
      %dma_wait3A_1253 = arith.constant 0 : i32
      %dma_wait3A_1254 = arith.constant 0 : i32
      %dma_wait3A_1255 = arith.constant 0 : i32
      %dma_wait3A_1256 = tpu.memref_slice %arg14[%dma_wait3A_1253, %dma_wait3A_1254, %dma_wait3A_1255] : memref<4x8x131xf32, #tpu.memory_space<vmem>> -> memref<4x8x128xf32, #tpu.memory_space<vmem>>
      %dma_wait3A_1257 = arith.constant 0 : i32
      %dma_wait3A_1258 = arith.constant 0 : i32
      %dma_wait3A_1259 = arith.constant 0 : i32
      %dma_wait3A_1260 = tpu.memref_slice %arg4[%sub3A_1252, %dma_wait3A_1257, %add3A, %dma_wait3A_1258, %dma_wait3A_1259] : memref<200x4x32x8x128xf32, #tpu.memory_space<hbm>> -> memref<1x4x1x8x128xf32, #tpu.memory_space<hbm>>
      %dma_wait3A_1261 = tpu.memref_squeeze %dma_wait3A_1260 : memref<1x4x1x8x128xf32, #tpu.memory_space<hbm>> -> memref<4x8x128xf32, #tpu.memory_space<hbm>>
      %dma_wait3A_1262 = arith.constant 0 : i32
      %dma_wait3A_1263 = arith.constant 0 : i32
      %dma_wait3A_1264 = arith.constant 0 : i32
      %dma_wait3A_1265 = tpu.memref_slice %arg4[%sub3A_1252, %dma_wait3A_1262, %add3A, %dma_wait3A_1263, %dma_wait3A_1264] : memref<200x4x32x8x128xf32, #tpu.memory_space<hbm>> -> memref<1x4x1x8x128xf32, #tpu.memory_space<hbm>>
      %dma_wait3A_1266 = tpu.memref_squeeze %dma_wait3A_1265 : memref<1x4x1x8x128xf32, #tpu.memory_space<hbm>> -> memref<4x8x128xf32, #tpu.memory_space<hbm>>
      %dma_wait3A_1267 = arith.constant 0 : i32
      %dma_wait3A_1268 = arith.constant 0 : i32
      %dma_wait3A_1269 = arith.constant 0 : i32
      %dma_wait3A_1270 = tpu.memref_slice %arg14[%dma_wait3A_1267, %dma_wait3A_1268, %dma_wait3A_1269] : memref<4x8x131xf32, #tpu.memory_space<vmem>> -> memref<4x8x128xf32, #tpu.memory_space<vmem>>
      tpu.wait_dma2 semaphore(%arg24 : memref<!tpu.dma_semaphore, #tpu.memory_space<semaphore_mem>>) src(%dma_wait3A_1270 : memref<4x8x128xf32, #tpu.memory_space<vmem>>) dst(%dma_wait3A_1266 : memref<4x8x128xf32, #tpu.memory_space<hbm>>)
      %scan3A_1271 = arith.constant 0 : i32
      %scan3A_1272 = arith.constant 0 : i32
      %scan3A_1273 = arith.constant 128 : i32
      %scan3A_1274 = arith.addi %scan3A_1272, %scan3A_1273 : i32
      %scan3A_1275 = arith.constant 4 : i32
      scf.for %scan3A_1437 = %scan3A_1272 to %scan3A_1274 step %scan3A_1275  : i32 {
        %broadcast_in_dim3A = arith.constant 0 : i32
        %broadcast_in_dim3A_1438 = vector.broadcast %broadcast_in_dim3A : i32 to vector<16xi32>
        %add3A_1439 = vector.broadcast %scan3A_1437 : i32 to vector<16xi32>
        %add3A_1440 = arith.addi %broadcast_in_dim3A_1438, %add3A_1439 : vector<16xi32>
        %get3A = arith.index_cast %scan3A_1437 : i32 to index
        %get3A_1441 = arith.constant 0 : index
        %get3A_1442 = tpu.vector_load %arg9[%get3A, %get3A_1441] {strides = array<i32>} : memref<128x32xf32, #tpu.memory_space<vmem>>, vector<16xf32>,
        %get3A_1443 = arith.index_cast %scan3A_1437 : i32 to index
        %get3A_1444 = arith.constant 16 : index
        %get3A_1445 = tpu.vector_load %arg9[%get3A_1443, %get3A_1444] {strides = array<i32>} : memref<128x32xf32, #tpu.memory_space<vmem>>, vector<16xf32>,
        tpu.vector_store_idx %arg14[%select_n3A, %select_n3A_61, %add3A_1440], %get3A_1442 : memref<4x8x131xf32, #tpu.memory_space<vmem>>[vector<16xi32>, vector<16xi32>, vector<16xi32>], vector<16xf32>,
        tpu.vector_store_idx %arg14[%select_n3A_95, %select_n3A_120, %add3A_1440], %get3A_1445 : memref<4x8x131xf32, #tpu.memory_space<vmem>>[vector<16xi32>, vector<16xi32>, vector<16xi32>], vector<16xf32>,
        %scan3A_1446 = arith.constant 1 : i32
        %scan3A_1447 = arith.addi %scan3A_1437, %scan3A_1446 : i32
        %broadcast_in_dim3A_1448 = arith.constant 0 : i32
        %broadcast_in_dim3A_1449 = vector.broadcast %broadcast_in_dim3A_1448 : i32 to vector<16xi32>
        %add3A_1450 = vector.broadcast %scan3A_1447 : i32 to vector<16xi32>
        %add3A_1451 = arith.addi %broadcast_in_dim3A_1449, %add3A_1450 : vector<16xi32>
        %get3A_1452 = arith.index_cast %scan3A_1447 : i32 to index
        %get3A_1453 = arith.constant 0 : index
        %get3A_1454 = tpu.vector_load %arg9[%get3A_1452, %get3A_1453] {strides = array<i32>} : memref<128x32xf32, #tpu.memory_space<vmem>>, vector<16xf32>,
        %get3A_1455 = arith.index_cast %scan3A_1447 : i32 to index
        %get3A_1456 = arith.constant 16 : index
        %get3A_1457 = tpu.vector_load %arg9[%get3A_1455, %get3A_1456] {strides = array<i32>} : memref<128x32xf32, #tpu.memory_space<vmem>>, vector<16xf32>,
        tpu.vector_store_idx %arg14[%select_n3A, %select_n3A_61, %add3A_1451], %get3A_1454 : memref<4x8x131xf32, #tpu.memory_space<vmem>>[vector<16xi32>, vector<16xi32>, vector<16xi32>], vector<16xf32>,
        tpu.vector_store_idx %arg14[%select_n3A_95, %select_n3A_120, %add3A_1451], %get3A_1457 : memref<4x8x131xf32, #tpu.memory_space<vmem>>[vector<16xi32>, vector<16xi32>, vector<16xi32>], vector<16xf32>,
        %scan3A_1458 = arith.constant 2 : i32
        %scan3A_1459 = arith.addi %scan3A_1437, %scan3A_1458 : i32
        %broadcast_in_dim3A_1460 = arith.constant 0 : i32
        %broadcast_in_dim3A_1461 = vector.broadcast %broadcast_in_dim3A_1460 : i32 to vector<16xi32>
        %add3A_1462 = vector.broadcast %scan3A_1459 : i32 to vector<16xi32>
        %add3A_1463 = arith.addi %broadcast_in_dim3A_1461, %add3A_1462 : vector<16xi32>
        %get3A_1464 = arith.index_cast %scan3A_1459 : i32 to index
        %get3A_1465 = arith.constant 0 : index
        %get3A_1466 = tpu.vector_load %arg9[%get3A_1464, %get3A_1465] {strides = array<i32>} : memref<128x32xf32, #tpu.memory_space<vmem>>, vector<16xf32>,
        %get3A_1467 = arith.index_cast %scan3A_1459 : i32 to index
        %get3A_1468 = arith.constant 16 : index
        %get3A_1469 = tpu.vector_load %arg9[%get3A_1467, %get3A_1468] {strides = array<i32>} : memref<128x32xf32, #tpu.memory_space<vmem>>, vector<16xf32>,
        tpu.vector_store_idx %arg14[%select_n3A, %select_n3A_61, %add3A_1463], %get3A_1466 : memref<4x8x131xf32, #tpu.memory_space<vmem>>[vector<16xi32>, vector<16xi32>, vector<16xi32>], vector<16xf32>,
        tpu.vector_store_idx %arg14[%select_n3A_95, %select_n3A_120, %add3A_1463], %get3A_1469 : memref<4x8x131xf32, #tpu.memory_space<vmem>>[vector<16xi32>, vector<16xi32>, vector<16xi32>], vector<16xf32>,
        %scan3A_1470 = arith.constant 3 : i32
        %scan3A_1471 = arith.addi %scan3A_1437, %scan3A_1470 : i32
        %broadcast_in_dim3A_1472 = arith.constant 0 : i32
        %broadcast_in_dim3A_1473 = vector.broadcast %broadcast_in_dim3A_1472 : i32 to vector<16xi32>
        %add3A_1474 = vector.broadcast %scan3A_1471 : i32 to vector<16xi32>
        %add3A_1475 = arith.addi %broadcast_in_dim3A_1473, %add3A_1474 : vector<16xi32>
        %get3A_1476 = arith.index_cast %scan3A_1471 : i32 to index
        %get3A_1477 = arith.constant 0 : index
        %get3A_1478 = tpu.vector_load %arg9[%get3A_1476, %get3A_1477] {strides = array<i32>} : memref<128x32xf32, #tpu.memory_space<vmem>>, vector<16xf32>,
        %get3A_1479 = arith.index_cast %scan3A_1471 : i32 to index
        %get3A_1480 = arith.constant 16 : index
        %get3A_1481 = tpu.vector_load %arg9[%get3A_1479, %get3A_1480] {strides = array<i32>} : memref<128x32xf32, #tpu.memory_space<vmem>>, vector<16xf32>,
        tpu.vector_store_idx %arg14[%select_n3A, %select_n3A_61, %add3A_1475], %get3A_1478 : memref<4x8x131xf32, #tpu.memory_space<vmem>>[vector<16xi32>, vector<16xi32>, vector<16xi32>], vector<16xf32>,
        tpu.vector_store_idx %arg14[%select_n3A_95, %select_n3A_120, %add3A_1475], %get3A_1481 : memref<4x8x131xf32, #tpu.memory_space<vmem>>[vector<16xi32>, vector<16xi32>, vector<16xi32>], vector<16xf32>,
      }
      %scan3A_1276 = arith.constant 128 : i32
      %dma_start3A_1277 = arith.constant 0 : i32
      %dma_start3A_1278 = arith.constant 0 : i32
      %dma_start3A_1279 = arith.constant 0 : i32
      %dma_start3A_1280 = tpu.memref_slice %arg14[%dma_start3A_1277, %dma_start3A_1278, %dma_start3A_1279] : memref<4x8x131xf32, #tpu.memory_space<vmem>> -> memref<4x8x128xf32, #tpu.memory_space<vmem>>
      %dma_start3A_1281 = arith.constant 0 : i32
      %dma_start3A_1282 = arith.constant 0 : i32
      %dma_start3A_1283 = arith.constant 0 : i32
      %dma_start3A_1284 = tpu.memref_slice %arg4[%add3A_1156, %dma_start3A_1281, %add3A, %dma_start3A_1282, %dma_start3A_1283] : memref<200x4x32x8x128xf32, #tpu.memory_space<hbm>> -> memref<1x4x1x8x128xf32, #tpu.memory_space<hbm>>
      %dma_start3A_1285 = tpu.memref_squeeze %dma_start3A_1284 : memref<1x4x1x8x128xf32, #tpu.memory_space<hbm>> -> memref<4x8x128xf32, #tpu.memory_space<hbm>>
      %dma_start3A_1286 = arith.constant 0 : i32
      %dma_start3A_1287 = arith.constant 0 : i32
      %dma_start3A_1288 = arith.constant 0 : i32
      %dma_start3A_1289 = tpu.memref_slice %arg4[%add3A_1156, %dma_start3A_1286, %add3A, %dma_start3A_1287, %dma_start3A_1288] : memref<200x4x32x8x128xf32, #tpu.memory_space<hbm>> -> memref<1x4x1x8x128xf32, #tpu.memory_space<hbm>>
      %dma_start3A_1290 = tpu.memref_squeeze %dma_start3A_1289 : memref<1x4x1x8x128xf32, #tpu.memory_space<hbm>> -> memref<4x8x128xf32, #tpu.memory_space<hbm>>
      %dma_start3A_1291 = arith.constant 0 : i32
      %dma_start3A_1292 = arith.constant 0 : i32
      %dma_start3A_1293 = arith.constant 0 : i32
      %dma_start3A_1294 = tpu.memref_slice %arg14[%dma_start3A_1291, %dma_start3A_1292, %dma_start3A_1293] : memref<4x8x131xf32, #tpu.memory_space<vmem>> -> memref<4x8x128xf32, #tpu.memory_space<vmem>>
      tpu.enqueue_dma source(%dma_start3A_1294 : memref<4x8x128xf32, #tpu.memory_space<vmem>>) target(%dma_start3A_1290 : memref<4x8x128xf32, #tpu.memory_space<hbm>>) target_semaphore(%arg24 : memref<!tpu.dma_semaphore, #tpu.memory_space<semaphore_mem>>)
      %mul3A_1295 = arith.constant 5 : i32
      %mul3A_1296 = arith.muli %scan3A_726, %mul3A_1295 : i32
      %add3A_1297 = arith.constant 4 : i32
      %add3A_1298 = arith.addi %mul3A_1296, %add3A_1297 : i32
      %jit3A_1299 = arith.constant 8 : i32
      %div3A_1300 = arith.divsi %add3A_1298, %jit3A_1299 : i32
      %sign3A_1301 = arith.constant 0 : i32
      %sign3A_1302 = arith.cmpi sgt, %add3A_1298, %sign3A_1301 : i32
      %sign3A_1303 = arith.extui %sign3A_1302 : i1 to i32
      %sign3A_1304 = arith.constant 0 : i32
      %sign3A_1305 = arith.cmpi slt, %add3A_1298, %sign3A_1304 : i32
      %sign3A_1306 = arith.extui %sign3A_1305 : i1 to i32
      %sign3A_1307 = arith.subi %sign3A_1303, %sign3A_1306 : i32
      %sign3A_1308 = arith.constant 0 : i32
      %sign3A_1309 = arith.cmpi sgt, %jit3A_1299, %sign3A_1308 : i32
      %sign3A_1310 = arith.extui %sign3A_1309 : i1 to i32
      %sign3A_1311 = arith.constant 0 : i32
      %sign3A_1312 = arith.cmpi slt, %jit3A_1299, %sign3A_1311 : i32
      %sign3A_1313 = arith.extui %sign3A_1312 : i1 to i32
      %sign3A_1314 = arith.subi %sign3A_1310, %sign3A_1313 : i32
      %ne3A_1315 = arith.cmpi ne, %sign3A_1307, %sign3A_1314 : i32
      %rem3A_1316 = arith.remsi %add3A_1298, %jit3A_1299 : i32
      %ne3A_1317 = arith.constant 0 : i32
      %ne3A_1318 = arith.cmpi ne, %rem3A_1316, %ne3A_1317 : i32
      %and3A_1319 = arith.andi %ne3A_1315, %ne3A_1318 : i1
      %sub3A_1320 = arith.constant 1 : i32
      %sub3A_1321 = arith.subi %div3A_1300, %sub3A_1320 : i32
      %select_n3A_1322 = arith.select %and3A_1319, %sub3A_1321, %div3A_1300 : i32
      %jit3A_1323 = arith.constant 8 : i32
      %eq3A_1324 = arith.constant 0 : i32
      %eq3A_1325 = arith.cmpi eq, %jit3A_1323, %eq3A_1324 : i32
      %jit3A_1326 = arith.constant 1 : i32
      %select_n3A_1327 = arith.select %eq3A_1325, %jit3A_1326, %jit3A_1323 : i32
      %rem3A_1328 = arith.remsi %add3A_1298, %select_n3A_1327 : i32
      %ne3A_1329 = arith.constant 0 : i32
      %ne3A_1330 = arith.cmpi ne, %rem3A_1328, %ne3A_1329 : i32
      %lt3A_1331 = arith.constant 0 : i32
      %lt3A_1332 = arith.cmpi slt, %rem3A_1328, %lt3A_1331 : i32
      %lt3A_1333 = arith.constant 0 : i32
      %lt3A_1334 = arith.cmpi slt, %select_n3A_1327, %lt3A_1333 : i32
      %ne3A_1335 = arith.xori %lt3A_1332, %lt3A_1334 : i1
      %and3A_1336 = arith.andi %ne3A_1335, %ne3A_1330 : i1
      %add3A_1337 = arith.addi %rem3A_1328, %select_n3A_1327 : i32
      %select_n3A_1338 = arith.select %and3A_1336, %add3A_1337, %rem3A_1328 : i32
      %dma_wait3A_1339 = arith.constant 0 : i32
      %dma_wait3A_1340 = tpu.memref_slice %arg5[%select_n3A_1322, %select_n3A_1338, %dma_wait3A_1339] : memref<25x8x128xi32, #tpu.memory_space<vmem>> -> memref<1x1x128xi32, #tpu.memory_space<vmem>>
      %dma_wait3A_1341 = tpu.memref_squeeze %dma_wait3A_1340 : memref<1x1x128xi32, #tpu.memory_space<vmem>> -> memref<128xi32, #tpu.memory_space<vmem>>
      %dma_wait3A_1342 = arith.constant 0 : i32
      %dma_wait3A_1343 = arith.constant 0 : i32
      %dma_wait3A_1344 = tpu.memref_slice %arg3[%dma_wait3A_1342, %dma_wait3A_1343] : memref<1000000x32xf32, #tpu.memory_space<hbm>> -> memref<1000000x32xf32, #tpu.memory_space<hbm>>
      tpu.wait_indirect_dma semaphore(%arg20 : memref<!tpu.dma_semaphore, #tpu.memory_space<semaphore_mem>>) src(%dma_wait3A_1344 : memref<1000000x32xf32, #tpu.memory_space<hbm>>) dst(%arg10 : memref<128x32xf32, #tpu.memory_space<vmem>>)
      %add3A_1345 = arith.constant 4 : i32
      %add3A_1346 = arith.addi %add3A_1298, %add3A_1345 : i32
      %jit3A_1347 = arith.constant 8 : i32
      %div3A_1348 = arith.divsi %add3A_1346, %jit3A_1347 : i32
      %sign3A_1349 = arith.constant 0 : i32
      %sign3A_1350 = arith.cmpi sgt, %add3A_1346, %sign3A_1349 : i32
      %sign3A_1351 = arith.extui %sign3A_1350 : i1 to i32
      %sign3A_1352 = arith.constant 0 : i32
      %sign3A_1353 = arith.cmpi slt, %add3A_1346, %sign3A_1352 : i32
      %sign3A_1354 = arith.extui %sign3A_1353 : i1 to i32
      %sign3A_1355 = arith.subi %sign3A_1351, %sign3A_1354 : i32
      %sign3A_1356 = arith.constant 0 : i32
      %sign3A_1357 = arith.cmpi sgt, %jit3A_1347, %sign3A_1356 : i32
      %sign3A_1358 = arith.extui %sign3A_1357 : i1 to i32
      %sign3A_1359 = arith.constant 0 : i32
      %sign3A_1360 = arith.cmpi slt, %jit3A_1347, %sign3A_1359 : i32
      %sign3A_1361 = arith.extui %sign3A_1360 : i1 to i32
      %sign3A_1362 = arith.subi %sign3A_1358, %sign3A_1361 : i32
      %ne3A_1363 = arith.cmpi ne, %sign3A_1355, %sign3A_1362 : i32
      %rem3A_1364 = arith.remsi %add3A_1346, %jit3A_1347 : i32
      %ne3A_1365 = arith.constant 0 : i32
      %ne3A_1366 = arith.cmpi ne, %rem3A_1364, %ne3A_1365 : i32
      %and3A_1367 = arith.andi %ne3A_1363, %ne3A_1366 : i1
      %sub3A_1368 = arith.constant 1 : i32
      %sub3A_1369 = arith.subi %div3A_1348, %sub3A_1368 : i32
      %select_n3A_1370 = arith.select %and3A_1367, %sub3A_1369, %div3A_1348 : i32
      %jit3A_1371 = arith.constant 8 : i32
      %eq3A_1372 = arith.constant 0 : i32
      %eq3A_1373 = arith.cmpi eq, %jit3A_1371, %eq3A_1372 : i32
      %jit3A_1374 = arith.constant 1 : i32
      %select_n3A_1375 = arith.select %eq3A_1373, %jit3A_1374, %jit3A_1371 : i32
      %rem3A_1376 = arith.remsi %add3A_1346, %select_n3A_1375 : i32
      %ne3A_1377 = arith.constant 0 : i32
      %ne3A_1378 = arith.cmpi ne, %rem3A_1376, %ne3A_1377 : i32
      %lt3A_1379 = arith.constant 0 : i32
      %lt3A_1380 = arith.cmpi slt, %rem3A_1376, %lt3A_1379 : i32
      %lt3A_1381 = arith.constant 0 : i32
      %lt3A_1382 = arith.cmpi slt, %select_n3A_1375, %lt3A_1381 : i32
      %ne3A_1383 = arith.xori %lt3A_1380, %lt3A_1382 : i1
      %and3A_1384 = arith.andi %ne3A_1383, %ne3A_1378 : i1
      %add3A_1385 = arith.addi %rem3A_1376, %select_n3A_1375 : i32
      %select_n3A_1386 = arith.select %and3A_1384, %add3A_1385, %rem3A_1376 : i32
      %dma_start3A_1387 = arith.constant 0 : i32
      %dma_start3A_1388 = tpu.memref_slice %arg5[%select_n3A_1370, %select_n3A_1386, %dma_start3A_1387] : memref<25x8x128xi32, #tpu.memory_space<vmem>> -> memref<1x1x128xi32, #tpu.memory_space<vmem>>
      %dma_start3A_1389 = tpu.memref_squeeze %dma_start3A_1388 : memref<1x1x128xi32, #tpu.memory_space<vmem>> -> memref<128xi32, #tpu.memory_space<vmem>>
      %dma_start3A_1390 = arith.constant 0 : i32
      %dma_start3A_1391 = arith.constant 0 : i32
      %dma_start3A_1392 = tpu.memref_slice %arg3[%dma_start3A_1390, %dma_start3A_1391] : memref<1000000x32xf32, #tpu.memory_space<hbm>> -> memref<1000000x32xf32, #tpu.memory_space<hbm>>
      tpu.enqueue_indirect_dma source(%dma_start3A_1392 : memref<1000000x32xf32, #tpu.memory_space<hbm>>) target(%arg9 : memref<128x32xf32, #tpu.memory_space<vmem>>) offsets(%dma_start3A_1389 : memref<128xi32, #tpu.memory_space<vmem>>) semaphore(%arg19 : memref<!tpu.dma_semaphore, #tpu.memory_space<semaphore_mem>>)
      %sub3A_1393 = arith.constant 5 : i32
      %sub3A_1394 = arith.subi %add3A_1298, %sub3A_1393 : i32
      %dma_wait3A_1395 = arith.constant 0 : i32
      %dma_wait3A_1396 = arith.constant 0 : i32
      %dma_wait3A_1397 = arith.constant 0 : i32
      %dma_wait3A_1398 = tpu.memref_slice %arg15[%dma_wait3A_1395, %dma_wait3A_1396, %dma_wait3A_1397] : memref<4x8x131xf32, #tpu.memory_space<vmem>> -> memref<4x8x128xf32, #tpu.memory_space<vmem>>
      %dma_wait3A_1399 = arith.constant 0 : i32
      %dma_wait3A_1400 = arith.constant 0 : i32
      %dma_wait3A_1401 = arith.constant 0 : i32
      %dma_wait3A_1402 = tpu.memref_slice %arg4[%sub3A_1394, %dma_wait3A_1399, %add3A, %dma_wait3A_1400, %dma_wait3A_1401] : memref<200x4x32x8x128xf32, #tpu.memory_space<hbm>> -> memref<1x4x1x8x128xf32, #tpu.memory_space<hbm>>
      %dma_wait3A_1403 = tpu.memref_squeeze %dma_wait3A_1402 : memref<1x4x1x8x128xf32, #tpu.memory_space<hbm>> -> memref<4x8x128xf32, #tpu.memory_space<hbm>>
      %dma_wait3A_1404 = arith.constant 0 : i32
      %dma_wait3A_1405 = arith.constant 0 : i32
      %dma_wait3A_1406 = arith.constant 0 : i32
      %dma_wait3A_1407 = tpu.memref_slice %arg4[%sub3A_1394, %dma_wait3A_1404, %add3A, %dma_wait3A_1405, %dma_wait3A_1406] : memref<200x4x32x8x128xf32, #tpu.memory_space<hbm>> -> memref<1x4x1x8x128xf32, #tpu.memory_space<hbm>>
      %dma_wait3A_1408 = tpu.memref_squeeze %dma_wait3A_1407 : memref<1x4x1x8x128xf32, #tpu.memory_space<hbm>> -> memref<4x8x128xf32, #tpu.memory_space<hbm>>
      %dma_wait3A_1409 = arith.constant 0 : i32
      %dma_wait3A_1410 = arith.constant 0 : i32
      %dma_wait3A_1411 = arith.constant 0 : i32
      %dma_wait3A_1412 = tpu.memref_slice %arg15[%dma_wait3A_1409, %dma_wait3A_1410, %dma_wait3A_1411] : memref<4x8x131xf32, #tpu.memory_space<vmem>> -> memref<4x8x128xf32, #tpu.memory_space<vmem>>
      tpu.wait_dma2 semaphore(%arg25 : memref<!tpu.dma_semaphore, #tpu.memory_space<semaphore_mem>>) src(%dma_wait3A_1412 : memref<4x8x128xf32, #tpu.memory_space<vmem>>) dst(%dma_wait3A_1408 : memref<4x8x128xf32, #tpu.memory_space<hbm>>)
      %scan3A_1413 = arith.constant 0 : i32
      %scan3A_1414 = arith.constant 0 : i32
      %scan3A_1415 = arith.constant 128 : i32
      %scan3A_1416 = arith.addi %scan3A_1414, %scan3A_1415 : i32
      %scan3A_1417 = arith.constant 4 : i32
      scf.for %scan3A_1437 = %scan3A_1414 to %scan3A_1416 step %scan3A_1417  : i32 {
        %broadcast_in_dim3A = arith.constant 0 : i32
        %broadcast_in_dim3A_1438 = vector.broadcast %broadcast_in_dim3A : i32 to vector<16xi32>
        %add3A_1439 = vector.broadcast %scan3A_1437 : i32 to vector<16xi32>
        %add3A_1440 = arith.addi %broadcast_in_dim3A_1438, %add3A_1439 : vector<16xi32>
        %get3A = arith.index_cast %scan3A_1437 : i32 to index
        %get3A_1441 = arith.constant 0 : index
        %get3A_1442 = tpu.vector_load %arg10[%get3A, %get3A_1441] {strides = array<i32>} : memref<128x32xf32, #tpu.memory_space<vmem>>, vector<16xf32>,
        %get3A_1443 = arith.index_cast %scan3A_1437 : i32 to index
        %get3A_1444 = arith.constant 16 : index
        %get3A_1445 = tpu.vector_load %arg10[%get3A_1443, %get3A_1444] {strides = array<i32>} : memref<128x32xf32, #tpu.memory_space<vmem>>, vector<16xf32>,
        tpu.vector_store_idx %arg15[%select_n3A, %select_n3A_61, %add3A_1440], %get3A_1442 : memref<4x8x131xf32, #tpu.memory_space<vmem>>[vector<16xi32>, vector<16xi32>, vector<16xi32>], vector<16xf32>,
        tpu.vector_store_idx %arg15[%select_n3A_95, %select_n3A_120, %add3A_1440], %get3A_1445 : memref<4x8x131xf32, #tpu.memory_space<vmem>>[vector<16xi32>, vector<16xi32>, vector<16xi32>], vector<16xf32>,
        %scan3A_1446 = arith.constant 1 : i32
        %scan3A_1447 = arith.addi %scan3A_1437, %scan3A_1446 : i32
        %broadcast_in_dim3A_1448 = arith.constant 0 : i32
        %broadcast_in_dim3A_1449 = vector.broadcast %broadcast_in_dim3A_1448 : i32 to vector<16xi32>
        %add3A_1450 = vector.broadcast %scan3A_1447 : i32 to vector<16xi32>
        %add3A_1451 = arith.addi %broadcast_in_dim3A_1449, %add3A_1450 : vector<16xi32>
        %get3A_1452 = arith.index_cast %scan3A_1447 : i32 to index
        %get3A_1453 = arith.constant 0 : index
        %get3A_1454 = tpu.vector_load %arg10[%get3A_1452, %get3A_1453] {strides = array<i32>} : memref<128x32xf32, #tpu.memory_space<vmem>>, vector<16xf32>,
        %get3A_1455 = arith.index_cast %scan3A_1447 : i32 to index
        %get3A_1456 = arith.constant 16 : index
        %get3A_1457 = tpu.vector_load %arg10[%get3A_1455, %get3A_1456] {strides = array<i32>} : memref<128x32xf32, #tpu.memory_space<vmem>>, vector<16xf32>,
        tpu.vector_store_idx %arg15[%select_n3A, %select_n3A_61, %add3A_1451], %get3A_1454 : memref<4x8x131xf32, #tpu.memory_space<vmem>>[vector<16xi32>, vector<16xi32>, vector<16xi32>], vector<16xf32>,
        tpu.vector_store_idx %arg15[%select_n3A_95, %select_n3A_120, %add3A_1451], %get3A_1457 : memref<4x8x131xf32, #tpu.memory_space<vmem>>[vector<16xi32>, vector<16xi32>, vector<16xi32>], vector<16xf32>,
        %scan3A_1458 = arith.constant 2 : i32
        %scan3A_1459 = arith.addi %scan3A_1437, %scan3A_1458 : i32
        %broadcast_in_dim3A_1460 = arith.constant 0 : i32
        %broadcast_in_dim3A_1461 = vector.broadcast %broadcast_in_dim3A_1460 : i32 to vector<16xi32>
        %add3A_1462 = vector.broadcast %scan3A_1459 : i32 to vector<16xi32>
        %add3A_1463 = arith.addi %broadcast_in_dim3A_1461, %add3A_1462 : vector<16xi32>
        %get3A_1464 = arith.index_cast %scan3A_1459 : i32 to index
        %get3A_1465 = arith.constant 0 : index
        %get3A_1466 = tpu.vector_load %arg10[%get3A_1464, %get3A_1465] {strides = array<i32>} : memref<128x32xf32, #tpu.memory_space<vmem>>, vector<16xf32>,
        %get3A_1467 = arith.index_cast %scan3A_1459 : i32 to index
        %get3A_1468 = arith.constant 16 : index
        %get3A_1469 = tpu.vector_load %arg10[%get3A_1467, %get3A_1468] {strides = array<i32>} : memref<128x32xf32, #tpu.memory_space<vmem>>, vector<16xf32>,
        tpu.vector_store_idx %arg15[%select_n3A, %select_n3A_61, %add3A_1463], %get3A_1466 : memref<4x8x131xf32, #tpu.memory_space<vmem>>[vector<16xi32>, vector<16xi32>, vector<16xi32>], vector<16xf32>,
        tpu.vector_store_idx %arg15[%select_n3A_95, %select_n3A_120, %add3A_1463], %get3A_1469 : memref<4x8x131xf32, #tpu.memory_space<vmem>>[vector<16xi32>, vector<16xi32>, vector<16xi32>], vector<16xf32>,
        %scan3A_1470 = arith.constant 3 : i32
        %scan3A_1471 = arith.addi %scan3A_1437, %scan3A_1470 : i32
        %broadcast_in_dim3A_1472 = arith.constant 0 : i32
        %broadcast_in_dim3A_1473 = vector.broadcast %broadcast_in_dim3A_1472 : i32 to vector<16xi32>
        %add3A_1474 = vector.broadcast %scan3A_1471 : i32 to vector<16xi32>
        %add3A_1475 = arith.addi %broadcast_in_dim3A_1473, %add3A_1474 : vector<16xi32>
        %get3A_1476 = arith.index_cast %scan3A_1471 : i32 to index
        %get3A_1477 = arith.constant 0 : index
        %get3A_1478 = tpu.vector_load %arg10[%get3A_1476, %get3A_1477] {strides = array<i32>} : memref<128x32xf32, #tpu.memory_space<vmem>>, vector<16xf32>,
        %get3A_1479 = arith.index_cast %scan3A_1471 : i32 to index
        %get3A_1480 = arith.constant 16 : index
        %get3A_1481 = tpu.vector_load %arg10[%get3A_1479, %get3A_1480] {strides = array<i32>} : memref<128x32xf32, #tpu.memory_space<vmem>>, vector<16xf32>,
        tpu.vector_store_idx %arg15[%select_n3A, %select_n3A_61, %add3A_1475], %get3A_1478 : memref<4x8x131xf32, #tpu.memory_space<vmem>>[vector<16xi32>, vector<16xi32>, vector<16xi32>], vector<16xf32>,
        tpu.vector_store_idx %arg15[%select_n3A_95, %select_n3A_120, %add3A_1475], %get3A_1481 : memref<4x8x131xf32, #tpu.memory_space<vmem>>[vector<16xi32>, vector<16xi32>, vector<16xi32>], vector<16xf32>,
      }
      %scan3A_1418 = arith.constant 128 : i32
      %dma_start3A_1419 = arith.constant 0 : i32
      %dma_start3A_1420 = arith.constant 0 : i32
      %dma_start3A_1421 = arith.constant 0 : i32
      %dma_start3A_1422 = tpu.memref_slice %arg15[%dma_start3A_1419, %dma_start3A_1420, %dma_start3A_1421] : memref<4x8x131xf32, #tpu.memory_space<vmem>> -> memref<4x8x128xf32, #tpu.memory_space<vmem>>
      %dma_start3A_1423 = arith.constant 0 : i32
      %dma_start3A_1424 = arith.constant 0 : i32
      %dma_start3A_1425 = arith.constant 0 : i32
      %dma_start3A_1426 = tpu.memref_slice %arg4[%add3A_1298, %dma_start3A_1423, %add3A, %dma_start3A_1424, %dma_start3A_1425] : memref<200x4x32x8x128xf32, #tpu.memory_space<hbm>> -> memref<1x4x1x8x128xf32, #tpu.memory_space<hbm>>
      %dma_start3A_1427 = tpu.memref_squeeze %dma_start3A_1426 : memref<1x4x1x8x128xf32, #tpu.memory_space<hbm>> -> memref<4x8x128xf32, #tpu.memory_space<hbm>>
      %dma_start3A_1428 = arith.constant 0 : i32
      %dma_start3A_1429 = arith.constant 0 : i32
      %dma_start3A_1430 = arith.constant 0 : i32
      %dma_start3A_1431 = tpu.memref_slice %arg4[%add3A_1298, %dma_start3A_1428, %add3A, %dma_start3A_1429, %dma_start3A_1430] : memref<200x4x32x8x128xf32, #tpu.memory_space<hbm>> -> memref<1x4x1x8x128xf32, #tpu.memory_space<hbm>>
      %dma_start3A_1432 = tpu.memref_squeeze %dma_start3A_1431 : memref<1x4x1x8x128xf32, #tpu.memory_space<hbm>> -> memref<4x8x128xf32, #tpu.memory_space<hbm>>
      %dma_start3A_1433 = arith.constant 0 : i32
      %dma_start3A_1434 = arith.constant 0 : i32
      %dma_start3A_1435 = arith.constant 0 : i32
      %dma_start3A_1436 = tpu.memref_slice %arg15[%dma_start3A_1433, %dma_start3A_1434, %dma_start3A_1435] : memref<4x8x131xf32, #tpu.memory_space<vmem>> -> memref<4x8x128xf32, #tpu.memory_space<vmem>>
      tpu.enqueue_dma source(%dma_start3A_1436 : memref<4x8x128xf32, #tpu.memory_space<vmem>>) target(%dma_start3A_1432 : memref<4x8x128xf32, #tpu.memory_space<hbm>>) target_semaphore(%arg25 : memref<!tpu.dma_semaphore, #tpu.memory_space<semaphore_mem>>)
    }
    %scan3A_362 = arith.constant 38 : i32
    %dma_wait3A_363 = arith.constant 24 : i32
    %dma_wait3A_364 = arith.constant 3 : i32
    %dma_wait3A_365 = arith.constant 0 : i32
    %dma_wait3A_366 = tpu.memref_slice %arg5[%dma_wait3A_363, %dma_wait3A_364, %dma_wait3A_365] : memref<25x8x128xi32, #tpu.memory_space<vmem>> -> memref<1x1x128xi32, #tpu.memory_space<vmem>>
    %dma_wait3A_367 = tpu.memref_squeeze %dma_wait3A_366 : memref<1x1x128xi32, #tpu.memory_space<vmem>> -> memref<128xi32, #tpu.memory_space<vmem>>
    %dma_wait3A_368 = arith.constant 0 : i32
    %dma_wait3A_369 = arith.constant 0 : i32
    %dma_wait3A_370 = tpu.memref_slice %arg3[%dma_wait3A_368, %dma_wait3A_369] : memref<1000000x32xf32, #tpu.memory_space<hbm>> -> memref<1000000x32xf32, #tpu.memory_space<hbm>>
    tpu.wait_indirect_dma semaphore(%arg16 : memref<!tpu.dma_semaphore, #tpu.memory_space<semaphore_mem>>) src(%dma_wait3A_370 : memref<1000000x32xf32, #tpu.memory_space<hbm>>) dst(%arg6 : memref<128x32xf32, #tpu.memory_space<vmem>>)
    %dma_start3A_371 = arith.constant 24 : i32
    %dma_start3A_372 = arith.constant 7 : i32
    %dma_start3A_373 = arith.constant 0 : i32
    %dma_start3A_374 = tpu.memref_slice %arg5[%dma_start3A_371, %dma_start3A_372, %dma_start3A_373] : memref<25x8x128xi32, #tpu.memory_space<vmem>> -> memref<1x1x128xi32, #tpu.memory_space<vmem>>
    %dma_start3A_375 = tpu.memref_squeeze %dma_start3A_374 : memref<1x1x128xi32, #tpu.memory_space<vmem>> -> memref<128xi32, #tpu.memory_space<vmem>>
    %dma_start3A_376 = arith.constant 0 : i32
    %dma_start3A_377 = arith.constant 0 : i32
    %dma_start3A_378 = tpu.memref_slice %arg3[%dma_start3A_376, %dma_start3A_377] : memref<1000000x32xf32, #tpu.memory_space<hbm>> -> memref<1000000x32xf32, #tpu.memory_space<hbm>>
    tpu.enqueue_indirect_dma source(%dma_start3A_378 : memref<1000000x32xf32, #tpu.memory_space<hbm>>) target(%arg10 : memref<128x32xf32, #tpu.memory_space<vmem>>) offsets(%dma_start3A_375 : memref<128xi32, #tpu.memory_space<vmem>>) semaphore(%arg20 : memref<!tpu.dma_semaphore, #tpu.memory_space<semaphore_mem>>)
    %dma_wait3A_379 = arith.constant 190 : i32
    %dma_wait3A_380 = arith.constant 0 : i32
    %dma_wait3A_381 = arith.constant 0 : i32
    %dma_wait3A_382 = arith.constant 0 : i32
    %dma_wait3A_383 = tpu.memref_slice %arg11[%dma_wait3A_380, %dma_wait3A_381, %dma_wait3A_382] : memref<4x8x131xf32, #tpu.memory_space<vmem>> -> memref<4x8x128xf32, #tpu.memory_space<vmem>>
    %dma_wait3A_384 = arith.constant 0 : i32
    %dma_wait3A_385 = arith.constant 0 : i32
    %dma_wait3A_386 = arith.constant 0 : i32
    %dma_wait3A_387 = tpu.memref_slice %arg4[%dma_wait3A_379, %dma_wait3A_384, %add3A, %dma_wait3A_385, %dma_wait3A_386] : memref<200x4x32x8x128xf32, #tpu.memory_space<hbm>> -> memref<1x4x1x8x128xf32, #tpu.memory_space<hbm>>
    %dma_wait3A_388 = tpu.memref_squeeze %dma_wait3A_387 : memref<1x4x1x8x128xf32, #tpu.memory_space<hbm>> -> memref<4x8x128xf32, #tpu.memory_space<hbm>>
    %dma_wait3A_389 = arith.constant 0 : i32
    %dma_wait3A_390 = arith.constant 0 : i32
    %dma_wait3A_391 = arith.constant 0 : i32
    %dma_wait3A_392 = tpu.memref_slice %arg4[%dma_wait3A_379, %dma_wait3A_389, %add3A, %dma_wait3A_390, %dma_wait3A_391] : memref<200x4x32x8x128xf32, #tpu.memory_space<hbm>> -> memref<1x4x1x8x128xf32, #tpu.memory_space<hbm>>
    %dma_wait3A_393 = tpu.memref_squeeze %dma_wait3A_392 : memref<1x4x1x8x128xf32, #tpu.memory_space<hbm>> -> memref<4x8x128xf32, #tpu.memory_space<hbm>>
    %dma_wait3A_394 = arith.constant 0 : i32
    %dma_wait3A_395 = arith.constant 0 : i32
    %dma_wait3A_396 = arith.constant 0 : i32
    %dma_wait3A_397 = tpu.memref_slice %arg11[%dma_wait3A_394, %dma_wait3A_395, %dma_wait3A_396] : memref<4x8x131xf32, #tpu.memory_space<vmem>> -> memref<4x8x128xf32, #tpu.memory_space<vmem>>
    tpu.wait_dma2 semaphore(%arg21 : memref<!tpu.dma_semaphore, #tpu.memory_space<semaphore_mem>>) src(%dma_wait3A_397 : memref<4x8x128xf32, #tpu.memory_space<vmem>>) dst(%dma_wait3A_393 : memref<4x8x128xf32, #tpu.memory_space<hbm>>)
    %scan3A_398 = arith.constant 0 : i32
    %scan3A_399 = arith.constant 0 : i32
    %scan3A_400 = arith.constant 128 : i32
    %scan3A_401 = arith.addi %scan3A_399, %scan3A_400 : i32
    %scan3A_402 = arith.constant 4 : i32
    scf.for %scan3A_726 = %scan3A_399 to %scan3A_401 step %scan3A_402  : i32 {
      %broadcast_in_dim3A = arith.constant 0 : i32
      %broadcast_in_dim3A_727 = vector.broadcast %broadcast_in_dim3A : i32 to vector<16xi32>
      %add3A_728 = vector.broadcast %scan3A_726 : i32 to vector<16xi32>
      %add3A_729 = arith.addi %broadcast_in_dim3A_727, %add3A_728 : vector<16xi32>
      %get3A = arith.index_cast %scan3A_726 : i32 to index
      %get3A_730 = arith.constant 0 : index
      %get3A_731 = tpu.vector_load %arg6[%get3A, %get3A_730] {strides = array<i32>} : memref<128x32xf32, #tpu.memory_space<vmem>>, vector<16xf32>,
      %get3A_732 = arith.index_cast %scan3A_726 : i32 to index
      %get3A_733 = arith.constant 16 : index
      %get3A_734 = tpu.vector_load %arg6[%get3A_732, %get3A_733] {strides = array<i32>} : memref<128x32xf32, #tpu.memory_space<vmem>>, vector<16xf32>,
      tpu.vector_store_idx %arg11[%select_n3A, %select_n3A_61, %add3A_729], %get3A_731 : memref<4x8x131xf32, #tpu.memory_space<vmem>>[vector<16xi32>, vector<16xi32>, vector<16xi32>], vector<16xf32>,
      tpu.vector_store_idx %arg11[%select_n3A_95, %select_n3A_120, %add3A_729], %get3A_734 : memref<4x8x131xf32, #tpu.memory_space<vmem>>[vector<16xi32>, vector<16xi32>, vector<16xi32>], vector<16xf32>,
      %scan3A_735 = arith.constant 1 : i32
      %scan3A_736 = arith.addi %scan3A_726, %scan3A_735 : i32
      %broadcast_in_dim3A_737 = arith.constant 0 : i32
      %broadcast_in_dim3A_738 = vector.broadcast %broadcast_in_dim3A_737 : i32 to vector<16xi32>
      %add3A_739 = vector.broadcast %scan3A_736 : i32 to vector<16xi32>
      %add3A_740 = arith.addi %broadcast_in_dim3A_738, %add3A_739 : vector<16xi32>
      %get3A_741 = arith.index_cast %scan3A_736 : i32 to index
      %get3A_742 = arith.constant 0 : index
      %get3A_743 = tpu.vector_load %arg6[%get3A_741, %get3A_742] {strides = array<i32>} : memref<128x32xf32, #tpu.memory_space<vmem>>, vector<16xf32>,
      %get3A_744 = arith.index_cast %scan3A_736 : i32 to index
      %get3A_745 = arith.constant 16 : index
      %get3A_746 = tpu.vector_load %arg6[%get3A_744, %get3A_745] {strides = array<i32>} : memref<128x32xf32, #tpu.memory_space<vmem>>, vector<16xf32>,
      tpu.vector_store_idx %arg11[%select_n3A, %select_n3A_61, %add3A_740], %get3A_743 : memref<4x8x131xf32, #tpu.memory_space<vmem>>[vector<16xi32>, vector<16xi32>, vector<16xi32>], vector<16xf32>,
      tpu.vector_store_idx %arg11[%select_n3A_95, %select_n3A_120, %add3A_740], %get3A_746 : memref<4x8x131xf32, #tpu.memory_space<vmem>>[vector<16xi32>, vector<16xi32>, vector<16xi32>], vector<16xf32>,
      %scan3A_747 = arith.constant 2 : i32
      %scan3A_748 = arith.addi %scan3A_726, %scan3A_747 : i32
      %broadcast_in_dim3A_749 = arith.constant 0 : i32
      %broadcast_in_dim3A_750 = vector.broadcast %broadcast_in_dim3A_749 : i32 to vector<16xi32>
      %add3A_751 = vector.broadcast %scan3A_748 : i32 to vector<16xi32>
      %add3A_752 = arith.addi %broadcast_in_dim3A_750, %add3A_751 : vector<16xi32>
      %get3A_753 = arith.index_cast %scan3A_748 : i32 to index
      %get3A_754 = arith.constant 0 : index
      %get3A_755 = tpu.vector_load %arg6[%get3A_753, %get3A_754] {strides = array<i32>} : memref<128x32xf32, #tpu.memory_space<vmem>>, vector<16xf32>,
      %get3A_756 = arith.index_cast %scan3A_748 : i32 to index
      %get3A_757 = arith.constant 16 : index
      %get3A_758 = tpu.vector_load %arg6[%get3A_756, %get3A_757] {strides = array<i32>} : memref<128x32xf32, #tpu.memory_space<vmem>>, vector<16xf32>,
      tpu.vector_store_idx %arg11[%select_n3A, %select_n3A_61, %add3A_752], %get3A_755 : memref<4x8x131xf32, #tpu.memory_space<vmem>>[vector<16xi32>, vector<16xi32>, vector<16xi32>], vector<16xf32>,
      tpu.vector_store_idx %arg11[%select_n3A_95, %select_n3A_120, %add3A_752], %get3A_758 : memref<4x8x131xf32, #tpu.memory_space<vmem>>[vector<16xi32>, vector<16xi32>, vector<16xi32>], vector<16xf32>,
      %scan3A_759 = arith.constant 3 : i32
      %scan3A_760 = arith.addi %scan3A_726, %scan3A_759 : i32
      %broadcast_in_dim3A_761 = arith.constant 0 : i32
      %broadcast_in_dim3A_762 = vector.broadcast %broadcast_in_dim3A_761 : i32 to vector<16xi32>
      %add3A_763 = vector.broadcast %scan3A_760 : i32 to vector<16xi32>
      %add3A_764 = arith.addi %broadcast_in_dim3A_762, %add3A_763 : vector<16xi32>
      %get3A_765 = arith.index_cast %scan3A_760 : i32 to index
      %get3A_766 = arith.constant 0 : index
      %get3A_767 = tpu.vector_load %arg6[%get3A_765, %get3A_766] {strides = array<i32>} : memref<128x32xf32, #tpu.memory_space<vmem>>, vector<16xf32>,
      %get3A_768 = arith.index_cast %scan3A_760 : i32 to index
      %get3A_769 = arith.constant 16 : index
      %get3A_770 = tpu.vector_load %arg6[%get3A_768, %get3A_769] {strides = array<i32>} : memref<128x32xf32, #tpu.memory_space<vmem>>, vector<16xf32>,
      tpu.vector_store_idx %arg11[%select_n3A, %select_n3A_61, %add3A_764], %get3A_767 : memref<4x8x131xf32, #tpu.memory_space<vmem>>[vector<16xi32>, vector<16xi32>, vector<16xi32>], vector<16xf32>,
      tpu.vector_store_idx %arg11[%select_n3A_95, %select_n3A_120, %add3A_764], %get3A_770 : memref<4x8x131xf32, #tpu.memory_space<vmem>>[vector<16xi32>, vector<16xi32>, vector<16xi32>], vector<16xf32>,
    }
    %scan3A_403 = arith.constant 128 : i32
    %dma_start3A_404 = arith.constant 195 : i32
    %dma_start3A_405 = arith.constant 0 : i32
    %dma_start3A_406 = arith.constant 0 : i32
    %dma_start3A_407 = arith.constant 0 : i32
    %dma_start3A_408 = tpu.memref_slice %arg11[%dma_start3A_405, %dma_start3A_406, %dma_start3A_407] : memref<4x8x131xf32, #tpu.memory_space<vmem>> -> memref<4x8x128xf32, #tpu.memory_space<vmem>>
    %dma_start3A_409 = arith.constant 0 : i32
    %dma_start3A_410 = arith.constant 0 : i32
    %dma_start3A_411 = arith.constant 0 : i32
    %dma_start3A_412 = tpu.memref_slice %arg4[%dma_start3A_404, %dma_start3A_409, %add3A, %dma_start3A_410, %dma_start3A_411] : memref<200x4x32x8x128xf32, #tpu.memory_space<hbm>> -> memref<1x4x1x8x128xf32, #tpu.memory_space<hbm>>
    %dma_start3A_413 = tpu.memref_squeeze %dma_start3A_412 : memref<1x4x1x8x128xf32, #tpu.memory_space<hbm>> -> memref<4x8x128xf32, #tpu.memory_space<hbm>>
    %dma_start3A_414 = arith.constant 0 : i32
    %dma_start3A_415 = arith.constant 0 : i32
    %dma_start3A_416 = arith.constant 0 : i32
    %dma_start3A_417 = tpu.memref_slice %arg4[%dma_start3A_404, %dma_start3A_414, %add3A, %dma_start3A_415, %dma_start3A_416] : memref<200x4x32x8x128xf32, #tpu.memory_space<hbm>> -> memref<1x4x1x8x128xf32, #tpu.memory_space<hbm>>
    %dma_start3A_418 = tpu.memref_squeeze %dma_start3A_417 : memref<1x4x1x8x128xf32, #tpu.memory_space<hbm>> -> memref<4x8x128xf32, #tpu.memory_space<hbm>>
    %dma_start3A_419 = arith.constant 0 : i32
    %dma_start3A_420 = arith.constant 0 : i32
    %dma_start3A_421 = arith.constant 0 : i32
    %dma_start3A_422 = tpu.memref_slice %arg11[%dma_start3A_419, %dma_start3A_420, %dma_start3A_421] : memref<4x8x131xf32, #tpu.memory_space<vmem>> -> memref<4x8x128xf32, #tpu.memory_space<vmem>>
    tpu.enqueue_dma source(%dma_start3A_422 : memref<4x8x128xf32, #tpu.memory_space<vmem>>) target(%dma_start3A_418 : memref<4x8x128xf32, #tpu.memory_space<hbm>>) target_semaphore(%arg21 : memref<!tpu.dma_semaphore, #tpu.memory_space<semaphore_mem>>)
    %dma_wait3A_423 = arith.constant 24 : i32
    %dma_wait3A_424 = arith.constant 4 : i32
    %dma_wait3A_425 = arith.constant 0 : i32
    %dma_wait3A_426 = tpu.memref_slice %arg5[%dma_wait3A_423, %dma_wait3A_424, %dma_wait3A_425] : memref<25x8x128xi32, #tpu.memory_space<vmem>> -> memref<1x1x128xi32, #tpu.memory_space<vmem>>
    %dma_wait3A_427 = tpu.memref_squeeze %dma_wait3A_426 : memref<1x1x128xi32, #tpu.memory_space<vmem>> -> memref<128xi32, #tpu.memory_space<vmem>>
    %dma_wait3A_428 = arith.constant 0 : i32
    %dma_wait3A_429 = arith.constant 0 : i32
    %dma_wait3A_430 = tpu.memref_slice %arg3[%dma_wait3A_428, %dma_wait3A_429] : memref<1000000x32xf32, #tpu.memory_space<hbm>> -> memref<1000000x32xf32, #tpu.memory_space<hbm>>
    tpu.wait_indirect_dma semaphore(%arg17 : memref<!tpu.dma_semaphore, #tpu.memory_space<semaphore_mem>>) src(%dma_wait3A_430 : memref<1000000x32xf32, #tpu.memory_space<hbm>>) dst(%arg7 : memref<128x32xf32, #tpu.memory_space<vmem>>)
    %dma_wait3A_431 = arith.constant 191 : i32
    %dma_wait3A_432 = arith.constant 0 : i32
    %dma_wait3A_433 = arith.constant 0 : i32
    %dma_wait3A_434 = arith.constant 0 : i32
    %dma_wait3A_435 = tpu.memref_slice %arg12[%dma_wait3A_432, %dma_wait3A_433, %dma_wait3A_434] : memref<4x8x131xf32, #tpu.memory_space<vmem>> -> memref<4x8x128xf32, #tpu.memory_space<vmem>>
    %dma_wait3A_436 = arith.constant 0 : i32
    %dma_wait3A_437 = arith.constant 0 : i32
    %dma_wait3A_438 = arith.constant 0 : i32
    %dma_wait3A_439 = tpu.memref_slice %arg4[%dma_wait3A_431, %dma_wait3A_436, %add3A, %dma_wait3A_437, %dma_wait3A_438] : memref<200x4x32x8x128xf32, #tpu.memory_space<hbm>> -> memref<1x4x1x8x128xf32, #tpu.memory_space<hbm>>
    %dma_wait3A_440 = tpu.memref_squeeze %dma_wait3A_439 : memref<1x4x1x8x128xf32, #tpu.memory_space<hbm>> -> memref<4x8x128xf32, #tpu.memory_space<hbm>>
    %dma_wait3A_441 = arith.constant 0 : i32
    %dma_wait3A_442 = arith.constant 0 : i32
    %dma_wait3A_443 = arith.constant 0 : i32
    %dma_wait3A_444 = tpu.memref_slice %arg4[%dma_wait3A_431, %dma_wait3A_441, %add3A, %dma_wait3A_442, %dma_wait3A_443] : memref<200x4x32x8x128xf32, #tpu.memory_space<hbm>> -> memref<1x4x1x8x128xf32, #tpu.memory_space<hbm>>
    %dma_wait3A_445 = tpu.memref_squeeze %dma_wait3A_444 : memref<1x4x1x8x128xf32, #tpu.memory_space<hbm>> -> memref<4x8x128xf32, #tpu.memory_space<hbm>>
    %dma_wait3A_446 = arith.constant 0 : i32
    %dma_wait3A_447 = arith.constant 0 : i32
    %dma_wait3A_448 = arith.constant 0 : i32
    %dma_wait3A_449 = tpu.memref_slice %arg12[%dma_wait3A_446, %dma_wait3A_447, %dma_wait3A_448] : memref<4x8x131xf32, #tpu.memory_space<vmem>> -> memref<4x8x128xf32, #tpu.memory_space<vmem>>
    tpu.wait_dma2 semaphore(%arg22 : memref<!tpu.dma_semaphore, #tpu.memory_space<semaphore_mem>>) src(%dma_wait3A_449 : memref<4x8x128xf32, #tpu.memory_space<vmem>>) dst(%dma_wait3A_445 : memref<4x8x128xf32, #tpu.memory_space<hbm>>)
    %scan3A_450 = arith.constant 0 : i32
    %scan3A_451 = arith.constant 0 : i32
    %scan3A_452 = arith.constant 128 : i32
    %scan3A_453 = arith.addi %scan3A_451, %scan3A_452 : i32
    %scan3A_454 = arith.constant 4 : i32
    scf.for %scan3A_726 = %scan3A_451 to %scan3A_453 step %scan3A_454  : i32 {
      %broadcast_in_dim3A = arith.constant 0 : i32
      %broadcast_in_dim3A_727 = vector.broadcast %broadcast_in_dim3A : i32 to vector<16xi32>
      %add3A_728 = vector.broadcast %scan3A_726 : i32 to vector<16xi32>
      %add3A_729 = arith.addi %broadcast_in_dim3A_727, %add3A_728 : vector<16xi32>
      %get3A = arith.index_cast %scan3A_726 : i32 to index
      %get3A_730 = arith.constant 0 : index
      %get3A_731 = tpu.vector_load %arg7[%get3A, %get3A_730] {strides = array<i32>} : memref<128x32xf32, #tpu.memory_space<vmem>>, vector<16xf32>,
      %get3A_732 = arith.index_cast %scan3A_726 : i32 to index
      %get3A_733 = arith.constant 16 : index
      %get3A_734 = tpu.vector_load %arg7[%get3A_732, %get3A_733] {strides = array<i32>} : memref<128x32xf32, #tpu.memory_space<vmem>>, vector<16xf32>,
      tpu.vector_store_idx %arg12[%select_n3A, %select_n3A_61, %add3A_729], %get3A_731 : memref<4x8x131xf32, #tpu.memory_space<vmem>>[vector<16xi32>, vector<16xi32>, vector<16xi32>], vector<16xf32>,
      tpu.vector_store_idx %arg12[%select_n3A_95, %select_n3A_120, %add3A_729], %get3A_734 : memref<4x8x131xf32, #tpu.memory_space<vmem>>[vector<16xi32>, vector<16xi32>, vector<16xi32>], vector<16xf32>,
      %scan3A_735 = arith.constant 1 : i32
      %scan3A_736 = arith.addi %scan3A_726, %scan3A_735 : i32
      %broadcast_in_dim3A_737 = arith.constant 0 : i32
      %broadcast_in_dim3A_738 = vector.broadcast %broadcast_in_dim3A_737 : i32 to vector<16xi32>
      %add3A_739 = vector.broadcast %scan3A_736 : i32 to vector<16xi32>
      %add3A_740 = arith.addi %broadcast_in_dim3A_738, %add3A_739 : vector<16xi32>
      %get3A_741 = arith.index_cast %scan3A_736 : i32 to index
      %get3A_742 = arith.constant 0 : index
      %get3A_743 = tpu.vector_load %arg7[%get3A_741, %get3A_742] {strides = array<i32>} : memref<128x32xf32, #tpu.memory_space<vmem>>, vector<16xf32>,
      %get3A_744 = arith.index_cast %scan3A_736 : i32 to index
      %get3A_745 = arith.constant 16 : index
      %get3A_746 = tpu.vector_load %arg7[%get3A_744, %get3A_745] {strides = array<i32>} : memref<128x32xf32, #tpu.memory_space<vmem>>, vector<16xf32>,
      tpu.vector_store_idx %arg12[%select_n3A, %select_n3A_61, %add3A_740], %get3A_743 : memref<4x8x131xf32, #tpu.memory_space<vmem>>[vector<16xi32>, vector<16xi32>, vector<16xi32>], vector<16xf32>,
      tpu.vector_store_idx %arg12[%select_n3A_95, %select_n3A_120, %add3A_740], %get3A_746 : memref<4x8x131xf32, #tpu.memory_space<vmem>>[vector<16xi32>, vector<16xi32>, vector<16xi32>], vector<16xf32>,
      %scan3A_747 = arith.constant 2 : i32
      %scan3A_748 = arith.addi %scan3A_726, %scan3A_747 : i32
      %broadcast_in_dim3A_749 = arith.constant 0 : i32
      %broadcast_in_dim3A_750 = vector.broadcast %broadcast_in_dim3A_749 : i32 to vector<16xi32>
      %add3A_751 = vector.broadcast %scan3A_748 : i32 to vector<16xi32>
      %add3A_752 = arith.addi %broadcast_in_dim3A_750, %add3A_751 : vector<16xi32>
      %get3A_753 = arith.index_cast %scan3A_748 : i32 to index
      %get3A_754 = arith.constant 0 : index
      %get3A_755 = tpu.vector_load %arg7[%get3A_753, %get3A_754] {strides = array<i32>} : memref<128x32xf32, #tpu.memory_space<vmem>>, vector<16xf32>,
      %get3A_756 = arith.index_cast %scan3A_748 : i32 to index
      %get3A_757 = arith.constant 16 : index
      %get3A_758 = tpu.vector_load %arg7[%get3A_756, %get3A_757] {strides = array<i32>} : memref<128x32xf32, #tpu.memory_space<vmem>>, vector<16xf32>,
      tpu.vector_store_idx %arg12[%select_n3A, %select_n3A_61, %add3A_752], %get3A_755 : memref<4x8x131xf32, #tpu.memory_space<vmem>>[vector<16xi32>, vector<16xi32>, vector<16xi32>], vector<16xf32>,
      tpu.vector_store_idx %arg12[%select_n3A_95, %select_n3A_120, %add3A_752], %get3A_758 : memref<4x8x131xf32, #tpu.memory_space<vmem>>[vector<16xi32>, vector<16xi32>, vector<16xi32>], vector<16xf32>,
      %scan3A_759 = arith.constant 3 : i32
      %scan3A_760 = arith.addi %scan3A_726, %scan3A_759 : i32
      %broadcast_in_dim3A_761 = arith.constant 0 : i32
      %broadcast_in_dim3A_762 = vector.broadcast %broadcast_in_dim3A_761 : i32 to vector<16xi32>
      %add3A_763 = vector.broadcast %scan3A_760 : i32 to vector<16xi32>
      %add3A_764 = arith.addi %broadcast_in_dim3A_762, %add3A_763 : vector<16xi32>
      %get3A_765 = arith.index_cast %scan3A_760 : i32 to index
      %get3A_766 = arith.constant 0 : index
      %get3A_767 = tpu.vector_load %arg7[%get3A_765, %get3A_766] {strides = array<i32>} : memref<128x32xf32, #tpu.memory_space<vmem>>, vector<16xf32>,
      %get3A_768 = arith.index_cast %scan3A_760 : i32 to index
      %get3A_769 = arith.constant 16 : index
      %get3A_770 = tpu.vector_load %arg7[%get3A_768, %get3A_769] {strides = array<i32>} : memref<128x32xf32, #tpu.memory_space<vmem>>, vector<16xf32>,
      tpu.vector_store_idx %arg12[%select_n3A, %select_n3A_61, %add3A_764], %get3A_767 : memref<4x8x131xf32, #tpu.memory_space<vmem>>[vector<16xi32>, vector<16xi32>, vector<16xi32>], vector<16xf32>,
      tpu.vector_store_idx %arg12[%select_n3A_95, %select_n3A_120, %add3A_764], %get3A_770 : memref<4x8x131xf32, #tpu.memory_space<vmem>>[vector<16xi32>, vector<16xi32>, vector<16xi32>], vector<16xf32>,
    }
    %scan3A_455 = arith.constant 128 : i32
    %dma_start3A_456 = arith.constant 196 : i32
    %dma_start3A_457 = arith.constant 0 : i32
    %dma_start3A_458 = arith.constant 0 : i32
    %dma_start3A_459 = arith.constant 0 : i32
    %dma_start3A_460 = tpu.memref_slice %arg12[%dma_start3A_457, %dma_start3A_458, %dma_start3A_459] : memref<4x8x131xf32, #tpu.memory_space<vmem>> -> memref<4x8x128xf32, #tpu.memory_space<vmem>>
    %dma_start3A_461 = arith.constant 0 : i32
    %dma_start3A_462 = arith.constant 0 : i32
    %dma_start3A_463 = arith.constant 0 : i32
    %dma_start3A_464 = tpu.memref_slice %arg4[%dma_start3A_456, %dma_start3A_461, %add3A, %dma_start3A_462, %dma_start3A_463] : memref<200x4x32x8x128xf32, #tpu.memory_space<hbm>> -> memref<1x4x1x8x128xf32, #tpu.memory_space<hbm>>
    %dma_start3A_465 = tpu.memref_squeeze %dma_start3A_464 : memref<1x4x1x8x128xf32, #tpu.memory_space<hbm>> -> memref<4x8x128xf32, #tpu.memory_space<hbm>>
    %dma_start3A_466 = arith.constant 0 : i32
    %dma_start3A_467 = arith.constant 0 : i32
    %dma_start3A_468 = arith.constant 0 : i32
    %dma_start3A_469 = tpu.memref_slice %arg4[%dma_start3A_456, %dma_start3A_466, %add3A, %dma_start3A_467, %dma_start3A_468] : memref<200x4x32x8x128xf32, #tpu.memory_space<hbm>> -> memref<1x4x1x8x128xf32, #tpu.memory_space<hbm>>
    %dma_start3A_470 = tpu.memref_squeeze %dma_start3A_469 : memref<1x4x1x8x128xf32, #tpu.memory_space<hbm>> -> memref<4x8x128xf32, #tpu.memory_space<hbm>>
    %dma_start3A_471 = arith.constant 0 : i32
    %dma_start3A_472 = arith.constant 0 : i32
    %dma_start3A_473 = arith.constant 0 : i32
    %dma_start3A_474 = tpu.memref_slice %arg12[%dma_start3A_471, %dma_start3A_472, %dma_start3A_473] : memref<4x8x131xf32, #tpu.memory_space<vmem>> -> memref<4x8x128xf32, #tpu.memory_space<vmem>>
    tpu.enqueue_dma source(%dma_start3A_474 : memref<4x8x128xf32, #tpu.memory_space<vmem>>) target(%dma_start3A_470 : memref<4x8x128xf32, #tpu.memory_space<hbm>>) target_semaphore(%arg22 : memref<!tpu.dma_semaphore, #tpu.memory_space<semaphore_mem>>)
    %dma_wait3A_475 = arith.constant 24 : i32
    %dma_wait3A_476 = arith.constant 5 : i32
    %dma_wait3A_477 = arith.constant 0 : i32
    %dma_wait3A_478 = tpu.memref_slice %arg5[%dma_wait3A_475, %dma_wait3A_476, %dma_wait3A_477] : memref<25x8x128xi32, #tpu.memory_space<vmem>> -> memref<1x1x128xi32, #tpu.memory_space<vmem>>
    %dma_wait3A_479 = tpu.memref_squeeze %dma_wait3A_478 : memref<1x1x128xi32, #tpu.memory_space<vmem>> -> memref<128xi32, #tpu.memory_space<vmem>>
    %dma_wait3A_480 = arith.constant 0 : i32
    %dma_wait3A_481 = arith.constant 0 : i32
    %dma_wait3A_482 = tpu.memref_slice %arg3[%dma_wait3A_480, %dma_wait3A_481] : memref<1000000x32xf32, #tpu.memory_space<hbm>> -> memref<1000000x32xf32, #tpu.memory_space<hbm>>
    tpu.wait_indirect_dma semaphore(%arg18 : memref<!tpu.dma_semaphore, #tpu.memory_space<semaphore_mem>>) src(%dma_wait3A_482 : memref<1000000x32xf32, #tpu.memory_space<hbm>>) dst(%arg8 : memref<128x32xf32, #tpu.memory_space<vmem>>)
    %dma_wait3A_483 = arith.constant 192 : i32
    %dma_wait3A_484 = arith.constant 0 : i32
    %dma_wait3A_485 = arith.constant 0 : i32
    %dma_wait3A_486 = arith.constant 0 : i32
    %dma_wait3A_487 = tpu.memref_slice %arg13[%dma_wait3A_484, %dma_wait3A_485, %dma_wait3A_486] : memref<4x8x131xf32, #tpu.memory_space<vmem>> -> memref<4x8x128xf32, #tpu.memory_space<vmem>>
    %dma_wait3A_488 = arith.constant 0 : i32
    %dma_wait3A_489 = arith.constant 0 : i32
    %dma_wait3A_490 = arith.constant 0 : i32
    %dma_wait3A_491 = tpu.memref_slice %arg4[%dma_wait3A_483, %dma_wait3A_488, %add3A, %dma_wait3A_489, %dma_wait3A_490] : memref<200x4x32x8x128xf32, #tpu.memory_space<hbm>> -> memref<1x4x1x8x128xf32, #tpu.memory_space<hbm>>
    %dma_wait3A_492 = tpu.memref_squeeze %dma_wait3A_491 : memref<1x4x1x8x128xf32, #tpu.memory_space<hbm>> -> memref<4x8x128xf32, #tpu.memory_space<hbm>>
    %dma_wait3A_493 = arith.constant 0 : i32
    %dma_wait3A_494 = arith.constant 0 : i32
    %dma_wait3A_495 = arith.constant 0 : i32
    %dma_wait3A_496 = tpu.memref_slice %arg4[%dma_wait3A_483, %dma_wait3A_493, %add3A, %dma_wait3A_494, %dma_wait3A_495] : memref<200x4x32x8x128xf32, #tpu.memory_space<hbm>> -> memref<1x4x1x8x128xf32, #tpu.memory_space<hbm>>
    %dma_wait3A_497 = tpu.memref_squeeze %dma_wait3A_496 : memref<1x4x1x8x128xf32, #tpu.memory_space<hbm>> -> memref<4x8x128xf32, #tpu.memory_space<hbm>>
    %dma_wait3A_498 = arith.constant 0 : i32
    %dma_wait3A_499 = arith.constant 0 : i32
    %dma_wait3A_500 = arith.constant 0 : i32
    %dma_wait3A_501 = tpu.memref_slice %arg13[%dma_wait3A_498, %dma_wait3A_499, %dma_wait3A_500] : memref<4x8x131xf32, #tpu.memory_space<vmem>> -> memref<4x8x128xf32, #tpu.memory_space<vmem>>
    tpu.wait_dma2 semaphore(%arg23 : memref<!tpu.dma_semaphore, #tpu.memory_space<semaphore_mem>>) src(%dma_wait3A_501 : memref<4x8x128xf32, #tpu.memory_space<vmem>>) dst(%dma_wait3A_497 : memref<4x8x128xf32, #tpu.memory_space<hbm>>)
    %scan3A_502 = arith.constant 0 : i32
    %scan3A_503 = arith.constant 0 : i32
    %scan3A_504 = arith.constant 128 : i32
    %scan3A_505 = arith.addi %scan3A_503, %scan3A_504 : i32
    %scan3A_506 = arith.constant 4 : i32
    scf.for %scan3A_726 = %scan3A_503 to %scan3A_505 step %scan3A_506  : i32 {
      %broadcast_in_dim3A = arith.constant 0 : i32
      %broadcast_in_dim3A_727 = vector.broadcast %broadcast_in_dim3A : i32 to vector<16xi32>
      %add3A_728 = vector.broadcast %scan3A_726 : i32 to vector<16xi32>
      %add3A_729 = arith.addi %broadcast_in_dim3A_727, %add3A_728 : vector<16xi32>
      %get3A = arith.index_cast %scan3A_726 : i32 to index
      %get3A_730 = arith.constant 0 : index
      %get3A_731 = tpu.vector_load %arg8[%get3A, %get3A_730] {strides = array<i32>} : memref<128x32xf32, #tpu.memory_space<vmem>>, vector<16xf32>,
      %get3A_732 = arith.index_cast %scan3A_726 : i32 to index
      %get3A_733 = arith.constant 16 : index
      %get3A_734 = tpu.vector_load %arg8[%get3A_732, %get3A_733] {strides = array<i32>} : memref<128x32xf32, #tpu.memory_space<vmem>>, vector<16xf32>,
      tpu.vector_store_idx %arg13[%select_n3A, %select_n3A_61, %add3A_729], %get3A_731 : memref<4x8x131xf32, #tpu.memory_space<vmem>>[vector<16xi32>, vector<16xi32>, vector<16xi32>], vector<16xf32>,
      tpu.vector_store_idx %arg13[%select_n3A_95, %select_n3A_120, %add3A_729], %get3A_734 : memref<4x8x131xf32, #tpu.memory_space<vmem>>[vector<16xi32>, vector<16xi32>, vector<16xi32>], vector<16xf32>,
      %scan3A_735 = arith.constant 1 : i32
      %scan3A_736 = arith.addi %scan3A_726, %scan3A_735 : i32
      %broadcast_in_dim3A_737 = arith.constant 0 : i32
      %broadcast_in_dim3A_738 = vector.broadcast %broadcast_in_dim3A_737 : i32 to vector<16xi32>
      %add3A_739 = vector.broadcast %scan3A_736 : i32 to vector<16xi32>
      %add3A_740 = arith.addi %broadcast_in_dim3A_738, %add3A_739 : vector<16xi32>
      %get3A_741 = arith.index_cast %scan3A_736 : i32 to index
      %get3A_742 = arith.constant 0 : index
      %get3A_743 = tpu.vector_load %arg8[%get3A_741, %get3A_742] {strides = array<i32>} : memref<128x32xf32, #tpu.memory_space<vmem>>, vector<16xf32>,
      %get3A_744 = arith.index_cast %scan3A_736 : i32 to index
      %get3A_745 = arith.constant 16 : index
      %get3A_746 = tpu.vector_load %arg8[%get3A_744, %get3A_745] {strides = array<i32>} : memref<128x32xf32, #tpu.memory_space<vmem>>, vector<16xf32>,
      tpu.vector_store_idx %arg13[%select_n3A, %select_n3A_61, %add3A_740], %get3A_743 : memref<4x8x131xf32, #tpu.memory_space<vmem>>[vector<16xi32>, vector<16xi32>, vector<16xi32>], vector<16xf32>,
      tpu.vector_store_idx %arg13[%select_n3A_95, %select_n3A_120, %add3A_740], %get3A_746 : memref<4x8x131xf32, #tpu.memory_space<vmem>>[vector<16xi32>, vector<16xi32>, vector<16xi32>], vector<16xf32>,
      %scan3A_747 = arith.constant 2 : i32
      %scan3A_748 = arith.addi %scan3A_726, %scan3A_747 : i32
      %broadcast_in_dim3A_749 = arith.constant 0 : i32
      %broadcast_in_dim3A_750 = vector.broadcast %broadcast_in_dim3A_749 : i32 to vector<16xi32>
      %add3A_751 = vector.broadcast %scan3A_748 : i32 to vector<16xi32>
      %add3A_752 = arith.addi %broadcast_in_dim3A_750, %add3A_751 : vector<16xi32>
      %get3A_753 = arith.index_cast %scan3A_748 : i32 to index
      %get3A_754 = arith.constant 0 : index
      %get3A_755 = tpu.vector_load %arg8[%get3A_753, %get3A_754] {strides = array<i32>} : memref<128x32xf32, #tpu.memory_space<vmem>>, vector<16xf32>,
      %get3A_756 = arith.index_cast %scan3A_748 : i32 to index
      %get3A_757 = arith.constant 16 : index
      %get3A_758 = tpu.vector_load %arg8[%get3A_756, %get3A_757] {strides = array<i32>} : memref<128x32xf32, #tpu.memory_space<vmem>>, vector<16xf32>,
      tpu.vector_store_idx %arg13[%select_n3A, %select_n3A_61, %add3A_752], %get3A_755 : memref<4x8x131xf32, #tpu.memory_space<vmem>>[vector<16xi32>, vector<16xi32>, vector<16xi32>], vector<16xf32>,
      tpu.vector_store_idx %arg13[%select_n3A_95, %select_n3A_120, %add3A_752], %get3A_758 : memref<4x8x131xf32, #tpu.memory_space<vmem>>[vector<16xi32>, vector<16xi32>, vector<16xi32>], vector<16xf32>,
      %scan3A_759 = arith.constant 3 : i32
      %scan3A_760 = arith.addi %scan3A_726, %scan3A_759 : i32
      %broadcast_in_dim3A_761 = arith.constant 0 : i32
      %broadcast_in_dim3A_762 = vector.broadcast %broadcast_in_dim3A_761 : i32 to vector<16xi32>
      %add3A_763 = vector.broadcast %scan3A_760 : i32 to vector<16xi32>
      %add3A_764 = arith.addi %broadcast_in_dim3A_762, %add3A_763 : vector<16xi32>
      %get3A_765 = arith.index_cast %scan3A_760 : i32 to index
      %get3A_766 = arith.constant 0 : index
      %get3A_767 = tpu.vector_load %arg8[%get3A_765, %get3A_766] {strides = array<i32>} : memref<128x32xf32, #tpu.memory_space<vmem>>, vector<16xf32>,
      %get3A_768 = arith.index_cast %scan3A_760 : i32 to index
      %get3A_769 = arith.constant 16 : index
      %get3A_770 = tpu.vector_load %arg8[%get3A_768, %get3A_769] {strides = array<i32>} : memref<128x32xf32, #tpu.memory_space<vmem>>, vector<16xf32>,
      tpu.vector_store_idx %arg13[%select_n3A, %select_n3A_61, %add3A_764], %get3A_767 : memref<4x8x131xf32, #tpu.memory_space<vmem>>[vector<16xi32>, vector<16xi32>, vector<16xi32>], vector<16xf32>,
      tpu.vector_store_idx %arg13[%select_n3A_95, %select_n3A_120, %add3A_764], %get3A_770 : memref<4x8x131xf32, #tpu.memory_space<vmem>>[vector<16xi32>, vector<16xi32>, vector<16xi32>], vector<16xf32>,
    }
    %scan3A_507 = arith.constant 128 : i32
    %dma_start3A_508 = arith.constant 197 : i32
    %dma_start3A_509 = arith.constant 0 : i32
    %dma_start3A_510 = arith.constant 0 : i32
    %dma_start3A_511 = arith.constant 0 : i32
    %dma_start3A_512 = tpu.memref_slice %arg13[%dma_start3A_509, %dma_start3A_510, %dma_start3A_511] : memref<4x8x131xf32, #tpu.memory_space<vmem>> -> memref<4x8x128xf32, #tpu.memory_space<vmem>>
    %dma_start3A_513 = arith.constant 0 : i32
    %dma_start3A_514 = arith.constant 0 : i32
    %dma_start3A_515 = arith.constant 0 : i32
    %dma_start3A_516 = tpu.memref_slice %arg4[%dma_start3A_508, %dma_start3A_513, %add3A, %dma_start3A_514, %dma_start3A_515] : memref<200x4x32x8x128xf32, #tpu.memory_space<hbm>> -> memref<1x4x1x8x128xf32, #tpu.memory_space<hbm>>
    %dma_start3A_517 = tpu.memref_squeeze %dma_start3A_516 : memref<1x4x1x8x128xf32, #tpu.memory_space<hbm>> -> memref<4x8x128xf32, #tpu.memory_space<hbm>>
    %dma_start3A_518 = arith.constant 0 : i32
    %dma_start3A_519 = arith.constant 0 : i32
    %dma_start3A_520 = arith.constant 0 : i32
    %dma_start3A_521 = tpu.memref_slice %arg4[%dma_start3A_508, %dma_start3A_518, %add3A, %dma_start3A_519, %dma_start3A_520] : memref<200x4x32x8x128xf32, #tpu.memory_space<hbm>> -> memref<1x4x1x8x128xf32, #tpu.memory_space<hbm>>
    %dma_start3A_522 = tpu.memref_squeeze %dma_start3A_521 : memref<1x4x1x8x128xf32, #tpu.memory_space<hbm>> -> memref<4x8x128xf32, #tpu.memory_space<hbm>>
    %dma_start3A_523 = arith.constant 0 : i32
    %dma_start3A_524 = arith.constant 0 : i32
    %dma_start3A_525 = arith.constant 0 : i32
    %dma_start3A_526 = tpu.memref_slice %arg13[%dma_start3A_523, %dma_start3A_524, %dma_start3A_525] : memref<4x8x131xf32, #tpu.memory_space<vmem>> -> memref<4x8x128xf32, #tpu.memory_space<vmem>>
    tpu.enqueue_dma source(%dma_start3A_526 : memref<4x8x128xf32, #tpu.memory_space<vmem>>) target(%dma_start3A_522 : memref<4x8x128xf32, #tpu.memory_space<hbm>>) target_semaphore(%arg23 : memref<!tpu.dma_semaphore, #tpu.memory_space<semaphore_mem>>)
    %dma_wait3A_527 = arith.constant 24 : i32
    %dma_wait3A_528 = arith.constant 6 : i32
    %dma_wait3A_529 = arith.constant 0 : i32
    %dma_wait3A_530 = tpu.memref_slice %arg5[%dma_wait3A_527, %dma_wait3A_528, %dma_wait3A_529] : memref<25x8x128xi32, #tpu.memory_space<vmem>> -> memref<1x1x128xi32, #tpu.memory_space<vmem>>
    %dma_wait3A_531 = tpu.memref_squeeze %dma_wait3A_530 : memref<1x1x128xi32, #tpu.memory_space<vmem>> -> memref<128xi32, #tpu.memory_space<vmem>>
    %dma_wait3A_532 = arith.constant 0 : i32
    %dma_wait3A_533 = arith.constant 0 : i32
    %dma_wait3A_534 = tpu.memref_slice %arg3[%dma_wait3A_532, %dma_wait3A_533] : memref<1000000x32xf32, #tpu.memory_space<hbm>> -> memref<1000000x32xf32, #tpu.memory_space<hbm>>
    tpu.wait_indirect_dma semaphore(%arg19 : memref<!tpu.dma_semaphore, #tpu.memory_space<semaphore_mem>>) src(%dma_wait3A_534 : memref<1000000x32xf32, #tpu.memory_space<hbm>>) dst(%arg9 : memref<128x32xf32, #tpu.memory_space<vmem>>)
    %dma_wait3A_535 = arith.constant 193 : i32
    %dma_wait3A_536 = arith.constant 0 : i32
    %dma_wait3A_537 = arith.constant 0 : i32
    %dma_wait3A_538 = arith.constant 0 : i32
    %dma_wait3A_539 = tpu.memref_slice %arg14[%dma_wait3A_536, %dma_wait3A_537, %dma_wait3A_538] : memref<4x8x131xf32, #tpu.memory_space<vmem>> -> memref<4x8x128xf32, #tpu.memory_space<vmem>>
    %dma_wait3A_540 = arith.constant 0 : i32
    %dma_wait3A_541 = arith.constant 0 : i32
    %dma_wait3A_542 = arith.constant 0 : i32
    %dma_wait3A_543 = tpu.memref_slice %arg4[%dma_wait3A_535, %dma_wait3A_540, %add3A, %dma_wait3A_541, %dma_wait3A_542] : memref<200x4x32x8x128xf32, #tpu.memory_space<hbm>> -> memref<1x4x1x8x128xf32, #tpu.memory_space<hbm>>
    %dma_wait3A_544 = tpu.memref_squeeze %dma_wait3A_543 : memref<1x4x1x8x128xf32, #tpu.memory_space<hbm>> -> memref<4x8x128xf32, #tpu.memory_space<hbm>>
    %dma_wait3A_545 = arith.constant 0 : i32
    %dma_wait3A_546 = arith.constant 0 : i32
    %dma_wait3A_547 = arith.constant 0 : i32
    %dma_wait3A_548 = tpu.memref_slice %arg4[%dma_wait3A_535, %dma_wait3A_545, %add3A, %dma_wait3A_546, %dma_wait3A_547] : memref<200x4x32x8x128xf32, #tpu.memory_space<hbm>> -> memref<1x4x1x8x128xf32, #tpu.memory_space<hbm>>
    %dma_wait3A_549 = tpu.memref_squeeze %dma_wait3A_548 : memref<1x4x1x8x128xf32, #tpu.memory_space<hbm>> -> memref<4x8x128xf32, #tpu.memory_space<hbm>>
    %dma_wait3A_550 = arith.constant 0 : i32
    %dma_wait3A_551 = arith.constant 0 : i32
    %dma_wait3A_552 = arith.constant 0 : i32
    %dma_wait3A_553 = tpu.memref_slice %arg14[%dma_wait3A_550, %dma_wait3A_551, %dma_wait3A_552] : memref<4x8x131xf32, #tpu.memory_space<vmem>> -> memref<4x8x128xf32, #tpu.memory_space<vmem>>
    tpu.wait_dma2 semaphore(%arg24 : memref<!tpu.dma_semaphore, #tpu.memory_space<semaphore_mem>>) src(%dma_wait3A_553 : memref<4x8x128xf32, #tpu.memory_space<vmem>>) dst(%dma_wait3A_549 : memref<4x8x128xf32, #tpu.memory_space<hbm>>)
    %scan3A_554 = arith.constant 0 : i32
    %scan3A_555 = arith.constant 0 : i32
    %scan3A_556 = arith.constant 128 : i32
    %scan3A_557 = arith.addi %scan3A_555, %scan3A_556 : i32
    %scan3A_558 = arith.constant 4 : i32
    scf.for %scan3A_726 = %scan3A_555 to %scan3A_557 step %scan3A_558  : i32 {
      %broadcast_in_dim3A = arith.constant 0 : i32
      %broadcast_in_dim3A_727 = vector.broadcast %broadcast_in_dim3A : i32 to vector<16xi32>
      %add3A_728 = vector.broadcast %scan3A_726 : i32 to vector<16xi32>
      %add3A_729 = arith.addi %broadcast_in_dim3A_727, %add3A_728 : vector<16xi32>
      %get3A = arith.index_cast %scan3A_726 : i32 to index
      %get3A_730 = arith.constant 0 : index
      %get3A_731 = tpu.vector_load %arg9[%get3A, %get3A_730] {strides = array<i32>} : memref<128x32xf32, #tpu.memory_space<vmem>>, vector<16xf32>,
      %get3A_732 = arith.index_cast %scan3A_726 : i32 to index
      %get3A_733 = arith.constant 16 : index
      %get3A_734 = tpu.vector_load %arg9[%get3A_732, %get3A_733] {strides = array<i32>} : memref<128x32xf32, #tpu.memory_space<vmem>>, vector<16xf32>,
      tpu.vector_store_idx %arg14[%select_n3A, %select_n3A_61, %add3A_729], %get3A_731 : memref<4x8x131xf32, #tpu.memory_space<vmem>>[vector<16xi32>, vector<16xi32>, vector<16xi32>], vector<16xf32>,
      tpu.vector_store_idx %arg14[%select_n3A_95, %select_n3A_120, %add3A_729], %get3A_734 : memref<4x8x131xf32, #tpu.memory_space<vmem>>[vector<16xi32>, vector<16xi32>, vector<16xi32>], vector<16xf32>,
      %scan3A_735 = arith.constant 1 : i32
      %scan3A_736 = arith.addi %scan3A_726, %scan3A_735 : i32
      %broadcast_in_dim3A_737 = arith.constant 0 : i32
      %broadcast_in_dim3A_738 = vector.broadcast %broadcast_in_dim3A_737 : i32 to vector<16xi32>
      %add3A_739 = vector.broadcast %scan3A_736 : i32 to vector<16xi32>
      %add3A_740 = arith.addi %broadcast_in_dim3A_738, %add3A_739 : vector<16xi32>
      %get3A_741 = arith.index_cast %scan3A_736 : i32 to index
      %get3A_742 = arith.constant 0 : index
      %get3A_743 = tpu.vector_load %arg9[%get3A_741, %get3A_742] {strides = array<i32>} : memref<128x32xf32, #tpu.memory_space<vmem>>, vector<16xf32>,
      %get3A_744 = arith.index_cast %scan3A_736 : i32 to index
      %get3A_745 = arith.constant 16 : index
      %get3A_746 = tpu.vector_load %arg9[%get3A_744, %get3A_745] {strides = array<i32>} : memref<128x32xf32, #tpu.memory_space<vmem>>, vector<16xf32>,
      tpu.vector_store_idx %arg14[%select_n3A, %select_n3A_61, %add3A_740], %get3A_743 : memref<4x8x131xf32, #tpu.memory_space<vmem>>[vector<16xi32>, vector<16xi32>, vector<16xi32>], vector<16xf32>,
      tpu.vector_store_idx %arg14[%select_n3A_95, %select_n3A_120, %add3A_740], %get3A_746 : memref<4x8x131xf32, #tpu.memory_space<vmem>>[vector<16xi32>, vector<16xi32>, vector<16xi32>], vector<16xf32>,
      %scan3A_747 = arith.constant 2 : i32
      %scan3A_748 = arith.addi %scan3A_726, %scan3A_747 : i32
      %broadcast_in_dim3A_749 = arith.constant 0 : i32
      %broadcast_in_dim3A_750 = vector.broadcast %broadcast_in_dim3A_749 : i32 to vector<16xi32>
      %add3A_751 = vector.broadcast %scan3A_748 : i32 to vector<16xi32>
      %add3A_752 = arith.addi %broadcast_in_dim3A_750, %add3A_751 : vector<16xi32>
      %get3A_753 = arith.index_cast %scan3A_748 : i32 to index
      %get3A_754 = arith.constant 0 : index
      %get3A_755 = tpu.vector_load %arg9[%get3A_753, %get3A_754] {strides = array<i32>} : memref<128x32xf32, #tpu.memory_space<vmem>>, vector<16xf32>,
      %get3A_756 = arith.index_cast %scan3A_748 : i32 to index
      %get3A_757 = arith.constant 16 : index
      %get3A_758 = tpu.vector_load %arg9[%get3A_756, %get3A_757] {strides = array<i32>} : memref<128x32xf32, #tpu.memory_space<vmem>>, vector<16xf32>,
      tpu.vector_store_idx %arg14[%select_n3A, %select_n3A_61, %add3A_752], %get3A_755 : memref<4x8x131xf32, #tpu.memory_space<vmem>>[vector<16xi32>, vector<16xi32>, vector<16xi32>], vector<16xf32>,
      tpu.vector_store_idx %arg14[%select_n3A_95, %select_n3A_120, %add3A_752], %get3A_758 : memref<4x8x131xf32, #tpu.memory_space<vmem>>[vector<16xi32>, vector<16xi32>, vector<16xi32>], vector<16xf32>,
      %scan3A_759 = arith.constant 3 : i32
      %scan3A_760 = arith.addi %scan3A_726, %scan3A_759 : i32
      %broadcast_in_dim3A_761 = arith.constant 0 : i32
      %broadcast_in_dim3A_762 = vector.broadcast %broadcast_in_dim3A_761 : i32 to vector<16xi32>
      %add3A_763 = vector.broadcast %scan3A_760 : i32 to vector<16xi32>
      %add3A_764 = arith.addi %broadcast_in_dim3A_762, %add3A_763 : vector<16xi32>
      %get3A_765 = arith.index_cast %scan3A_760 : i32 to index
      %get3A_766 = arith.constant 0 : index
      %get3A_767 = tpu.vector_load %arg9[%get3A_765, %get3A_766] {strides = array<i32>} : memref<128x32xf32, #tpu.memory_space<vmem>>, vector<16xf32>,
      %get3A_768 = arith.index_cast %scan3A_760 : i32 to index
      %get3A_769 = arith.constant 16 : index
      %get3A_770 = tpu.vector_load %arg9[%get3A_768, %get3A_769] {strides = array<i32>} : memref<128x32xf32, #tpu.memory_space<vmem>>, vector<16xf32>,
      tpu.vector_store_idx %arg14[%select_n3A, %select_n3A_61, %add3A_764], %get3A_767 : memref<4x8x131xf32, #tpu.memory_space<vmem>>[vector<16xi32>, vector<16xi32>, vector<16xi32>], vector<16xf32>,
      tpu.vector_store_idx %arg14[%select_n3A_95, %select_n3A_120, %add3A_764], %get3A_770 : memref<4x8x131xf32, #tpu.memory_space<vmem>>[vector<16xi32>, vector<16xi32>, vector<16xi32>], vector<16xf32>,
    }
    %scan3A_559 = arith.constant 128 : i32
    %dma_start3A_560 = arith.constant 198 : i32
    %dma_start3A_561 = arith.constant 0 : i32
    %dma_start3A_562 = arith.constant 0 : i32
    %dma_start3A_563 = arith.constant 0 : i32
    %dma_start3A_564 = tpu.memref_slice %arg14[%dma_start3A_561, %dma_start3A_562, %dma_start3A_563] : memref<4x8x131xf32, #tpu.memory_space<vmem>> -> memref<4x8x128xf32, #tpu.memory_space<vmem>>
    %dma_start3A_565 = arith.constant 0 : i32
    %dma_start3A_566 = arith.constant 0 : i32
    %dma_start3A_567 = arith.constant 0 : i32
    %dma_start3A_568 = tpu.memref_slice %arg4[%dma_start3A_560, %dma_start3A_565, %add3A, %dma_start3A_566, %dma_start3A_567] : memref<200x4x32x8x128xf32, #tpu.memory_space<hbm>> -> memref<1x4x1x8x128xf32, #tpu.memory_space<hbm>>
    %dma_start3A_569 = tpu.memref_squeeze %dma_start3A_568 : memref<1x4x1x8x128xf32, #tpu.memory_space<hbm>> -> memref<4x8x128xf32, #tpu.memory_space<hbm>>
    %dma_start3A_570 = arith.constant 0 : i32
    %dma_start3A_571 = arith.constant 0 : i32
    %dma_start3A_572 = arith.constant 0 : i32
    %dma_start3A_573 = tpu.memref_slice %arg4[%dma_start3A_560, %dma_start3A_570, %add3A, %dma_start3A_571, %dma_start3A_572] : memref<200x4x32x8x128xf32, #tpu.memory_space<hbm>> -> memref<1x4x1x8x128xf32, #tpu.memory_space<hbm>>
    %dma_start3A_574 = tpu.memref_squeeze %dma_start3A_573 : memref<1x4x1x8x128xf32, #tpu.memory_space<hbm>> -> memref<4x8x128xf32, #tpu.memory_space<hbm>>
    %dma_start3A_575 = arith.constant 0 : i32
    %dma_start3A_576 = arith.constant 0 : i32
    %dma_start3A_577 = arith.constant 0 : i32
    %dma_start3A_578 = tpu.memref_slice %arg14[%dma_start3A_575, %dma_start3A_576, %dma_start3A_577] : memref<4x8x131xf32, #tpu.memory_space<vmem>> -> memref<4x8x128xf32, #tpu.memory_space<vmem>>
    tpu.enqueue_dma source(%dma_start3A_578 : memref<4x8x128xf32, #tpu.memory_space<vmem>>) target(%dma_start3A_574 : memref<4x8x128xf32, #tpu.memory_space<hbm>>) target_semaphore(%arg24 : memref<!tpu.dma_semaphore, #tpu.memory_space<semaphore_mem>>)
    %dma_wait3A_579 = arith.constant 24 : i32
    %dma_wait3A_580 = arith.constant 7 : i32
    %dma_wait3A_581 = arith.constant 0 : i32
    %dma_wait3A_582 = tpu.memref_slice %arg5[%dma_wait3A_579, %dma_wait3A_580, %dma_wait3A_581] : memref<25x8x128xi32, #tpu.memory_space<vmem>> -> memref<1x1x128xi32, #tpu.memory_space<vmem>>
    %dma_wait3A_583 = tpu.memref_squeeze %dma_wait3A_582 : memref<1x1x128xi32, #tpu.memory_space<vmem>> -> memref<128xi32, #tpu.memory_space<vmem>>
    %dma_wait3A_584 = arith.constant 0 : i32
    %dma_wait3A_585 = arith.constant 0 : i32
    %dma_wait3A_586 = tpu.memref_slice %arg3[%dma_wait3A_584, %dma_wait3A_585] : memref<1000000x32xf32, #tpu.memory_space<hbm>> -> memref<1000000x32xf32, #tpu.memory_space<hbm>>
    tpu.wait_indirect_dma semaphore(%arg20 : memref<!tpu.dma_semaphore, #tpu.memory_space<semaphore_mem>>) src(%dma_wait3A_586 : memref<1000000x32xf32, #tpu.memory_space<hbm>>) dst(%arg10 : memref<128x32xf32, #tpu.memory_space<vmem>>)
    %dma_wait3A_587 = arith.constant 194 : i32
    %dma_wait3A_588 = arith.constant 0 : i32
    %dma_wait3A_589 = arith.constant 0 : i32
    %dma_wait3A_590 = arith.constant 0 : i32
    %dma_wait3A_591 = tpu.memref_slice %arg15[%dma_wait3A_588, %dma_wait3A_589, %dma_wait3A_590] : memref<4x8x131xf32, #tpu.memory_space<vmem>> -> memref<4x8x128xf32, #tpu.memory_space<vmem>>
    %dma_wait3A_592 = arith.constant 0 : i32
    %dma_wait3A_593 = arith.constant 0 : i32
    %dma_wait3A_594 = arith.constant 0 : i32
    %dma_wait3A_595 = tpu.memref_slice %arg4[%dma_wait3A_587, %dma_wait3A_592, %add3A, %dma_wait3A_593, %dma_wait3A_594] : memref<200x4x32x8x128xf32, #tpu.memory_space<hbm>> -> memref<1x4x1x8x128xf32, #tpu.memory_space<hbm>>
    %dma_wait3A_596 = tpu.memref_squeeze %dma_wait3A_595 : memref<1x4x1x8x128xf32, #tpu.memory_space<hbm>> -> memref<4x8x128xf32, #tpu.memory_space<hbm>>
    %dma_wait3A_597 = arith.constant 0 : i32
    %dma_wait3A_598 = arith.constant 0 : i32
    %dma_wait3A_599 = arith.constant 0 : i32
    %dma_wait3A_600 = tpu.memref_slice %arg4[%dma_wait3A_587, %dma_wait3A_597, %add3A, %dma_wait3A_598, %dma_wait3A_599] : memref<200x4x32x8x128xf32, #tpu.memory_space<hbm>> -> memref<1x4x1x8x128xf32, #tpu.memory_space<hbm>>
    %dma_wait3A_601 = tpu.memref_squeeze %dma_wait3A_600 : memref<1x4x1x8x128xf32, #tpu.memory_space<hbm>> -> memref<4x8x128xf32, #tpu.memory_space<hbm>>
    %dma_wait3A_602 = arith.constant 0 : i32
    %dma_wait3A_603 = arith.constant 0 : i32
    %dma_wait3A_604 = arith.constant 0 : i32
    %dma_wait3A_605 = tpu.memref_slice %arg15[%dma_wait3A_602, %dma_wait3A_603, %dma_wait3A_604] : memref<4x8x131xf32, #tpu.memory_space<vmem>> -> memref<4x8x128xf32, #tpu.memory_space<vmem>>
    tpu.wait_dma2 semaphore(%arg25 : memref<!tpu.dma_semaphore, #tpu.memory_space<semaphore_mem>>) src(%dma_wait3A_605 : memref<4x8x128xf32, #tpu.memory_space<vmem>>) dst(%dma_wait3A_601 : memref<4x8x128xf32, #tpu.memory_space<hbm>>)
    %scan3A_606 = arith.constant 0 : i32
    %scan3A_607 = arith.constant 0 : i32
    %scan3A_608 = arith.constant 128 : i32
    %scan3A_609 = arith.addi %scan3A_607, %scan3A_608 : i32
    %scan3A_610 = arith.constant 4 : i32
    scf.for %scan3A_726 = %scan3A_607 to %scan3A_609 step %scan3A_610  : i32 {
      %broadcast_in_dim3A = arith.constant 0 : i32
      %broadcast_in_dim3A_727 = vector.broadcast %broadcast_in_dim3A : i32 to vector<16xi32>
      %add3A_728 = vector.broadcast %scan3A_726 : i32 to vector<16xi32>
      %add3A_729 = arith.addi %broadcast_in_dim3A_727, %add3A_728 : vector<16xi32>
      %get3A = arith.index_cast %scan3A_726 : i32 to index
      %get3A_730 = arith.constant 0 : index
      %get3A_731 = tpu.vector_load %arg10[%get3A, %get3A_730] {strides = array<i32>} : memref<128x32xf32, #tpu.memory_space<vmem>>, vector<16xf32>,
      %get3A_732 = arith.index_cast %scan3A_726 : i32 to index
      %get3A_733 = arith.constant 16 : index
      %get3A_734 = tpu.vector_load %arg10[%get3A_732, %get3A_733] {strides = array<i32>} : memref<128x32xf32, #tpu.memory_space<vmem>>, vector<16xf32>,
      tpu.vector_store_idx %arg15[%select_n3A, %select_n3A_61, %add3A_729], %get3A_731 : memref<4x8x131xf32, #tpu.memory_space<vmem>>[vector<16xi32>, vector<16xi32>, vector<16xi32>], vector<16xf32>,
      tpu.vector_store_idx %arg15[%select_n3A_95, %select_n3A_120, %add3A_729], %get3A_734 : memref<4x8x131xf32, #tpu.memory_space<vmem>>[vector<16xi32>, vector<16xi32>, vector<16xi32>], vector<16xf32>,
      %scan3A_735 = arith.constant 1 : i32
      %scan3A_736 = arith.addi %scan3A_726, %scan3A_735 : i32
      %broadcast_in_dim3A_737 = arith.constant 0 : i32
      %broadcast_in_dim3A_738 = vector.broadcast %broadcast_in_dim3A_737 : i32 to vector<16xi32>
      %add3A_739 = vector.broadcast %scan3A_736 : i32 to vector<16xi32>
      %add3A_740 = arith.addi %broadcast_in_dim3A_738, %add3A_739 : vector<16xi32>
      %get3A_741 = arith.index_cast %scan3A_736 : i32 to index
      %get3A_742 = arith.constant 0 : index
      %get3A_743 = tpu.vector_load %arg10[%get3A_741, %get3A_742] {strides = array<i32>} : memref<128x32xf32, #tpu.memory_space<vmem>>, vector<16xf32>,
      %get3A_744 = arith.index_cast %scan3A_736 : i32 to index
      %get3A_745 = arith.constant 16 : index
      %get3A_746 = tpu.vector_load %arg10[%get3A_744, %get3A_745] {strides = array<i32>} : memref<128x32xf32, #tpu.memory_space<vmem>>, vector<16xf32>,
      tpu.vector_store_idx %arg15[%select_n3A, %select_n3A_61, %add3A_740], %get3A_743 : memref<4x8x131xf32, #tpu.memory_space<vmem>>[vector<16xi32>, vector<16xi32>, vector<16xi32>], vector<16xf32>,
      tpu.vector_store_idx %arg15[%select_n3A_95, %select_n3A_120, %add3A_740], %get3A_746 : memref<4x8x131xf32, #tpu.memory_space<vmem>>[vector<16xi32>, vector<16xi32>, vector<16xi32>], vector<16xf32>,
      %scan3A_747 = arith.constant 2 : i32
      %scan3A_748 = arith.addi %scan3A_726, %scan3A_747 : i32
      %broadcast_in_dim3A_749 = arith.constant 0 : i32
      %broadcast_in_dim3A_750 = vector.broadcast %broadcast_in_dim3A_749 : i32 to vector<16xi32>
      %add3A_751 = vector.broadcast %scan3A_748 : i32 to vector<16xi32>
      %add3A_752 = arith.addi %broadcast_in_dim3A_750, %add3A_751 : vector<16xi32>
      %get3A_753 = arith.index_cast %scan3A_748 : i32 to index
      %get3A_754 = arith.constant 0 : index
      %get3A_755 = tpu.vector_load %arg10[%get3A_753, %get3A_754] {strides = array<i32>} : memref<128x32xf32, #tpu.memory_space<vmem>>, vector<16xf32>,
      %get3A_756 = arith.index_cast %scan3A_748 : i32 to index
      %get3A_757 = arith.constant 16 : index
      %get3A_758 = tpu.vector_load %arg10[%get3A_756, %get3A_757] {strides = array<i32>} : memref<128x32xf32, #tpu.memory_space<vmem>>, vector<16xf32>,
      tpu.vector_store_idx %arg15[%select_n3A, %select_n3A_61, %add3A_752], %get3A_755 : memref<4x8x131xf32, #tpu.memory_space<vmem>>[vector<16xi32>, vector<16xi32>, vector<16xi32>], vector<16xf32>,
      tpu.vector_store_idx %arg15[%select_n3A_95, %select_n3A_120, %add3A_752], %get3A_758 : memref<4x8x131xf32, #tpu.memory_space<vmem>>[vector<16xi32>, vector<16xi32>, vector<16xi32>], vector<16xf32>,
      %scan3A_759 = arith.constant 3 : i32
      %scan3A_760 = arith.addi %scan3A_726, %scan3A_759 : i32
      %broadcast_in_dim3A_761 = arith.constant 0 : i32
      %broadcast_in_dim3A_762 = vector.broadcast %broadcast_in_dim3A_761 : i32 to vector<16xi32>
      %add3A_763 = vector.broadcast %scan3A_760 : i32 to vector<16xi32>
      %add3A_764 = arith.addi %broadcast_in_dim3A_762, %add3A_763 : vector<16xi32>
      %get3A_765 = arith.index_cast %scan3A_760 : i32 to index
      %get3A_766 = arith.constant 0 : index
      %get3A_767 = tpu.vector_load %arg10[%get3A_765, %get3A_766] {strides = array<i32>} : memref<128x32xf32, #tpu.memory_space<vmem>>, vector<16xf32>,
      %get3A_768 = arith.index_cast %scan3A_760 : i32 to index
      %get3A_769 = arith.constant 16 : index
      %get3A_770 = tpu.vector_load %arg10[%get3A_768, %get3A_769] {strides = array<i32>} : memref<128x32xf32, #tpu.memory_space<vmem>>, vector<16xf32>,
      tpu.vector_store_idx %arg15[%select_n3A, %select_n3A_61, %add3A_764], %get3A_767 : memref<4x8x131xf32, #tpu.memory_space<vmem>>[vector<16xi32>, vector<16xi32>, vector<16xi32>], vector<16xf32>,
      tpu.vector_store_idx %arg15[%select_n3A_95, %select_n3A_120, %add3A_764], %get3A_770 : memref<4x8x131xf32, #tpu.memory_space<vmem>>[vector<16xi32>, vector<16xi32>, vector<16xi32>], vector<16xf32>,
    }
    %scan3A_611 = arith.constant 128 : i32
    %dma_start3A_612 = arith.constant 199 : i32
    %dma_start3A_613 = arith.constant 0 : i32
    %dma_start3A_614 = arith.constant 0 : i32
    %dma_start3A_615 = arith.constant 0 : i32
    %dma_start3A_616 = tpu.memref_slice %arg15[%dma_start3A_613, %dma_start3A_614, %dma_start3A_615] : memref<4x8x131xf32, #tpu.memory_space<vmem>> -> memref<4x8x128xf32, #tpu.memory_space<vmem>>
    %dma_start3A_617 = arith.constant 0 : i32
    %dma_start3A_618 = arith.constant 0 : i32
    %dma_start3A_619 = arith.constant 0 : i32
    %dma_start3A_620 = tpu.memref_slice %arg4[%dma_start3A_612, %dma_start3A_617, %add3A, %dma_start3A_618, %dma_start3A_619] : memref<200x4x32x8x128xf32, #tpu.memory_space<hbm>> -> memref<1x4x1x8x128xf32, #tpu.memory_space<hbm>>
    %dma_start3A_621 = tpu.memref_squeeze %dma_start3A_620 : memref<1x4x1x8x128xf32, #tpu.memory_space<hbm>> -> memref<4x8x128xf32, #tpu.memory_space<hbm>>
    %dma_start3A_622 = arith.constant 0 : i32
    %dma_start3A_623 = arith.constant 0 : i32
    %dma_start3A_624 = arith.constant 0 : i32
    %dma_start3A_625 = tpu.memref_slice %arg4[%dma_start3A_612, %dma_start3A_622, %add3A, %dma_start3A_623, %dma_start3A_624] : memref<200x4x32x8x128xf32, #tpu.memory_space<hbm>> -> memref<1x4x1x8x128xf32, #tpu.memory_space<hbm>>
    %dma_start3A_626 = tpu.memref_squeeze %dma_start3A_625 : memref<1x4x1x8x128xf32, #tpu.memory_space<hbm>> -> memref<4x8x128xf32, #tpu.memory_space<hbm>>
    %dma_start3A_627 = arith.constant 0 : i32
    %dma_start3A_628 = arith.constant 0 : i32
    %dma_start3A_629 = arith.constant 0 : i32
    %dma_start3A_630 = tpu.memref_slice %arg15[%dma_start3A_627, %dma_start3A_628, %dma_start3A_629] : memref<4x8x131xf32, #tpu.memory_space<vmem>> -> memref<4x8x128xf32, #tpu.memory_space<vmem>>
    tpu.enqueue_dma source(%dma_start3A_630 : memref<4x8x128xf32, #tpu.memory_space<vmem>>) target(%dma_start3A_626 : memref<4x8x128xf32, #tpu.memory_space<hbm>>) target_semaphore(%arg25 : memref<!tpu.dma_semaphore, #tpu.memory_space<semaphore_mem>>)
    %dma_wait3A_631 = arith.constant 195 : i32
    %dma_wait3A_632 = arith.constant 0 : i32
    %dma_wait3A_633 = arith.constant 0 : i32
    %dma_wait3A_634 = arith.constant 0 : i32
    %dma_wait3A_635 = tpu.memref_slice %arg11[%dma_wait3A_632, %dma_wait3A_633, %dma_wait3A_634] : memref<4x8x131xf32, #tpu.memory_space<vmem>> -> memref<4x8x128xf32, #tpu.memory_space<vmem>>
    %dma_wait3A_636 = arith.constant 0 : i32
    %dma_wait3A_637 = arith.constant 0 : i32
    %dma_wait3A_638 = arith.constant 0 : i32
    %dma_wait3A_639 = tpu.memref_slice %arg4[%dma_wait3A_631, %dma_wait3A_636, %add3A, %dma_wait3A_637, %dma_wait3A_638] : memref<200x4x32x8x128xf32, #tpu.memory_space<hbm>> -> memref<1x4x1x8x128xf32, #tpu.memory_space<hbm>>
    %dma_wait3A_640 = tpu.memref_squeeze %dma_wait3A_639 : memref<1x4x1x8x128xf32, #tpu.memory_space<hbm>> -> memref<4x8x128xf32, #tpu.memory_space<hbm>>
    %dma_wait3A_641 = arith.constant 0 : i32
    %dma_wait3A_642 = arith.constant 0 : i32
    %dma_wait3A_643 = arith.constant 0 : i32
    %dma_wait3A_644 = tpu.memref_slice %arg4[%dma_wait3A_631, %dma_wait3A_641, %add3A, %dma_wait3A_642, %dma_wait3A_643] : memref<200x4x32x8x128xf32, #tpu.memory_space<hbm>> -> memref<1x4x1x8x128xf32, #tpu.memory_space<hbm>>
    %dma_wait3A_645 = tpu.memref_squeeze %dma_wait3A_644 : memref<1x4x1x8x128xf32, #tpu.memory_space<hbm>> -> memref<4x8x128xf32, #tpu.memory_space<hbm>>
    %dma_wait3A_646 = arith.constant 0 : i32
    %dma_wait3A_647 = arith.constant 0 : i32
    %dma_wait3A_648 = arith.constant 0 : i32
    %dma_wait3A_649 = tpu.memref_slice %arg11[%dma_wait3A_646, %dma_wait3A_647, %dma_wait3A_648] : memref<4x8x131xf32, #tpu.memory_space<vmem>> -> memref<4x8x128xf32, #tpu.memory_space<vmem>>
    tpu.wait_dma2 semaphore(%arg21 : memref<!tpu.dma_semaphore, #tpu.memory_space<semaphore_mem>>) src(%dma_wait3A_649 : memref<4x8x128xf32, #tpu.memory_space<vmem>>) dst(%dma_wait3A_645 : memref<4x8x128xf32, #tpu.memory_space<hbm>>)
    %dma_wait3A_650 = arith.constant 196 : i32
    %dma_wait3A_651 = arith.constant 0 : i32
    %dma_wait3A_652 = arith.constant 0 : i32
    %dma_wait3A_653 = arith.constant 0 : i32
    %dma_wait3A_654 = tpu.memref_slice %arg12[%dma_wait3A_651, %dma_wait3A_652, %dma_wait3A_653] : memref<4x8x131xf32, #tpu.memory_space<vmem>> -> memref<4x8x128xf32, #tpu.memory_space<vmem>>
    %dma_wait3A_655 = arith.constant 0 : i32
    %dma_wait3A_656 = arith.constant 0 : i32
    %dma_wait3A_657 = arith.constant 0 : i32
    %dma_wait3A_658 = tpu.memref_slice %arg4[%dma_wait3A_650, %dma_wait3A_655, %add3A, %dma_wait3A_656, %dma_wait3A_657] : memref<200x4x32x8x128xf32, #tpu.memory_space<hbm>> -> memref<1x4x1x8x128xf32, #tpu.memory_space<hbm>>
    %dma_wait3A_659 = tpu.memref_squeeze %dma_wait3A_658 : memref<1x4x1x8x128xf32, #tpu.memory_space<hbm>> -> memref<4x8x128xf32, #tpu.memory_space<hbm>>
    %dma_wait3A_660 = arith.constant 0 : i32
    %dma_wait3A_661 = arith.constant 0 : i32
    %dma_wait3A_662 = arith.constant 0 : i32
    %dma_wait3A_663 = tpu.memref_slice %arg4[%dma_wait3A_650, %dma_wait3A_660, %add3A, %dma_wait3A_661, %dma_wait3A_662] : memref<200x4x32x8x128xf32, #tpu.memory_space<hbm>> -> memref<1x4x1x8x128xf32, #tpu.memory_space<hbm>>
    %dma_wait3A_664 = tpu.memref_squeeze %dma_wait3A_663 : memref<1x4x1x8x128xf32, #tpu.memory_space<hbm>> -> memref<4x8x128xf32, #tpu.memory_space<hbm>>
    %dma_wait3A_665 = arith.constant 0 : i32
    %dma_wait3A_666 = arith.constant 0 : i32
    %dma_wait3A_667 = arith.constant 0 : i32
    %dma_wait3A_668 = tpu.memref_slice %arg12[%dma_wait3A_665, %dma_wait3A_666, %dma_wait3A_667] : memref<4x8x131xf32, #tpu.memory_space<vmem>> -> memref<4x8x128xf32, #tpu.memory_space<vmem>>
    tpu.wait_dma2 semaphore(%arg22 : memref<!tpu.dma_semaphore, #tpu.memory_space<semaphore_mem>>) src(%dma_wait3A_668 : memref<4x8x128xf32, #tpu.memory_space<vmem>>) dst(%dma_wait3A_664 : memref<4x8x128xf32, #tpu.memory_space<hbm>>)
    %dma_wait3A_669 = arith.constant 197 : i32
    %dma_wait3A_670 = arith.constant 0 : i32
    %dma_wait3A_671 = arith.constant 0 : i32
    %dma_wait3A_672 = arith.constant 0 : i32
    %dma_wait3A_673 = tpu.memref_slice %arg13[%dma_wait3A_670, %dma_wait3A_671, %dma_wait3A_672] : memref<4x8x131xf32, #tpu.memory_space<vmem>> -> memref<4x8x128xf32, #tpu.memory_space<vmem>>
    %dma_wait3A_674 = arith.constant 0 : i32
    %dma_wait3A_675 = arith.constant 0 : i32
    %dma_wait3A_676 = arith.constant 0 : i32
    %dma_wait3A_677 = tpu.memref_slice %arg4[%dma_wait3A_669, %dma_wait3A_674, %add3A, %dma_wait3A_675, %dma_wait3A_676] : memref<200x4x32x8x128xf32, #tpu.memory_space<hbm>> -> memref<1x4x1x8x128xf32, #tpu.memory_space<hbm>>
    %dma_wait3A_678 = tpu.memref_squeeze %dma_wait3A_677 : memref<1x4x1x8x128xf32, #tpu.memory_space<hbm>> -> memref<4x8x128xf32, #tpu.memory_space<hbm>>
    %dma_wait3A_679 = arith.constant 0 : i32
    %dma_wait3A_680 = arith.constant 0 : i32
    %dma_wait3A_681 = arith.constant 0 : i32
    %dma_wait3A_682 = tpu.memref_slice %arg4[%dma_wait3A_669, %dma_wait3A_679, %add3A, %dma_wait3A_680, %dma_wait3A_681] : memref<200x4x32x8x128xf32, #tpu.memory_space<hbm>> -> memref<1x4x1x8x128xf32, #tpu.memory_space<hbm>>
    %dma_wait3A_683 = tpu.memref_squeeze %dma_wait3A_682 : memref<1x4x1x8x128xf32, #tpu.memory_space<hbm>> -> memref<4x8x128xf32, #tpu.memory_space<hbm>>
    %dma_wait3A_684 = arith.constant 0 : i32
    %dma_wait3A_685 = arith.constant 0 : i32
    %dma_wait3A_686 = arith.constant 0 : i32
    %dma_wait3A_687 = tpu.memref_slice %arg13[%dma_wait3A_684, %dma_wait3A_685, %dma_wait3A_686] : memref<4x8x131xf32, #tpu.memory_space<vmem>> -> memref<4x8x128xf32, #tpu.memory_space<vmem>>
    tpu.wait_dma2 semaphore(%arg23 : memref<!tpu.dma_semaphore, #tpu.memory_space<semaphore_mem>>) src(%dma_wait3A_687 : memref<4x8x128xf32, #tpu.memory_space<vmem>>) dst(%dma_wait3A_683 : memref<4x8x128xf32, #tpu.memory_space<hbm>>)
    %dma_wait3A_688 = arith.constant 198 : i32
    %dma_wait3A_689 = arith.constant 0 : i32
    %dma_wait3A_690 = arith.constant 0 : i32
    %dma_wait3A_691 = arith.constant 0 : i32
    %dma_wait3A_692 = tpu.memref_slice %arg14[%dma_wait3A_689, %dma_wait3A_690, %dma_wait3A_691] : memref<4x8x131xf32, #tpu.memory_space<vmem>> -> memref<4x8x128xf32, #tpu.memory_space<vmem>>
    %dma_wait3A_693 = arith.constant 0 : i32
    %dma_wait3A_694 = arith.constant 0 : i32
    %dma_wait3A_695 = arith.constant 0 : i32
    %dma_wait3A_696 = tpu.memref_slice %arg4[%dma_wait3A_688, %dma_wait3A_693, %add3A, %dma_wait3A_694, %dma_wait3A_695] : memref<200x4x32x8x128xf32, #tpu.memory_space<hbm>> -> memref<1x4x1x8x128xf32, #tpu.memory_space<hbm>>
    %dma_wait3A_697 = tpu.memref_squeeze %dma_wait3A_696 : memref<1x4x1x8x128xf32, #tpu.memory_space<hbm>> -> memref<4x8x128xf32, #tpu.memory_space<hbm>>
    %dma_wait3A_698 = arith.constant 0 : i32
    %dma_wait3A_699 = arith.constant 0 : i32
    %dma_wait3A_700 = arith.constant 0 : i32
    %dma_wait3A_701 = tpu.memref_slice %arg4[%dma_wait3A_688, %dma_wait3A_698, %add3A, %dma_wait3A_699, %dma_wait3A_700] : memref<200x4x32x8x128xf32, #tpu.memory_space<hbm>> -> memref<1x4x1x8x128xf32, #tpu.memory_space<hbm>>
    %dma_wait3A_702 = tpu.memref_squeeze %dma_wait3A_701 : memref<1x4x1x8x128xf32, #tpu.memory_space<hbm>> -> memref<4x8x128xf32, #tpu.memory_space<hbm>>
    %dma_wait3A_703 = arith.constant 0 : i32
    %dma_wait3A_704 = arith.constant 0 : i32
    %dma_wait3A_705 = arith.constant 0 : i32
    %dma_wait3A_706 = tpu.memref_slice %arg14[%dma_wait3A_703, %dma_wait3A_704, %dma_wait3A_705] : memref<4x8x131xf32, #tpu.memory_space<vmem>> -> memref<4x8x128xf32, #tpu.memory_space<vmem>>
    tpu.wait_dma2 semaphore(%arg24 : memref<!tpu.dma_semaphore, #tpu.memory_space<semaphore_mem>>) src(%dma_wait3A_706 : memref<4x8x128xf32, #tpu.memory_space<vmem>>) dst(%dma_wait3A_702 : memref<4x8x128xf32, #tpu.memory_space<hbm>>)
    %dma_wait3A_707 = arith.constant 199 : i32
    %dma_wait3A_708 = arith.constant 0 : i32
    %dma_wait3A_709 = arith.constant 0 : i32
    %dma_wait3A_710 = arith.constant 0 : i32
    %dma_wait3A_711 = tpu.memref_slice %arg15[%dma_wait3A_708, %dma_wait3A_709, %dma_wait3A_710] : memref<4x8x131xf32, #tpu.memory_space<vmem>> -> memref<4x8x128xf32, #tpu.memory_space<vmem>>
    %dma_wait3A_712 = arith.constant 0 : i32
    %dma_wait3A_713 = arith.constant 0 : i32
    %dma_wait3A_714 = arith.constant 0 : i32
    %dma_wait3A_715 = tpu.memref_slice %arg4[%dma_wait3A_707, %dma_wait3A_712, %add3A, %dma_wait3A_713, %dma_wait3A_714] : memref<200x4x32x8x128xf32, #tpu.memory_space<hbm>> -> memref<1x4x1x8x128xf32, #tpu.memory_space<hbm>>
    %dma_wait3A_716 = tpu.memref_squeeze %dma_wait3A_715 : memref<1x4x1x8x128xf32, #tpu.memory_space<hbm>> -> memref<4x8x128xf32, #tpu.memory_space<hbm>>
    %dma_wait3A_717 = arith.constant 0 : i32
    %dma_wait3A_718 = arith.constant 0 : i32
    %dma_wait3A_719 = arith.constant 0 : i32
    %dma_wait3A_720 = tpu.memref_slice %arg4[%dma_wait3A_707, %dma_wait3A_717, %add3A, %dma_wait3A_718, %dma_wait3A_719] : memref<200x4x32x8x128xf32, #tpu.memory_space<hbm>> -> memref<1x4x1x8x128xf32, #tpu.memory_space<hbm>>
    %dma_wait3A_721 = tpu.memref_squeeze %dma_wait3A_720 : memref<1x4x1x8x128xf32, #tpu.memory_space<hbm>> -> memref<4x8x128xf32, #tpu.memory_space<hbm>>
    %dma_wait3A_722 = arith.constant 0 : i32
    %dma_wait3A_723 = arith.constant 0 : i32
    %dma_wait3A_724 = arith.constant 0 : i32
    %dma_wait3A_725 = tpu.memref_slice %arg15[%dma_wait3A_722, %dma_wait3A_723, %dma_wait3A_724] : memref<4x8x131xf32, #tpu.memory_space<vmem>> -> memref<4x8x128xf32, #tpu.memory_space<vmem>>
    tpu.wait_dma2 semaphore(%arg25 : memref<!tpu.dma_semaphore, #tpu.memory_space<semaphore_mem>>) src(%dma_wait3A_725 : memref<4x8x128xf32, #tpu.memory_space<vmem>>) dst(%dma_wait3A_721 : memref<4x8x128xf32, #tpu.memory_space<hbm>>)
    return
  }
}

</mosaic_0001>

<sc_bundles>
// kernel: kernel.3.cloned.1.call-start
scs
__scs_entry_jumppad:
0x0: {  	(pc) =	sbr.rel $0x88, $3  }
0x1: {  	(tag) =	ssettag $0x0;
	lr =	simm.s32 $0x1  }
0x2: {  	[smem:$0x3F9F] =	sst lr;
	_ =	strace $0xD0000000  }
0x3: {  	_ = 	snop  }
0x4: {  	_ = 	snop  }
0x5: {  	_ = 	snop  }
0x6: {  	_ = 	snop  }
0x7: {  	_ = 	snop  }
__scs_overlays_trampoline_lowered:
0x8: {  	[smem:$0x3FAE] =	sst s0  }
0x9: {  	[smem:$0x3FAF] =	sst s1  }
0xa: {  	[smem:$0x3FB0] =	sst s2  }
0xb: {  	[smem:$0x3FB1] =	sst s3  }
0xc: {  	[smem:$0x3FB2] =	sst s4  }
0xd: {  	[smem:$0x3FB3] =	sst s5  }
0xe: {  	[smem:$0x3FB4] =	sst s6  }
0xf: {  	[smem:$0x3FB5] =	sst s7  }
0x10: {  	[smem:$0x3FB6] =	sst s8  }
0x11: {  	[smem:$0x3FB7] =	sst s9;
	s0 =	simm.s32 @!p0 $0x0  }
0x12: {  	s1 =	sld [smem:$0x3F9D];
	s0 =	simm.s32 @p0 $0x1  }
0x13: {  	[smem:$0x3FB8] =	sst s0;
	s0 =	simm.s32 @!p1 $0x0  }
0x14: {  	s2 =	sld [smem:$0x3F9C];
	s0 =	simm.s32 @p1 $0x1  }
0x15: {  	[smem:$0x3FB9] =	sst s0;
	s0 =	simm.s32 @!p2 $0x0  }
0x16: {  	s3 =	sld [smem:$0x3FDB];
	s0 =	simm.s32 @p2 $0x1  }
0x17: {  	s4 =	simm.s32 $0x1BF5;
	[smem:$0x3FBB] =	sst s0  }
0x18: {  	s0 =	sld [smem:$0x3F9E];
	_ =	swait.ge [sflag:s4], $0x0  }
0x19: {  	s7 =	sld [smem:$0x3F9F]  }
0x1a: {  	s8 =	sadd.s32 $0xFFFFE003, lr  }
0x1b: {  	s9 =	sadd.s32 $0xFFFFFEF7, lr;
	s5 =	simm.s32 $0xFFFFFFFF;
	p2 =	slt.u32 s8, $0xFFFFF086  }
0x1c: {  	p1 =	slt.u32 s9, $0xF7A;
	s5 =	simm.s32 @!p2 $0x0  }
0x1d: {  	s5 =	simm.s32 @p1 $0x1;
	p0 =	seq.s32 s7, s2  }
0x1e: {  	s7 =	smul.u32 @!p0 $0xF7A, s2;
	p2 =	seq.s32 @!p0 s5, $0x0  }
0x1f: {  	s9 =	smul.u32 $0xF7A, s1;
	s8 =	simm.s32 @!p0 $0x1BF5;
	p2 =	por !p2, p0  }
0x20: {  	[sflag:s8] =	ssyncset.s32 @!p0 $0xFFFFF086;
	s6 =	sadd.s32 @!p0 s3, s7;
	s7 =	simm.s32 @!p0 $0x108  }
0x21: {  	s3 =	sadd.s32 s3, s9;
	s6 =	sadd.s32 @!p0 $0x88, s6;
	s7 =	simm.s32 @p2 $0x1082  }
0x22: {  	[simem:s7], [sflag:s8] =	dma.local @!p0 [hbm:s6], $0xF7A  }
0x23: {  	s9 =	sor.u32 $0xD0000000, s2;
	s6 =	simm.s32 $0x108;
	_ =	swait.ge @!p0 [sflag:s8], $0x0  }
0x24: {  	s3 =	sadd.s32 $0x88, s3;
	s6 =	simm.s32 @!p1 $0x1082;
	[sflag:s4] =	ssyncset.s32 $0xFFFFF086  }
0x25: {  	[simem:s6], [sflag:s4] =	dma.local [hbm:s3], $0xF7A  }
0x26: {  	[smem:$0x3F9F] =	sst s1;
	(tag) =	ssettag s2;
	_ =	strace s9  }
0x27: {  	s1 =	sld [smem:$0x3FAF]  }
0x28: {  	s2 =	sld [smem:$0x3FB0]  }
0x29: {  	s4 =	sld [smem:$0x3FB2]  }
0x2a: {  	p0 =	seq.s32 s5, $0x0;
	s5 =	sld [smem:$0x3FB3]  }
0x2b: {  	s6 =	sld [smem:$0x3FB4]  }
0x2c: {  	s7 =	sld [smem:$0x3FB5]  }
0x2d: {  	s3 =	simm.s32 $0x108;
	s8 =	sld [smem:$0x3FB6]  }
0x2e: {  	s3 =	simm.s32 @!p0 $0x1082;
	s9 =	sld [smem:$0x3FB7]  }
0x2f: {  	lr =	sadd.s32 s0, s3;
	s0 =	sld [smem:$0x3FAE]  }
0x30: {  	s3 =	sld [smem:$0x3FB1]  }
0x31: {  	[smem:$0x3FBA] =	sst s10  }
0x32: {  	s10 =	sld [smem:$0x3FB8];
	_ =	sdelay $0x3  }
0x33: {  	p0 =	seq.s32 s10, $0x1;
	s10 =	sld [smem:$0x3FBA];
	_ =	sdelay $0x3  }
0x34: {  	[smem:$0x3FBA] =	sst s10  }
0x35: {  	s10 =	sld [smem:$0x3FB9];
	_ =	sdelay $0x3  }
0x36: {  	p1 =	seq.s32 s10, $0x1;
	s10 =	sld [smem:$0x3FBA];
	_ =	sdelay $0x3  }
0x37: {  	[smem:$0x3FBA] =	sst s10  }
0x38: {  	s10 =	sld [smem:$0x3FBB]  }
0x39: {  	_ = 	snop;
	(pc) =	sbr.ind lr, $3  }
0x3a: {  	_ = 	snop  }
0x3b: {  	_ = 	snop  }
0x3c: {  	p2 =	seq.s32 s10, $0x1;
	s10 =	sld [smem:$0x3FBA]  }
0x3d: {  	_ =	shalt  }
0x3e: {  	_ =	shalt  }
0x3f: {  	_ =	shalt  }
0x40: {  	_ =	shalt  }
0x41: {  	_ =	shalt  }
0x42: {  	_ =	shalt  }
0x43: {  	_ =	shalt  }
0x44: {  	_ =	shalt  }
0x45: {  	_ =	shalt  }
0x46: {  	_ =	shalt  }
0x47: {  	_ =	shalt  }
0x48: {  	_ =	shalt  }
0x49: {  	_ =	shalt  }
0x4a: {  	_ =	shalt  }
0x4b: {  	_ =	shalt  }
0x4c: {  	_ =	shalt  }
0x4d: {  	_ =	shalt  }
0x4e: {  	_ =	shalt  }
0x4f: {  	_ =	shalt  }
0x50: {  	_ =	shalt  }
0x51: {  	_ =	shalt  }
0x52: {  	_ =	shalt  }
0x53: {  	_ =	shalt  }
0x54: {  	_ =	shalt  }
0x55: {  	_ =	shalt  }
0x56: {  	_ =	shalt  }
0x57: {  	_ =	shalt  }
0x58: {  	_ =	shalt  }
0x59: {  	_ =	shalt  }
0x5a: {  	_ =	shalt  }
0x5b: {  	_ =	shalt  }
0x5c: {  	_ =	shalt  }
0x5d: {  	_ =	shalt  }
0x5e: {  	_ =	shalt  }
0x5f: {  	_ =	shalt  }
0x60: {  	_ =	shalt  }
0x61: {  	_ =	shalt  }
0x62: {  	_ =	shalt  }
0x63: {  	_ =	shalt  }
0x64: {  	_ =	shalt  }
0x65: {  	_ =	shalt  }
0x66: {  	_ =	shalt  }
0x67: {  	_ =	shalt  }
0x68: {  	_ =	shalt  }
0x69: {  	_ =	shalt  }
0x6a: {  	_ =	shalt  }
0x6b: {  	_ =	shalt  }
0x6c: {  	_ =	shalt  }
0x6d: {  	_ =	shalt  }
0x6e: {  	_ =	shalt  }
0x6f: {  	_ =	shalt  }
0x70: {  	_ =	shalt  }
0x71: {  	_ =	shalt  }
0x72: {  	_ =	shalt  }
0x73: {  	_ =	shalt  }
0x74: {  	_ =	shalt  }
0x75: {  	_ =	shalt  }
0x76: {  	_ =	shalt  }
0x77: {  	_ =	shalt  }
0x78: {  	_ =	shalt  }
0x79: {  	_ =	shalt  }
0x7a: {  	_ =	shalt  }
0x7b: {  	_ =	shalt  }
0x7c: {  	_ =	shalt  }
0x7d: {  	_ =	shalt  }
0x7e: {  	_ =	shalt  }
0x7f: {  	_ =	shalt  }
0x80: {  	_ =	shalt  }
0x81: {  	_ =	shalt  }
0x82: {  	_ =	shalt  }
0x83: {  	_ =	shalt  }
0x84: {  	_ =	shalt  }
0x85: {  	_ =	shalt  }
0x86: {  	_ =	shalt  }
0x87: {  	_ =	shalt  }
.Lfunc_end0:
.L_simem_size_0:
called_computation_lowered:
.L_overlay_start_0:
0x88: {  	s2 =	sld [smem:$0x3FD9]  }
0x89: {  	s3 =	sld [smem:$0x3FFE];
	_ =	sdelay $0x1  }
0x8a: {  	s1 =	srdreg.scid  }
0x8b: {  	s0 =	sand.u32 $0x1, s1  }
0x8c: {  	s17 =	sshll.u32 s0, $0xA;
	s2 =	sadd.s32 s3, s2  }
0x8d: {  	s2 =	sadd.s32 s2, s17  }
0x8e: {  	[smem:$0x3FC6] =	sst s2  }
0x8f: {  	_ = 	snop  }
0x90: {  	s2 =	sld [smem:$0x3FC9]  }
0x91: {  	s18 =	sld [smem:$0x3FD0];
	(tm) =	ssettm $0x1  }
0x92: {  	s4 =	sld [smem:$0x3FFB];
	_ =	sdelay $0x3  }
0x93: {  	_ =	strace s4  }
0x94: {  	s4 =	sld [smem:$0x3FFC];
	_ =	sdelay $0x3  }
0x95: {  	_ =	strace s4  }
0x96: {  	s4 =	sld [smem:$0x3FFD];
	_ =	sdelay $0x3  }
0x97: {  	_ =	strace s4  }
0x98: {  	_ =	strace $0x8FFFFFFF  }
0x99: {  	s19 =	sld [smem:$0x3FDB];
	_ =	sdelay $0x1  }
0x9a: {  	s5 =	simm.s32 $_scs_section_size  }
0x9b: {  	s6 =	simm.s32 $_size__tile_overlayer_lowered;
	s7 =	simm.s32 $_tile_overlayer_lowered  }
0x9c: {  	s22 =	simm.s32 $0x1BFF;
	s21 =	sshll.u32 s7, $0x1;
	s4 =	sadd.s32 s5, s19  }
0x9d: {  	s8 =	simm.s32 $0x0;
	s20 =	sshll.u32 s6, $0x1;
	s6 =	sadd.s32 s21, s4  }
0x9e: {  	[timem:s8], [sflag:s22] =	dma.local [hbm:s6], s20  }
0x9f: {  	_ =	swait.ge [sflag:s22], s20  }
0xa0: {  	s5 =	ssub.s32 $0x0, s20;
	[sflag:s22] =	ssyncset.done $0x0  }
0xa1: {  	[sflag:s22] =	ssyncadd.s32 s5;
	_ =	sdelay $0x1  }
0xa2: {  	s23 =	simm.s32 $0x1B8B  }
0xa3: {  	_ =	swait.ge [sflag:s23], $0x1  }
0xa4: {  	[sflag:s23] =	ssyncset.done $0x0  }
0xa5: {  	s25 =	simm.s32 $0x1B8E;
	s24 =	sld [smem:$0x3FFE];
	[sflag:s23] =	ssyncadd.s32 $0xFFFFFFFF  }
0xa6: {  	s26 =	simm.s32 $execute0_lowered;
	[smem:$0x3FD2] =	sst s25  }
0xa7: {  	s6 =	sshll.u32 s26, $0x1;
	_ =	strace $0x80000046;
	[dreg:$0x1] =	wrdreg $0xFFFFFFFF  }
0xa8: {  	s28 =	simm.s32 $_size_execute0_lowered;
	s4 =	sadd.s32 s4, s6;
	[dreg:$0x0] =	wrdreg $0x0  }
0xa9: {  	s6 =	sshll.u32 s28, $0x1;
	[dreg:$0x2] =	wrdreg s4  }
0xaa: {  	[dreg:$0x3] =	wrdreg s6  }
0xab: {  	[dreg:$0x4] =	wrdreg $0xC0  }
0xac: {  	_ =	task [dreg:s8], $0x5FFFF  }
0xad: {  	[dreg:$0x1] =	wrdreg $0xFFFFFFFF  }
0xae: {  	[dreg:$0x0] =	wrdreg $0x60  }
0xaf: {  	[dreg:$0x2] =	wrdreg s2  }
0xb0: {  	[dreg:$0x3] =	wrdreg s24  }
0xb1: {  	[dreg:$0x4] =	wrdreg s18  }
0xb2: {  	[dreg:$0x5] =	wrdreg $0x9  }
0xb3: {  	_ =	task.clear_ibuf [dreg:s8], $0x6FFFF;
	_ =	strace $0x90000046  }
0xb4: {  	s29 =	simm.s32 $0x9;
	_ =	strace $0x80000048  }
0xb5: {  	_ =	swait.ge [sflag:s29], $0x1  }
0xb6: {  	[sflag:s29] =	ssyncadd.s32 $0xFFFFFFFF  }
0xb7: {  	_ =	strace $0x90000048  }
0xb8: {  	_ =	sfence  }
0xb9: {  	s30 =	sld [smem:$0x0];
	_ =	sdelay $0x2  }
0xba: {  	s31 =	sshll.u32 s1, $0xD;
	s1 =	sshrl.u32 s1, $0x2  }
0xbb: {  	s3 =	sand.u32 $0x4000, s31;
	s1 =	sadd.s32 s1, s30  }
0xbc: {  	s0 =	sor.u32 s3, s0;
	s1 =	sshll.u32 s1, $0x11  }
0xbd: {  	s0 =	sor.u32 s1, s0  }
0xbe: {  	s0 =	sadd.s32 $0x8F2B, s0  }
0xbf: {  	[sflag:s0] =	ssyncadd.remote.s32 $0x1  }
0xc0: {  	_ =	sfence.sel $0xFFFF  }
0xc1: {  	[dreg:$0x0] =	wrdreg $0xFFFFFFFF;
	(pc) =	sbr.abs _section_cstart, $3  }
0xc2: {  	[dreg:$0x1] =	wrdreg $0xFFFFFFFF  }
0xc3: {  	_ =	task.clear_ibuf [dreg:s8], $0x2FFFF;
	_ =	strace $0x9FFFFFFF  }
0xc4: {  	(tm) =	ssettm $0x7FFFFFFF  }
0xc5: {  	_ =	shalt  }
tec
execute0_lowered:
.L_overlay_start_1:
0x0: {  	(tag) =	ssettag $0x1  }
0x1: {  	s0 =	rddreg [dreg:$0x0]  }
0x2: {  	s1 =	rddreg [dreg:$0x1]  }
0x3: {  	s2 =	rddreg [dreg:$0x2]  }
0x4: {  	s3 =	srdreg.scid;
	s5 =	stileid.u32;
	s28 =	simm.s32 $0xB400  }
0x5: {  	s31 =	simm.s32 $0x2;
	s30 =	simm.s32 $0x4;
	s29 =	simm.s32 $0x6  }
0x6: {  	s9 =	simm.s32 $0xA;
	s11 =	simm.s32 $0x0;
	s4 =	sand.u32 $0x1, s3  }
0x7: {  	s3 =	simm.s32 $0x0;
	s5 =	sshll.u32 s5, $0xB;
	s6 =	sshll.u32 s4, $0xA  }
0x8: {  	[smem:$0x7FF] =	sst s3;
	s7 =	ssub.s32 $0x2, s4;
	s4 =	sor.u32 s6, s5  }
0x9: {  	_ =	strace $0x80000047;
	s13 =	sshrl.u32 s7, $0x1;
	s19 =	sor.u32 $0x20000, s4  }
0xa: {  	s5 =	sadd.s32 $0xF42800, s1;
	s20 =	sor.u32 $0x40000, s4;
	[dreg:$0x9] =	wrdreg s19  }
0xb: {  	s8 =	sshrl.u32 s4, $0x3;
	s21 =	sor.u32 $0x60000, s4;
	[dreg:$0xa] =	wrdreg s20  }
0xc: {  	s14 =	ssub.s32 s7, s13;
	s0 =	sadd.s32 s0, s8;
	[dreg:$0xb] =	wrdreg s21  }
0xd: {  	s6 =	sadd.s32 s2, s8;
	s26 =	smax.u32 s14, $0x1;
	[dreg:$0x4] =	wrdreg s0  }
0xe: {  	s1 =	simm.s32 $0xE700;
	s15 =	sadd.s32 $0x4000, s6;
	[dreg:$0x10] =	wrdreg s26  }
0xf: {  	s7 =	simm.s32 $0x5;
	s16 =	sadd.s32 $0x8000, s6;
	[dreg:$0x5] =	wrdreg s15  }
0x10: {  	s20 =	simm.s32 $0x3;
	s17 =	sadd.s32 $0xC000, s6;
	[dreg:$0x6] =	wrdreg s16  }
0x11: {  	s21 =	simm.s32 $0x7;
	s18 =	sadd.s32 $0x10000, s6;
	[dreg:$0x7] =	wrdreg s17  }
0x12: {  	s8 =	simm.s32 $0x9;
	s22 =	sadd.s32 $0x30C000, s6;
	[dreg:$0x8] =	wrdreg s18  }
0x13: {  	s23 =	sadd.s32 $0x310000, s6;
	s24 =	sadd.s32 $0x314000, s6;
	[dreg:$0xc] =	wrdreg s22  }
0x14: {  	v0 =	vlaneseq.u32;
	s25 =	sadd.s32 $0x318000, s6;
	s19 =	sadd.s32 $0x31C000, s6;
	[dreg:$0xd] =	wrdreg s23  }
0x15: {  	v0 =	vmul.u32 $0x88, v0;
	s0 =	simm.s32 $0x1;
	s26 =	simm.s32 $0x8;
	[dreg:$0xe] =	wrdreg s24  }
0x16: {  	[dreg:$0xf] =	wrdreg s25;
	s15 =	simm.s32 $0x400;
	s24 =	simm.s32 $0x80  }
0x17: {  	v1 =	vadd.s32 $0x880, v0;
	s22 =	simm.s32 $0xC500;
	s23 =	simm.s32 $0xD600;
	s25 =	simm.s32 $0xF800  }
.LBB2_1:
0x18: {  	[dreg:$0x11] =	wrdreg s11  }
0x19: {  	s10 =	rddreg [dreg:$0x4];
	s12 =	simm.s32 $0x8000;
	s13 =	simm.s32 $0xB  }
0x1a: {  	[tilespmem:s3], [sflag:$0xB] =	stream.strided.gather [hbm4b:s10+s15], $0x6400, s12, s15, $0x38;
	[tilespmem:$0x10900] =	vst v63  }
0x1b: {  	_ =	swait.ge [sflag:s13], $0x6400  }
0x1c: {  	[sflag:s13] =	ssyncset.done $0x0  }
0x1d: {  	s14 =	simm.s32 $0x6400;
	[sflag:s13] =	ssyncadd.s32 $0xFFFF9C00  }
0x1e: {  	[tilespmem:s14], [sflag:$0x1] =	stream.indirect.gather [hbm4b:s5+s24], $0x20, s3, s24, $0xb8;
	[tilespmem:$0x10900] =	vst v63  }
0x1f: {  	s16 =	simm.s32 $0x7400  }
0x20: {  	[tilespmem:s16], [sflag:$0x2] =	stream.indirect.gather [hbm4b:s5+s24], $0x20, s24, s24, $0xb8;
	[tilespmem:$0x10900] =	vst v63  }
0x21: {  	s17 =	simm.s32 $0x100;
	s18 =	simm.s32 $0x8400  }
0x22: {  	[tilespmem:s18], [sflag:$0x3] =	stream.indirect.gather [hbm4b:s5+s24], $0x20, s17, s24, $0xb8;
	[tilespmem:$0x10900] =	vst v63  }
0x23: {  	s11 =	simm.s32 $0x180;
	s12 =	simm.s32 $0x9400  }
0x24: {  	[tilespmem:s12], [sflag:$0x4] =	stream.indirect.gather [hbm4b:s5+s24], $0x20, s11, s24, $0xb8;
	[tilespmem:$0x10900] =	vst v63  }
0x25: {  	_ =	swait.ge [sflag:s0], $0x1000  }
0x26: {  	s10 =	simm.s32 $0x6440;
	[sflag:s0] =	ssyncset.done $0x0  }
0x27: {  	v2 =	vmov s3;
	s13 =	simm.s32 $0x200;
	s14 =	simm.s32 $0xA400;
	[sflag:s0] =	ssyncadd.s32 $0xFFFFF000  }
0x28: {  	v2 =	vand.u32 $0x7C, v2;
	[tilespmem:s14], [sflag:$0x5] =	stream.indirect.gather [hbm4b:s5+s24], $0x20, s13, s24, $0xb8;
	[tilespmem:$0x10900] =	vst v63  }
0x29: {  	v4 =	vadd.s32 v0, v2;
	v3 =	vld [tilespmem:s10+$0xFFFFFFC0]  }
0x2a: {  	v2 =	vadd.s32 v1, v2;
	v5 =	vld [tilespmem:s10+$0xFFFFFFD0];
	_ =	sdelay $0x2  }
0x2b: {  	s16 =	simm.s32 $0x1  }
0x2c: {  	[tilespmem:v4+s28+$0x0] =	vst.idx.msk $0xffff, v3;
	v3 =	vmov s16  }
0x2d: {  	[tilespmem:v2+s28+$0x0] =	vst.idx.msk $0xffff, v5;
	v2 =	vand.u32 $0x7D, v3  }
0x2e: {  	v3 =	vld [tilespmem:s10+$0xFFFFFFE0];
	v4 =	vadd.s32 v0, v2  }
0x2f: {  	v5 =	vld [tilespmem:s10+$0xFFFFFFF0];
	v2 =	vadd.s32 v1, v2;
	_ =	sdelay $0x2  }
0x30: {  	s17 =	simm.s32 $0x2  }
0x31: {  	[tilespmem:v4+s28+$0x0] =	vst.idx.msk $0xffff, v3;
	v3 =	vmov s17  }
0x32: {  	[tilespmem:v2+s28+$0x0] =	vst.idx.msk $0xffff, v5;
	v2 =	vand.u32 $0x7E, v3  }
0x33: {  	v3 =	vld [tilespmem:s10+$0x0];
	v4 =	vadd.s32 v0, v2  }
0x34: {  	v5 =	vld [tilespmem:s10+$0x10];
	v2 =	vadd.s32 v1, v2;
	_ =	sdelay $0x2  }
0x35: {  	s18 =	simm.s32 $0x3  }
0x36: {  	[tilespmem:v4+s28+$0x0] =	vst.idx.msk $0xffff, v3;
	v3 =	vmov s18  }
0x37: {  	[tilespmem:v2+s28+$0x0] =	vst.idx.msk $0xffff, v5;
	v3 =	vand.u32 $0x7F, v3  }
0x38: {  	v5 =	vld [tilespmem:s10+$0x20];
	v6 =	vadd.s32 v0, v3;
	_ =	sdelay $0x1  }
0x39: {  	v2 =	vld [tilespmem:s10+$0x30];
	v3 =	vadd.s32 v1, v3;
	_ =	sdelay $0x1  }
0x3a: {  	s11 =	simm.s32 $0x4  }
0x3b: {  	s12 =	simm.s32 $0x8;
	v4 =	vmov s11;
	[tilespmem:v6+s28+$0x0] =	vst.idx.msk $0xffff, v5  }
.LBB2_2:
0x3c: {  	p0 =	slt.u32 s12, $0x7C  }
0x3d: {  	v4 =	vand.u32 $0x7C, v4;
	[tilespmem:v3+s28+$0x0] =	vst.idx.msk $0xffff, v2;
	s10 =	sadd.s32 $0x80, s10;
	s13 =	smov.u32 s12;
	s12 =	sadd.s32 $0x4, s12  }
0x3e: {  	v2 =	vld [tilespmem:s10+$0xFFFFFFC0];
	v3 =	vadd.s32 v0, v4  }
0x3f: {  	v4 =	vadd.s32 v1, v4;
	v5 =	vld [tilespmem:s10+$0xFFFFFFD0];
	_ =	sdelay $0x2  }
0x40: {  	s14 =	sadd.s32 $0x1, s11  }
0x41: {  	[tilespmem:v3+s28+$0x0] =	vst.idx.msk $0xffff, v2;
	v2 =	vmov s14  }
0x42: {  	[tilespmem:v4+s28+$0x0] =	vst.idx.msk $0xffff, v5;
	v2 =	vand.u32 $0x7D, v2  }
0x43: {  	v3 =	vld [tilespmem:s10+$0xFFFFFFE0];
	v4 =	vadd.s32 v0, v2  }
0x44: {  	v2 =	vadd.s32 v1, v2;
	v5 =	vld [tilespmem:s10+$0xFFFFFFF0];
	_ =	sdelay $0x2  }
0x45: {  	s14 =	sadd.s32 $0x2, s11  }
0x46: {  	[tilespmem:v4+s28+$0x0] =	vst.idx.msk $0xffff, v3;
	v3 =	vmov s14  }
0x47: {  	[tilespmem:v2+s28+$0x0] =	vst.idx.msk $0xffff, v5;
	v2 =	vand.u32 $0x7E, v3  }
0x48: {  	v3 =	vld [tilespmem:s10+$0x0];
	v4 =	vadd.s32 v0, v2  }
0x49: {  	v2 =	vadd.s32 v1, v2;
	v5 =	vld [tilespmem:s10+$0x10];
	_ =	sdelay $0x2  }
0x4a: {  	s14 =	sadd.s32 $0x3, s11;
	s11 =	smov.u32 s13  }
0x4b: {  	[tilespmem:v4+s28+$0x0] =	vst.idx.msk $0xffff, v3;
	v3 =	vmov s14  }
0x4c: {  	[tilespmem:v2+s28+$0x0] =	vst.idx.msk $0xffff, v5;
	v3 =	vand.u32 $0x7F, v3  }
0x4d: {  	v5 =	vld [tilespmem:s10+$0x20];
	v6 =	vadd.s32 v0, v3  }
.Ltmp0:
0x4e: {  	v3 =	vadd.s32 v1, v3;
	v2 =	vld [tilespmem:s10+$0x30];
	(pc) =	sbr.rel @p0 .LBB2_2-.Ltmp0, $2  }
0x4f: {  	_ =	sdelay $0x2  }
0x50: {  	v4 =	vmov s11;
	[tilespmem:v6+s28+$0x0] =	vst.idx.msk $0xffff, v5  }
0x51: {  	_ =	sdelay $0x3  }
0x52: {  	v4 =	vand.u32 $0x7C, v4;
	[tilespmem:v3+s28+$0x0] =	vst.idx.msk $0xffff, v2;
	s10 =	sadd.s32 $0x80, s10  }
0x53: {  	v2 =	vld [tilespmem:s10+$0xFFFFFFC0];
	v3 =	vadd.s32 v0, v4  }
0x54: {  	v5 =	vld [tilespmem:s10+$0xFFFFFFD0];
	v4 =	vadd.s32 v1, v4;
	_ =	sdelay $0x2  }
0x55: {  	s12 =	sadd.s32 $0x1, s11  }
0x56: {  	[tilespmem:v3+s28+$0x0] =	vst.idx.msk $0xffff, v2;
	v2 =	vmov s12  }
0x57: {  	[tilespmem:v4+s28+$0x0] =	vst.idx.msk $0xffff, v5;
	v2 =	vand.u32 $0x7D, v2  }
0x58: {  	v3 =	vld [tilespmem:s10+$0xFFFFFFE0];
	v4 =	vadd.s32 v0, v2  }
0x59: {  	v5 =	vld [tilespmem:s10+$0xFFFFFFF0];
	v2 =	vadd.s32 v1, v2;
	_ =	sdelay $0x2  }
0x5a: {  	s14 =	sadd.s32 $0x2, s11  }
0x5b: {  	[tilespmem:v4+s28+$0x0] =	vst.idx.msk $0xffff, v3;
	v3 =	vmov s14  }
0x5c: {  	[tilespmem:v2+s28+$0x0] =	vst.idx.msk $0xffff, v5;
	v2 =	vand.u32 $0x7E, v3  }
0x5d: {  	v3 =	vld [tilespmem:s10+$0x0];
	v4 =	vadd.s32 v0, v2  }
0x5e: {  	v5 =	vld [tilespmem:s10+$0x10];
	v2 =	vadd.s32 v1, v2;
	_ =	sdelay $0x2  }
0x5f: {  	s16 =	sadd.s32 $0x3, s11  }
0x60: {  	[tilespmem:v4+s28+$0x0] =	vst.idx.msk $0xffff, v3;
	v3 =	vmov s16  }
0x61: {  	[tilespmem:v2+s28+$0x0] =	vst.idx.msk $0xffff, v5;
	v2 =	vand.u32 $0x7F, v3  }
0x62: {  	v3 =	vld [tilespmem:s10+$0x20];
	v4 =	vadd.s32 v0, v2  }
0x63: {  	v5 =	vld [tilespmem:s10+$0x30];
	v2 =	vadd.s32 v1, v2;
	_ =	sdelay $0x3  }
0x64: {  	[tilespmem:v4+s28+$0x0] =	vst.idx.msk $0xffff, v3  }
0x65: {  	s10 =	simm.s32 $0x0;
	[tilespmem:v2+s28+$0x0] =	vst.idx.msk $0xffff, v5  }
0x66: {  	[hbm4b:s6+s10] =	stream.linear.scatter [tilespmem:s28], [sflag:$0x6], $0x80, $0x38;
	[tilespmem:$0x10900] =	vst v63  }
0x67: {  	s17 =	sadd.s32 $0x10, s6;
	s18 =	simm.s32 $0xB488  }
0x68: {  	[hbm4b:s17+s10] =	stream.linear.scatter [tilespmem:s18], [sflag:$0x6], $0x80, $0x38;
	[tilespmem:$0x10900] =	vst v63  }
0x69: {  	s13 =	simm.s32 $0xB510;
	s12 =	sadd.s32 $0x20, s6  }
0x6a: {  	[hbm4b:s12+s10] =	stream.linear.scatter [tilespmem:s13], [sflag:$0x6], $0x80, $0x38;
	[tilespmem:$0x10900] =	vst v63  }
0x6b: {  	s14 =	sadd.s32 $0x30, s6;
	s16 =	simm.s32 $0xB598  }
0x6c: {  	[hbm4b:s14+s10] =	stream.linear.scatter [tilespmem:s16], [sflag:$0x6], $0x80, $0x38;
	[tilespmem:$0x10900] =	vst v63  }
0x6d: {  	s17 =	sadd.s32 $0x40, s6;
	s18 =	simm.s32 $0xB620  }
0x6e: {  	[hbm4b:s17+s10] =	stream.linear.scatter [tilespmem:s18], [sflag:$0x6], $0x80, $0x38;
	[tilespmem:$0x10900] =	vst v63  }
0x6f: {  	s12 =	sadd.s32 $0x50, s6;
	s13 =	simm.s32 $0xB6A8  }
0x70: {  	[hbm4b:s12+s10] =	stream.linear.scatter [tilespmem:s13], [sflag:$0x6], $0x80, $0x38;
	[tilespmem:$0x10900] =	vst v63  }
0x71: {  	s14 =	sadd.s32 $0x60, s6;
	s16 =	simm.s32 $0xB730  }
0x72: {  	[hbm4b:s14+s10] =	stream.linear.scatter [tilespmem:s16], [sflag:$0x6], $0x80, $0x38;
	[tilespmem:$0x10900] =	vst v63  }
0x73: {  	s17 =	sadd.s32 $0x70, s6;
	s18 =	simm.s32 $0xB7B8  }
0x74: {  	[hbm4b:s17+s10] =	stream.linear.scatter [tilespmem:s18], [sflag:$0x6], $0x80, $0x38;
	[tilespmem:$0x10900] =	vst v63  }
0x75: {  	s12 =	sadd.s32 $0x1000, s6;
	s13 =	simm.s32 $0xB840  }
0x76: {  	[hbm4b:s12+s10] =	stream.linear.scatter [tilespmem:s13], [sflag:$0x6], $0x80, $0x38;
	[tilespmem:$0x10900] =	vst v63  }
0x77: {  	s14 =	sadd.s32 $0x1010, s6;
	s16 =	simm.s32 $0xB8C8  }
0x78: {  	[hbm4b:s14+s10] =	stream.linear.scatter [tilespmem:s16], [sflag:$0x6], $0x80, $0x38;
	[tilespmem:$0x10900] =	vst v63  }
0x79: {  	s17 =	sadd.s32 $0x1020, s6;
	s18 =	simm.s32 $0xB950  }
0x7a: {  	[hbm4b:s17+s10] =	stream.linear.scatter [tilespmem:s18], [sflag:$0x6], $0x80, $0x38;
	[tilespmem:$0x10900] =	vst v63  }
0x7b: {  	s12 =	sadd.s32 $0x1030, s6;
	s13 =	simm.s32 $0xB9D8  }
0x7c: {  	[hbm4b:s12+s10] =	stream.linear.scatter [tilespmem:s13], [sflag:$0x6], $0x80, $0x38;
	[tilespmem:$0x10900] =	vst v63  }
0x7d: {  	s14 =	sadd.s32 $0x1040, s6;
	s16 =	simm.s32 $0xBA60  }
0x7e: {  	[hbm4b:s14+s10] =	stream.linear.scatter [tilespmem:s16], [sflag:$0x6], $0x80, $0x38;
	[tilespmem:$0x10900] =	vst v63  }
0x7f: {  	s17 =	sadd.s32 $0x1050, s6;
	s18 =	simm.s32 $0xBAE8  }
0x80: {  	[hbm4b:s17+s10] =	stream.linear.scatter [tilespmem:s18], [sflag:$0x6], $0x80, $0x38;
	[tilespmem:$0x10900] =	vst v63  }
0x81: {  	s12 =	sadd.s32 $0x1060, s6;
	s13 =	simm.s32 $0xBB70  }
0x82: {  	[hbm4b:s12+s10] =	stream.linear.scatter [tilespmem:s13], [sflag:$0x6], $0x80, $0x38;
	[tilespmem:$0x10900] =	vst v63  }
0x83: {  	s14 =	sadd.s32 $0x1070, s6;
	s16 =	simm.s32 $0xBBF8  }
0x84: {  	[hbm4b:s14+s10] =	stream.linear.scatter [tilespmem:s16], [sflag:$0x6], $0x80, $0x38;
	[tilespmem:$0x10900] =	vst v63  }
0x85: {  	s17 =	sadd.s32 $0x2000, s6;
	s18 =	simm.s32 $0xBC80  }
0x86: {  	[hbm4b:s17+s10] =	stream.linear.scatter [tilespmem:s18], [sflag:$0x6], $0x80, $0x38;
	[tilespmem:$0x10900] =	vst v63  }
0x87: {  	s12 =	sadd.s32 $0x2010, s6;
	s13 =	simm.s32 $0xBD08  }
0x88: {  	[hbm4b:s12+s10] =	stream.linear.scatter [tilespmem:s13], [sflag:$0x6], $0x80, $0x38;
	[tilespmem:$0x10900] =	vst v63  }
0x89: {  	s14 =	sadd.s32 $0x2020, s6;
	s16 =	simm.s32 $0xBD90  }
0x8a: {  	[hbm4b:s14+s10] =	stream.linear.scatter [tilespmem:s16], [sflag:$0x6], $0x80, $0x38;
	[tilespmem:$0x10900] =	vst v63  }
0x8b: {  	s17 =	sadd.s32 $0x2030, s6;
	s18 =	simm.s32 $0xBE18  }
0x8c: {  	[hbm4b:s17+s10] =	stream.linear.scatter [tilespmem:s18], [sflag:$0x6], $0x80, $0x38;
	[tilespmem:$0x10900] =	vst v63  }
0x8d: {  	s12 =	sadd.s32 $0x2040, s6;
	s13 =	simm.s32 $0xBEA0  }
0x8e: {  	[hbm4b:s12+s10] =	stream.linear.scatter [tilespmem:s13], [sflag:$0x6], $0x80, $0x38;
	[tilespmem:$0x10900] =	vst v63  }
0x8f: {  	s14 =	sadd.s32 $0x2050, s6;
	s16 =	simm.s32 $0xBF28  }
0x90: {  	[hbm4b:s14+s10] =	stream.linear.scatter [tilespmem:s16], [sflag:$0x6], $0x80, $0x38;
	[tilespmem:$0x10900] =	vst v63  }
0x91: {  	s17 =	sadd.s32 $0x2060, s6;
	s18 =	simm.s32 $0xBFB0  }
0x92: {  	[hbm4b:s17+s10] =	stream.linear.scatter [tilespmem:s18], [sflag:$0x6], $0x80, $0x38;
	[tilespmem:$0x10900] =	vst v63  }
0x93: {  	s12 =	sadd.s32 $0x2070, s6;
	s13 =	simm.s32 $0xC038  }
0x94: {  	[hbm4b:s12+s10] =	stream.linear.scatter [tilespmem:s13], [sflag:$0x6], $0x80, $0x38;
	[tilespmem:$0x10900] =	vst v63  }
0x95: {  	s14 =	sadd.s32 $0x3000, s6;
	s16 =	simm.s32 $0xC0C0  }
0x96: {  	[hbm4b:s14+s10] =	stream.linear.scatter [tilespmem:s16], [sflag:$0x6], $0x80, $0x38;
	[tilespmem:$0x10900] =	vst v63  }
0x97: {  	s17 =	sadd.s32 $0x3010, s6;
	s18 =	simm.s32 $0xC148  }
0x98: {  	[hbm4b:s17+s10] =	stream.linear.scatter [tilespmem:s18], [sflag:$0x6], $0x80, $0x38;
	[tilespmem:$0x10900] =	vst v63  }
0x99: {  	s12 =	sadd.s32 $0x3020, s6;
	s13 =	simm.s32 $0xC1D0  }
0x9a: {  	[hbm4b:s12+s10] =	stream.linear.scatter [tilespmem:s13], [sflag:$0x6], $0x80, $0x38;
	[tilespmem:$0x10900] =	vst v63  }
0x9b: {  	s14 =	sadd.s32 $0x3030, s6;
	s16 =	simm.s32 $0xC258  }
0x9c: {  	[hbm4b:s14+s10] =	stream.linear.scatter [tilespmem:s16], [sflag:$0x6], $0x80, $0x38;
	[tilespmem:$0x10900] =	vst v63  }
0x9d: {  	s17 =	sadd.s32 $0x3040, s6;
	s18 =	simm.s32 $0xC2E0  }
0x9e: {  	[hbm4b:s17+s10] =	stream.linear.scatter [tilespmem:s18], [sflag:$0x6], $0x80, $0x38;
	[tilespmem:$0x10900] =	vst v63  }
0x9f: {  	s12 =	sadd.s32 $0x3050, s6;
	s13 =	simm.s32 $0xC368  }
0xa0: {  	[hbm4b:s12+s10] =	stream.linear.scatter [tilespmem:s13], [sflag:$0x6], $0x80, $0x38;
	[tilespmem:$0x10900] =	vst v63  }
0xa1: {  	s14 =	sadd.s32 $0x3060, s6;
	s16 =	simm.s32 $0xC3F0  }
0xa2: {  	[hbm4b:s14+s10] =	stream.linear.scatter [tilespmem:s16], [sflag:$0x6], $0x80, $0x38;
	[tilespmem:$0x10900] =	vst v63  }
0xa3: {  	s17 =	sadd.s32 $0x3070, s6;
	s18 =	simm.s32 $0xC478  }
0xa4: {  	[hbm4b:s17+s10] =	stream.linear.scatter [tilespmem:s18], [sflag:$0x6], $0x80, $0x38;
	[tilespmem:$0x10900] =	vst v63  }
0xa5: {  	_ =	swait.ge [sflag:s31], $0x1000  }
0xa6: {  	s13 =	simm.s32 $0x6400;
	[sflag:s31] =	ssyncset.done $0x0  }
0xa7: {  	v2 =	vmov s10;
	s14 =	simm.s32 $0x280;
	s10 =	simm.s32 $0x7440;
	[sflag:s31] =	ssyncadd.s32 $0xFFFFF000  }
0xa8: {  	v2 =	vand.u32 $0x7C, v2;
	[tilespmem:s13], [sflag:$0x1] =	stream.indirect.gather [hbm4b:s5+s24], $0x20, s14, s24, $0xb8;
	[tilespmem:$0x10900] =	vst v63  }
0xa9: {  	v4 =	vadd.s32 v0, v2;
	v3 =	vld [tilespmem:s10+$0xFFFFFFC0]  }
0xaa: {  	v2 =	vadd.s32 v1, v2;
	v5 =	vld [tilespmem:s10+$0xFFFFFFD0];
	_ =	sdelay $0x2  }
0xab: {  	s16 =	simm.s32 $0x1  }
0xac: {  	[tilespmem:v4+s22+$0x0] =	vst.idx.msk $0xffff, v3;
	v3 =	vmov s16  }
0xad: {  	[tilespmem:v2+s22+$0x0] =	vst.idx.msk $0xffff, v5;
	v2 =	vand.u32 $0x7D, v3  }
0xae: {  	v3 =	vld [tilespmem:s10+$0xFFFFFFE0];
	v4 =	vadd.s32 v0, v2  }
0xaf: {  	v5 =	vld [tilespmem:s10+$0xFFFFFFF0];
	v2 =	vadd.s32 v1, v2;
	_ =	sdelay $0x2  }
0xb0: {  	s17 =	simm.s32 $0x2  }
0xb1: {  	[tilespmem:v4+s22+$0x0] =	vst.idx.msk $0xffff, v3;
	v3 =	vmov s17  }
0xb2: {  	[tilespmem:v2+s22+$0x0] =	vst.idx.msk $0xffff, v5;
	v2 =	vand.u32 $0x7E, v3  }
0xb3: {  	v3 =	vld [tilespmem:s10+$0x0];
	v4 =	vadd.s32 v0, v2  }
0xb4: {  	v5 =	vld [tilespmem:s10+$0x10];
	v2 =	vadd.s32 v1, v2;
	_ =	sdelay $0x2  }
0xb5: {  	s18 =	simm.s32 $0x3  }
0xb6: {  	[tilespmem:v4+s22+$0x0] =	vst.idx.msk $0xffff, v3;
	v3 =	vmov s18  }
0xb7: {  	[tilespmem:v2+s22+$0x0] =	vst.idx.msk $0xffff, v5;
	v3 =	vand.u32 $0x7F, v3  }
0xb8: {  	v5 =	vld [tilespmem:s10+$0x20];
	v6 =	vadd.s32 v0, v3;
	_ =	sdelay $0x1  }
0xb9: {  	v2 =	vld [tilespmem:s10+$0x30];
	v3 =	vadd.s32 v1, v3;
	_ =	sdelay $0x1  }
0xba: {  	s11 =	simm.s32 $0x4  }
0xbb: {  	s12 =	simm.s32 $0x8;
	v4 =	vmov s11;
	[tilespmem:v6+s22+$0x0] =	vst.idx.msk $0xffff, v5  }
.LBB2_4:
0xbc: {  	p0 =	slt.u32 s12, $0x7C  }
0xbd: {  	v4 =	vand.u32 $0x7C, v4;
	[tilespmem:v3+s22+$0x0] =	vst.idx.msk $0xffff, v2;
	s10 =	sadd.s32 $0x80, s10;
	s13 =	smov.u32 s12;
	s12 =	sadd.s32 $0x4, s12  }
0xbe: {  	v2 =	vld [tilespmem:s10+$0xFFFFFFC0];
	v3 =	vadd.s32 v0, v4  }
0xbf: {  	v4 =	vadd.s32 v1, v4;
	v5 =	vld [tilespmem:s10+$0xFFFFFFD0];
	_ =	sdelay $0x2  }
0xc0: {  	s14 =	sadd.s32 $0x1, s11  }
0xc1: {  	[tilespmem:v3+s22+$0x0] =	vst.idx.msk $0xffff, v2;
	v2 =	vmov s14  }
0xc2: {  	[tilespmem:v4+s22+$0x0] =	vst.idx.msk $0xffff, v5;
	v2 =	vand.u32 $0x7D, v2  }
0xc3: {  	v3 =	vld [tilespmem:s10+$0xFFFFFFE0];
	v4 =	vadd.s32 v0, v2  }
0xc4: {  	v2 =	vadd.s32 v1, v2;
	v5 =	vld [tilespmem:s10+$0xFFFFFFF0];
	_ =	sdelay $0x2  }
0xc5: {  	s14 =	sadd.s32 $0x2, s11  }
0xc6: {  	[tilespmem:v4+s22+$0x0] =	vst.idx.msk $0xffff, v3;
	v3 =	vmov s14  }
0xc7: {  	[tilespmem:v2+s22+$0x0] =	vst.idx.msk $0xffff, v5;
	v2 =	vand.u32 $0x7E, v3  }
0xc8: {  	v3 =	vld [tilespmem:s10+$0x0];
	v4 =	vadd.s32 v0, v2  }
0xc9: {  	v2 =	vadd.s32 v1, v2;
	v5 =	vld [tilespmem:s10+$0x10];
	_ =	sdelay $0x2  }
0xca: {  	s14 =	sadd.s32 $0x3, s11;
	s11 =	smov.u32 s13  }
0xcb: {  	[tilespmem:v4+s22+$0x0] =	vst.idx.msk $0xffff, v3;
	v3 =	vmov s14  }
0xcc: {  	[tilespmem:v2+s22+$0x0] =	vst.idx.msk $0xffff, v5;
	v3 =	vand.u32 $0x7F, v3  }
0xcd: {  	v5 =	vld [tilespmem:s10+$0x20];
	v6 =	vadd.s32 v0, v3  }
.Ltmp1:
0xce: {  	v3 =	vadd.s32 v1, v3;
	v2 =	vld [tilespmem:s10+$0x30];
	(pc) =	sbr.rel @p0 .LBB2_4-.Ltmp1, $2  }
0xcf: {  	_ =	sdelay $0x2  }
0xd0: {  	v4 =	vmov s11;
	[tilespmem:v6+s22+$0x0] =	vst.idx.msk $0xffff, v5  }
0xd1: {  	_ =	sdelay $0x3  }
0xd2: {  	v4 =	vand.u32 $0x7C, v4;
	[tilespmem:v3+s22+$0x0] =	vst.idx.msk $0xffff, v2;
	s10 =	sadd.s32 $0x80, s10  }
0xd3: {  	v2 =	vld [tilespmem:s10+$0xFFFFFFC0];
	v3 =	vadd.s32 v0, v4  }
0xd4: {  	v5 =	vld [tilespmem:s10+$0xFFFFFFD0];
	v4 =	vadd.s32 v1, v4;
	_ =	sdelay $0x2  }
0xd5: {  	s12 =	sadd.s32 $0x1, s11  }
0xd6: {  	[tilespmem:v3+s22+$0x0] =	vst.idx.msk $0xffff, v2;
	v2 =	vmov s12  }
0xd7: {  	[tilespmem:v4+s22+$0x0] =	vst.idx.msk $0xffff, v5;
	v2 =	vand.u32 $0x7D, v2  }
0xd8: {  	v3 =	vld [tilespmem:s10+$0xFFFFFFE0];
	v4 =	vadd.s32 v0, v2  }
0xd9: {  	v5 =	vld [tilespmem:s10+$0xFFFFFFF0];
	v2 =	vadd.s32 v1, v2;
	_ =	sdelay $0x2  }
0xda: {  	s16 =	sadd.s32 $0x2, s11  }
0xdb: {  	[tilespmem:v4+s22+$0x0] =	vst.idx.msk $0xffff, v3;
	v3 =	vmov s16  }
0xdc: {  	[tilespmem:v2+s22+$0x0] =	vst.idx.msk $0xffff, v5;
	v2 =	vand.u32 $0x7E, v3  }
0xdd: {  	v3 =	vld [tilespmem:s10+$0x0];
	v4 =	vadd.s32 v0, v2  }
0xde: {  	v5 =	vld [tilespmem:s10+$0x10];
	v2 =	vadd.s32 v1, v2;
	_ =	sdelay $0x2  }
0xdf: {  	s17 =	sadd.s32 $0x3, s11  }
0xe0: {  	[tilespmem:v4+s22+$0x0] =	vst.idx.msk $0xffff, v3;
	v3 =	vmov s17  }
0xe1: {  	[tilespmem:v2+s22+$0x0] =	vst.idx.msk $0xffff, v5;
	v2 =	vand.u32 $0x7F, v3  }
0xe2: {  	v3 =	vld [tilespmem:s10+$0x20];
	v4 =	vadd.s32 v0, v2  }
0xe3: {  	v5 =	vld [tilespmem:s10+$0x30];
	v2 =	vadd.s32 v1, v2;
	_ =	sdelay $0x3  }
0xe4: {  	[tilespmem:v4+s22+$0x0] =	vst.idx.msk $0xffff, v3  }
0xe5: {  	s12 =	rddreg [dreg:$0x5];
	s10 =	simm.s32 $0x0;
	[tilespmem:v2+s22+$0x0] =	vst.idx.msk $0xffff, v5  }
0xe6: {  	[hbm4b:s12+s10] =	stream.linear.scatter [tilespmem:s22], [sflag:$0x7], $0x80, $0x38;
	[tilespmem:$0x10900] =	vst v63  }
0xe7: {  	s13 =	simm.s32 $0xC588;
	s18 =	sadd.s32 $0x10, s12  }
0xe8: {  	[hbm4b:s18+s10] =	stream.linear.scatter [tilespmem:s13], [sflag:$0x7], $0x80, $0x38;
	[tilespmem:$0x10900] =	vst v63  }
0xe9: {  	s14 =	sadd.s32 $0x20, s12;
	s16 =	simm.s32 $0xC610  }
0xea: {  	[hbm4b:s14+s10] =	stream.linear.scatter [tilespmem:s16], [sflag:$0x7], $0x80, $0x38;
	[tilespmem:$0x10900] =	vst v63  }
0xeb: {  	s17 =	sadd.s32 $0x30, s12;
	s18 =	simm.s32 $0xC698  }
0xec: {  	[hbm4b:s17+s10] =	stream.linear.scatter [tilespmem:s18], [sflag:$0x7], $0x80, $0x38;
	[tilespmem:$0x10900] =	vst v63  }
0xed: {  	s14 =	sadd.s32 $0x40, s12;
	s16 =	simm.s32 $0xC720  }
0xee: {  	[hbm4b:s14+s10] =	stream.linear.scatter [tilespmem:s16], [sflag:$0x7], $0x80, $0x38;
	[tilespmem:$0x10900] =	vst v63  }
0xef: {  	s17 =	sadd.s32 $0x50, s12;
	s18 =	simm.s32 $0xC7A8  }
0xf0: {  	[hbm4b:s17+s10] =	stream.linear.scatter [tilespmem:s18], [sflag:$0x7], $0x80, $0x38;
	[tilespmem:$0x10900] =	vst v63  }
0xf1: {  	s14 =	sadd.s32 $0x60, s12;
	s16 =	simm.s32 $0xC830  }
0xf2: {  	[hbm4b:s14+s10] =	stream.linear.scatter [tilespmem:s16], [sflag:$0x7], $0x80, $0x38;
	[tilespmem:$0x10900] =	vst v63  }
0xf3: {  	s17 =	sadd.s32 $0x70, s12;
	s18 =	simm.s32 $0xC8B8  }
0xf4: {  	[hbm4b:s17+s10] =	stream.linear.scatter [tilespmem:s18], [sflag:$0x7], $0x80, $0x38;
	[tilespmem:$0x10900] =	vst v63  }
0xf5: {  	s14 =	sadd.s32 $0x1000, s12;
	s16 =	simm.s32 $0xC940  }
0xf6: {  	[hbm4b:s14+s10] =	stream.linear.scatter [tilespmem:s16], [sflag:$0x7], $0x80, $0x38;
	[tilespmem:$0x10900] =	vst v63  }
0xf7: {  	s17 =	sadd.s32 $0x1010, s12;
	s18 =	simm.s32 $0xC9C8  }
0xf8: {  	[hbm4b:s17+s10] =	stream.linear.scatter [tilespmem:s18], [sflag:$0x7], $0x80, $0x38;
	[tilespmem:$0x10900] =	vst v63  }
0xf9: {  	s14 =	sadd.s32 $0x1020, s12;
	s16 =	simm.s32 $0xCA50  }
0xfa: {  	[hbm4b:s14+s10] =	stream.linear.scatter [tilespmem:s16], [sflag:$0x7], $0x80, $0x38;
	[tilespmem:$0x10900] =	vst v63  }
0xfb: {  	s17 =	sadd.s32 $0x1030, s12;
	s18 =	simm.s32 $0xCAD8  }
0xfc: {  	[hbm4b:s17+s10] =	stream.linear.scatter [tilespmem:s18], [sflag:$0x7], $0x80, $0x38;
	[tilespmem:$0x10900] =	vst v63  }
0xfd: {  	s14 =	sadd.s32 $0x1040, s12;
	s16 =	simm.s32 $0xCB60  }
0xfe: {  	[hbm4b:s14+s10] =	stream.linear.scatter [tilespmem:s16], [sflag:$0x7], $0x80, $0x38;
	[tilespmem:$0x10900] =	vst v63  }
0xff: {  	s17 =	sadd.s32 $0x1050, s12;
	s18 =	simm.s32 $0xCBE8  }
0x100: {  	[hbm4b:s17+s10] =	stream.linear.scatter [tilespmem:s18], [sflag:$0x7], $0x80, $0x38;
	[tilespmem:$0x10900] =	vst v63  }
0x101: {  	s14 =	sadd.s32 $0x1060, s12;
	s16 =	simm.s32 $0xCC70  }
0x102: {  	[hbm4b:s14+s10] =	stream.linear.scatter [tilespmem:s16], [sflag:$0x7], $0x80, $0x38;
	[tilespmem:$0x10900] =	vst v63  }
0x103: {  	s17 =	sadd.s32 $0x1070, s12;
	s18 =	simm.s32 $0xCCF8  }
0x104: {  	[hbm4b:s17+s10] =	stream.linear.scatter [tilespmem:s18], [sflag:$0x7], $0x80, $0x38;
	[tilespmem:$0x10900] =	vst v63  }
0x105: {  	s14 =	sadd.s32 $0x2000, s12;
	s16 =	simm.s32 $0xCD80  }
0x106: {  	[hbm4b:s14+s10] =	stream.linear.scatter [tilespmem:s16], [sflag:$0x7], $0x80, $0x38;
	[tilespmem:$0x10900] =	vst v63  }
0x107: {  	s17 =	sadd.s32 $0x2010, s12;
	s18 =	simm.s32 $0xCE08  }
0x108: {  	[hbm4b:s17+s10] =	stream.linear.scatter [tilespmem:s18], [sflag:$0x7], $0x80, $0x38;
	[tilespmem:$0x10900] =	vst v63  }
0x109: {  	s14 =	sadd.s32 $0x2020, s12;
	s16 =	simm.s32 $0xCE90  }
0x10a: {  	[hbm4b:s14+s10] =	stream.linear.scatter [tilespmem:s16], [sflag:$0x7], $0x80, $0x38;
	[tilespmem:$0x10900] =	vst v63  }
0x10b: {  	s17 =	sadd.s32 $0x2030, s12;
	s18 =	simm.s32 $0xCF18  }
0x10c: {  	[hbm4b:s17+s10] =	stream.linear.scatter [tilespmem:s18], [sflag:$0x7], $0x80, $0x38;
	[tilespmem:$0x10900] =	vst v63  }
0x10d: {  	s14 =	sadd.s32 $0x2040, s12;
	s16 =	simm.s32 $0xCFA0  }
0x10e: {  	[hbm4b:s14+s10] =	stream.linear.scatter [tilespmem:s16], [sflag:$0x7], $0x80, $0x38;
	[tilespmem:$0x10900] =	vst v63  }
0x10f: {  	s17 =	sadd.s32 $0x2050, s12;
	s18 =	simm.s32 $0xD028  }
0x110: {  	[hbm4b:s17+s10] =	stream.linear.scatter [tilespmem:s18], [sflag:$0x7], $0x80, $0x38;
	[tilespmem:$0x10900] =	vst v63  }
0x111: {  	s14 =	sadd.s32 $0x2060, s12;
	s16 =	simm.s32 $0xD0B0  }
0x112: {  	[hbm4b:s14+s10] =	stream.linear.scatter [tilespmem:s16], [sflag:$0x7], $0x80, $0x38;
	[tilespmem:$0x10900] =	vst v63  }
0x113: {  	s17 =	sadd.s32 $0x2070, s12;
	s18 =	simm.s32 $0xD138  }
0x114: {  	[hbm4b:s17+s10] =	stream.linear.scatter [tilespmem:s18], [sflag:$0x7], $0x80, $0x38;
	[tilespmem:$0x10900] =	vst v63  }
0x115: {  	s14 =	sadd.s32 $0x3000, s12;
	s16 =	simm.s32 $0xD1C0  }
0x116: {  	[hbm4b:s14+s10] =	stream.linear.scatter [tilespmem:s16], [sflag:$0x7], $0x80, $0x38;
	[tilespmem:$0x10900] =	vst v63  }
0x117: {  	s17 =	sadd.s32 $0x3010, s12;
	s18 =	simm.s32 $0xD248  }
0x118: {  	[hbm4b:s17+s10] =	stream.linear.scatter [tilespmem:s18], [sflag:$0x7], $0x80, $0x38;
	[tilespmem:$0x10900] =	vst v63  }
0x119: {  	s14 =	sadd.s32 $0x3020, s12;
	s16 =	simm.s32 $0xD2D0  }
0x11a: {  	[hbm4b:s14+s10] =	stream.linear.scatter [tilespmem:s16], [sflag:$0x7], $0x80, $0x38;
	[tilespmem:$0x10900] =	vst v63  }
0x11b: {  	s17 =	sadd.s32 $0x3030, s12;
	s18 =	simm.s32 $0xD358  }
0x11c: {  	[hbm4b:s17+s10] =	stream.linear.scatter [tilespmem:s18], [sflag:$0x7], $0x80, $0x38;
	[tilespmem:$0x10900] =	vst v63  }
0x11d: {  	s14 =	sadd.s32 $0x3040, s12;
	s16 =	simm.s32 $0xD3E0  }
0x11e: {  	[hbm4b:s14+s10] =	stream.linear.scatter [tilespmem:s16], [sflag:$0x7], $0x80, $0x38;
	[tilespmem:$0x10900] =	vst v63  }
0x11f: {  	s17 =	sadd.s32 $0x3050, s12;
	s18 =	simm.s32 $0xD468  }
0x120: {  	[hbm4b:s17+s10] =	stream.linear.scatter [tilespmem:s18], [sflag:$0x7], $0x80, $0x38;
	[tilespmem:$0x10900] =	vst v63  }
0x121: {  	s14 =	sadd.s32 $0x3060, s12;
	s16 =	simm.s32 $0xD4F0  }
0x122: {  	[hbm4b:s14+s10] =	stream.linear.scatter [tilespmem:s16], [sflag:$0x7], $0x80, $0x38;
	[tilespmem:$0x10900] =	vst v63  }
0x123: {  	s17 =	sadd.s32 $0x3070, s12;
	s18 =	simm.s32 $0xD578  }
0x124: {  	[hbm4b:s17+s10] =	stream.linear.scatter [tilespmem:s18], [sflag:$0x7], $0x80, $0x38;
	[tilespmem:$0x10900] =	vst v63  }
0x125: {  	_ =	swait.ge [sflag:s20], $0x1000  }
0x126: {  	s13 =	simm.s32 $0x7400;
	[sflag:s20] =	ssyncset.done $0x0  }
0x127: {  	v2 =	vmov s10;
	s14 =	simm.s32 $0x300;
	s10 =	simm.s32 $0x8440;
	[sflag:s20] =	ssyncadd.s32 $0xFFFFF000  }
0x128: {  	v2 =	vand.u32 $0x7C, v2;
	[tilespmem:s13], [sflag:$0x2] =	stream.indirect.gather [hbm4b:s5+s24], $0x20, s14, s24, $0xb8;
	[tilespmem:$0x10900] =	vst v63  }
0x129: {  	v4 =	vadd.s32 v0, v2;
	v3 =	vld [tilespmem:s10+$0xFFFFFFC0]  }
0x12a: {  	v2 =	vadd.s32 v1, v2;
	v5 =	vld [tilespmem:s10+$0xFFFFFFD0];
	_ =	sdelay $0x2  }
0x12b: {  	s16 =	simm.s32 $0x1  }
0x12c: {  	[tilespmem:v4+s23+$0x0] =	vst.idx.msk $0xffff, v3;
	v3 =	vmov s16  }
0x12d: {  	[tilespmem:v2+s23+$0x0] =	vst.idx.msk $0xffff, v5;
	v2 =	vand.u32 $0x7D, v3  }
0x12e: {  	v3 =	vld [tilespmem:s10+$0xFFFFFFE0];
	v4 =	vadd.s32 v0, v2  }
0x12f: {  	v5 =	vld [tilespmem:s10+$0xFFFFFFF0];
	v2 =	vadd.s32 v1, v2;
	_ =	sdelay $0x2  }
0x130: {  	s17 =	simm.s32 $0x2  }
0x131: {  	[tilespmem:v4+s23+$0x0] =	vst.idx.msk $0xffff, v3;
	v3 =	vmov s17  }
0x132: {  	[tilespmem:v2+s23+$0x0] =	vst.idx.msk $0xffff, v5;
	v2 =	vand.u32 $0x7E, v3  }
0x133: {  	v3 =	vld [tilespmem:s10+$0x0];
	v4 =	vadd.s32 v0, v2  }
0x134: {  	v5 =	vld [tilespmem:s10+$0x10];
	v2 =	vadd.s32 v1, v2;
	_ =	sdelay $0x2  }
0x135: {  	s18 =	simm.s32 $0x3  }
0x136: {  	[tilespmem:v4+s23+$0x0] =	vst.idx.msk $0xffff, v3;
	v3 =	vmov s18  }
0x137: {  	[tilespmem:v2+s23+$0x0] =	vst.idx.msk $0xffff, v5;
	v3 =	vand.u32 $0x7F, v3  }
0x138: {  	v5 =	vld [tilespmem:s10+$0x20];
	v6 =	vadd.s32 v0, v3;
	_ =	sdelay $0x1  }
0x139: {  	v2 =	vld [tilespmem:s10+$0x30];
	v3 =	vadd.s32 v1, v3;
	_ =	sdelay $0x1  }
0x13a: {  	s11 =	simm.s32 $0x4  }
0x13b: {  	s12 =	simm.s32 $0x8;
	v4 =	vmov s11;
	[tilespmem:v6+s23+$0x0] =	vst.idx.msk $0xffff, v5  }
.LBB2_6:
0x13c: {  	p0 =	slt.u32 s12, $0x7C  }
0x13d: {  	v4 =	vand.u32 $0x7C, v4;
	[tilespmem:v3+s23+$0x0] =	vst.idx.msk $0xffff, v2;
	s10 =	sadd.s32 $0x80, s10;
	s13 =	smov.u32 s12;
	s12 =	sadd.s32 $0x4, s12  }
0x13e: {  	v2 =	vld [tilespmem:s10+$0xFFFFFFC0];
	v3 =	vadd.s32 v0, v4  }
0x13f: {  	v4 =	vadd.s32 v1, v4;
	v5 =	vld [tilespmem:s10+$0xFFFFFFD0];
	_ =	sdelay $0x2  }
0x140: {  	s14 =	sadd.s32 $0x1, s11  }
0x141: {  	[tilespmem:v3+s23+$0x0] =	vst.idx.msk $0xffff, v2;
	v2 =	vmov s14  }
0x142: {  	[tilespmem:v4+s23+$0x0] =	vst.idx.msk $0xffff, v5;
	v2 =	vand.u32 $0x7D, v2  }
0x143: {  	v3 =	vld [tilespmem:s10+$0xFFFFFFE0];
	v4 =	vadd.s32 v0, v2  }
0x144: {  	v2 =	vadd.s32 v1, v2;
	v5 =	vld [tilespmem:s10+$0xFFFFFFF0];
	_ =	sdelay $0x2  }
0x145: {  	s14 =	sadd.s32 $0x2, s11  }
0x146: {  	[tilespmem:v4+s23+$0x0] =	vst.idx.msk $0xffff, v3;
	v3 =	vmov s14  }
0x147: {  	[tilespmem:v2+s23+$0x0] =	vst.idx.msk $0xffff, v5;
	v2 =	vand.u32 $0x7E, v3  }
0x148: {  	v3 =	vld [tilespmem:s10+$0x0];
	v4 =	vadd.s32 v0, v2  }
0x149: {  	v2 =	vadd.s32 v1, v2;
	v5 =	vld [tilespmem:s10+$0x10];
	_ =	sdelay $0x2  }
0x14a: {  	s14 =	sadd.s32 $0x3, s11;
	s11 =	smov.u32 s13  }
0x14b: {  	[tilespmem:v4+s23+$0x0] =	vst.idx.msk $0xffff, v3;
	v3 =	vmov s14  }
0x14c: {  	[tilespmem:v2+s23+$0x0] =	vst.idx.msk $0xffff, v5;
	v3 =	vand.u32 $0x7F, v3  }
0x14d: {  	v5 =	vld [tilespmem:s10+$0x20];
	v6 =	vadd.s32 v0, v3  }
.Ltmp2:
0x14e: {  	v3 =	vadd.s32 v1, v3;
	v2 =	vld [tilespmem:s10+$0x30];
	(pc) =	sbr.rel @p0 .LBB2_6-.Ltmp2, $2  }
0x14f: {  	_ =	sdelay $0x2  }
0x150: {  	v4 =	vmov s11;
	[tilespmem:v6+s23+$0x0] =	vst.idx.msk $0xffff, v5  }
0x151: {  	_ =	sdelay $0x3  }
0x152: {  	v4 =	vand.u32 $0x7C, v4;
	[tilespmem:v3+s23+$0x0] =	vst.idx.msk $0xffff, v2;
	s10 =	sadd.s32 $0x80, s10  }
0x153: {  	v2 =	vld [tilespmem:s10+$0xFFFFFFC0];
	v3 =	vadd.s32 v0, v4  }
0x154: {  	v5 =	vld [tilespmem:s10+$0xFFFFFFD0];
	v4 =	vadd.s32 v1, v4;
	_ =	sdelay $0x2  }
0x155: {  	s12 =	sadd.s32 $0x1, s11  }
0x156: {  	[tilespmem:v3+s23+$0x0] =	vst.idx.msk $0xffff, v2;
	v2 =	vmov s12  }
0x157: {  	[tilespmem:v4+s23+$0x0] =	vst.idx.msk $0xffff, v5;
	v2 =	vand.u32 $0x7D, v2  }
0x158: {  	v3 =	vld [tilespmem:s10+$0xFFFFFFE0];
	v4 =	vadd.s32 v0, v2  }
0x159: {  	v5 =	vld [tilespmem:s10+$0xFFFFFFF0];
	v2 =	vadd.s32 v1, v2;
	_ =	sdelay $0x2  }
0x15a: {  	s16 =	sadd.s32 $0x2, s11  }
0x15b: {  	[tilespmem:v4+s23+$0x0] =	vst.idx.msk $0xffff, v3;
	v3 =	vmov s16  }
0x15c: {  	[tilespmem:v2+s23+$0x0] =	vst.idx.msk $0xffff, v5;
	v2 =	vand.u32 $0x7E, v3  }
0x15d: {  	v3 =	vld [tilespmem:s10+$0x0];
	v4 =	vadd.s32 v0, v2  }
0x15e: {  	v5 =	vld [tilespmem:s10+$0x10];
	v2 =	vadd.s32 v1, v2;
	_ =	sdelay $0x2  }
0x15f: {  	s17 =	sadd.s32 $0x3, s11  }
0x160: {  	[tilespmem:v4+s23+$0x0] =	vst.idx.msk $0xffff, v3;
	v3 =	vmov s17  }
0x161: {  	[tilespmem:v2+s23+$0x0] =	vst.idx.msk $0xffff, v5;
	v2 =	vand.u32 $0x7F, v3  }
0x162: {  	v3 =	vld [tilespmem:s10+$0x20];
	v4 =	vadd.s32 v0, v2  }
0x163: {  	v5 =	vld [tilespmem:s10+$0x30];
	v2 =	vadd.s32 v1, v2;
	_ =	sdelay $0x3  }
0x164: {  	[tilespmem:v4+s23+$0x0] =	vst.idx.msk $0xffff, v3  }
0x165: {  	s12 =	rddreg [dreg:$0x6];
	s10 =	simm.s32 $0x0;
	[tilespmem:v2+s23+$0x0] =	vst.idx.msk $0xffff, v5  }
0x166: {  	[hbm4b:s12+s10] =	stream.linear.scatter [tilespmem:s23], [sflag:$0x8], $0x80, $0x38;
	[tilespmem:$0x10900] =	vst v63  }
0x167: {  	s13 =	simm.s32 $0xD688;
	s18 =	sadd.s32 $0x10, s12  }
0x168: {  	[hbm4b:s18+s10] =	stream.linear.scatter [tilespmem:s13], [sflag:$0x8], $0x80, $0x38;
	[tilespmem:$0x10900] =	vst v63  }
0x169: {  	s14 =	sadd.s32 $0x20, s12;
	s16 =	simm.s32 $0xD710  }
0x16a: {  	[hbm4b:s14+s10] =	stream.linear.scatter [tilespmem:s16], [sflag:$0x8], $0x80, $0x38;
	[tilespmem:$0x10900] =	vst v63  }
0x16b: {  	s17 =	sadd.s32 $0x30, s12;
	s18 =	simm.s32 $0xD798  }
0x16c: {  	[hbm4b:s17+s10] =	stream.linear.scatter [tilespmem:s18], [sflag:$0x8], $0x80, $0x38;
	[tilespmem:$0x10900] =	vst v63  }
0x16d: {  	s14 =	sadd.s32 $0x40, s12;
	s16 =	simm.s32 $0xD820  }
0x16e: {  	[hbm4b:s14+s10] =	stream.linear.scatter [tilespmem:s16], [sflag:$0x8], $0x80, $0x38;
	[tilespmem:$0x10900] =	vst v63  }
0x16f: {  	s17 =	sadd.s32 $0x50, s12;
	s18 =	simm.s32 $0xD8A8  }
0x170: {  	[hbm4b:s17+s10] =	stream.linear.scatter [tilespmem:s18], [sflag:$0x8], $0x80, $0x38;
	[tilespmem:$0x10900] =	vst v63  }
0x171: {  	s14 =	sadd.s32 $0x60, s12;
	s16 =	simm.s32 $0xD930  }
0x172: {  	[hbm4b:s14+s10] =	stream.linear.scatter [tilespmem:s16], [sflag:$0x8], $0x80, $0x38;
	[tilespmem:$0x10900] =	vst v63  }
0x173: {  	s17 =	sadd.s32 $0x70, s12;
	s18 =	simm.s32 $0xD9B8  }
0x174: {  	[hbm4b:s17+s10] =	stream.linear.scatter [tilespmem:s18], [sflag:$0x8], $0x80, $0x38;
	[tilespmem:$0x10900] =	vst v63  }
0x175: {  	s14 =	sadd.s32 $0x1000, s12;
	s16 =	simm.s32 $0xDA40  }
0x176: {  	[hbm4b:s14+s10] =	stream.linear.scatter [tilespmem:s16], [sflag:$0x8], $0x80, $0x38;
	[tilespmem:$0x10900] =	vst v63  }
0x177: {  	s17 =	sadd.s32 $0x1010, s12;
	s18 =	simm.s32 $0xDAC8  }
0x178: {  	[hbm4b:s17+s10] =	stream.linear.scatter [tilespmem:s18], [sflag:$0x8], $0x80, $0x38;
	[tilespmem:$0x10900] =	vst v63  }
0x179: {  	s14 =	sadd.s32 $0x1020, s12;
	s16 =	simm.s32 $0xDB50  }
0x17a: {  	[hbm4b:s14+s10] =	stream.linear.scatter [tilespmem:s16], [sflag:$0x8], $0x80, $0x38;
	[tilespmem:$0x10900] =	vst v63  }
0x17b: {  	s17 =	sadd.s32 $0x1030, s12;
	s18 =	simm.s32 $0xDBD8  }
0x17c: {  	[hbm4b:s17+s10] =	stream.linear.scatter [tilespmem:s18], [sflag:$0x8], $0x80, $0x38;
	[tilespmem:$0x10900] =	vst v63  }
0x17d: {  	s14 =	sadd.s32 $0x1040, s12;
	s16 =	simm.s32 $0xDC60  }
0x17e: {  	[hbm4b:s14+s10] =	stream.linear.scatter [tilespmem:s16], [sflag:$0x8], $0x80, $0x38;
	[tilespmem:$0x10900] =	vst v63  }
0x17f: {  	s17 =	sadd.s32 $0x1050, s12;
	s18 =	simm.s32 $0xDCE8  }
0x180: {  	[hbm4b:s17+s10] =	stream.linear.scatter [tilespmem:s18], [sflag:$0x8], $0x80, $0x38;
	[tilespmem:$0x10900] =	vst v63  }
0x181: {  	s14 =	sadd.s32 $0x1060, s12;
	s16 =	simm.s32 $0xDD70  }
0x182: {  	[hbm4b:s14+s10] =	stream.linear.scatter [tilespmem:s16], [sflag:$0x8], $0x80, $0x38;
	[tilespmem:$0x10900] =	vst v63  }
0x183: {  	s17 =	sadd.s32 $0x1070, s12;
	s18 =	simm.s32 $0xDDF8  }
0x184: {  	[hbm4b:s17+s10] =	stream.linear.scatter [tilespmem:s18], [sflag:$0x8], $0x80, $0x38;
	[tilespmem:$0x10900] =	vst v63  }
0x185: {  	s14 =	sadd.s32 $0x2000, s12;
	s16 =	simm.s32 $0xDE80  }
0x186: {  	[hbm4b:s14+s10] =	stream.linear.scatter [tilespmem:s16], [sflag:$0x8], $0x80, $0x38;
	[tilespmem:$0x10900] =	vst v63  }
0x187: {  	s17 =	sadd.s32 $0x2010, s12;
	s18 =	simm.s32 $0xDF08  }
0x188: {  	[hbm4b:s17+s10] =	stream.linear.scatter [tilespmem:s18], [sflag:$0x8], $0x80, $0x38;
	[tilespmem:$0x10900] =	vst v63  }
0x189: {  	s14 =	sadd.s32 $0x2020, s12;
	s16 =	simm.s32 $0xDF90  }
0x18a: {  	[hbm4b:s14+s10] =	stream.linear.scatter [tilespmem:s16], [sflag:$0x8], $0x80, $0x38;
	[tilespmem:$0x10900] =	vst v63  }
0x18b: {  	s17 =	sadd.s32 $0x2030, s12;
	s18 =	simm.s32 $0xE018  }
0x18c: {  	[hbm4b:s17+s10] =	stream.linear.scatter [tilespmem:s18], [sflag:$0x8], $0x80, $0x38;
	[tilespmem:$0x10900] =	vst v63  }
0x18d: {  	s14 =	sadd.s32 $0x2040, s12;
	s16 =	simm.s32 $0xE0A0  }
0x18e: {  	[hbm4b:s14+s10] =	stream.linear.scatter [tilespmem:s16], [sflag:$0x8], $0x80, $0x38;
	[tilespmem:$0x10900] =	vst v63  }
0x18f: {  	s17 =	sadd.s32 $0x2050, s12;
	s18 =	simm.s32 $0xE128  }
0x190: {  	[hbm4b:s17+s10] =	stream.linear.scatter [tilespmem:s18], [sflag:$0x8], $0x80, $0x38;
	[tilespmem:$0x10900] =	vst v63  }
0x191: {  	s14 =	sadd.s32 $0x2060, s12;
	s16 =	simm.s32 $0xE1B0  }
0x192: {  	[hbm4b:s14+s10] =	stream.linear.scatter [tilespmem:s16], [sflag:$0x8], $0x80, $0x38;
	[tilespmem:$0x10900] =	vst v63  }
0x193: {  	s17 =	sadd.s32 $0x2070, s12;
	s18 =	simm.s32 $0xE238  }
0x194: {  	[hbm4b:s17+s10] =	stream.linear.scatter [tilespmem:s18], [sflag:$0x8], $0x80, $0x38;
	[tilespmem:$0x10900] =	vst v63  }
0x195: {  	s14 =	sadd.s32 $0x3000, s12;
	s16 =	simm.s32 $0xE2C0  }
0x196: {  	[hbm4b:s14+s10] =	stream.linear.scatter [tilespmem:s16], [sflag:$0x8], $0x80, $0x38;
	[tilespmem:$0x10900] =	vst v63  }
0x197: {  	s17 =	sadd.s32 $0x3010, s12;
	s18 =	simm.s32 $0xE348  }
0x198: {  	[hbm4b:s17+s10] =	stream.linear.scatter [tilespmem:s18], [sflag:$0x8], $0x80, $0x38;
	[tilespmem:$0x10900] =	vst v63  }
0x199: {  	s14 =	sadd.s32 $0x3020, s12;
	s16 =	simm.s32 $0xE3D0  }
0x19a: {  	[hbm4b:s14+s10] =	stream.linear.scatter [tilespmem:s16], [sflag:$0x8], $0x80, $0x38;
	[tilespmem:$0x10900] =	vst v63  }
0x19b: {  	s17 =	sadd.s32 $0x3030, s12;
	s18 =	simm.s32 $0xE458  }
0x19c: {  	[hbm4b:s17+s10] =	stream.linear.scatter [tilespmem:s18], [sflag:$0x8], $0x80, $0x38;
	[tilespmem:$0x10900] =	vst v63  }
0x19d: {  	s14 =	sadd.s32 $0x3040, s12;
	s16 =	simm.s32 $0xE4E0  }
0x19e: {  	[hbm4b:s14+s10] =	stream.linear.scatter [tilespmem:s16], [sflag:$0x8], $0x80, $0x38;
	[tilespmem:$0x10900] =	vst v63  }
0x19f: {  	s17 =	sadd.s32 $0x3050, s12;
	s18 =	simm.s32 $0xE568  }
0x1a0: {  	[hbm4b:s17+s10] =	stream.linear.scatter [tilespmem:s18], [sflag:$0x8], $0x80, $0x38;
	[tilespmem:$0x10900] =	vst v63  }
0x1a1: {  	s14 =	sadd.s32 $0x3060, s12;
	s16 =	simm.s32 $0xE5F0  }
0x1a2: {  	[hbm4b:s14+s10] =	stream.linear.scatter [tilespmem:s16], [sflag:$0x8], $0x80, $0x38;
	[tilespmem:$0x10900] =	vst v63  }
0x1a3: {  	s17 =	sadd.s32 $0x3070, s12;
	s18 =	simm.s32 $0xE678  }
0x1a4: {  	[hbm4b:s17+s10] =	stream.linear.scatter [tilespmem:s18], [sflag:$0x8], $0x80, $0x38;
	[tilespmem:$0x10900] =	vst v63  }
0x1a5: {  	_ =	swait.ge [sflag:s30], $0x1000  }
0x1a6: {  	s13 =	simm.s32 $0x8400;
	[sflag:s30] =	ssyncset.done $0x0  }
0x1a7: {  	v2 =	vmov s10;
	s14 =	simm.s32 $0x380;
	s10 =	simm.s32 $0x9440;
	[sflag:s30] =	ssyncadd.s32 $0xFFFFF000  }
0x1a8: {  	v2 =	vand.u32 $0x7C, v2;
	[tilespmem:s13], [sflag:$0x3] =	stream.indirect.gather [hbm4b:s5+s24], $0x20, s14, s24, $0xb8;
	[tilespmem:$0x10900] =	vst v63  }
0x1a9: {  	v4 =	vadd.s32 v0, v2;
	v3 =	vld [tilespmem:s10+$0xFFFFFFC0]  }
0x1aa: {  	v2 =	vadd.s32 v1, v2;
	v5 =	vld [tilespmem:s10+$0xFFFFFFD0];
	_ =	sdelay $0x2  }
0x1ab: {  	s16 =	simm.s32 $0x1  }
0x1ac: {  	[tilespmem:v4+s1+$0x0] =	vst.idx.msk $0xffff, v3;
	v3 =	vmov s16  }
0x1ad: {  	[tilespmem:v2+s1+$0x0] =	vst.idx.msk $0xffff, v5;
	v2 =	vand.u32 $0x7D, v3  }
0x1ae: {  	v3 =	vld [tilespmem:s10+$0xFFFFFFE0];
	v4 =	vadd.s32 v0, v2  }
0x1af: {  	v5 =	vld [tilespmem:s10+$0xFFFFFFF0];
	v2 =	vadd.s32 v1, v2;
	_ =	sdelay $0x2  }
0x1b0: {  	s17 =	simm.s32 $0x2  }
0x1b1: {  	[tilespmem:v4+s1+$0x0] =	vst.idx.msk $0xffff, v3;
	v3 =	vmov s17  }
0x1b2: {  	[tilespmem:v2+s1+$0x0] =	vst.idx.msk $0xffff, v5;
	v2 =	vand.u32 $0x7E, v3  }
0x1b3: {  	v3 =	vld [tilespmem:s10+$0x0];
	v4 =	vadd.s32 v0, v2  }
0x1b4: {  	v5 =	vld [tilespmem:s10+$0x10];
	v2 =	vadd.s32 v1, v2;
	_ =	sdelay $0x2  }
0x1b5: {  	s18 =	simm.s32 $0x3  }
0x1b6: {  	[tilespmem:v4+s1+$0x0] =	vst.idx.msk $0xffff, v3;
	v3 =	vmov s18  }
0x1b7: {  	[tilespmem:v2+s1+$0x0] =	vst.idx.msk $0xffff, v5;
	v3 =	vand.u32 $0x7F, v3  }
0x1b8: {  	v5 =	vld [tilespmem:s10+$0x20];
	v6 =	vadd.s32 v0, v3;
	_ =	sdelay $0x1  }
0x1b9: {  	v2 =	vld [tilespmem:s10+$0x30];
	v3 =	vadd.s32 v1, v3;
	_ =	sdelay $0x1  }
0x1ba: {  	s11 =	simm.s32 $0x4  }
0x1bb: {  	s12 =	simm.s32 $0x8;
	v4 =	vmov s11;
	[tilespmem:v6+s1+$0x0] =	vst.idx.msk $0xffff, v5  }
.LBB2_8:
0x1bc: {  	p0 =	slt.u32 s12, $0x7C  }
0x1bd: {  	v4 =	vand.u32 $0x7C, v4;
	[tilespmem:v3+s1+$0x0] =	vst.idx.msk $0xffff, v2;
	s10 =	sadd.s32 $0x80, s10;
	s13 =	smov.u32 s12;
	s12 =	sadd.s32 $0x4, s12  }
0x1be: {  	v2 =	vld [tilespmem:s10+$0xFFFFFFC0];
	v3 =	vadd.s32 v0, v4  }
0x1bf: {  	v4 =	vadd.s32 v1, v4;
	v5 =	vld [tilespmem:s10+$0xFFFFFFD0];
	_ =	sdelay $0x2  }
0x1c0: {  	s14 =	sadd.s32 $0x1, s11  }
0x1c1: {  	[tilespmem:v3+s1+$0x0] =	vst.idx.msk $0xffff, v2;
	v2 =	vmov s14  }
0x1c2: {  	[tilespmem:v4+s1+$0x0] =	vst.idx.msk $0xffff, v5;
	v2 =	vand.u32 $0x7D, v2  }
0x1c3: {  	v3 =	vld [tilespmem:s10+$0xFFFFFFE0];
	v4 =	vadd.s32 v0, v2  }
0x1c4: {  	v2 =	vadd.s32 v1, v2;
	v5 =	vld [tilespmem:s10+$0xFFFFFFF0];
	_ =	sdelay $0x2  }
0x1c5: {  	s14 =	sadd.s32 $0x2, s11  }
0x1c6: {  	[tilespmem:v4+s1+$0x0] =	vst.idx.msk $0xffff, v3;
	v3 =	vmov s14  }
0x1c7: {  	[tilespmem:v2+s1+$0x0] =	vst.idx.msk $0xffff, v5;
	v2 =	vand.u32 $0x7E, v3  }
0x1c8: {  	v3 =	vld [tilespmem:s10+$0x0];
	v4 =	vadd.s32 v0, v2  }
0x1c9: {  	v2 =	vadd.s32 v1, v2;
	v5 =	vld [tilespmem:s10+$0x10];
	_ =	sdelay $0x2  }
0x1ca: {  	s14 =	sadd.s32 $0x3, s11;
	s11 =	smov.u32 s13  }
0x1cb: {  	[tilespmem:v4+s1+$0x0] =	vst.idx.msk $0xffff, v3;
	v3 =	vmov s14  }
0x1cc: {  	[tilespmem:v2+s1+$0x0] =	vst.idx.msk $0xffff, v5;
	v3 =	vand.u32 $0x7F, v3  }
0x1cd: {  	v5 =	vld [tilespmem:s10+$0x20];
	v6 =	vadd.s32 v0, v3  }
.Ltmp3:
0x1ce: {  	v3 =	vadd.s32 v1, v3;
	v2 =	vld [tilespmem:s10+$0x30];
	(pc) =	sbr.rel @p0 .LBB2_8-.Ltmp3, $2  }
0x1cf: {  	_ =	sdelay $0x2  }
0x1d0: {  	v4 =	vmov s11;
	[tilespmem:v6+s1+$0x0] =	vst.idx.msk $0xffff, v5  }
0x1d1: {  	_ =	sdelay $0x3  }
0x1d2: {  	v4 =	vand.u32 $0x7C, v4;
	[tilespmem:v3+s1+$0x0] =	vst.idx.msk $0xffff, v2;
	s10 =	sadd.s32 $0x80, s10  }
0x1d3: {  	v2 =	vld [tilespmem:s10+$0xFFFFFFC0];
	v3 =	vadd.s32 v0, v4  }
0x1d4: {  	v5 =	vld [tilespmem:s10+$0xFFFFFFD0];
	v4 =	vadd.s32 v1, v4;
	_ =	sdelay $0x2  }
0x1d5: {  	s12 =	sadd.s32 $0x1, s11  }
0x1d6: {  	[tilespmem:v3+s1+$0x0] =	vst.idx.msk $0xffff, v2;
	v2 =	vmov s12  }
0x1d7: {  	[tilespmem:v4+s1+$0x0] =	vst.idx.msk $0xffff, v5;
	v2 =	vand.u32 $0x7D, v2  }
0x1d8: {  	v3 =	vld [tilespmem:s10+$0xFFFFFFE0];
	v4 =	vadd.s32 v0, v2  }
0x1d9: {  	v5 =	vld [tilespmem:s10+$0xFFFFFFF0];
	v2 =	vadd.s32 v1, v2;
	_ =	sdelay $0x2  }
0x1da: {  	s13 =	sadd.s32 $0x2, s11  }
0x1db: {  	[tilespmem:v4+s1+$0x0] =	vst.idx.msk $0xffff, v3;
	v3 =	vmov s13  }
0x1dc: {  	[tilespmem:v2+s1+$0x0] =	vst.idx.msk $0xffff, v5;
	v2 =	vand.u32 $0x7E, v3  }
0x1dd: {  	v3 =	vld [tilespmem:s10+$0x0];
	v4 =	vadd.s32 v0, v2  }
0x1de: {  	v5 =	vld [tilespmem:s10+$0x10];
	v2 =	vadd.s32 v1, v2;
	_ =	sdelay $0x2  }
0x1df: {  	s14 =	sadd.s32 $0x3, s11  }
0x1e0: {  	[tilespmem:v4+s1+$0x0] =	vst.idx.msk $0xffff, v3;
	v3 =	vmov s14  }
0x1e1: {  	[tilespmem:v2+s1+$0x0] =	vst.idx.msk $0xffff, v5;
	v2 =	vand.u32 $0x7F, v3  }
0x1e2: {  	v3 =	vld [tilespmem:s10+$0x20];
	v4 =	vadd.s32 v0, v2  }
0x1e3: {  	v5 =	vld [tilespmem:s10+$0x30];
	v2 =	vadd.s32 v1, v2;
	_ =	sdelay $0x3  }
0x1e4: {  	[tilespmem:v4+s1+$0x0] =	vst.idx.msk $0xffff, v3  }
0x1e5: {  	s12 =	rddreg [dreg:$0x7];
	s10 =	simm.s32 $0x0;
	[tilespmem:v2+s1+$0x0] =	vst.idx.msk $0xffff, v5  }
0x1e6: {  	[hbm4b:s12+s10] =	stream.linear.scatter [tilespmem:s1], [sflag:$0x9], $0x80, $0x38;
	[tilespmem:$0x10900] =	vst v63  }
0x1e7: {  	s16 =	sadd.s32 $0x10, s12;
	s13 =	simm.s32 $0xE788  }
0x1e8: {  	[hbm4b:s16+s10] =	stream.linear.scatter [tilespmem:s13], [sflag:$0x9], $0x80, $0x38;
	[tilespmem:$0x10900] =	vst v63  }
0x1e9: {  	s18 =	simm.s32 $0xE810;
	s17 =	sadd.s32 $0x20, s12  }
0x1ea: {  	[hbm4b:s17+s10] =	stream.linear.scatter [tilespmem:s18], [sflag:$0x9], $0x80, $0x38;
	[tilespmem:$0x10900] =	vst v63  }
0x1eb: {  	s14 =	sadd.s32 $0x30, s12;
	s16 =	simm.s32 $0xE898  }
0x1ec: {  	[hbm4b:s14+s10] =	stream.linear.scatter [tilespmem:s16], [sflag:$0x9], $0x80, $0x38;
	[tilespmem:$0x10900] =	vst v63  }
0x1ed: {  	s17 =	sadd.s32 $0x40, s12;
	s18 =	simm.s32 $0xE920  }
0x1ee: {  	[hbm4b:s17+s10] =	stream.linear.scatter [tilespmem:s18], [sflag:$0x9], $0x80, $0x38;
	[tilespmem:$0x10900] =	vst v63  }
0x1ef: {  	s14 =	sadd.s32 $0x50, s12;
	s16 =	simm.s32 $0xE9A8  }
0x1f0: {  	[hbm4b:s14+s10] =	stream.linear.scatter [tilespmem:s16], [sflag:$0x9], $0x80, $0x38;
	[tilespmem:$0x10900] =	vst v63  }
0x1f1: {  	s17 =	sadd.s32 $0x60, s12;
	s18 =	simm.s32 $0xEA30  }
0x1f2: {  	[hbm4b:s17+s10] =	stream.linear.scatter [tilespmem:s18], [sflag:$0x9], $0x80, $0x38;
	[tilespmem:$0x10900] =	vst v63  }
0x1f3: {  	s14 =	sadd.s32 $0x70, s12;
	s16 =	simm.s32 $0xEAB8  }
0x1f4: {  	[hbm4b:s14+s10] =	stream.linear.scatter [tilespmem:s16], [sflag:$0x9], $0x80, $0x38;
	[tilespmem:$0x10900] =	vst v63  }
0x1f5: {  	s17 =	sadd.s32 $0x1000, s12;
	s18 =	simm.s32 $0xEB40  }
0x1f6: {  	[hbm4b:s17+s10] =	stream.linear.scatter [tilespmem:s18], [sflag:$0x9], $0x80, $0x38;
	[tilespmem:$0x10900] =	vst v63  }
0x1f7: {  	s14 =	sadd.s32 $0x1010, s12;
	s16 =	simm.s32 $0xEBC8  }
0x1f8: {  	[hbm4b:s14+s10] =	stream.linear.scatter [tilespmem:s16], [sflag:$0x9], $0x80, $0x38;
	[tilespmem:$0x10900] =	vst v63  }
0x1f9: {  	s17 =	sadd.s32 $0x1020, s12;
	s18 =	simm.s32 $0xEC50  }
0x1fa: {  	[hbm4b:s17+s10] =	stream.linear.scatter [tilespmem:s18], [sflag:$0x9], $0x80, $0x38;
	[tilespmem:$0x10900] =	vst v63  }
0x1fb: {  	s14 =	sadd.s32 $0x1030, s12;
	s16 =	simm.s32 $0xECD8  }
0x1fc: {  	[hbm4b:s14+s10] =	stream.linear.scatter [tilespmem:s16], [sflag:$0x9], $0x80, $0x38;
	[tilespmem:$0x10900] =	vst v63  }
0x1fd: {  	s17 =	sadd.s32 $0x1040, s12;
	s18 =	simm.s32 $0xED60  }
0x1fe: {  	[hbm4b:s17+s10] =	stream.linear.scatter [tilespmem:s18], [sflag:$0x9], $0x80, $0x38;
	[tilespmem:$0x10900] =	vst v63  }
0x1ff: {  	s14 =	sadd.s32 $0x1050, s12;
	s16 =	simm.s32 $0xEDE8  }
0x200: {  	[hbm4b:s14+s10] =	stream.linear.scatter [tilespmem:s16], [sflag:$0x9], $0x80, $0x38;
	[tilespmem:$0x10900] =	vst v63  }
0x201: {  	s17 =	sadd.s32 $0x1060, s12;
	s18 =	simm.s32 $0xEE70  }
0x202: {  	[hbm4b:s17+s10] =	stream.linear.scatter [tilespmem:s18], [sflag:$0x9], $0x80, $0x38;
	[tilespmem:$0x10900] =	vst v63  }
0x203: {  	s14 =	sadd.s32 $0x1070, s12;
	s16 =	simm.s32 $0xEEF8  }
0x204: {  	[hbm4b:s14+s10] =	stream.linear.scatter [tilespmem:s16], [sflag:$0x9], $0x80, $0x38;
	[tilespmem:$0x10900] =	vst v63  }
0x205: {  	s17 =	sadd.s32 $0x2000, s12;
	s18 =	simm.s32 $0xEF80  }
0x206: {  	[hbm4b:s17+s10] =	stream.linear.scatter [tilespmem:s18], [sflag:$0x9], $0x80, $0x38;
	[tilespmem:$0x10900] =	vst v63  }
0x207: {  	s14 =	sadd.s32 $0x2010, s12;
	s16 =	simm.s32 $0xF008  }
0x208: {  	[hbm4b:s14+s10] =	stream.linear.scatter [tilespmem:s16], [sflag:$0x9], $0x80, $0x38;
	[tilespmem:$0x10900] =	vst v63  }
0x209: {  	s17 =	sadd.s32 $0x2020, s12;
	s18 =	simm.s32 $0xF090  }
0x20a: {  	[hbm4b:s17+s10] =	stream.linear.scatter [tilespmem:s18], [sflag:$0x9], $0x80, $0x38;
	[tilespmem:$0x10900] =	vst v63  }
0x20b: {  	s14 =	sadd.s32 $0x2030, s12;
	s16 =	simm.s32 $0xF118  }
0x20c: {  	[hbm4b:s14+s10] =	stream.linear.scatter [tilespmem:s16], [sflag:$0x9], $0x80, $0x38;
	[tilespmem:$0x10900] =	vst v63  }
0x20d: {  	s17 =	sadd.s32 $0x2040, s12;
	s18 =	simm.s32 $0xF1A0  }
0x20e: {  	[hbm4b:s17+s10] =	stream.linear.scatter [tilespmem:s18], [sflag:$0x9], $0x80, $0x38;
	[tilespmem:$0x10900] =	vst v63  }
0x20f: {  	s14 =	sadd.s32 $0x2050, s12;
	s16 =	simm.s32 $0xF228  }
0x210: {  	[hbm4b:s14+s10] =	stream.linear.scatter [tilespmem:s16], [sflag:$0x9], $0x80, $0x38;
	[tilespmem:$0x10900] =	vst v63  }
0x211: {  	s17 =	sadd.s32 $0x2060, s12;
	s18 =	simm.s32 $0xF2B0  }
0x212: {  	[hbm4b:s17+s10] =	stream.linear.scatter [tilespmem:s18], [sflag:$0x9], $0x80, $0x38;
	[tilespmem:$0x10900] =	vst v63  }
0x213: {  	s14 =	sadd.s32 $0x2070, s12;
	s16 =	simm.s32 $0xF338  }
0x214: {  	[hbm4b:s14+s10] =	stream.linear.scatter [tilespmem:s16], [sflag:$0x9], $0x80, $0x38;
	[tilespmem:$0x10900] =	vst v63  }
0x215: {  	s17 =	sadd.s32 $0x3000, s12;
	s18 =	simm.s32 $0xF3C0  }
0x216: {  	[hbm4b:s17+s10] =	stream.linear.scatter [tilespmem:s18], [sflag:$0x9], $0x80, $0x38;
	[tilespmem:$0x10900] =	vst v63  }
0x217: {  	s14 =	sadd.s32 $0x3010, s12;
	s16 =	simm.s32 $0xF448  }
0x218: {  	[hbm4b:s14+s10] =	stream.linear.scatter [tilespmem:s16], [sflag:$0x9], $0x80, $0x38;
	[tilespmem:$0x10900] =	vst v63  }
0x219: {  	s17 =	sadd.s32 $0x3020, s12;
	s18 =	simm.s32 $0xF4D0  }
0x21a: {  	[hbm4b:s17+s10] =	stream.linear.scatter [tilespmem:s18], [sflag:$0x9], $0x80, $0x38;
	[tilespmem:$0x10900] =	vst v63  }
0x21b: {  	s14 =	sadd.s32 $0x3030, s12;
	s16 =	simm.s32 $0xF558  }
0x21c: {  	[hbm4b:s14+s10] =	stream.linear.scatter [tilespmem:s16], [sflag:$0x9], $0x80, $0x38;
	[tilespmem:$0x10900] =	vst v63  }
0x21d: {  	s17 =	sadd.s32 $0x3040, s12;
	s18 =	simm.s32 $0xF5E0  }
0x21e: {  	[hbm4b:s17+s10] =	stream.linear.scatter [tilespmem:s18], [sflag:$0x9], $0x80, $0x38;
	[tilespmem:$0x10900] =	vst v63  }
0x21f: {  	s14 =	sadd.s32 $0x3050, s12;
	s16 =	simm.s32 $0xF668  }
0x220: {  	[hbm4b:s14+s10] =	stream.linear.scatter [tilespmem:s16], [sflag:$0x9], $0x80, $0x38;
	[tilespmem:$0x10900] =	vst v63  }
0x221: {  	s17 =	sadd.s32 $0x3060, s12;
	s18 =	simm.s32 $0xF6F0  }
0x222: {  	[hbm4b:s17+s10] =	stream.linear.scatter [tilespmem:s18], [sflag:$0x9], $0x80, $0x38;
	[tilespmem:$0x10900] =	vst v63  }
0x223: {  	s13 =	simm.s32 $0xF778;
	s12 =	sadd.s32 $0x3070, s12  }
0x224: {  	[hbm4b:s12+s10] =	stream.linear.scatter [tilespmem:s13], [sflag:$0x9], $0x80, $0x38;
	[tilespmem:$0x10900] =	vst v63  }
0x225: {  	_ =	swait.ge [sflag:s7], $0x1000  }
0x226: {  	[sflag:s7] =	ssyncset.done $0x0  }
0x227: {  	v2 =	vmov s10;
	s14 =	simm.s32 $0x9400;
	s10 =	simm.s32 $0xA440;
	[sflag:s7] =	ssyncadd.s32 $0xFFFFF000  }
0x228: {  	v2 =	vand.u32 $0x7C, v2;
	[tilespmem:s14], [sflag:$0x4] =	stream.indirect.gather [hbm4b:s5+s24], $0x20, s15, s24, $0xb8;
	[tilespmem:$0x10900] =	vst v63  }
0x229: {  	v4 =	vadd.s32 v0, v2;
	v3 =	vld [tilespmem:s10+$0xFFFFFFC0]  }
0x22a: {  	v2 =	vadd.s32 v1, v2;
	v5 =	vld [tilespmem:s10+$0xFFFFFFD0];
	_ =	sdelay $0x2  }
0x22b: {  	s16 =	simm.s32 $0x1  }
0x22c: {  	[tilespmem:v4+s25+$0x0] =	vst.idx.msk $0xffff, v3;
	v3 =	vmov s16  }
0x22d: {  	[tilespmem:v2+s25+$0x0] =	vst.idx.msk $0xffff, v5;
	v2 =	vand.u32 $0x7D, v3  }
0x22e: {  	v3 =	vld [tilespmem:s10+$0xFFFFFFE0];
	v4 =	vadd.s32 v0, v2  }
0x22f: {  	v5 =	vld [tilespmem:s10+$0xFFFFFFF0];
	v2 =	vadd.s32 v1, v2;
	_ =	sdelay $0x2  }
0x230: {  	s17 =	simm.s32 $0x2  }
0x231: {  	[tilespmem:v4+s25+$0x0] =	vst.idx.msk $0xffff, v3;
	v3 =	vmov s17  }
0x232: {  	[tilespmem:v2+s25+$0x0] =	vst.idx.msk $0xffff, v5;
	v2 =	vand.u32 $0x7E, v3  }
0x233: {  	v3 =	vld [tilespmem:s10+$0x0];
	v4 =	vadd.s32 v0, v2  }
0x234: {  	v5 =	vld [tilespmem:s10+$0x10];
	v2 =	vadd.s32 v1, v2;
	_ =	sdelay $0x2  }
0x235: {  	s18 =	simm.s32 $0x3  }
0x236: {  	[tilespmem:v4+s25+$0x0] =	vst.idx.msk $0xffff, v3;
	v3 =	vmov s18  }
0x237: {  	[tilespmem:v2+s25+$0x0] =	vst.idx.msk $0xffff, v5;
	v3 =	vand.u32 $0x7F, v3  }
0x238: {  	v5 =	vld [tilespmem:s10+$0x20];
	v6 =	vadd.s32 v0, v3;
	_ =	sdelay $0x1  }
0x239: {  	v2 =	vld [tilespmem:s10+$0x30];
	v3 =	vadd.s32 v1, v3;
	_ =	sdelay $0x1  }
0x23a: {  	s11 =	simm.s32 $0x4  }
0x23b: {  	s12 =	simm.s32 $0x8;
	v4 =	vmov s11;
	[tilespmem:v6+s25+$0x0] =	vst.idx.msk $0xffff, v5  }
.LBB2_10:
0x23c: {  	p0 =	slt.u32 s12, $0x7C  }
0x23d: {  	v4 =	vand.u32 $0x7C, v4;
	[tilespmem:v3+s25+$0x0] =	vst.idx.msk $0xffff, v2;
	s10 =	sadd.s32 $0x80, s10;
	s13 =	smov.u32 s12;
	s12 =	sadd.s32 $0x4, s12  }
0x23e: {  	v2 =	vld [tilespmem:s10+$0xFFFFFFC0];
	v3 =	vadd.s32 v0, v4  }
0x23f: {  	v4 =	vadd.s32 v1, v4;
	v5 =	vld [tilespmem:s10+$0xFFFFFFD0];
	_ =	sdelay $0x2  }
0x240: {  	s14 =	sadd.s32 $0x1, s11  }
0x241: {  	[tilespmem:v3+s25+$0x0] =	vst.idx.msk $0xffff, v2;
	v2 =	vmov s14  }
0x242: {  	[tilespmem:v4+s25+$0x0] =	vst.idx.msk $0xffff, v5;
	v2 =	vand.u32 $0x7D, v2  }
0x243: {  	v3 =	vld [tilespmem:s10+$0xFFFFFFE0];
	v4 =	vadd.s32 v0, v2  }
0x244: {  	v2 =	vadd.s32 v1, v2;
	v5 =	vld [tilespmem:s10+$0xFFFFFFF0];
	_ =	sdelay $0x2  }
0x245: {  	s14 =	sadd.s32 $0x2, s11  }
0x246: {  	[tilespmem:v4+s25+$0x0] =	vst.idx.msk $0xffff, v3;
	v3 =	vmov s14  }
0x247: {  	[tilespmem:v2+s25+$0x0] =	vst.idx.msk $0xffff, v5;
	v2 =	vand.u32 $0x7E, v3  }
0x248: {  	v3 =	vld [tilespmem:s10+$0x0];
	v4 =	vadd.s32 v0, v2  }
0x249: {  	v2 =	vadd.s32 v1, v2;
	v5 =	vld [tilespmem:s10+$0x10];
	_ =	sdelay $0x2  }
0x24a: {  	s14 =	sadd.s32 $0x3, s11;
	s11 =	smov.u32 s13  }
0x24b: {  	[tilespmem:v4+s25+$0x0] =	vst.idx.msk $0xffff, v3;
	v3 =	vmov s14  }
0x24c: {  	[tilespmem:v2+s25+$0x0] =	vst.idx.msk $0xffff, v5;
	v3 =	vand.u32 $0x7F, v3  }
0x24d: {  	v5 =	vld [tilespmem:s10+$0x20];
	v6 =	vadd.s32 v0, v3  }
.Ltmp4:
0x24e: {  	v3 =	vadd.s32 v1, v3;
	v2 =	vld [tilespmem:s10+$0x30];
	(pc) =	sbr.rel @p0 .LBB2_10-.Ltmp4, $2  }
0x24f: {  	_ =	sdelay $0x2  }
0x250: {  	v4 =	vmov s11;
	[tilespmem:v6+s25+$0x0] =	vst.idx.msk $0xffff, v5  }
0x251: {  	_ =	sdelay $0x3  }
0x252: {  	v4 =	vand.u32 $0x7C, v4;
	[tilespmem:v3+s25+$0x0] =	vst.idx.msk $0xffff, v2;
	s10 =	sadd.s32 $0x80, s10  }
0x253: {  	v2 =	vld [tilespmem:s10+$0xFFFFFFC0];
	v3 =	vadd.s32 v0, v4  }
0x254: {  	v5 =	vld [tilespmem:s10+$0xFFFFFFD0];
	v4 =	vadd.s32 v1, v4;
	_ =	sdelay $0x2  }
0x255: {  	s12 =	sadd.s32 $0x1, s11  }
0x256: {  	[tilespmem:v3+s25+$0x0] =	vst.idx.msk $0xffff, v2;
	v2 =	vmov s12  }
0x257: {  	[tilespmem:v4+s25+$0x0] =	vst.idx.msk $0xffff, v5;
	v2 =	vand.u32 $0x7D, v2  }
0x258: {  	v3 =	vld [tilespmem:s10+$0xFFFFFFE0];
	v60 =	vadd.s32 v0, v2  }
0x259: {  	v5 =	vld [tilespmem:s10+$0xFFFFFFF0];
	v2 =	vadd.s32 v1, v2;
	_ =	sdelay $0x2  }
0x25a: {  	s15 =	sadd.s32 $0x2, s11  }
0x25b: {  	v6 =	vmov s15;
	[tilespmem:v60+s25+$0x0] =	vst.idx.msk $0xffff, v3  }
0x25c: {  	[tilespmem:v2+s25+$0x0] =	vst.idx.msk $0xffff, v5;
	v2 =	vand.u32 $0x7E, v6  }
0x25d: {  	v3 =	vld [tilespmem:s10+$0x0];
	v61 =	vadd.s32 v0, v2  }
0x25e: {  	v5 =	vld [tilespmem:s10+$0x10];
	v2 =	vadd.s32 v1, v2;
	_ =	sdelay $0x2  }
0x25f: {  	s16 =	sadd.s32 $0x3, s11  }
0x260: {  	v62 =	vmov s16;
	[tilespmem:v61+s25+$0x0] =	vst.idx.msk $0xffff, v3  }
0x261: {  	[tilespmem:v2+s25+$0x0] =	vst.idx.msk $0xffff, v5;
	v2 =	vand.u32 $0x7F, v62  }
0x262: {  	v3 =	vld [tilespmem:s10+$0x20];
	v63 =	vadd.s32 v0, v2  }
0x263: {  	v5 =	vld [tilespmem:s10+$0x30];
	v2 =	vadd.s32 v1, v2;
	_ =	sdelay $0x3  }
0x264: {  	[tilespmem:v63+s25+$0x0] =	vst.idx.msk $0xffff, v3  }
0x265: {  	s11 =	rddreg [dreg:$0x8];
	[tilespmem:v2+s25+$0x0] =	vst.idx.msk $0xffff, v5  }
0x266: {  	[hbm4b:s11+s3] =	stream.linear.scatter [tilespmem:s25], [sflag:$0xA], $0x80, $0x38;
	[tilespmem:$0x10900] =	vst v63  }
0x267: {  	s18 =	simm.s32 $0xF888;
	s17 =	sadd.s32 $0x10, s11  }
0x268: {  	[hbm4b:s17+s3] =	stream.linear.scatter [tilespmem:s18], [sflag:$0xA], $0x80, $0x38;
	[tilespmem:$0x10900] =	vst v63  }
0x269: {  	s14 =	simm.s32 $0xF910;
	s13 =	sadd.s32 $0x20, s11  }
0x26a: {  	[hbm4b:s13+s3] =	stream.linear.scatter [tilespmem:s14], [sflag:$0xA], $0x80, $0x38;
	[tilespmem:$0x10900] =	vst v63  }
0x26b: {  	s15 =	sadd.s32 $0x30, s11;
	s16 =	simm.s32 $0xF998  }
0x26c: {  	[hbm4b:s15+s3] =	stream.linear.scatter [tilespmem:s16], [sflag:$0xA], $0x80, $0x38;
	[tilespmem:$0x10900] =	vst v63  }
0x26d: {  	s17 =	sadd.s32 $0x40, s11;
	s18 =	simm.s32 $0xFA20  }
0x26e: {  	[hbm4b:s17+s3] =	stream.linear.scatter [tilespmem:s18], [sflag:$0xA], $0x80, $0x38;
	[tilespmem:$0x10900] =	vst v63  }
0x26f: {  	s13 =	sadd.s32 $0x50, s11;
	s14 =	simm.s32 $0xFAA8  }
0x270: {  	[hbm4b:s13+s3] =	stream.linear.scatter [tilespmem:s14], [sflag:$0xA], $0x80, $0x38;
	[tilespmem:$0x10900] =	vst v63  }
0x271: {  	s15 =	sadd.s32 $0x60, s11;
	s16 =	simm.s32 $0xFB30  }
0x272: {  	[hbm4b:s15+s3] =	stream.linear.scatter [tilespmem:s16], [sflag:$0xA], $0x80, $0x38;
	[tilespmem:$0x10900] =	vst v63  }
0x273: {  	s17 =	sadd.s32 $0x70, s11;
	s18 =	simm.s32 $0xFBB8  }
0x274: {  	[hbm4b:s17+s3] =	stream.linear.scatter [tilespmem:s18], [sflag:$0xA], $0x80, $0x38;
	[tilespmem:$0x10900] =	vst v63  }
0x275: {  	s13 =	sadd.s32 $0x1000, s11;
	s14 =	simm.s32 $0xFC40  }
0x276: {  	[hbm4b:s13+s3] =	stream.linear.scatter [tilespmem:s14], [sflag:$0xA], $0x80, $0x38;
	[tilespmem:$0x10900] =	vst v63  }
0x277: {  	s15 =	sadd.s32 $0x1010, s11;
	s16 =	simm.s32 $0xFCC8  }
0x278: {  	[hbm4b:s15+s3] =	stream.linear.scatter [tilespmem:s16], [sflag:$0xA], $0x80, $0x38;
	[tilespmem:$0x10900] =	vst v63  }
0x279: {  	s17 =	sadd.s32 $0x1020, s11;
	s18 =	simm.s32 $0xFD50  }
0x27a: {  	[hbm4b:s17+s3] =	stream.linear.scatter [tilespmem:s18], [sflag:$0xA], $0x80, $0x38;
	[tilespmem:$0x10900] =	vst v63  }
0x27b: {  	s13 =	sadd.s32 $0x1030, s11;
	s14 =	simm.s32 $0xFDD8  }
0x27c: {  	[hbm4b:s13+s3] =	stream.linear.scatter [tilespmem:s14], [sflag:$0xA], $0x80, $0x38;
	[tilespmem:$0x10900] =	vst v63  }
0x27d: {  	s15 =	sadd.s32 $0x1040, s11;
	s16 =	simm.s32 $0xFE60  }
0x27e: {  	[hbm4b:s15+s3] =	stream.linear.scatter [tilespmem:s16], [sflag:$0xA], $0x80, $0x38;
	[tilespmem:$0x10900] =	vst v63  }
0x27f: {  	s17 =	sadd.s32 $0x1050, s11;
	s18 =	simm.s32 $0xFEE8  }
0x280: {  	[hbm4b:s17+s3] =	stream.linear.scatter [tilespmem:s18], [sflag:$0xA], $0x80, $0x38;
	[tilespmem:$0x10900] =	vst v63  }
0x281: {  	s13 =	sadd.s32 $0x1060, s11;
	s14 =	simm.s32 $0xFF70  }
0x282: {  	[hbm4b:s13+s3] =	stream.linear.scatter [tilespmem:s14], [sflag:$0xA], $0x80, $0x38;
	[tilespmem:$0x10900] =	vst v63  }
0x283: {  	s15 =	sadd.s32 $0x1070, s11;
	s16 =	simm.s32 $0xFFF8  }
0x284: {  	[hbm4b:s15+s3] =	stream.linear.scatter [tilespmem:s16], [sflag:$0xA], $0x80, $0x38;
	[tilespmem:$0x10900] =	vst v63  }
0x285: {  	s17 =	sadd.s32 $0x2000, s11;
	s18 =	simm.s32 $0x10080  }
0x286: {  	[hbm4b:s17+s3] =	stream.linear.scatter [tilespmem:s18], [sflag:$0xA], $0x80, $0x38;
	[tilespmem:$0x10900] =	vst v63  }
0x287: {  	s13 =	sadd.s32 $0x2010, s11;
	s14 =	simm.s32 $0x10108  }
0x288: {  	[hbm4b:s13+s3] =	stream.linear.scatter [tilespmem:s14], [sflag:$0xA], $0x80, $0x38;
	[tilespmem:$0x10900] =	vst v63  }
0x289: {  	s15 =	sadd.s32 $0x2020, s11;
	s16 =	simm.s32 $0x10190  }
0x28a: {  	[hbm4b:s15+s3] =	stream.linear.scatter [tilespmem:s16], [sflag:$0xA], $0x80, $0x38;
	[tilespmem:$0x10900] =	vst v63  }
0x28b: {  	s17 =	sadd.s32 $0x2030, s11;
	s18 =	simm.s32 $0x10218  }
0x28c: {  	[hbm4b:s17+s3] =	stream.linear.scatter [tilespmem:s18], [sflag:$0xA], $0x80, $0x38;
	[tilespmem:$0x10900] =	vst v63  }
0x28d: {  	s13 =	sadd.s32 $0x2040, s11;
	s14 =	simm.s32 $0x102A0  }
0x28e: {  	[hbm4b:s13+s3] =	stream.linear.scatter [tilespmem:s14], [sflag:$0xA], $0x80, $0x38;
	[tilespmem:$0x10900] =	vst v63  }
0x28f: {  	s15 =	sadd.s32 $0x2050, s11;
	s16 =	simm.s32 $0x10328  }
0x290: {  	[hbm4b:s15+s3] =	stream.linear.scatter [tilespmem:s16], [sflag:$0xA], $0x80, $0x38;
	[tilespmem:$0x10900] =	vst v63  }
0x291: {  	s17 =	sadd.s32 $0x2060, s11;
	s18 =	simm.s32 $0x103B0  }
0x292: {  	[hbm4b:s17+s3] =	stream.linear.scatter [tilespmem:s18], [sflag:$0xA], $0x80, $0x38;
	[tilespmem:$0x10900] =	vst v63  }
0x293: {  	s13 =	sadd.s32 $0x2070, s11;
	s14 =	simm.s32 $0x10438  }
0x294: {  	[hbm4b:s13+s3] =	stream.linear.scatter [tilespmem:s14], [sflag:$0xA], $0x80, $0x38;
	[tilespmem:$0x10900] =	vst v63  }
0x295: {  	s15 =	sadd.s32 $0x3000, s11;
	s16 =	simm.s32 $0x104C0  }
0x296: {  	[hbm4b:s15+s3] =	stream.linear.scatter [tilespmem:s16], [sflag:$0xA], $0x80, $0x38;
	[tilespmem:$0x10900] =	vst v63  }
0x297: {  	s17 =	sadd.s32 $0x3010, s11;
	s18 =	simm.s32 $0x10548  }
0x298: {  	[hbm4b:s17+s3] =	stream.linear.scatter [tilespmem:s18], [sflag:$0xA], $0x80, $0x38;
	[tilespmem:$0x10900] =	vst v63  }
0x299: {  	s13 =	sadd.s32 $0x3020, s11;
	s14 =	simm.s32 $0x105D0  }
0x29a: {  	[hbm4b:s13+s3] =	stream.linear.scatter [tilespmem:s14], [sflag:$0xA], $0x80, $0x38;
	[tilespmem:$0x10900] =	vst v63  }
0x29b: {  	s15 =	sadd.s32 $0x3030, s11;
	s16 =	simm.s32 $0x10658  }
0x29c: {  	[hbm4b:s15+s3] =	stream.linear.scatter [tilespmem:s16], [sflag:$0xA], $0x80, $0x38;
	[tilespmem:$0x10900] =	vst v63  }
0x29d: {  	s17 =	sadd.s32 $0x3040, s11;
	s18 =	simm.s32 $0x106E0  }
0x29e: {  	[hbm4b:s17+s3] =	stream.linear.scatter [tilespmem:s18], [sflag:$0xA], $0x80, $0x38;
	[tilespmem:$0x10900] =	vst v63  }
0x29f: {  	s13 =	sadd.s32 $0x3050, s11;
	s14 =	simm.s32 $0x10768  }
0x2a0: {  	[hbm4b:s13+s3] =	stream.linear.scatter [tilespmem:s14], [sflag:$0xA], $0x80, $0x38;
	[tilespmem:$0x10900] =	vst v63  }
0x2a1: {  	s15 =	sadd.s32 $0x3060, s11;
	s16 =	simm.s32 $0x107F0  }
0x2a2: {  	[hbm4b:s15+s3] =	stream.linear.scatter [tilespmem:s16], [sflag:$0xA], $0x80, $0x38;
	[tilespmem:$0x10900] =	vst v63  }
0x2a3: {  	s10 =	simm.s32 $0x1;
	s17 =	sadd.s32 $0x3070, s11;
	s18 =	simm.s32 $0x10878  }
0x2a4: {  	[hbm4b:s17+s3] =	stream.linear.scatter [tilespmem:s18], [sflag:$0xA], $0x80, $0x38;
	[tilespmem:$0x10900] =	vst v63  }
.LBB2_12:
0x2a5: {  	s13 =	smul.u32 $0x5, s10;
	_ =	sdelay $0x1  }
0x2a6: {  	_ =	swait.ge [sflag:s0], $0x1000;
	s11 =	sadd.s32 $0x4, s13  }
0x2a7: {  	[sflag:s0] =	ssyncset.done $0x0;
	s12 =	sshll.u32 s11, $0x7  }
0x2a8: {  	s14 =	simm.s32 $0xA400;
	[sflag:s0] =	ssyncadd.s32 $0xFFFFF000;
	s12 =	sand.u32 $0x1FF80, s12  }
0x2a9: {  	[tilespmem:s14], [sflag:$0x5] =	stream.indirect.gather [hbm4b:s5+s24], $0x20, s12, s24, $0xb8;
	[tilespmem:$0x10900] =	vst v63  }
0x2aa: {  	s15 =	simm.s32 $0x0;
	_ =	swait.ge [sflag:s29], $0x1000  }
0x2ab: {  	v2 =	vmov s15;
	[sflag:s29] =	ssyncset.done $0x0  }
0x2ac: {  	v2 =	vand.u32 $0x7C, v2;
	s12 =	simm.s32 $0x6440;
	[sflag:s29] =	ssyncadd.s32 $0xFFFFF000  }
0x2ad: {  	v4 =	vadd.s32 v0, v2;
	v3 =	vld [tilespmem:s12+$0xFFFFFFC0]  }
0x2ae: {  	v2 =	vadd.s32 v1, v2;
	v5 =	vld [tilespmem:s12+$0xFFFFFFD0];
	_ =	sdelay $0x2  }
0x2af: {  	s16 =	simm.s32 $0x1  }
0x2b0: {  	[tilespmem:v4+s28+$0x0] =	vst.idx.msk $0xffff, v3;
	v3 =	vmov s16  }
0x2b1: {  	[tilespmem:v2+s28+$0x0] =	vst.idx.msk $0xffff, v5;
	v2 =	vand.u32 $0x7D, v3  }
0x2b2: {  	v3 =	vld [tilespmem:s12+$0xFFFFFFE0];
	v4 =	vadd.s32 v0, v2  }
0x2b3: {  	v5 =	vld [tilespmem:s12+$0xFFFFFFF0];
	v2 =	vadd.s32 v1, v2;
	_ =	sdelay $0x2  }
0x2b4: {  	s17 =	simm.s32 $0x2  }
0x2b5: {  	[tilespmem:v4+s28+$0x0] =	vst.idx.msk $0xffff, v3;
	v3 =	vmov s17  }
0x2b6: {  	[tilespmem:v2+s28+$0x0] =	vst.idx.msk $0xffff, v5;
	v2 =	vand.u32 $0x7E, v3  }
0x2b7: {  	v3 =	vld [tilespmem:s12+$0x0];
	v4 =	vadd.s32 v0, v2  }
0x2b8: {  	v5 =	vld [tilespmem:s12+$0x10];
	v2 =	vadd.s32 v1, v2;
	_ =	sdelay $0x2  }
0x2b9: {  	s18 =	simm.s32 $0x3  }
0x2ba: {  	[tilespmem:v4+s28+$0x0] =	vst.idx.msk $0xffff, v3;
	v3 =	vmov s18  }
0x2bb: {  	[tilespmem:v2+s28+$0x0] =	vst.idx.msk $0xffff, v5;
	v3 =	vand.u32 $0x7F, v3  }
0x2bc: {  	v5 =	vld [tilespmem:s12+$0x20];
	v6 =	vadd.s32 v0, v3;
	_ =	sdelay $0x1  }
0x2bd: {  	v2 =	vld [tilespmem:s12+$0x30];
	v3 =	vadd.s32 v1, v3;
	_ =	sdelay $0x1  }
0x2be: {  	s14 =	simm.s32 $0x4  }
0x2bf: {  	s15 =	simm.s32 $0x8;
	v4 =	vmov s14;
	[tilespmem:v6+s28+$0x0] =	vst.idx.msk $0xffff, v5  }
.LBB2_13:
0x2c0: {  	p0 =	slt.u32 s15, $0x7C  }
0x2c1: {  	v4 =	vand.u32 $0x7C, v4;
	[tilespmem:v3+s28+$0x0] =	vst.idx.msk $0xffff, v2;
	s12 =	sadd.s32 $0x80, s12;
	s16 =	smov.u32 s15;
	s15 =	sadd.s32 $0x4, s15  }
0x2c2: {  	v2 =	vld [tilespmem:s12+$0xFFFFFFC0];
	v3 =	vadd.s32 v0, v4  }
0x2c3: {  	v4 =	vadd.s32 v1, v4;
	v5 =	vld [tilespmem:s12+$0xFFFFFFD0];
	_ =	sdelay $0x2  }
0x2c4: {  	s17 =	sadd.s32 $0x1, s14  }
0x2c5: {  	[tilespmem:v3+s28+$0x0] =	vst.idx.msk $0xffff, v2;
	v2 =	vmov s17  }
0x2c6: {  	[tilespmem:v4+s28+$0x0] =	vst.idx.msk $0xffff, v5;
	v2 =	vand.u32 $0x7D, v2  }
0x2c7: {  	v3 =	vld [tilespmem:s12+$0xFFFFFFE0];
	v4 =	vadd.s32 v0, v2  }
0x2c8: {  	v2 =	vadd.s32 v1, v2;
	v5 =	vld [tilespmem:s12+$0xFFFFFFF0];
	_ =	sdelay $0x2  }
0x2c9: {  	s17 =	sadd.s32 $0x2, s14  }
0x2ca: {  	[tilespmem:v4+s28+$0x0] =	vst.idx.msk $0xffff, v3;
	v3 =	vmov s17  }
0x2cb: {  	[tilespmem:v2+s28+$0x0] =	vst.idx.msk $0xffff, v5;
	v2 =	vand.u32 $0x7E, v3  }
0x2cc: {  	v3 =	vld [tilespmem:s12+$0x0];
	v4 =	vadd.s32 v0, v2  }
0x2cd: {  	v2 =	vadd.s32 v1, v2;
	v5 =	vld [tilespmem:s12+$0x10];
	_ =	sdelay $0x2  }
0x2ce: {  	s17 =	sadd.s32 $0x3, s14;
	s14 =	smov.u32 s16  }
0x2cf: {  	[tilespmem:v4+s28+$0x0] =	vst.idx.msk $0xffff, v3;
	v3 =	vmov s17  }
0x2d0: {  	[tilespmem:v2+s28+$0x0] =	vst.idx.msk $0xffff, v5;
	v3 =	vand.u32 $0x7F, v3  }
0x2d1: {  	v5 =	vld [tilespmem:s12+$0x20];
	v6 =	vadd.s32 v0, v3  }
.Ltmp5:
0x2d2: {  	v3 =	vadd.s32 v1, v3;
	v2 =	vld [tilespmem:s12+$0x30];
	(pc) =	sbr.rel @p0 .LBB2_13-.Ltmp5, $2  }
0x2d3: {  	_ =	sdelay $0x2  }
0x2d4: {  	v4 =	vmov s14;
	[tilespmem:v6+s28+$0x0] =	vst.idx.msk $0xffff, v5  }
0x2d5: {  	_ =	sdelay $0x3  }
0x2d6: {  	v4 =	vand.u32 $0x7C, v4;
	[tilespmem:v3+s28+$0x0] =	vst.idx.msk $0xffff, v2;
	s12 =	sadd.s32 $0x80, s12  }
0x2d7: {  	v2 =	vld [tilespmem:s12+$0xFFFFFFC0];
	v3 =	vadd.s32 v0, v4  }
0x2d8: {  	v5 =	vld [tilespmem:s12+$0xFFFFFFD0];
	v4 =	vadd.s32 v1, v4;
	_ =	sdelay $0x2  }
0x2d9: {  	s15 =	sadd.s32 $0x1, s14  }
0x2da: {  	[tilespmem:v3+s28+$0x0] =	vst.idx.msk $0xffff, v2;
	v2 =	vmov s15  }
0x2db: {  	[tilespmem:v4+s28+$0x0] =	vst.idx.msk $0xffff, v5;
	v2 =	vand.u32 $0x7D, v2  }
0x2dc: {  	v3 =	vld [tilespmem:s12+$0xFFFFFFE0];
	v4 =	vadd.s32 v0, v2  }
0x2dd: {  	v5 =	vld [tilespmem:s12+$0xFFFFFFF0];
	v2 =	vadd.s32 v1, v2;
	_ =	sdelay $0x2  }
0x2de: {  	s18 =	sadd.s32 $0x2, s14  }
0x2df: {  	[tilespmem:v4+s28+$0x0] =	vst.idx.msk $0xffff, v3;
	v3 =	vmov s18  }
0x2e0: {  	[tilespmem:v2+s28+$0x0] =	vst.idx.msk $0xffff, v5;
	v2 =	vand.u32 $0x7E, v3  }
0x2e1: {  	v3 =	vld [tilespmem:s12+$0x0];
	v4 =	vadd.s32 v0, v2  }
0x2e2: {  	v5 =	vld [tilespmem:s12+$0x10];
	v2 =	vadd.s32 v1, v2;
	_ =	sdelay $0x2  }
0x2e3: {  	s15 =	sadd.s32 $0x3, s14  }
0x2e4: {  	[tilespmem:v4+s28+$0x0] =	vst.idx.msk $0xffff, v3;
	v3 =	vmov s15  }
0x2e5: {  	[tilespmem:v2+s28+$0x0] =	vst.idx.msk $0xffff, v5;
	v2 =	vand.u32 $0x7F, v3  }
0x2e6: {  	v3 =	vld [tilespmem:s12+$0x20];
	v4 =	vadd.s32 v0, v2  }
0x2e7: {  	v5 =	vld [tilespmem:s12+$0x30];
	v2 =	vadd.s32 v1, v2  }
0x2e8: {  	s12 =	smul.u32 $0xA0000, s10;
	_ =	sdelay $0x1  }
0x2e9: {  	s16 =	sor.u32 s4, s12  }
0x2ea: {  	s14 =	sshrl.u32 s16, $0x3;
	[tilespmem:v4+s28+$0x0] =	vst.idx.msk $0xffff, v3  }
0x2eb: {  	s15 =	sadd.s32 s2, s14;
	s14 =	simm.s32 $0x0;
	[tilespmem:v2+s28+$0x0] =	vst.idx.msk $0xffff, v5  }
0x2ec: {  	[hbm4b:s15+s14] =	stream.linear.scatter [tilespmem:s28], [sflag:$0x6], $0x80, $0x38;
	[tilespmem:$0x10900] =	vst v63  }
0x2ed: {  	s17 =	simm.s32 $0xB488;
	s16 =	sadd.s32 $0x10, s15  }
0x2ee: {  	[hbm4b:s16+s14] =	stream.linear.scatter [tilespmem:s17], [sflag:$0x6], $0x80, $0x38;
	[tilespmem:$0x10900] =	vst v63  }
0x2ef: {  	s18 =	simm.s32 $0xB510;
	s17 =	sadd.s32 $0x20, s15  }
0x2f0: {  	[hbm4b:s17+s14] =	stream.linear.scatter [tilespmem:s18], [sflag:$0x6], $0x80, $0x38;
	[tilespmem:$0x10900] =	vst v63  }
0x2f1: {  	s17 =	sadd.s32 $0x30, s15;
	s18 =	simm.s32 $0xB598  }
0x2f2: {  	[hbm4b:s17+s14] =	stream.linear.scatter [tilespmem:s18], [sflag:$0x6], $0x80, $0x38;
	[tilespmem:$0x10900] =	vst v63  }
0x2f3: {  	s17 =	sadd.s32 $0x40, s15;
	s18 =	simm.s32 $0xB620  }
0x2f4: {  	[hbm4b:s17+s14] =	stream.linear.scatter [tilespmem:s18], [sflag:$0x6], $0x80, $0x38;
	[tilespmem:$0x10900] =	vst v63  }
0x2f5: {  	s17 =	sadd.s32 $0x50, s15;
	s18 =	simm.s32 $0xB6A8  }
0x2f6: {  	[hbm4b:s17+s14] =	stream.linear.scatter [tilespmem:s18], [sflag:$0x6], $0x80, $0x38;
	[tilespmem:$0x10900] =	vst v63  }
0x2f7: {  	s17 =	sadd.s32 $0x60, s15;
	s18 =	simm.s32 $0xB730  }
0x2f8: {  	[hbm4b:s17+s14] =	stream.linear.scatter [tilespmem:s18], [sflag:$0x6], $0x80, $0x38;
	[tilespmem:$0x10900] =	vst v63  }
0x2f9: {  	s17 =	sadd.s32 $0x70, s15;
	s18 =	simm.s32 $0xB7B8  }
0x2fa: {  	[hbm4b:s17+s14] =	stream.linear.scatter [tilespmem:s18], [sflag:$0x6], $0x80, $0x38;
	[tilespmem:$0x10900] =	vst v63  }
0x2fb: {  	s17 =	sadd.s32 $0x1000, s15;
	s18 =	simm.s32 $0xB840  }
0x2fc: {  	[hbm4b:s17+s14] =	stream.linear.scatter [tilespmem:s18], [sflag:$0x6], $0x80, $0x38;
	[tilespmem:$0x10900] =	vst v63  }
0x2fd: {  	s17 =	sadd.s32 $0x1010, s15;
	s18 =	simm.s32 $0xB8C8  }
0x2fe: {  	[hbm4b:s17+s14] =	stream.linear.scatter [tilespmem:s18], [sflag:$0x6], $0x80, $0x38;
	[tilespmem:$0x10900] =	vst v63  }
0x2ff: {  	s17 =	sadd.s32 $0x1020, s15;
	s18 =	simm.s32 $0xB950  }
0x300: {  	[hbm4b:s17+s14] =	stream.linear.scatter [tilespmem:s18], [sflag:$0x6], $0x80, $0x38;
	[tilespmem:$0x10900] =	vst v63  }
0x301: {  	s17 =	sadd.s32 $0x1030, s15;
	s18 =	simm.s32 $0xB9D8  }
0x302: {  	[hbm4b:s17+s14] =	stream.linear.scatter [tilespmem:s18], [sflag:$0x6], $0x80, $0x38;
	[tilespmem:$0x10900] =	vst v63  }
0x303: {  	s17 =	sadd.s32 $0x1040, s15;
	s18 =	simm.s32 $0xBA60  }
0x304: {  	[hbm4b:s17+s14] =	stream.linear.scatter [tilespmem:s18], [sflag:$0x6], $0x80, $0x38;
	[tilespmem:$0x10900] =	vst v63  }
0x305: {  	s17 =	sadd.s32 $0x1050, s15;
	s18 =	simm.s32 $0xBAE8  }
0x306: {  	[hbm4b:s17+s14] =	stream.linear.scatter [tilespmem:s18], [sflag:$0x6], $0x80, $0x38;
	[tilespmem:$0x10900] =	vst v63  }
0x307: {  	s17 =	sadd.s32 $0x1060, s15;
	s18 =	simm.s32 $0xBB70  }
0x308: {  	[hbm4b:s17+s14] =	stream.linear.scatter [tilespmem:s18], [sflag:$0x6], $0x80, $0x38;
	[tilespmem:$0x10900] =	vst v63  }
0x309: {  	s17 =	sadd.s32 $0x1070, s15;
	s18 =	simm.s32 $0xBBF8  }
0x30a: {  	[hbm4b:s17+s14] =	stream.linear.scatter [tilespmem:s18], [sflag:$0x6], $0x80, $0x38;
	[tilespmem:$0x10900] =	vst v63  }
0x30b: {  	s17 =	sadd.s32 $0x2000, s15;
	s18 =	simm.s32 $0xBC80  }
0x30c: {  	[hbm4b:s17+s14] =	stream.linear.scatter [tilespmem:s18], [sflag:$0x6], $0x80, $0x38;
	[tilespmem:$0x10900] =	vst v63  }
0x30d: {  	s17 =	sadd.s32 $0x2010, s15;
	s18 =	simm.s32 $0xBD08  }
0x30e: {  	[hbm4b:s17+s14] =	stream.linear.scatter [tilespmem:s18], [sflag:$0x6], $0x80, $0x38;
	[tilespmem:$0x10900] =	vst v63  }
0x30f: {  	s17 =	sadd.s32 $0x2020, s15;
	s18 =	simm.s32 $0xBD90  }
0x310: {  	[hbm4b:s17+s14] =	stream.linear.scatter [tilespmem:s18], [sflag:$0x6], $0x80, $0x38;
	[tilespmem:$0x10900] =	vst v63  }
0x311: {  	s17 =	sadd.s32 $0x2030, s15;
	s18 =	simm.s32 $0xBE18  }
0x312: {  	[hbm4b:s17+s14] =	stream.linear.scatter [tilespmem:s18], [sflag:$0x6], $0x80, $0x38;
	[tilespmem:$0x10900] =	vst v63  }
0x313: {  	s17 =	sadd.s32 $0x2040, s15;
	s18 =	simm.s32 $0xBEA0  }
0x314: {  	[hbm4b:s17+s14] =	stream.linear.scatter [tilespmem:s18], [sflag:$0x6], $0x80, $0x38;
	[tilespmem:$0x10900] =	vst v63  }
0x315: {  	s17 =	sadd.s32 $0x2050, s15;
	s18 =	simm.s32 $0xBF28  }
0x316: {  	[hbm4b:s17+s14] =	stream.linear.scatter [tilespmem:s18], [sflag:$0x6], $0x80, $0x38;
	[tilespmem:$0x10900] =	vst v63  }
0x317: {  	s17 =	sadd.s32 $0x2060, s15;
	s18 =	simm.s32 $0xBFB0  }
0x318: {  	[hbm4b:s17+s14] =	stream.linear.scatter [tilespmem:s18], [sflag:$0x6], $0x80, $0x38;
	[tilespmem:$0x10900] =	vst v63  }
0x319: {  	s17 =	sadd.s32 $0x2070, s15;
	s18 =	simm.s32 $0xC038  }
0x31a: {  	[hbm4b:s17+s14] =	stream.linear.scatter [tilespmem:s18], [sflag:$0x6], $0x80, $0x38;
	[tilespmem:$0x10900] =	vst v63  }
0x31b: {  	s17 =	sadd.s32 $0x3000, s15;
	s18 =	simm.s32 $0xC0C0  }
0x31c: {  	[hbm4b:s17+s14] =	stream.linear.scatter [tilespmem:s18], [sflag:$0x6], $0x80, $0x38;
	[tilespmem:$0x10900] =	vst v63  }
0x31d: {  	s17 =	sadd.s32 $0x3010, s15;
	s18 =	simm.s32 $0xC148  }
0x31e: {  	[hbm4b:s17+s14] =	stream.linear.scatter [tilespmem:s18], [sflag:$0x6], $0x80, $0x38;
	[tilespmem:$0x10900] =	vst v63  }
0x31f: {  	s17 =	sadd.s32 $0x3020, s15;
	s18 =	simm.s32 $0xC1D0  }
0x320: {  	[hbm4b:s17+s14] =	stream.linear.scatter [tilespmem:s18], [sflag:$0x6], $0x80, $0x38;
	[tilespmem:$0x10900] =	vst v63  }
0x321: {  	s17 =	sadd.s32 $0x3030, s15;
	s18 =	simm.s32 $0xC258  }
0x322: {  	[hbm4b:s17+s14] =	stream.linear.scatter [tilespmem:s18], [sflag:$0x6], $0x80, $0x38;
	[tilespmem:$0x10900] =	vst v63  }
0x323: {  	s17 =	sadd.s32 $0x3040, s15;
	s18 =	simm.s32 $0xC2E0  }
0x324: {  	[hbm4b:s17+s14] =	stream.linear.scatter [tilespmem:s18], [sflag:$0x6], $0x80, $0x38;
	[tilespmem:$0x10900] =	vst v63  }
0x325: {  	s17 =	sadd.s32 $0x3050, s15;
	s18 =	simm.s32 $0xC368  }
0x326: {  	[hbm4b:s17+s14] =	stream.linear.scatter [tilespmem:s18], [sflag:$0x6], $0x80, $0x38;
	[tilespmem:$0x10900] =	vst v63  }
0x327: {  	s17 =	sadd.s32 $0x3060, s15;
	s18 =	simm.s32 $0xC3F0  }
0x328: {  	[hbm4b:s17+s14] =	stream.linear.scatter [tilespmem:s18], [sflag:$0x6], $0x80, $0x38;
	[tilespmem:$0x10900] =	vst v63  }
0x329: {  	s15 =	sadd.s32 $0x3070, s15;
	s18 =	simm.s32 $0xC478  }
0x32a: {  	[hbm4b:s15+s14] =	stream.linear.scatter [tilespmem:s18], [sflag:$0x6], $0x80, $0x38;
	[tilespmem:$0x10900] =	vst v63  }
0x32b: {  	s13 =	sshll.u32 s13, $0x7;
	_ =	swait.ge [sflag:s31], $0x1000  }
0x32c: {  	s17 =	sadd.s32 $0x280, s13;
	[sflag:s31] =	ssyncset.done $0x0  }
0x32d: {  	s15 =	sand.u32 $0x1FF80, s17;
	s18 =	simm.s32 $0x6400;
	[sflag:s31] =	ssyncadd.s32 $0xFFFFF000  }
0x32e: {  	[tilespmem:s18], [sflag:$0x1] =	stream.indirect.gather [hbm4b:s5+s24], $0x20, s15, s24, $0xb8;
	[tilespmem:$0x10900] =	vst v63  }
0x32f: {  	_ =	swait.ge [sflag:s21], $0x1000  }
0x330: {  	v2 =	vmov s14;
	[sflag:s21] =	ssyncset.done $0x0  }
0x331: {  	v2 =	vand.u32 $0x7C, v2;
	s14 =	simm.s32 $0x7440;
	[sflag:s21] =	ssyncadd.s32 $0xFFFFF000  }
0x332: {  	v4 =	vadd.s32 v0, v2;
	v3 =	vld [tilespmem:s14+$0xFFFFFFC0]  }
0x333: {  	v2 =	vadd.s32 v1, v2;
	v5 =	vld [tilespmem:s14+$0xFFFFFFD0];
	_ =	sdelay $0x2  }
0x334: {  	s16 =	simm.s32 $0x1  }
0x335: {  	[tilespmem:v4+s22+$0x0] =	vst.idx.msk $0xffff, v3;
	v3 =	vmov s16  }
0x336: {  	[tilespmem:v2+s22+$0x0] =	vst.idx.msk $0xffff, v5;
	v2 =	vand.u32 $0x7D, v3  }
0x337: {  	v3 =	vld [tilespmem:s14+$0xFFFFFFE0];
	v4 =	vadd.s32 v0, v2  }
0x338: {  	v5 =	vld [tilespmem:s14+$0xFFFFFFF0];
	v2 =	vadd.s32 v1, v2;
	_ =	sdelay $0x2  }
0x339: {  	s17 =	simm.s32 $0x2  }
0x33a: {  	[tilespmem:v4+s22+$0x0] =	vst.idx.msk $0xffff, v3;
	v3 =	vmov s17  }
0x33b: {  	[tilespmem:v2+s22+$0x0] =	vst.idx.msk $0xffff, v5;
	v2 =	vand.u32 $0x7E, v3  }
0x33c: {  	v3 =	vld [tilespmem:s14+$0x0];
	v4 =	vadd.s32 v0, v2  }
0x33d: {  	v5 =	vld [tilespmem:s14+$0x10];
	v2 =	vadd.s32 v1, v2;
	_ =	sdelay $0x2  }
0x33e: {  	s18 =	simm.s32 $0x3  }
0x33f: {  	[tilespmem:v4+s22+$0x0] =	vst.idx.msk $0xffff, v3;
	v3 =	vmov s18  }
0x340: {  	[tilespmem:v2+s22+$0x0] =	vst.idx.msk $0xffff, v5;
	v3 =	vand.u32 $0x7F, v3  }
0x341: {  	v5 =	vld [tilespmem:s14+$0x20];
	v6 =	vadd.s32 v0, v3;
	_ =	sdelay $0x1  }
0x342: {  	v2 =	vld [tilespmem:s14+$0x30];
	v3 =	vadd.s32 v1, v3;
	_ =	sdelay $0x1  }
0x343: {  	s15 =	simm.s32 $0x4  }
0x344: {  	s16 =	simm.s32 $0x8;
	v4 =	vmov s15;
	[tilespmem:v6+s22+$0x0] =	vst.idx.msk $0xffff, v5  }
.LBB2_15:
0x345: {  	p0 =	slt.u32 s16, $0x7C  }
0x346: {  	v4 =	vand.u32 $0x7C, v4;
	[tilespmem:v3+s22+$0x0] =	vst.idx.msk $0xffff, v2;
	s14 =	sadd.s32 $0x80, s14;
	s17 =	smov.u32 s16;
	s16 =	sadd.s32 $0x4, s16  }
0x347: {  	v2 =	vld [tilespmem:s14+$0xFFFFFFC0];
	v3 =	vadd.s32 v0, v4  }
0x348: {  	v4 =	vadd.s32 v1, v4;
	v5 =	vld [tilespmem:s14+$0xFFFFFFD0];
	_ =	sdelay $0x2  }
0x349: {  	s18 =	sadd.s32 $0x1, s15  }
0x34a: {  	[tilespmem:v3+s22+$0x0] =	vst.idx.msk $0xffff, v2;
	v2 =	vmov s18  }
0x34b: {  	[tilespmem:v4+s22+$0x0] =	vst.idx.msk $0xffff, v5;
	v2 =	vand.u32 $0x7D, v2  }
0x34c: {  	v3 =	vld [tilespmem:s14+$0xFFFFFFE0];
	v4 =	vadd.s32 v0, v2  }
0x34d: {  	v2 =	vadd.s32 v1, v2;
	v5 =	vld [tilespmem:s14+$0xFFFFFFF0];
	_ =	sdelay $0x2  }
0x34e: {  	s18 =	sadd.s32 $0x2, s15  }
0x34f: {  	[tilespmem:v4+s22+$0x0] =	vst.idx.msk $0xffff, v3;
	v3 =	vmov s18  }
0x350: {  	[tilespmem:v2+s22+$0x0] =	vst.idx.msk $0xffff, v5;
	v2 =	vand.u32 $0x7E, v3  }
0x351: {  	v3 =	vld [tilespmem:s14+$0x0];
	v4 =	vadd.s32 v0, v2  }
0x352: {  	v2 =	vadd.s32 v1, v2;
	v5 =	vld [tilespmem:s14+$0x10];
	_ =	sdelay $0x2  }
0x353: {  	s18 =	sadd.s32 $0x3, s15;
	s15 =	smov.u32 s17  }
0x354: {  	[tilespmem:v4+s22+$0x0] =	vst.idx.msk $0xffff, v3;
	v3 =	vmov s18  }
0x355: {  	[tilespmem:v2+s22+$0x0] =	vst.idx.msk $0xffff, v5;
	v3 =	vand.u32 $0x7F, v3  }
0x356: {  	v5 =	vld [tilespmem:s14+$0x20];
	v6 =	vadd.s32 v0, v3  }
.Ltmp6:
0x357: {  	v3 =	vadd.s32 v1, v3;
	v2 =	vld [tilespmem:s14+$0x30];
	(pc) =	sbr.rel @p0 .LBB2_15-.Ltmp6, $2  }
0x358: {  	_ =	sdelay $0x2  }
0x359: {  	v4 =	vmov s15;
	[tilespmem:v6+s22+$0x0] =	vst.idx.msk $0xffff, v5  }
0x35a: {  	_ =	sdelay $0x3  }
0x35b: {  	v4 =	vand.u32 $0x7C, v4;
	[tilespmem:v3+s22+$0x0] =	vst.idx.msk $0xffff, v2;
	s14 =	sadd.s32 $0x80, s14  }
0x35c: {  	v2 =	vld [tilespmem:s14+$0xFFFFFFC0];
	v3 =	vadd.s32 v0, v4  }
0x35d: {  	v5 =	vld [tilespmem:s14+$0xFFFFFFD0];
	v4 =	vadd.s32 v1, v4;
	_ =	sdelay $0x2  }
0x35e: {  	s16 =	sadd.s32 $0x1, s15  }
0x35f: {  	[tilespmem:v3+s22+$0x0] =	vst.idx.msk $0xffff, v2;
	v2 =	vmov s16  }
0x360: {  	[tilespmem:v4+s22+$0x0] =	vst.idx.msk $0xffff, v5;
	v2 =	vand.u32 $0x7D, v2  }
0x361: {  	v3 =	vld [tilespmem:s14+$0xFFFFFFE0];
	v4 =	vadd.s32 v0, v2  }
0x362: {  	v5 =	vld [tilespmem:s14+$0xFFFFFFF0];
	v2 =	vadd.s32 v1, v2;
	_ =	sdelay $0x2  }
0x363: {  	s18 =	sadd.s32 $0x2, s15  }
0x364: {  	[tilespmem:v4+s22+$0x0] =	vst.idx.msk $0xffff, v3;
	v3 =	vmov s18  }
0x365: {  	[tilespmem:v2+s22+$0x0] =	vst.idx.msk $0xffff, v5;
	v2 =	vand.u32 $0x7E, v3  }
0x366: {  	v3 =	vld [tilespmem:s14+$0x0];
	v4 =	vadd.s32 v0, v2  }
0x367: {  	v5 =	vld [tilespmem:s14+$0x10];
	v2 =	vadd.s32 v1, v2;
	_ =	sdelay $0x2  }
0x368: {  	s16 =	sadd.s32 $0x3, s15  }
0x369: {  	[tilespmem:v4+s22+$0x0] =	vst.idx.msk $0xffff, v3;
	v3 =	vmov s16  }
0x36a: {  	[tilespmem:v2+s22+$0x0] =	vst.idx.msk $0xffff, v5;
	v2 =	vand.u32 $0x7F, v3  }
0x36b: {  	v3 =	vld [tilespmem:s14+$0x20];
	v4 =	vadd.s32 v0, v2  }
0x36c: {  	v5 =	vld [tilespmem:s14+$0x30];
	v2 =	vadd.s32 v1, v2;
	_ =	sdelay $0x1  }
0x36d: {  	s17 =	rddreg [dreg:$0x9]  }
0x36e: {  	s14 =	sadd.s32 s17, s12  }
0x36f: {  	s14 =	sshrl.u32 s14, $0x3;
	[tilespmem:v4+s22+$0x0] =	vst.idx.msk $0xffff, v3  }
0x370: {  	s15 =	sadd.s32 s2, s14;
	s14 =	simm.s32 $0x0;
	[tilespmem:v2+s22+$0x0] =	vst.idx.msk $0xffff, v5  }
0x371: {  	[hbm4b:s15+s14] =	stream.linear.scatter [tilespmem:s22], [sflag:$0x7], $0x80, $0x38;
	[tilespmem:$0x10900] =	vst v63  }
0x372: {  	s17 =	simm.s32 $0xC588;
	s18 =	sadd.s32 $0x10, s15  }
0x373: {  	[hbm4b:s18+s14] =	stream.linear.scatter [tilespmem:s17], [sflag:$0x7], $0x80, $0x38;
	[tilespmem:$0x10900] =	vst v63  }
0x374: {  	s17 =	sadd.s32 $0x20, s15;
	s18 =	simm.s32 $0xC610  }
0x375: {  	[hbm4b:s17+s14] =	stream.linear.scatter [tilespmem:s18], [sflag:$0x7], $0x80, $0x38;
	[tilespmem:$0x10900] =	vst v63  }
0x376: {  	s17 =	sadd.s32 $0x30, s15;
	s18 =	simm.s32 $0xC698  }
0x377: {  	[hbm4b:s17+s14] =	stream.linear.scatter [tilespmem:s18], [sflag:$0x7], $0x80, $0x38;
	[tilespmem:$0x10900] =	vst v63  }
0x378: {  	s17 =	sadd.s32 $0x40, s15;
	s18 =	simm.s32 $0xC720  }
0x379: {  	[hbm4b:s17+s14] =	stream.linear.scatter [tilespmem:s18], [sflag:$0x7], $0x80, $0x38;
	[tilespmem:$0x10900] =	vst v63  }
0x37a: {  	s17 =	sadd.s32 $0x50, s15;
	s18 =	simm.s32 $0xC7A8  }
0x37b: {  	[hbm4b:s17+s14] =	stream.linear.scatter [tilespmem:s18], [sflag:$0x7], $0x80, $0x38;
	[tilespmem:$0x10900] =	vst v63  }
0x37c: {  	s17 =	sadd.s32 $0x60, s15;
	s18 =	simm.s32 $0xC830  }
0x37d: {  	[hbm4b:s17+s14] =	stream.linear.scatter [tilespmem:s18], [sflag:$0x7], $0x80, $0x38;
	[tilespmem:$0x10900] =	vst v63  }
0x37e: {  	s17 =	sadd.s32 $0x70, s15;
	s18 =	simm.s32 $0xC8B8  }
0x37f: {  	[hbm4b:s17+s14] =	stream.linear.scatter [tilespmem:s18], [sflag:$0x7], $0x80, $0x38;
	[tilespmem:$0x10900] =	vst v63  }
0x380: {  	s17 =	sadd.s32 $0x1000, s15;
	s18 =	simm.s32 $0xC940  }
0x381: {  	[hbm4b:s17+s14] =	stream.linear.scatter [tilespmem:s18], [sflag:$0x7], $0x80, $0x38;
	[tilespmem:$0x10900] =	vst v63  }
0x382: {  	s17 =	sadd.s32 $0x1010, s15;
	s18 =	simm.s32 $0xC9C8  }
0x383: {  	[hbm4b:s17+s14] =	stream.linear.scatter [tilespmem:s18], [sflag:$0x7], $0x80, $0x38;
	[tilespmem:$0x10900] =	vst v63  }
0x384: {  	s17 =	sadd.s32 $0x1020, s15;
	s18 =	simm.s32 $0xCA50  }
0x385: {  	[hbm4b:s17+s14] =	stream.linear.scatter [tilespmem:s18], [sflag:$0x7], $0x80, $0x38;
	[tilespmem:$0x10900] =	vst v63  }
0x386: {  	s17 =	sadd.s32 $0x1030, s15;
	s18 =	simm.s32 $0xCAD8  }
0x387: {  	[hbm4b:s17+s14] =	stream.linear.scatter [tilespmem:s18], [sflag:$0x7], $0x80, $0x38;
	[tilespmem:$0x10900] =	vst v63  }
0x388: {  	s17 =	sadd.s32 $0x1040, s15;
	s18 =	simm.s32 $0xCB60  }
0x389: {  	[hbm4b:s17+s14] =	stream.linear.scatter [tilespmem:s18], [sflag:$0x7], $0x80, $0x38;
	[tilespmem:$0x10900] =	vst v63  }
0x38a: {  	s17 =	sadd.s32 $0x1050, s15;
	s18 =	simm.s32 $0xCBE8  }
0x38b: {  	[hbm4b:s17+s14] =	stream.linear.scatter [tilespmem:s18], [sflag:$0x7], $0x80, $0x38;
	[tilespmem:$0x10900] =	vst v63  }
0x38c: {  	s17 =	sadd.s32 $0x1060, s15;
	s18 =	simm.s32 $0xCC70  }
0x38d: {  	[hbm4b:s17+s14] =	stream.linear.scatter [tilespmem:s18], [sflag:$0x7], $0x80, $0x38;
	[tilespmem:$0x10900] =	vst v63  }
0x38e: {  	s17 =	sadd.s32 $0x1070, s15;
	s18 =	simm.s32 $0xCCF8  }
0x38f: {  	[hbm4b:s17+s14] =	stream.linear.scatter [tilespmem:s18], [sflag:$0x7], $0x80, $0x38;
	[tilespmem:$0x10900] =	vst v63  }
0x390: {  	s17 =	sadd.s32 $0x2000, s15;
	s18 =	simm.s32 $0xCD80  }
0x391: {  	[hbm4b:s17+s14] =	stream.linear.scatter [tilespmem:s18], [sflag:$0x7], $0x80, $0x38;
	[tilespmem:$0x10900] =	vst v63  }
0x392: {  	s17 =	sadd.s32 $0x2010, s15;
	s18 =	simm.s32 $0xCE08  }
0x393: {  	[hbm4b:s17+s14] =	stream.linear.scatter [tilespmem:s18], [sflag:$0x7], $0x80, $0x38;
	[tilespmem:$0x10900] =	vst v63  }
0x394: {  	s17 =	sadd.s32 $0x2020, s15;
	s18 =	simm.s32 $0xCE90  }
0x395: {  	[hbm4b:s17+s14] =	stream.linear.scatter [tilespmem:s18], [sflag:$0x7], $0x80, $0x38;
	[tilespmem:$0x10900] =	vst v63  }
0x396: {  	s17 =	sadd.s32 $0x2030, s15;
	s18 =	simm.s32 $0xCF18  }
0x397: {  	[hbm4b:s17+s14] =	stream.linear.scatter [tilespmem:s18], [sflag:$0x7], $0x80, $0x38;
	[tilespmem:$0x10900] =	vst v63  }
0x398: {  	s17 =	sadd.s32 $0x2040, s15;
	s18 =	simm.s32 $0xCFA0  }
0x399: {  	[hbm4b:s17+s14] =	stream.linear.scatter [tilespmem:s18], [sflag:$0x7], $0x80, $0x38;
	[tilespmem:$0x10900] =	vst v63  }
0x39a: {  	s17 =	sadd.s32 $0x2050, s15;
	s18 =	simm.s32 $0xD028  }
0x39b: {  	[hbm4b:s17+s14] =	stream.linear.scatter [tilespmem:s18], [sflag:$0x7], $0x80, $0x38;
	[tilespmem:$0x10900] =	vst v63  }
0x39c: {  	s17 =	sadd.s32 $0x2060, s15;
	s18 =	simm.s32 $0xD0B0  }
0x39d: {  	[hbm4b:s17+s14] =	stream.linear.scatter [tilespmem:s18], [sflag:$0x7], $0x80, $0x38;
	[tilespmem:$0x10900] =	vst v63  }
0x39e: {  	s17 =	sadd.s32 $0x2070, s15;
	s18 =	simm.s32 $0xD138  }
0x39f: {  	[hbm4b:s17+s14] =	stream.linear.scatter [tilespmem:s18], [sflag:$0x7], $0x80, $0x38;
	[tilespmem:$0x10900] =	vst v63  }
0x3a0: {  	s17 =	sadd.s32 $0x3000, s15;
	s18 =	simm.s32 $0xD1C0  }
0x3a1: {  	[hbm4b:s17+s14] =	stream.linear.scatter [tilespmem:s18], [sflag:$0x7], $0x80, $0x38;
	[tilespmem:$0x10900] =	vst v63  }
0x3a2: {  	s17 =	sadd.s32 $0x3010, s15;
	s18 =	simm.s32 $0xD248  }
0x3a3: {  	[hbm4b:s17+s14] =	stream.linear.scatter [tilespmem:s18], [sflag:$0x7], $0x80, $0x38;
	[tilespmem:$0x10900] =	vst v63  }
0x3a4: {  	s17 =	sadd.s32 $0x3020, s15;
	s18 =	simm.s32 $0xD2D0  }
0x3a5: {  	[hbm4b:s17+s14] =	stream.linear.scatter [tilespmem:s18], [sflag:$0x7], $0x80, $0x38;
	[tilespmem:$0x10900] =	vst v63  }
0x3a6: {  	s17 =	sadd.s32 $0x3030, s15;
	s18 =	simm.s32 $0xD358  }
0x3a7: {  	[hbm4b:s17+s14] =	stream.linear.scatter [tilespmem:s18], [sflag:$0x7], $0x80, $0x38;
	[tilespmem:$0x10900] =	vst v63  }
0x3a8: {  	s17 =	sadd.s32 $0x3040, s15;
	s18 =	simm.s32 $0xD3E0  }
0x3a9: {  	[hbm4b:s17+s14] =	stream.linear.scatter [tilespmem:s18], [sflag:$0x7], $0x80, $0x38;
	[tilespmem:$0x10900] =	vst v63  }
0x3aa: {  	s17 =	sadd.s32 $0x3050, s15;
	s18 =	simm.s32 $0xD468  }
0x3ab: {  	[hbm4b:s17+s14] =	stream.linear.scatter [tilespmem:s18], [sflag:$0x7], $0x80, $0x38;
	[tilespmem:$0x10900] =	vst v63  }
0x3ac: {  	s17 =	sadd.s32 $0x3060, s15;
	s18 =	simm.s32 $0xD4F0  }
0x3ad: {  	[hbm4b:s17+s14] =	stream.linear.scatter [tilespmem:s18], [sflag:$0x7], $0x80, $0x38;
	[tilespmem:$0x10900] =	vst v63  }
0x3ae: {  	s15 =	sadd.s32 $0x3070, s15;
	s18 =	simm.s32 $0xD578  }
0x3af: {  	[hbm4b:s15+s14] =	stream.linear.scatter [tilespmem:s18], [sflag:$0x7], $0x80, $0x38;
	[tilespmem:$0x10900] =	vst v63  }
0x3b0: {  	_ =	swait.ge [sflag:s20], $0x1000  }
0x3b1: {  	s17 =	sadd.s32 $0x300, s13;
	[sflag:s20] =	ssyncset.done $0x0  }
0x3b2: {  	s15 =	sand.u32 $0x1FF80, s17;
	s18 =	simm.s32 $0x7400;
	[sflag:s20] =	ssyncadd.s32 $0xFFFFF000  }
0x3b3: {  	[tilespmem:s18], [sflag:$0x2] =	stream.indirect.gather [hbm4b:s5+s24], $0x20, s15, s24, $0xb8;
	[tilespmem:$0x10900] =	vst v63  }
0x3b4: {  	_ =	swait.ge [sflag:s26], $0x1000  }
0x3b5: {  	v2 =	vmov s14;
	[sflag:s26] =	ssyncset.done $0x0  }
0x3b6: {  	v2 =	vand.u32 $0x7C, v2;
	s14 =	simm.s32 $0x8440;
	[sflag:s26] =	ssyncadd.s32 $0xFFFFF000  }
0x3b7: {  	v4 =	vadd.s32 v0, v2;
	v3 =	vld [tilespmem:s14+$0xFFFFFFC0]  }
0x3b8: {  	v2 =	vadd.s32 v1, v2;
	v5 =	vld [tilespmem:s14+$0xFFFFFFD0];
	_ =	sdelay $0x2  }
0x3b9: {  	s16 =	simm.s32 $0x1  }
0x3ba: {  	[tilespmem:v4+s23+$0x0] =	vst.idx.msk $0xffff, v3;
	v3 =	vmov s16  }
0x3bb: {  	[tilespmem:v2+s23+$0x0] =	vst.idx.msk $0xffff, v5;
	v2 =	vand.u32 $0x7D, v3  }
0x3bc: {  	v3 =	vld [tilespmem:s14+$0xFFFFFFE0];
	v4 =	vadd.s32 v0, v2  }
0x3bd: {  	v5 =	vld [tilespmem:s14+$0xFFFFFFF0];
	v2 =	vadd.s32 v1, v2;
	_ =	sdelay $0x2  }
0x3be: {  	s17 =	simm.s32 $0x2  }
0x3bf: {  	[tilespmem:v4+s23+$0x0] =	vst.idx.msk $0xffff, v3;
	v3 =	vmov s17  }
0x3c0: {  	[tilespmem:v2+s23+$0x0] =	vst.idx.msk $0xffff, v5;
	v2 =	vand.u32 $0x7E, v3  }
0x3c1: {  	v3 =	vld [tilespmem:s14+$0x0];
	v4 =	vadd.s32 v0, v2  }
0x3c2: {  	v5 =	vld [tilespmem:s14+$0x10];
	v2 =	vadd.s32 v1, v2;
	_ =	sdelay $0x2  }
0x3c3: {  	s18 =	simm.s32 $0x3  }
0x3c4: {  	[tilespmem:v4+s23+$0x0] =	vst.idx.msk $0xffff, v3;
	v3 =	vmov s18  }
0x3c5: {  	[tilespmem:v2+s23+$0x0] =	vst.idx.msk $0xffff, v5;
	v3 =	vand.u32 $0x7F, v3  }
0x3c6: {  	v5 =	vld [tilespmem:s14+$0x20];
	v6 =	vadd.s32 v0, v3;
	_ =	sdelay $0x1  }
0x3c7: {  	v2 =	vld [tilespmem:s14+$0x30];
	v3 =	vadd.s32 v1, v3;
	_ =	sdelay $0x1  }
0x3c8: {  	s15 =	simm.s32 $0x4  }
0x3c9: {  	s16 =	simm.s32 $0x8;
	v4 =	vmov s15;
	[tilespmem:v6+s23+$0x0] =	vst.idx.msk $0xffff, v5  }
.LBB2_17:
0x3ca: {  	p0 =	slt.u32 s16, $0x7C  }
0x3cb: {  	v4 =	vand.u32 $0x7C, v4;
	[tilespmem:v3+s23+$0x0] =	vst.idx.msk $0xffff, v2;
	s14 =	sadd.s32 $0x80, s14;
	s17 =	smov.u32 s16;
	s16 =	sadd.s32 $0x4, s16  }
0x3cc: {  	v2 =	vld [tilespmem:s14+$0xFFFFFFC0];
	v3 =	vadd.s32 v0, v4  }
0x3cd: {  	v4 =	vadd.s32 v1, v4;
	v5 =	vld [tilespmem:s14+$0xFFFFFFD0];
	_ =	sdelay $0x2  }
0x3ce: {  	s18 =	sadd.s32 $0x1, s15  }
0x3cf: {  	[tilespmem:v3+s23+$0x0] =	vst.idx.msk $0xffff, v2;
	v2 =	vmov s18  }
0x3d0: {  	[tilespmem:v4+s23+$0x0] =	vst.idx.msk $0xffff, v5;
	v2 =	vand.u32 $0x7D, v2  }
0x3d1: {  	v3 =	vld [tilespmem:s14+$0xFFFFFFE0];
	v4 =	vadd.s32 v0, v2  }
0x3d2: {  	v2 =	vadd.s32 v1, v2;
	v5 =	vld [tilespmem:s14+$0xFFFFFFF0];
	_ =	sdelay $0x2  }
0x3d3: {  	s18 =	sadd.s32 $0x2, s15  }
0x3d4: {  	[tilespmem:v4+s23+$0x0] =	vst.idx.msk $0xffff, v3;
	v3 =	vmov s18  }
0x3d5: {  	[tilespmem:v2+s23+$0x0] =	vst.idx.msk $0xffff, v5;
	v2 =	vand.u32 $0x7E, v3  }
0x3d6: {  	v3 =	vld [tilespmem:s14+$0x0];
	v4 =	vadd.s32 v0, v2  }
0x3d7: {  	v2 =	vadd.s32 v1, v2;
	v5 =	vld [tilespmem:s14+$0x10];
	_ =	sdelay $0x2  }
0x3d8: {  	s18 =	sadd.s32 $0x3, s15;
	s15 =	smov.u32 s17  }
0x3d9: {  	[tilespmem:v4+s23+$0x0] =	vst.idx.msk $0xffff, v3;
	v3 =	vmov s18  }
0x3da: {  	[tilespmem:v2+s23+$0x0] =	vst.idx.msk $0xffff, v5;
	v3 =	vand.u32 $0x7F, v3  }
0x3db: {  	v5 =	vld [tilespmem:s14+$0x20];
	v6 =	vadd.s32 v0, v3  }
.Ltmp7:
0x3dc: {  	v3 =	vadd.s32 v1, v3;
	v2 =	vld [tilespmem:s14+$0x30];
	(pc) =	sbr.rel @p0 .LBB2_17-.Ltmp7, $2  }
0x3dd: {  	_ =	sdelay $0x2  }
0x3de: {  	v4 =	vmov s15;
	[tilespmem:v6+s23+$0x0] =	vst.idx.msk $0xffff, v5  }
0x3df: {  	_ =	sdelay $0x3  }
0x3e0: {  	v4 =	vand.u32 $0x7C, v4;
	[tilespmem:v3+s23+$0x0] =	vst.idx.msk $0xffff, v2;
	s14 =	sadd.s32 $0x80, s14  }
0x3e1: {  	v2 =	vld [tilespmem:s14+$0xFFFFFFC0];
	v3 =	vadd.s32 v0, v4  }
0x3e2: {  	v5 =	vld [tilespmem:s14+$0xFFFFFFD0];
	v4 =	vadd.s32 v1, v4;
	_ =	sdelay $0x2  }
0x3e3: {  	s16 =	sadd.s32 $0x1, s15  }
0x3e4: {  	[tilespmem:v3+s23+$0x0] =	vst.idx.msk $0xffff, v2;
	v2 =	vmov s16  }
0x3e5: {  	[tilespmem:v4+s23+$0x0] =	vst.idx.msk $0xffff, v5;
	v2 =	vand.u32 $0x7D, v2  }
0x3e6: {  	v3 =	vld [tilespmem:s14+$0xFFFFFFE0];
	v4 =	vadd.s32 v0, v2  }
0x3e7: {  	v5 =	vld [tilespmem:s14+$0xFFFFFFF0];
	v2 =	vadd.s32 v1, v2;
	_ =	sdelay $0x2  }
0x3e8: {  	s18 =	sadd.s32 $0x2, s15  }
0x3e9: {  	[tilespmem:v4+s23+$0x0] =	vst.idx.msk $0xffff, v3;
	v3 =	vmov s18  }
0x3ea: {  	[tilespmem:v2+s23+$0x0] =	vst.idx.msk $0xffff, v5;
	v2 =	vand.u32 $0x7E, v3  }
0x3eb: {  	v3 =	vld [tilespmem:s14+$0x0];
	v4 =	vadd.s32 v0, v2  }
0x3ec: {  	v5 =	vld [tilespmem:s14+$0x10];
	v2 =	vadd.s32 v1, v2;
	_ =	sdelay $0x2  }
0x3ed: {  	s16 =	sadd.s32 $0x3, s15  }
0x3ee: {  	[tilespmem:v4+s23+$0x0] =	vst.idx.msk $0xffff, v3;
	v3 =	vmov s16  }
0x3ef: {  	[tilespmem:v2+s23+$0x0] =	vst.idx.msk $0xffff, v5;
	v2 =	vand.u32 $0x7F, v3  }
0x3f0: {  	v3 =	vld [tilespmem:s14+$0x20];
	v4 =	vadd.s32 v0, v2  }
0x3f1: {  	v5 =	vld [tilespmem:s14+$0x30];
	v2 =	vadd.s32 v1, v2;
	_ =	sdelay $0x1  }
0x3f2: {  	s17 =	rddreg [dreg:$0xa]  }
0x3f3: {  	s14 =	sadd.s32 s17, s12  }
0x3f4: {  	s14 =	sshrl.u32 s14, $0x3;
	[tilespmem:v4+s23+$0x0] =	vst.idx.msk $0xffff, v3  }
0x3f5: {  	s15 =	sadd.s32 s2, s14;
	s14 =	simm.s32 $0x0;
	[tilespmem:v2+s23+$0x0] =	vst.idx.msk $0xffff, v5  }
0x3f6: {  	[hbm4b:s15+s14] =	stream.linear.scatter [tilespmem:s23], [sflag:$0x8], $0x80, $0x38;
	[tilespmem:$0x10900] =	vst v63  }
0x3f7: {  	s17 =	simm.s32 $0xD688;
	s18 =	sadd.s32 $0x10, s15  }
0x3f8: {  	[hbm4b:s18+s14] =	stream.linear.scatter [tilespmem:s17], [sflag:$0x8], $0x80, $0x38;
	[tilespmem:$0x10900] =	vst v63  }
0x3f9: {  	s17 =	sadd.s32 $0x20, s15;
	s18 =	simm.s32 $0xD710  }
0x3fa: {  	[hbm4b:s17+s14] =	stream.linear.scatter [tilespmem:s18], [sflag:$0x8], $0x80, $0x38;
	[tilespmem:$0x10900] =	vst v63  }
0x3fb: {  	s17 =	sadd.s32 $0x30, s15;
	s18 =	simm.s32 $0xD798  }
0x3fc: {  	[hbm4b:s17+s14] =	stream.linear.scatter [tilespmem:s18], [sflag:$0x8], $0x80, $0x38;
	[tilespmem:$0x10900] =	vst v63  }
0x3fd: {  	s17 =	sadd.s32 $0x40, s15;
	s18 =	simm.s32 $0xD820  }
0x3fe: {  	[hbm4b:s17+s14] =	stream.linear.scatter [tilespmem:s18], [sflag:$0x8], $0x80, $0x38;
	[tilespmem:$0x10900] =	vst v63  }
0x3ff: {  	s17 =	sadd.s32 $0x50, s15;
	s18 =	simm.s32 $0xD8A8  }
0x400: {  	[hbm4b:s17+s14] =	stream.linear.scatter [tilespmem:s18], [sflag:$0x8], $0x80, $0x38;
	[tilespmem:$0x10900] =	vst v63  }
0x401: {  	s17 =	sadd.s32 $0x60, s15;
	s18 =	simm.s32 $0xD930  }
0x402: {  	[hbm4b:s17+s14] =	stream.linear.scatter [tilespmem:s18], [sflag:$0x8], $0x80, $0x38;
	[tilespmem:$0x10900] =	vst v63  }
0x403: {  	s17 =	sadd.s32 $0x70, s15;
	s18 =	simm.s32 $0xD9B8  }
0x404: {  	[hbm4b:s17+s14] =	stream.linear.scatter [tilespmem:s18], [sflag:$0x8], $0x80, $0x38;
	[tilespmem:$0x10900] =	vst v63  }
0x405: {  	s17 =	sadd.s32 $0x1000, s15;
	s18 =	simm.s32 $0xDA40  }
0x406: {  	[hbm4b:s17+s14] =	stream.linear.scatter [tilespmem:s18], [sflag:$0x8], $0x80, $0x38;
	[tilespmem:$0x10900] =	vst v63  }
0x407: {  	s17 =	sadd.s32 $0x1010, s15;
	s18 =	simm.s32 $0xDAC8  }
0x408: {  	[hbm4b:s17+s14] =	stream.linear.scatter [tilespmem:s18], [sflag:$0x8], $0x80, $0x38;
	[tilespmem:$0x10900] =	vst v63  }
0x409: {  	s17 =	sadd.s32 $0x1020, s15;
	s18 =	simm.s32 $0xDB50  }
0x40a: {  	[hbm4b:s17+s14] =	stream.linear.scatter [tilespmem:s18], [sflag:$0x8], $0x80, $0x38;
	[tilespmem:$0x10900] =	vst v63  }
0x40b: {  	s17 =	sadd.s32 $0x1030, s15;
	s18 =	simm.s32 $0xDBD8  }
0x40c: {  	[hbm4b:s17+s14] =	stream.linear.scatter [tilespmem:s18], [sflag:$0x8], $0x80, $0x38;
	[tilespmem:$0x10900] =	vst v63  }
0x40d: {  	s17 =	sadd.s32 $0x1040, s15;
	s18 =	simm.s32 $0xDC60  }
0x40e: {  	[hbm4b:s17+s14] =	stream.linear.scatter [tilespmem:s18], [sflag:$0x8], $0x80, $0x38;
	[tilespmem:$0x10900] =	vst v63  }
0x40f: {  	s17 =	sadd.s32 $0x1050, s15;
	s18 =	simm.s32 $0xDCE8  }
0x410: {  	[hbm4b:s17+s14] =	stream.linear.scatter [tilespmem:s18], [sflag:$0x8], $0x80, $0x38;
	[tilespmem:$0x10900] =	vst v63  }
0x411: {  	s17 =	sadd.s32 $0x1060, s15;
	s18 =	simm.s32 $0xDD70  }
0x412: {  	[hbm4b:s17+s14] =	stream.linear.scatter [tilespmem:s18], [sflag:$0x8], $0x80, $0x38;
	[tilespmem:$0x10900] =	vst v63  }
0x413: {  	s17 =	sadd.s32 $0x1070, s15;
	s18 =	simm.s32 $0xDDF8  }
0x414: {  	[hbm4b:s17+s14] =	stream.linear.scatter [tilespmem:s18], [sflag:$0x8], $0x80, $0x38;
	[tilespmem:$0x10900] =	vst v63  }
0x415: {  	s17 =	sadd.s32 $0x2000, s15;
	s18 =	simm.s32 $0xDE80  }
0x416: {  	[hbm4b:s17+s14] =	stream.linear.scatter [tilespmem:s18], [sflag:$0x8], $0x80, $0x38;
	[tilespmem:$0x10900] =	vst v63  }
0x417: {  	s17 =	sadd.s32 $0x2010, s15;
	s18 =	simm.s32 $0xDF08  }
0x418: {  	[hbm4b:s17+s14] =	stream.linear.scatter [tilespmem:s18], [sflag:$0x8], $0x80, $0x38;
	[tilespmem:$0x10900] =	vst v63  }
0x419: {  	s17 =	sadd.s32 $0x2020, s15;
	s18 =	simm.s32 $0xDF90  }
0x41a: {  	[hbm4b:s17+s14] =	stream.linear.scatter [tilespmem:s18], [sflag:$0x8], $0x80, $0x38;
	[tilespmem:$0x10900] =	vst v63  }
0x41b: {  	s17 =	sadd.s32 $0x2030, s15;
	s18 =	simm.s32 $0xE018  }
0x41c: {  	[hbm4b:s17+s14] =	stream.linear.scatter [tilespmem:s18], [sflag:$0x8], $0x80, $0x38;
	[tilespmem:$0x10900] =	vst v63  }
0x41d: {  	s17 =	sadd.s32 $0x2040, s15;
	s18 =	simm.s32 $0xE0A0  }
0x41e: {  	[hbm4b:s17+s14] =	stream.linear.scatter [tilespmem:s18], [sflag:$0x8], $0x80, $0x38;
	[tilespmem:$0x10900] =	vst v63  }
0x41f: {  	s17 =	sadd.s32 $0x2050, s15;
	s18 =	simm.s32 $0xE128  }
0x420: {  	[hbm4b:s17+s14] =	stream.linear.scatter [tilespmem:s18], [sflag:$0x8], $0x80, $0x38;
	[tilespmem:$0x10900] =	vst v63  }
0x421: {  	s17 =	sadd.s32 $0x2060, s15;
	s18 =	simm.s32 $0xE1B0  }
0x422: {  	[hbm4b:s17+s14] =	stream.linear.scatter [tilespmem:s18], [sflag:$0x8], $0x80, $0x38;
	[tilespmem:$0x10900] =	vst v63  }
0x423: {  	s17 =	sadd.s32 $0x2070, s15;
	s18 =	simm.s32 $0xE238  }
0x424: {  	[hbm4b:s17+s14] =	stream.linear.scatter [tilespmem:s18], [sflag:$0x8], $0x80, $0x38;
	[tilespmem:$0x10900] =	vst v63  }
0x425: {  	s17 =	sadd.s32 $0x3000, s15;
	s18 =	simm.s32 $0xE2C0  }
0x426: {  	[hbm4b:s17+s14] =	stream.linear.scatter [tilespmem:s18], [sflag:$0x8], $0x80, $0x38;
	[tilespmem:$0x10900] =	vst v63  }
0x427: {  	s17 =	sadd.s32 $0x3010, s15;
	s18 =	simm.s32 $0xE348  }
0x428: {  	[hbm4b:s17+s14] =	stream.linear.scatter [tilespmem:s18], [sflag:$0x8], $0x80, $0x38;
	[tilespmem:$0x10900] =	vst v63  }
0x429: {  	s17 =	sadd.s32 $0x3020, s15;
	s18 =	simm.s32 $0xE3D0  }
0x42a: {  	[hbm4b:s17+s14] =	stream.linear.scatter [tilespmem:s18], [sflag:$0x8], $0x80, $0x38;
	[tilespmem:$0x10900] =	vst v63  }
0x42b: {  	s17 =	sadd.s32 $0x3030, s15;
	s18 =	simm.s32 $0xE458  }
0x42c: {  	[hbm4b:s17+s14] =	stream.linear.scatter [tilespmem:s18], [sflag:$0x8], $0x80, $0x38;
	[tilespmem:$0x10900] =	vst v63  }
0x42d: {  	s17 =	sadd.s32 $0x3040, s15;
	s18 =	simm.s32 $0xE4E0  }
0x42e: {  	[hbm4b:s17+s14] =	stream.linear.scatter [tilespmem:s18], [sflag:$0x8], $0x80, $0x38;
	[tilespmem:$0x10900] =	vst v63  }
0x42f: {  	s17 =	sadd.s32 $0x3050, s15;
	s18 =	simm.s32 $0xE568  }
0x430: {  	[hbm4b:s17+s14] =	stream.linear.scatter [tilespmem:s18], [sflag:$0x8], $0x80, $0x38;
	[tilespmem:$0x10900] =	vst v63  }
0x431: {  	s17 =	sadd.s32 $0x3060, s15;
	s18 =	simm.s32 $0xE5F0  }
0x432: {  	[hbm4b:s17+s14] =	stream.linear.scatter [tilespmem:s18], [sflag:$0x8], $0x80, $0x38;
	[tilespmem:$0x10900] =	vst v63  }
0x433: {  	s15 =	sadd.s32 $0x3070, s15;
	s17 =	simm.s32 $0xE678  }
0x434: {  	[hbm4b:s15+s14] =	stream.linear.scatter [tilespmem:s17], [sflag:$0x8], $0x80, $0x38;
	[tilespmem:$0x10900] =	vst v63  }
0x435: {  	_ =	swait.ge [sflag:s30], $0x1000  }
0x436: {  	s13 =	sadd.s32 $0x380, s13;
	[sflag:s30] =	ssyncset.done $0x0  }
0x437: {  	s13 =	sand.u32 $0x1FF80, s13;
	s18 =	simm.s32 $0x8400;
	[sflag:s30] =	ssyncadd.s32 $0xFFFFF000  }
0x438: {  	[tilespmem:s18], [sflag:$0x3] =	stream.indirect.gather [hbm4b:s5+s24], $0x20, s13, s24, $0xb8;
	[tilespmem:$0x10900] =	vst v63  }
0x439: {  	_ =	swait.ge [sflag:s8], $0x1000  }
0x43a: {  	v2 =	vmov s14;
	[sflag:s8] =	ssyncset.done $0x0  }
0x43b: {  	v2 =	vand.u32 $0x7C, v2;
	s13 =	simm.s32 $0x9440;
	[sflag:s8] =	ssyncadd.s32 $0xFFFFF000  }
0x43c: {  	v4 =	vadd.s32 v0, v2;
	v3 =	vld [tilespmem:s13+$0xFFFFFFC0]  }
0x43d: {  	v2 =	vadd.s32 v1, v2;
	v5 =	vld [tilespmem:s13+$0xFFFFFFD0];
	_ =	sdelay $0x2  }
0x43e: {  	s16 =	simm.s32 $0x1  }
0x43f: {  	[tilespmem:v4+s1+$0x0] =	vst.idx.msk $0xffff, v3;
	v3 =	vmov s16  }
0x440: {  	[tilespmem:v2+s1+$0x0] =	vst.idx.msk $0xffff, v5;
	v2 =	vand.u32 $0x7D, v3  }
0x441: {  	v3 =	vld [tilespmem:s13+$0xFFFFFFE0];
	v4 =	vadd.s32 v0, v2  }
0x442: {  	v5 =	vld [tilespmem:s13+$0xFFFFFFF0];
	v2 =	vadd.s32 v1, v2;
	_ =	sdelay $0x2  }
0x443: {  	s17 =	simm.s32 $0x2  }
0x444: {  	[tilespmem:v4+s1+$0x0] =	vst.idx.msk $0xffff, v3;
	v3 =	vmov s17  }
0x445: {  	[tilespmem:v2+s1+$0x0] =	vst.idx.msk $0xffff, v5;
	v2 =	vand.u32 $0x7E, v3  }
0x446: {  	v3 =	vld [tilespmem:s13+$0x0];
	v4 =	vadd.s32 v0, v2  }
0x447: {  	v5 =	vld [tilespmem:s13+$0x10];
	v2 =	vadd.s32 v1, v2;
	_ =	sdelay $0x2  }
0x448: {  	s18 =	simm.s32 $0x3  }
0x449: {  	[tilespmem:v4+s1+$0x0] =	vst.idx.msk $0xffff, v3;
	v3 =	vmov s18  }
0x44a: {  	[tilespmem:v2+s1+$0x0] =	vst.idx.msk $0xffff, v5;
	v3 =	vand.u32 $0x7F, v3  }
0x44b: {  	v5 =	vld [tilespmem:s13+$0x20];
	v6 =	vadd.s32 v0, v3;
	_ =	sdelay $0x1  }
0x44c: {  	v2 =	vld [tilespmem:s13+$0x30];
	v3 =	vadd.s32 v1, v3;
	_ =	sdelay $0x1  }
0x44d: {  	s14 =	simm.s32 $0x4  }
0x44e: {  	s15 =	simm.s32 $0x8;
	v4 =	vmov s14;
	[tilespmem:v6+s1+$0x0] =	vst.idx.msk $0xffff, v5  }
.LBB2_19:
0x44f: {  	p0 =	slt.u32 s15, $0x7C  }
0x450: {  	v4 =	vand.u32 $0x7C, v4;
	[tilespmem:v3+s1+$0x0] =	vst.idx.msk $0xffff, v2;
	s13 =	sadd.s32 $0x80, s13;
	s16 =	smov.u32 s15;
	s15 =	sadd.s32 $0x4, s15  }
0x451: {  	v2 =	vld [tilespmem:s13+$0xFFFFFFC0];
	v3 =	vadd.s32 v0, v4  }
0x452: {  	v4 =	vadd.s32 v1, v4;
	v5 =	vld [tilespmem:s13+$0xFFFFFFD0];
	_ =	sdelay $0x2  }
0x453: {  	s17 =	sadd.s32 $0x1, s14  }
0x454: {  	[tilespmem:v3+s1+$0x0] =	vst.idx.msk $0xffff, v2;
	v2 =	vmov s17  }
0x455: {  	[tilespmem:v4+s1+$0x0] =	vst.idx.msk $0xffff, v5;
	v2 =	vand.u32 $0x7D, v2  }
0x456: {  	v3 =	vld [tilespmem:s13+$0xFFFFFFE0];
	v4 =	vadd.s32 v0, v2  }
0x457: {  	v2 =	vadd.s32 v1, v2;
	v5 =	vld [tilespmem:s13+$0xFFFFFFF0];
	_ =	sdelay $0x2  }
0x458: {  	s17 =	sadd.s32 $0x2, s14  }
0x459: {  	[tilespmem:v4+s1+$0x0] =	vst.idx.msk $0xffff, v3;
	v3 =	vmov s17  }
0x45a: {  	[tilespmem:v2+s1+$0x0] =	vst.idx.msk $0xffff, v5;
	v2 =	vand.u32 $0x7E, v3  }
0x45b: {  	v3 =	vld [tilespmem:s13+$0x0];
	v4 =	vadd.s32 v0, v2  }
0x45c: {  	v2 =	vadd.s32 v1, v2;
	v5 =	vld [tilespmem:s13+$0x10];
	_ =	sdelay $0x2  }
0x45d: {  	s17 =	sadd.s32 $0x3, s14;
	s14 =	smov.u32 s16  }
0x45e: {  	[tilespmem:v4+s1+$0x0] =	vst.idx.msk $0xffff, v3;
	v3 =	vmov s17  }
0x45f: {  	[tilespmem:v2+s1+$0x0] =	vst.idx.msk $0xffff, v5;
	v3 =	vand.u32 $0x7F, v3  }
0x460: {  	v5 =	vld [tilespmem:s13+$0x20];
	v6 =	vadd.s32 v0, v3  }
.Ltmp8:
0x461: {  	v3 =	vadd.s32 v1, v3;
	v2 =	vld [tilespmem:s13+$0x30];
	(pc) =	sbr.rel @p0 .LBB2_19-.Ltmp8, $2  }
0x462: {  	_ =	sdelay $0x2  }
0x463: {  	v4 =	vmov s14;
	[tilespmem:v6+s1+$0x0] =	vst.idx.msk $0xffff, v5  }
0x464: {  	_ =	sdelay $0x3  }
0x465: {  	v4 =	vand.u32 $0x7C, v4;
	[tilespmem:v3+s1+$0x0] =	vst.idx.msk $0xffff, v2;
	s13 =	sadd.s32 $0x80, s13  }
0x466: {  	v2 =	vld [tilespmem:s13+$0xFFFFFFC0];
	v3 =	vadd.s32 v0, v4  }
0x467: {  	v5 =	vld [tilespmem:s13+$0xFFFFFFD0];
	v4 =	vadd.s32 v1, v4;
	_ =	sdelay $0x2  }
0x468: {  	s15 =	sadd.s32 $0x1, s14  }
0x469: {  	[tilespmem:v3+s1+$0x0] =	vst.idx.msk $0xffff, v2;
	v2 =	vmov s15  }
0x46a: {  	[tilespmem:v4+s1+$0x0] =	vst.idx.msk $0xffff, v5;
	v2 =	vand.u32 $0x7D, v2  }
0x46b: {  	v3 =	vld [tilespmem:s13+$0xFFFFFFE0];
	v4 =	vadd.s32 v0, v2  }
0x46c: {  	v5 =	vld [tilespmem:s13+$0xFFFFFFF0];
	v2 =	vadd.s32 v1, v2;
	_ =	sdelay $0x2  }
0x46d: {  	s17 =	sadd.s32 $0x2, s14  }
0x46e: {  	v6 =	vmov s17;
	[tilespmem:v4+s1+$0x0] =	vst.idx.msk $0xffff, v3  }
0x46f: {  	[tilespmem:v2+s1+$0x0] =	vst.idx.msk $0xffff, v5;
	v2 =	vand.u32 $0x7E, v6  }
0x470: {  	v3 =	vld [tilespmem:s13+$0x0];
	v4 =	vadd.s32 v0, v2  }
0x471: {  	v5 =	vld [tilespmem:s13+$0x10];
	v2 =	vadd.s32 v1, v2;
	_ =	sdelay $0x2  }
0x472: {  	s18 =	sadd.s32 $0x3, s14  }
0x473: {  	[tilespmem:v4+s1+$0x0] =	vst.idx.msk $0xffff, v3;
	v3 =	vmov s18  }
0x474: {  	[tilespmem:v2+s1+$0x0] =	vst.idx.msk $0xffff, v5;
	v2 =	vand.u32 $0x7F, v3  }
0x475: {  	v3 =	vld [tilespmem:s13+$0x20];
	v4 =	vadd.s32 v0, v2  }
0x476: {  	v5 =	vld [tilespmem:s13+$0x30];
	v2 =	vadd.s32 v1, v2;
	_ =	sdelay $0x1  }
0x477: {  	s14 =	rddreg [dreg:$0xb]  }
0x478: {  	s12 =	sadd.s32 s14, s12  }
0x479: {  	s12 =	sshrl.u32 s12, $0x3;
	[tilespmem:v4+s1+$0x0] =	vst.idx.msk $0xffff, v3  }
0x47a: {  	s13 =	sadd.s32 s2, s12;
	s12 =	simm.s32 $0x0;
	[tilespmem:v2+s1+$0x0] =	vst.idx.msk $0xffff, v5  }
0x47b: {  	[hbm4b:s13+s12] =	stream.linear.scatter [tilespmem:s1], [sflag:$0x9], $0x80, $0x38;
	[tilespmem:$0x10900] =	vst v63  }
0x47c: {  	s16 =	simm.s32 $0xE788;
	s15 =	sadd.s32 $0x10, s13  }
0x47d: {  	[hbm4b:s15+s12] =	stream.linear.scatter [tilespmem:s16], [sflag:$0x9], $0x80, $0x38;
	[tilespmem:$0x10900] =	vst v63  }
0x47e: {  	s18 =	simm.s32 $0xE810;
	s17 =	sadd.s32 $0x20, s13  }
0x47f: {  	[hbm4b:s17+s12] =	stream.linear.scatter [tilespmem:s18], [sflag:$0x9], $0x80, $0x38;
	[tilespmem:$0x10900] =	vst v63  }
0x480: {  	s15 =	sadd.s32 $0x30, s13;
	s16 =	simm.s32 $0xE898  }
0x481: {  	[hbm4b:s15+s12] =	stream.linear.scatter [tilespmem:s16], [sflag:$0x9], $0x80, $0x38;
	[tilespmem:$0x10900] =	vst v63  }
0x482: {  	s17 =	sadd.s32 $0x40, s13;
	s18 =	simm.s32 $0xE920  }
0x483: {  	[hbm4b:s17+s12] =	stream.linear.scatter [tilespmem:s18], [sflag:$0x9], $0x80, $0x38;
	[tilespmem:$0x10900] =	vst v63  }
0x484: {  	s15 =	sadd.s32 $0x50, s13;
	s16 =	simm.s32 $0xE9A8  }
0x485: {  	[hbm4b:s15+s12] =	stream.linear.scatter [tilespmem:s16], [sflag:$0x9], $0x80, $0x38;
	[tilespmem:$0x10900] =	vst v63  }
0x486: {  	s17 =	sadd.s32 $0x60, s13;
	s18 =	simm.s32 $0xEA30  }
0x487: {  	[hbm4b:s17+s12] =	stream.linear.scatter [tilespmem:s18], [sflag:$0x9], $0x80, $0x38;
	[tilespmem:$0x10900] =	vst v63  }
0x488: {  	s15 =	sadd.s32 $0x70, s13;
	s16 =	simm.s32 $0xEAB8  }
0x489: {  	[hbm4b:s15+s12] =	stream.linear.scatter [tilespmem:s16], [sflag:$0x9], $0x80, $0x38;
	[tilespmem:$0x10900] =	vst v63  }
0x48a: {  	s17 =	sadd.s32 $0x1000, s13;
	s18 =	simm.s32 $0xEB40  }
0x48b: {  	[hbm4b:s17+s12] =	stream.linear.scatter [tilespmem:s18], [sflag:$0x9], $0x80, $0x38;
	[tilespmem:$0x10900] =	vst v63  }
0x48c: {  	s15 =	sadd.s32 $0x1010, s13;
	s16 =	simm.s32 $0xEBC8  }
0x48d: {  	[hbm4b:s15+s12] =	stream.linear.scatter [tilespmem:s16], [sflag:$0x9], $0x80, $0x38;
	[tilespmem:$0x10900] =	vst v63  }
0x48e: {  	s17 =	sadd.s32 $0x1020, s13;
	s18 =	simm.s32 $0xEC50  }
0x48f: {  	[hbm4b:s17+s12] =	stream.linear.scatter [tilespmem:s18], [sflag:$0x9], $0x80, $0x38;
	[tilespmem:$0x10900] =	vst v63  }
0x490: {  	s15 =	sadd.s32 $0x1030, s13;
	s16 =	simm.s32 $0xECD8  }
0x491: {  	[hbm4b:s15+s12] =	stream.linear.scatter [tilespmem:s16], [sflag:$0x9], $0x80, $0x38;
	[tilespmem:$0x10900] =	vst v63  }
0x492: {  	s17 =	sadd.s32 $0x1040, s13;
	s18 =	simm.s32 $0xED60  }
0x493: {  	[hbm4b:s17+s12] =	stream.linear.scatter [tilespmem:s18], [sflag:$0x9], $0x80, $0x38;
	[tilespmem:$0x10900] =	vst v63  }
0x494: {  	s15 =	sadd.s32 $0x1050, s13;
	s16 =	simm.s32 $0xEDE8  }
0x495: {  	[hbm4b:s15+s12] =	stream.linear.scatter [tilespmem:s16], [sflag:$0x9], $0x80, $0x38;
	[tilespmem:$0x10900] =	vst v63  }
0x496: {  	s17 =	sadd.s32 $0x1060, s13;
	s18 =	simm.s32 $0xEE70  }
0x497: {  	[hbm4b:s17+s12] =	stream.linear.scatter [tilespmem:s18], [sflag:$0x9], $0x80, $0x38;
	[tilespmem:$0x10900] =	vst v63  }
0x498: {  	s15 =	sadd.s32 $0x1070, s13;
	s16 =	simm.s32 $0xEEF8  }
0x499: {  	[hbm4b:s15+s12] =	stream.linear.scatter [tilespmem:s16], [sflag:$0x9], $0x80, $0x38;
	[tilespmem:$0x10900] =	vst v63  }
0x49a: {  	s17 =	sadd.s32 $0x2000, s13;
	s18 =	simm.s32 $0xEF80  }
0x49b: {  	[hbm4b:s17+s12] =	stream.linear.scatter [tilespmem:s18], [sflag:$0x9], $0x80, $0x38;
	[tilespmem:$0x10900] =	vst v63  }
0x49c: {  	s15 =	sadd.s32 $0x2010, s13;
	s16 =	simm.s32 $0xF008  }
0x49d: {  	[hbm4b:s15+s12] =	stream.linear.scatter [tilespmem:s16], [sflag:$0x9], $0x80, $0x38;
	[tilespmem:$0x10900] =	vst v63  }
0x49e: {  	s17 =	sadd.s32 $0x2020, s13;
	s18 =	simm.s32 $0xF090  }
0x49f: {  	[hbm4b:s17+s12] =	stream.linear.scatter [tilespmem:s18], [sflag:$0x9], $0x80, $0x38;
	[tilespmem:$0x10900] =	vst v63  }
0x4a0: {  	s15 =	sadd.s32 $0x2030, s13;
	s16 =	simm.s32 $0xF118  }
0x4a1: {  	[hbm4b:s15+s12] =	stream.linear.scatter [tilespmem:s16], [sflag:$0x9], $0x80, $0x38;
	[tilespmem:$0x10900] =	vst v63  }
0x4a2: {  	s17 =	sadd.s32 $0x2040, s13;
	s18 =	simm.s32 $0xF1A0  }
0x4a3: {  	[hbm4b:s17+s12] =	stream.linear.scatter [tilespmem:s18], [sflag:$0x9], $0x80, $0x38;
	[tilespmem:$0x10900] =	vst v63  }
0x4a4: {  	s15 =	sadd.s32 $0x2050, s13;
	s16 =	simm.s32 $0xF228  }
0x4a5: {  	[hbm4b:s15+s12] =	stream.linear.scatter [tilespmem:s16], [sflag:$0x9], $0x80, $0x38;
	[tilespmem:$0x10900] =	vst v63  }
0x4a6: {  	s17 =	sadd.s32 $0x2060, s13;
	s18 =	simm.s32 $0xF2B0  }
0x4a7: {  	[hbm4b:s17+s12] =	stream.linear.scatter [tilespmem:s18], [sflag:$0x9], $0x80, $0x38;
	[tilespmem:$0x10900] =	vst v63  }
0x4a8: {  	s15 =	sadd.s32 $0x2070, s13;
	s16 =	simm.s32 $0xF338  }
0x4a9: {  	[hbm4b:s15+s12] =	stream.linear.scatter [tilespmem:s16], [sflag:$0x9], $0x80, $0x38;
	[tilespmem:$0x10900] =	vst v63  }
0x4aa: {  	s17 =	sadd.s32 $0x3000, s13;
	s18 =	simm.s32 $0xF3C0  }
0x4ab: {  	[hbm4b:s17+s12] =	stream.linear.scatter [tilespmem:s18], [sflag:$0x9], $0x80, $0x38;
	[tilespmem:$0x10900] =	vst v63  }
0x4ac: {  	s15 =	sadd.s32 $0x3010, s13;
	s16 =	simm.s32 $0xF448  }
0x4ad: {  	[hbm4b:s15+s12] =	stream.linear.scatter [tilespmem:s16], [sflag:$0x9], $0x80, $0x38;
	[tilespmem:$0x10900] =	vst v63  }
0x4ae: {  	s17 =	sadd.s32 $0x3020, s13;
	s18 =	simm.s32 $0xF4D0  }
0x4af: {  	[hbm4b:s17+s12] =	stream.linear.scatter [tilespmem:s18], [sflag:$0x9], $0x80, $0x38;
	[tilespmem:$0x10900] =	vst v63  }
0x4b0: {  	s15 =	sadd.s32 $0x3030, s13;
	s16 =	simm.s32 $0xF558  }
0x4b1: {  	[hbm4b:s15+s12] =	stream.linear.scatter [tilespmem:s16], [sflag:$0x9], $0x80, $0x38;
	[tilespmem:$0x10900] =	vst v63  }
0x4b2: {  	s17 =	sadd.s32 $0x3040, s13;
	s18 =	simm.s32 $0xF5E0  }
0x4b3: {  	[hbm4b:s17+s12] =	stream.linear.scatter [tilespmem:s18], [sflag:$0x9], $0x80, $0x38;
	[tilespmem:$0x10900] =	vst v63  }
0x4b4: {  	s15 =	sadd.s32 $0x3050, s13;
	s16 =	simm.s32 $0xF668;
	s17 =	sadd.s32 $0x3060, s13  }
0x4b5: {  	[hbm4b:s15+s12] =	stream.linear.scatter [tilespmem:s16], [sflag:$0x9], $0x80, $0x38;
	[tilespmem:$0x10900] =	vst v63  }
0x4b6: {  	s18 =	simm.s32 $0xF6F0;
	s13 =	sadd.s32 $0x3070, s13;
	s16 =	smul.u32 $0xA00, s10  }
0x4b7: {  	[hbm4b:s17+s12] =	stream.linear.scatter [tilespmem:s18], [sflag:$0x9], $0x80, $0x38;
	[tilespmem:$0x10900] =	vst v63  }
0x4b8: {  	s17 =	simm.s32 $0xF778;
	s18 =	smul.u32 $0x280, s10;
	s14 =	sadd.s32 $0x1000, s16  }
0x4b9: {  	[hbm4b:s13+s12] =	stream.linear.scatter [tilespmem:s17], [sflag:$0x9], $0x80, $0x38;
	[tilespmem:$0x10900] =	vst v63  }
0x4ba: {  	s14 =	sand.u32 $0x7F000, s14;
	_ =	swait.ge [sflag:s7], $0x1000  }
0x4bb: {  	s13 =	sand.u32 $0x380, s18;
	s14 =	sshrl.u32 s14, $0x2;
	[sflag:s7] =	ssyncset.done $0x0  }
0x4bc: {  	s15 =	simm.s32 $0x9400;
	s13 =	sor.u32 s13, s14;
	[sflag:s7] =	ssyncadd.s32 $0xFFFFF000  }
0x4bd: {  	[tilespmem:s15], [sflag:$0x4] =	stream.indirect.gather [hbm4b:s5+s24], $0x20, s13, s24, $0xb8;
	[tilespmem:$0x10900] =	vst v63  }
0x4be: {  	_ =	swait.ge [sflag:s9], $0x1000  }
0x4bf: {  	v2 =	vmov s12;
	[sflag:s9] =	ssyncset.done $0x0  }
0x4c0: {  	v2 =	vand.u32 $0x7C, v2;
	s12 =	simm.s32 $0xA440;
	[sflag:s9] =	ssyncadd.s32 $0xFFFFF000  }
0x4c1: {  	v4 =	vadd.s32 v0, v2;
	v3 =	vld [tilespmem:s12+$0xFFFFFFC0]  }
0x4c2: {  	v2 =	vadd.s32 v1, v2;
	v5 =	vld [tilespmem:s12+$0xFFFFFFD0];
	_ =	sdelay $0x2  }
0x4c3: {  	s16 =	simm.s32 $0x1  }
0x4c4: {  	[tilespmem:v4+s25+$0x0] =	vst.idx.msk $0xffff, v3;
	v3 =	vmov s16  }
0x4c5: {  	[tilespmem:v2+s25+$0x0] =	vst.idx.msk $0xffff, v5;
	v2 =	vand.u32 $0x7D, v3  }
0x4c6: {  	v3 =	vld [tilespmem:s12+$0xFFFFFFE0];
	v4 =	vadd.s32 v0, v2  }
0x4c7: {  	v5 =	vld [tilespmem:s12+$0xFFFFFFF0];
	v2 =	vadd.s32 v1, v2;
	_ =	sdelay $0x2  }
0x4c8: {  	s17 =	simm.s32 $0x2  }
0x4c9: {  	[tilespmem:v4+s25+$0x0] =	vst.idx.msk $0xffff, v3;
	v3 =	vmov s17  }
0x4ca: {  	[tilespmem:v2+s25+$0x0] =	vst.idx.msk $0xffff, v5;
	v2 =	vand.u32 $0x7E, v3  }
0x4cb: {  	v3 =	vld [tilespmem:s12+$0x0];
	v4 =	vadd.s32 v0, v2  }
0x4cc: {  	v5 =	vld [tilespmem:s12+$0x10];
	v2 =	vadd.s32 v1, v2;
	_ =	sdelay $0x2  }
0x4cd: {  	s18 =	simm.s32 $0x3  }
0x4ce: {  	[tilespmem:v4+s25+$0x0] =	vst.idx.msk $0xffff, v3;
	v3 =	vmov s18  }
0x4cf: {  	[tilespmem:v2+s25+$0x0] =	vst.idx.msk $0xffff, v5;
	v3 =	vand.u32 $0x7F, v3  }
0x4d0: {  	v5 =	vld [tilespmem:s12+$0x20];
	v6 =	vadd.s32 v0, v3;
	_ =	sdelay $0x1  }
0x4d1: {  	v2 =	vld [tilespmem:s12+$0x30];
	v3 =	vadd.s32 v1, v3;
	_ =	sdelay $0x1  }
0x4d2: {  	s13 =	simm.s32 $0x4  }
0x4d3: {  	s14 =	simm.s32 $0x8;
	v4 =	vmov s13;
	[tilespmem:v6+s25+$0x0] =	vst.idx.msk $0xffff, v5  }
.LBB2_21:
0x4d4: {  	p0 =	slt.u32 s14, $0x7C  }
0x4d5: {  	v4 =	vand.u32 $0x7C, v4;
	[tilespmem:v3+s25+$0x0] =	vst.idx.msk $0xffff, v2;
	s12 =	sadd.s32 $0x80, s12;
	s15 =	smov.u32 s14;
	s14 =	sadd.s32 $0x4, s14  }
0x4d6: {  	v2 =	vld [tilespmem:s12+$0xFFFFFFC0];
	v3 =	vadd.s32 v0, v4  }
0x4d7: {  	v4 =	vadd.s32 v1, v4;
	v5 =	vld [tilespmem:s12+$0xFFFFFFD0];
	_ =	sdelay $0x2  }
0x4d8: {  	s16 =	sadd.s32 $0x1, s13  }
0x4d9: {  	[tilespmem:v3+s25+$0x0] =	vst.idx.msk $0xffff, v2;
	v2 =	vmov s16  }
0x4da: {  	[tilespmem:v4+s25+$0x0] =	vst.idx.msk $0xffff, v5;
	v2 =	vand.u32 $0x7D, v2  }
0x4db: {  	v3 =	vld [tilespmem:s12+$0xFFFFFFE0];
	v4 =	vadd.s32 v0, v2  }
0x4dc: {  	v2 =	vadd.s32 v1, v2;
	v5 =	vld [tilespmem:s12+$0xFFFFFFF0];
	_ =	sdelay $0x2  }
0x4dd: {  	s16 =	sadd.s32 $0x2, s13  }
0x4de: {  	[tilespmem:v4+s25+$0x0] =	vst.idx.msk $0xffff, v3;
	v3 =	vmov s16  }
0x4df: {  	[tilespmem:v2+s25+$0x0] =	vst.idx.msk $0xffff, v5;
	v2 =	vand.u32 $0x7E, v3  }
0x4e0: {  	v3 =	vld [tilespmem:s12+$0x0];
	v4 =	vadd.s32 v0, v2  }
0x4e1: {  	v2 =	vadd.s32 v1, v2;
	v5 =	vld [tilespmem:s12+$0x10];
	_ =	sdelay $0x2  }
0x4e2: {  	s16 =	sadd.s32 $0x3, s13;
	s13 =	smov.u32 s15  }
0x4e3: {  	[tilespmem:v4+s25+$0x0] =	vst.idx.msk $0xffff, v3;
	v3 =	vmov s16  }
0x4e4: {  	[tilespmem:v2+s25+$0x0] =	vst.idx.msk $0xffff, v5;
	v3 =	vand.u32 $0x7F, v3  }
0x4e5: {  	v5 =	vld [tilespmem:s12+$0x20];
	v6 =	vadd.s32 v0, v3  }
.Ltmp9:
0x4e6: {  	v3 =	vadd.s32 v1, v3;
	v2 =	vld [tilespmem:s12+$0x30];
	(pc) =	sbr.rel @p0 .LBB2_21-.Ltmp9, $2  }
0x4e7: {  	_ =	sdelay $0x2  }
0x4e8: {  	v4 =	vmov s13;
	[tilespmem:v6+s25+$0x0] =	vst.idx.msk $0xffff, v5  }
0x4e9: {  	_ =	sdelay $0x3  }
0x4ea: {  	v4 =	vand.u32 $0x7C, v4;
	[tilespmem:v3+s25+$0x0] =	vst.idx.msk $0xffff, v2;
	s12 =	sadd.s32 $0x80, s12  }
0x4eb: {  	v2 =	vld [tilespmem:s12+$0xFFFFFFC0];
	v3 =	vadd.s32 v0, v4  }
0x4ec: {  	v5 =	vld [tilespmem:s12+$0xFFFFFFD0];
	v4 =	vadd.s32 v1, v4;
	_ =	sdelay $0x2  }
0x4ed: {  	s14 =	sadd.s32 $0x1, s13  }
0x4ee: {  	[tilespmem:v3+s25+$0x0] =	vst.idx.msk $0xffff, v2;
	v2 =	vmov s14  }
0x4ef: {  	[tilespmem:v4+s25+$0x0] =	vst.idx.msk $0xffff, v5;
	v2 =	vand.u32 $0x7D, v2  }
0x4f0: {  	v3 =	vld [tilespmem:s12+$0xFFFFFFE0];
	v60 =	vadd.s32 v0, v2  }
0x4f1: {  	v5 =	vld [tilespmem:s12+$0xFFFFFFF0];
	v2 =	vadd.s32 v1, v2;
	_ =	sdelay $0x2  }
0x4f2: {  	s15 =	sadd.s32 $0x2, s13  }
0x4f3: {  	v6 =	vmov s15;
	[tilespmem:v60+s25+$0x0] =	vst.idx.msk $0xffff, v3  }
0x4f4: {  	[tilespmem:v2+s25+$0x0] =	vst.idx.msk $0xffff, v5;
	v2 =	vand.u32 $0x7E, v6  }
0x4f5: {  	v3 =	vld [tilespmem:s12+$0x0];
	v61 =	vadd.s32 v0, v2  }
0x4f6: {  	v5 =	vld [tilespmem:s12+$0x10];
	v2 =	vadd.s32 v1, v2;
	_ =	sdelay $0x2  }
0x4f7: {  	s16 =	sadd.s32 $0x3, s13  }
0x4f8: {  	v62 =	vmov s16;
	[tilespmem:v61+s25+$0x0] =	vst.idx.msk $0xffff, v3  }
0x4f9: {  	[tilespmem:v2+s25+$0x0] =	vst.idx.msk $0xffff, v5;
	v2 =	vand.u32 $0x7F, v62  }
0x4fa: {  	v3 =	vld [tilespmem:s12+$0x20];
	v63 =	vadd.s32 v0, v2  }
0x4fb: {  	v5 =	vld [tilespmem:s12+$0x30];
	v2 =	vadd.s32 v1, v2;
	_ =	sdelay $0x1  }
0x4fc: {  	s11 =	sshll.u32 s11, $0x11  }
0x4fd: {  	s11 =	sor.u32 s4, s11  }
0x4fe: {  	s11 =	sshrl.u32 s11, $0x3;
	[tilespmem:v63+s25+$0x0] =	vst.idx.msk $0xffff, v3  }
0x4ff: {  	s11 =	sadd.s32 s2, s11;
	[tilespmem:v2+s25+$0x0] =	vst.idx.msk $0xffff, v5  }
0x500: {  	[hbm4b:s11+s3] =	stream.linear.scatter [tilespmem:s25], [sflag:$0xA], $0x80, $0x38;
	[tilespmem:$0x10900] =	vst v63  }
0x501: {  	s18 =	simm.s32 $0xF888;
	s17 =	sadd.s32 $0x10, s11  }
0x502: {  	[hbm4b:s17+s3] =	stream.linear.scatter [tilespmem:s18], [sflag:$0xA], $0x80, $0x38;
	[tilespmem:$0x10900] =	vst v63  }
0x503: {  	s13 =	sadd.s32 $0x20, s11;
	s14 =	simm.s32 $0xF910  }
0x504: {  	[hbm4b:s13+s3] =	stream.linear.scatter [tilespmem:s14], [sflag:$0xA], $0x80, $0x38;
	[tilespmem:$0x10900] =	vst v63  }
0x505: {  	s16 =	simm.s32 $0xF998;
	s15 =	sadd.s32 $0x30, s11  }
0x506: {  	[hbm4b:s15+s3] =	stream.linear.scatter [tilespmem:s16], [sflag:$0xA], $0x80, $0x38;
	[tilespmem:$0x10900] =	vst v63  }
0x507: {  	s17 =	sadd.s32 $0x40, s11;
	s18 =	simm.s32 $0xFA20  }
0x508: {  	[hbm4b:s17+s3] =	stream.linear.scatter [tilespmem:s18], [sflag:$0xA], $0x80, $0x38;
	[tilespmem:$0x10900] =	vst v63  }
0x509: {  	s13 =	sadd.s32 $0x50, s11;
	s14 =	simm.s32 $0xFAA8  }
0x50a: {  	[hbm4b:s13+s3] =	stream.linear.scatter [tilespmem:s14], [sflag:$0xA], $0x80, $0x38;
	[tilespmem:$0x10900] =	vst v63  }
0x50b: {  	s15 =	sadd.s32 $0x60, s11;
	s16 =	simm.s32 $0xFB30  }
0x50c: {  	[hbm4b:s15+s3] =	stream.linear.scatter [tilespmem:s16], [sflag:$0xA], $0x80, $0x38;
	[tilespmem:$0x10900] =	vst v63  }
0x50d: {  	s17 =	sadd.s32 $0x70, s11;
	s18 =	simm.s32 $0xFBB8  }
0x50e: {  	[hbm4b:s17+s3] =	stream.linear.scatter [tilespmem:s18], [sflag:$0xA], $0x80, $0x38;
	[tilespmem:$0x10900] =	vst v63  }
0x50f: {  	s13 =	sadd.s32 $0x1000, s11;
	s14 =	simm.s32 $0xFC40  }
0x510: {  	[hbm4b:s13+s3] =	stream.linear.scatter [tilespmem:s14], [sflag:$0xA], $0x80, $0x38;
	[tilespmem:$0x10900] =	vst v63  }
0x511: {  	s15 =	sadd.s32 $0x1010, s11;
	s16 =	simm.s32 $0xFCC8  }
0x512: {  	[hbm4b:s15+s3] =	stream.linear.scatter [tilespmem:s16], [sflag:$0xA], $0x80, $0x38;
	[tilespmem:$0x10900] =	vst v63  }
0x513: {  	s17 =	sadd.s32 $0x1020, s11;
	s18 =	simm.s32 $0xFD50  }
0x514: {  	[hbm4b:s17+s3] =	stream.linear.scatter [tilespmem:s18], [sflag:$0xA], $0x80, $0x38;
	[tilespmem:$0x10900] =	vst v63  }
0x515: {  	s13 =	sadd.s32 $0x1030, s11;
	s14 =	simm.s32 $0xFDD8  }
0x516: {  	[hbm4b:s13+s3] =	stream.linear.scatter [tilespmem:s14], [sflag:$0xA], $0x80, $0x38;
	[tilespmem:$0x10900] =	vst v63  }
0x517: {  	s15 =	sadd.s32 $0x1040, s11;
	s16 =	simm.s32 $0xFE60  }
0x518: {  	[hbm4b:s15+s3] =	stream.linear.scatter [tilespmem:s16], [sflag:$0xA], $0x80, $0x38;
	[tilespmem:$0x10900] =	vst v63  }
0x519: {  	s17 =	sadd.s32 $0x1050, s11;
	s18 =	simm.s32 $0xFEE8  }
0x51a: {  	[hbm4b:s17+s3] =	stream.linear.scatter [tilespmem:s18], [sflag:$0xA], $0x80, $0x38;
	[tilespmem:$0x10900] =	vst v63  }
0x51b: {  	s13 =	sadd.s32 $0x1060, s11;
	s14 =	simm.s32 $0xFF70  }
0x51c: {  	[hbm4b:s13+s3] =	stream.linear.scatter [tilespmem:s14], [sflag:$0xA], $0x80, $0x38;
	[tilespmem:$0x10900] =	vst v63  }
0x51d: {  	s15 =	sadd.s32 $0x1070, s11;
	s16 =	simm.s32 $0xFFF8  }
0x51e: {  	[hbm4b:s15+s3] =	stream.linear.scatter [tilespmem:s16], [sflag:$0xA], $0x80, $0x38;
	[tilespmem:$0x10900] =	vst v63  }
0x51f: {  	s17 =	sadd.s32 $0x2000, s11;
	s18 =	simm.s32 $0x10080  }
0x520: {  	[hbm4b:s17+s3] =	stream.linear.scatter [tilespmem:s18], [sflag:$0xA], $0x80, $0x38;
	[tilespmem:$0x10900] =	vst v63  }
0x521: {  	s13 =	sadd.s32 $0x2010, s11;
	s14 =	simm.s32 $0x10108  }
0x522: {  	[hbm4b:s13+s3] =	stream.linear.scatter [tilespmem:s14], [sflag:$0xA], $0x80, $0x38;
	[tilespmem:$0x10900] =	vst v63  }
0x523: {  	s15 =	sadd.s32 $0x2020, s11;
	s16 =	simm.s32 $0x10190  }
0x524: {  	[hbm4b:s15+s3] =	stream.linear.scatter [tilespmem:s16], [sflag:$0xA], $0x80, $0x38;
	[tilespmem:$0x10900] =	vst v63  }
0x525: {  	s17 =	sadd.s32 $0x2030, s11;
	s18 =	simm.s32 $0x10218  }
0x526: {  	[hbm4b:s17+s3] =	stream.linear.scatter [tilespmem:s18], [sflag:$0xA], $0x80, $0x38;
	[tilespmem:$0x10900] =	vst v63  }
0x527: {  	s13 =	sadd.s32 $0x2040, s11;
	s14 =	simm.s32 $0x102A0  }
0x528: {  	[hbm4b:s13+s3] =	stream.linear.scatter [tilespmem:s14], [sflag:$0xA], $0x80, $0x38;
	[tilespmem:$0x10900] =	vst v63  }
0x529: {  	s15 =	sadd.s32 $0x2050, s11;
	s16 =	simm.s32 $0x10328  }
0x52a: {  	[hbm4b:s15+s3] =	stream.linear.scatter [tilespmem:s16], [sflag:$0xA], $0x80, $0x38;
	[tilespmem:$0x10900] =	vst v63  }
0x52b: {  	s17 =	sadd.s32 $0x2060, s11;
	s18 =	simm.s32 $0x103B0  }
0x52c: {  	[hbm4b:s17+s3] =	stream.linear.scatter [tilespmem:s18], [sflag:$0xA], $0x80, $0x38;
	[tilespmem:$0x10900] =	vst v63  }
0x52d: {  	s13 =	sadd.s32 $0x2070, s11;
	s14 =	simm.s32 $0x10438  }
0x52e: {  	[hbm4b:s13+s3] =	stream.linear.scatter [tilespmem:s14], [sflag:$0xA], $0x80, $0x38;
	[tilespmem:$0x10900] =	vst v63  }
0x52f: {  	s15 =	sadd.s32 $0x3000, s11;
	s16 =	simm.s32 $0x104C0  }
0x530: {  	[hbm4b:s15+s3] =	stream.linear.scatter [tilespmem:s16], [sflag:$0xA], $0x80, $0x38;
	[tilespmem:$0x10900] =	vst v63  }
0x531: {  	s17 =	sadd.s32 $0x3010, s11;
	s18 =	simm.s32 $0x10548  }
0x532: {  	[hbm4b:s17+s3] =	stream.linear.scatter [tilespmem:s18], [sflag:$0xA], $0x80, $0x38;
	[tilespmem:$0x10900] =	vst v63  }
0x533: {  	s13 =	sadd.s32 $0x3020, s11;
	s14 =	simm.s32 $0x105D0  }
0x534: {  	[hbm4b:s13+s3] =	stream.linear.scatter [tilespmem:s14], [sflag:$0xA], $0x80, $0x38;
	[tilespmem:$0x10900] =	vst v63  }
0x535: {  	s15 =	sadd.s32 $0x3030, s11;
	s16 =	simm.s32 $0x10658  }
0x536: {  	[hbm4b:s15+s3] =	stream.linear.scatter [tilespmem:s16], [sflag:$0xA], $0x80, $0x38;
	[tilespmem:$0x10900] =	vst v63  }
0x537: {  	s10 =	sadd.s32 $0x1, s10;
	s17 =	sadd.s32 $0x3040, s11;
	s18 =	simm.s32 $0x106E0  }
0x538: {  	[hbm4b:s17+s3] =	stream.linear.scatter [tilespmem:s18], [sflag:$0xA], $0x80, $0x38;
	[tilespmem:$0x10900] =	vst v63  }
0x539: {  	p0 =	sne.s32 s10, $0x27;
	s14 =	sadd.s32 $0x3050, s11;
	s15 =	simm.s32 $0x10768  }
0x53a: {  	[hbm4b:s14+s3] =	stream.linear.scatter [tilespmem:s15], [sflag:$0xA], $0x80, $0x38;
	[tilespmem:$0x10900] =	vst v63  }
.Ltmp10:
0x53b: {  	_ = 	snop;
	(pc) =	sbr.rel @p0 .LBB2_12-.Ltmp10, $4  }
0x53c: {  	s16 =	sadd.s32 $0x3060, s11;
	s17 =	simm.s32 $0x107F0  }
0x53d: {  	[hbm4b:s16+s3] =	stream.linear.scatter [tilespmem:s17], [sflag:$0xA], $0x80, $0x38;
	[tilespmem:$0x10900] =	vst v63  }
0x53e: {  	s11 =	sadd.s32 $0x3070, s11;
	s18 =	simm.s32 $0x10878  }
0x53f: {  	[hbm4b:s11+s3] =	stream.linear.scatter [tilespmem:s18], [sflag:$0xA], $0x80, $0x38;
	[tilespmem:$0x10900] =	vst v63  }
0x540: {  	_ =	swait.ge [sflag:s0], $0x1000  }
0x541: {  	[sflag:s0] =	ssyncset.done $0x0  }
0x542: {  	s10 =	simm.s32 $0xA400;
	s11 =	simm.s32 $0x6380;
	[sflag:s0] =	ssyncadd.s32 $0xFFFFF000  }
0x543: {  	[tilespmem:s10], [sflag:$0x5] =	stream.indirect.gather [hbm4b:s5+s24], $0x20, s11, s24, $0xb8;
	[tilespmem:$0x10900] =	vst v63  }
0x544: {  	s15 =	simm.s32 $0x0;
	_ =	swait.ge [sflag:s29], $0x1000  }
0x545: {  	v2 =	vmov s15;
	[sflag:s29] =	ssyncset.done $0x0  }
0x546: {  	v2 =	vand.u32 $0x7C, v2;
	s10 =	simm.s32 $0x6440;
	[sflag:s29] =	ssyncadd.s32 $0xFFFFF000  }
0x547: {  	v4 =	vadd.s32 v0, v2;
	v3 =	vld [tilespmem:s10+$0xFFFFFFC0]  }
0x548: {  	v2 =	vadd.s32 v1, v2;
	v5 =	vld [tilespmem:s10+$0xFFFFFFD0];
	_ =	sdelay $0x2  }
0x549: {  	s16 =	simm.s32 $0x1  }
0x54a: {  	[tilespmem:v4+s28+$0x0] =	vst.idx.msk $0xffff, v3;
	v3 =	vmov s16  }
0x54b: {  	[tilespmem:v2+s28+$0x0] =	vst.idx.msk $0xffff, v5;
	v2 =	vand.u32 $0x7D, v3  }
0x54c: {  	v3 =	vld [tilespmem:s10+$0xFFFFFFE0];
	v4 =	vadd.s32 v0, v2  }
0x54d: {  	v5 =	vld [tilespmem:s10+$0xFFFFFFF0];
	v2 =	vadd.s32 v1, v2;
	_ =	sdelay $0x2  }
0x54e: {  	s17 =	simm.s32 $0x2  }
0x54f: {  	[tilespmem:v4+s28+$0x0] =	vst.idx.msk $0xffff, v3;
	v3 =	vmov s17  }
0x550: {  	[tilespmem:v2+s28+$0x0] =	vst.idx.msk $0xffff, v5;
	v2 =	vand.u32 $0x7E, v3  }
0x551: {  	v3 =	vld [tilespmem:s10+$0x0];
	v4 =	vadd.s32 v0, v2  }
0x552: {  	v5 =	vld [tilespmem:s10+$0x10];
	v2 =	vadd.s32 v1, v2;
	_ =	sdelay $0x2  }
0x553: {  	s18 =	simm.s32 $0x3  }
0x554: {  	[tilespmem:v4+s28+$0x0] =	vst.idx.msk $0xffff, v3;
	v3 =	vmov s18  }
0x555: {  	[tilespmem:v2+s28+$0x0] =	vst.idx.msk $0xffff, v5;
	v3 =	vand.u32 $0x7F, v3  }
0x556: {  	v5 =	vld [tilespmem:s10+$0x20];
	v6 =	vadd.s32 v0, v3;
	_ =	sdelay $0x1  }
0x557: {  	v2 =	vld [tilespmem:s10+$0x30];
	v3 =	vadd.s32 v1, v3;
	_ =	sdelay $0x1  }
0x558: {  	s11 =	simm.s32 $0x4  }
0x559: {  	s12 =	simm.s32 $0x8;
	v4 =	vmov s11;
	[tilespmem:v6+s28+$0x0] =	vst.idx.msk $0xffff, v5  }
.LBB2_24:
0x55a: {  	p0 =	slt.u32 s12, $0x7C  }
0x55b: {  	v4 =	vand.u32 $0x7C, v4;
	[tilespmem:v3+s28+$0x0] =	vst.idx.msk $0xffff, v2;
	s10 =	sadd.s32 $0x80, s10;
	s13 =	smov.u32 s12;
	s12 =	sadd.s32 $0x4, s12  }
0x55c: {  	v2 =	vld [tilespmem:s10+$0xFFFFFFC0];
	v3 =	vadd.s32 v0, v4  }
0x55d: {  	v4 =	vadd.s32 v1, v4;
	v5 =	vld [tilespmem:s10+$0xFFFFFFD0];
	_ =	sdelay $0x2  }
0x55e: {  	s14 =	sadd.s32 $0x1, s11  }
0x55f: {  	[tilespmem:v3+s28+$0x0] =	vst.idx.msk $0xffff, v2;
	v2 =	vmov s14  }
0x560: {  	[tilespmem:v4+s28+$0x0] =	vst.idx.msk $0xffff, v5;
	v2 =	vand.u32 $0x7D, v2  }
0x561: {  	v3 =	vld [tilespmem:s10+$0xFFFFFFE0];
	v4 =	vadd.s32 v0, v2  }
0x562: {  	v2 =	vadd.s32 v1, v2;
	v5 =	vld [tilespmem:s10+$0xFFFFFFF0];
	_ =	sdelay $0x2  }
0x563: {  	s14 =	sadd.s32 $0x2, s11  }
0x564: {  	[tilespmem:v4+s28+$0x0] =	vst.idx.msk $0xffff, v3;
	v3 =	vmov s14  }
0x565: {  	[tilespmem:v2+s28+$0x0] =	vst.idx.msk $0xffff, v5;
	v2 =	vand.u32 $0x7E, v3  }
0x566: {  	v3 =	vld [tilespmem:s10+$0x0];
	v4 =	vadd.s32 v0, v2  }
0x567: {  	v2 =	vadd.s32 v1, v2;
	v5 =	vld [tilespmem:s10+$0x10];
	_ =	sdelay $0x2  }
0x568: {  	s14 =	sadd.s32 $0x3, s11;
	s11 =	smov.u32 s13  }
0x569: {  	[tilespmem:v4+s28+$0x0] =	vst.idx.msk $0xffff, v3;
	v3 =	vmov s14  }
0x56a: {  	[tilespmem:v2+s28+$0x0] =	vst.idx.msk $0xffff, v5;
	v3 =	vand.u32 $0x7F, v3  }
0x56b: {  	v5 =	vld [tilespmem:s10+$0x20];
	v6 =	vadd.s32 v0, v3  }
.Ltmp11:
0x56c: {  	v3 =	vadd.s32 v1, v3;
	v2 =	vld [tilespmem:s10+$0x30];
	(pc) =	sbr.rel @p0 .LBB2_24-.Ltmp11, $2  }
0x56d: {  	_ =	sdelay $0x2  }
0x56e: {  	v4 =	vmov s11;
	[tilespmem:v6+s28+$0x0] =	vst.idx.msk $0xffff, v5  }
0x56f: {  	_ =	sdelay $0x3  }
0x570: {  	v4 =	vand.u32 $0x7C, v4;
	[tilespmem:v3+s28+$0x0] =	vst.idx.msk $0xffff, v2;
	s10 =	sadd.s32 $0x80, s10  }
0x571: {  	v2 =	vld [tilespmem:s10+$0xFFFFFFC0];
	v3 =	vadd.s32 v0, v4  }
0x572: {  	v5 =	vld [tilespmem:s10+$0xFFFFFFD0];
	v4 =	vadd.s32 v1, v4;
	_ =	sdelay $0x2  }
0x573: {  	s12 =	sadd.s32 $0x1, s11  }
0x574: {  	[tilespmem:v3+s28+$0x0] =	vst.idx.msk $0xffff, v2;
	v2 =	vmov s12  }
0x575: {  	[tilespmem:v4+s28+$0x0] =	vst.idx.msk $0xffff, v5;
	v2 =	vand.u32 $0x7D, v2  }
0x576: {  	v3 =	vld [tilespmem:s10+$0xFFFFFFE0];
	v4 =	vadd.s32 v0, v2  }
0x577: {  	v5 =	vld [tilespmem:s10+$0xFFFFFFF0];
	v2 =	vadd.s32 v1, v2;
	_ =	sdelay $0x2  }
0x578: {  	s18 =	sadd.s32 $0x2, s11  }
0x579: {  	[tilespmem:v4+s28+$0x0] =	vst.idx.msk $0xffff, v3;
	v3 =	vmov s18  }
0x57a: {  	[tilespmem:v2+s28+$0x0] =	vst.idx.msk $0xffff, v5;
	v2 =	vand.u32 $0x7E, v3  }
0x57b: {  	v3 =	vld [tilespmem:s10+$0x0];
	v4 =	vadd.s32 v0, v2  }
0x57c: {  	v5 =	vld [tilespmem:s10+$0x10];
	v2 =	vadd.s32 v1, v2;
	_ =	sdelay $0x2  }
0x57d: {  	s13 =	sadd.s32 $0x3, s11  }
0x57e: {  	[tilespmem:v4+s28+$0x0] =	vst.idx.msk $0xffff, v3;
	v3 =	vmov s13  }
0x57f: {  	[tilespmem:v2+s28+$0x0] =	vst.idx.msk $0xffff, v5;
	v2 =	vand.u32 $0x7F, v3  }
0x580: {  	v3 =	vld [tilespmem:s10+$0x20];
	v4 =	vadd.s32 v0, v2  }
0x581: {  	v5 =	vld [tilespmem:s10+$0x30];
	v2 =	vadd.s32 v1, v2;
	_ =	sdelay $0x3  }
0x582: {  	[tilespmem:v4+s28+$0x0] =	vst.idx.msk $0xffff, v3  }
0x583: {  	s12 =	rddreg [dreg:$0xc];
	s10 =	simm.s32 $0x0;
	[tilespmem:v2+s28+$0x0] =	vst.idx.msk $0xffff, v5  }
0x584: {  	[hbm4b:s12+s10] =	stream.linear.scatter [tilespmem:s28], [sflag:$0x6], $0x80, $0x38;
	[tilespmem:$0x10900] =	vst v63  }
0x585: {  	s14 =	sadd.s32 $0x10, s12;
	s13 =	simm.s32 $0xB488  }
0x586: {  	[hbm4b:s14+s10] =	stream.linear.scatter [tilespmem:s13], [sflag:$0x6], $0x80, $0x38;
	[tilespmem:$0x10900] =	vst v63  }
0x587: {  	s16 =	simm.s32 $0xB510;
	s15 =	sadd.s32 $0x20, s12  }
0x588: {  	[hbm4b:s15+s10] =	stream.linear.scatter [tilespmem:s16], [sflag:$0x6], $0x80, $0x38;
	[tilespmem:$0x10900] =	vst v63  }
0x589: {  	s17 =	sadd.s32 $0x30, s12;
	s18 =	simm.s32 $0xB598  }
0x58a: {  	[hbm4b:s17+s10] =	stream.linear.scatter [tilespmem:s18], [sflag:$0x6], $0x80, $0x38;
	[tilespmem:$0x10900] =	vst v63  }
0x58b: {  	s13 =	sadd.s32 $0x40, s12;
	s14 =	simm.s32 $0xB620  }
0x58c: {  	[hbm4b:s13+s10] =	stream.linear.scatter [tilespmem:s14], [sflag:$0x6], $0x80, $0x38;
	[tilespmem:$0x10900] =	vst v63  }
0x58d: {  	s15 =	sadd.s32 $0x50, s12;
	s16 =	simm.s32 $0xB6A8  }
0x58e: {  	[hbm4b:s15+s10] =	stream.linear.scatter [tilespmem:s16], [sflag:$0x6], $0x80, $0x38;
	[tilespmem:$0x10900] =	vst v63  }
0x58f: {  	s17 =	sadd.s32 $0x60, s12;
	s18 =	simm.s32 $0xB730  }
0x590: {  	[hbm4b:s17+s10] =	stream.linear.scatter [tilespmem:s18], [sflag:$0x6], $0x80, $0x38;
	[tilespmem:$0x10900] =	vst v63  }
0x591: {  	s13 =	sadd.s32 $0x70, s12;
	s14 =	simm.s32 $0xB7B8  }
0x592: {  	[hbm4b:s13+s10] =	stream.linear.scatter [tilespmem:s14], [sflag:$0x6], $0x80, $0x38;
	[tilespmem:$0x10900] =	vst v63  }
0x593: {  	s15 =	sadd.s32 $0x1000, s12;
	s16 =	simm.s32 $0xB840  }
0x594: {  	[hbm4b:s15+s10] =	stream.linear.scatter [tilespmem:s16], [sflag:$0x6], $0x80, $0x38;
	[tilespmem:$0x10900] =	vst v63  }
0x595: {  	s17 =	sadd.s32 $0x1010, s12;
	s18 =	simm.s32 $0xB8C8  }
0x596: {  	[hbm4b:s17+s10] =	stream.linear.scatter [tilespmem:s18], [sflag:$0x6], $0x80, $0x38;
	[tilespmem:$0x10900] =	vst v63  }
0x597: {  	s13 =	sadd.s32 $0x1020, s12;
	s14 =	simm.s32 $0xB950  }
0x598: {  	[hbm4b:s13+s10] =	stream.linear.scatter [tilespmem:s14], [sflag:$0x6], $0x80, $0x38;
	[tilespmem:$0x10900] =	vst v63  }
0x599: {  	s15 =	sadd.s32 $0x1030, s12;
	s16 =	simm.s32 $0xB9D8  }
0x59a: {  	[hbm4b:s15+s10] =	stream.linear.scatter [tilespmem:s16], [sflag:$0x6], $0x80, $0x38;
	[tilespmem:$0x10900] =	vst v63  }
0x59b: {  	s17 =	sadd.s32 $0x1040, s12;
	s18 =	simm.s32 $0xBA60  }
0x59c: {  	[hbm4b:s17+s10] =	stream.linear.scatter [tilespmem:s18], [sflag:$0x6], $0x80, $0x38;
	[tilespmem:$0x10900] =	vst v63  }
0x59d: {  	s13 =	sadd.s32 $0x1050, s12;
	s14 =	simm.s32 $0xBAE8  }
0x59e: {  	[hbm4b:s13+s10] =	stream.linear.scatter [tilespmem:s14], [sflag:$0x6], $0x80, $0x38;
	[tilespmem:$0x10900] =	vst v63  }
0x59f: {  	s15 =	sadd.s32 $0x1060, s12;
	s16 =	simm.s32 $0xBB70  }
0x5a0: {  	[hbm4b:s15+s10] =	stream.linear.scatter [tilespmem:s16], [sflag:$0x6], $0x80, $0x38;
	[tilespmem:$0x10900] =	vst v63  }
0x5a1: {  	s17 =	sadd.s32 $0x1070, s12;
	s18 =	simm.s32 $0xBBF8  }
0x5a2: {  	[hbm4b:s17+s10] =	stream.linear.scatter [tilespmem:s18], [sflag:$0x6], $0x80, $0x38;
	[tilespmem:$0x10900] =	vst v63  }
0x5a3: {  	s13 =	sadd.s32 $0x2000, s12;
	s14 =	simm.s32 $0xBC80  }
0x5a4: {  	[hbm4b:s13+s10] =	stream.linear.scatter [tilespmem:s14], [sflag:$0x6], $0x80, $0x38;
	[tilespmem:$0x10900] =	vst v63  }
0x5a5: {  	s15 =	sadd.s32 $0x2010, s12;
	s16 =	simm.s32 $0xBD08  }
0x5a6: {  	[hbm4b:s15+s10] =	stream.linear.scatter [tilespmem:s16], [sflag:$0x6], $0x80, $0x38;
	[tilespmem:$0x10900] =	vst v63  }
0x5a7: {  	s17 =	sadd.s32 $0x2020, s12;
	s18 =	simm.s32 $0xBD90  }
0x5a8: {  	[hbm4b:s17+s10] =	stream.linear.scatter [tilespmem:s18], [sflag:$0x6], $0x80, $0x38;
	[tilespmem:$0x10900] =	vst v63  }
0x5a9: {  	s13 =	sadd.s32 $0x2030, s12;
	s14 =	simm.s32 $0xBE18  }
0x5aa: {  	[hbm4b:s13+s10] =	stream.linear.scatter [tilespmem:s14], [sflag:$0x6], $0x80, $0x38;
	[tilespmem:$0x10900] =	vst v63  }
0x5ab: {  	s15 =	sadd.s32 $0x2040, s12;
	s16 =	simm.s32 $0xBEA0  }
0x5ac: {  	[hbm4b:s15+s10] =	stream.linear.scatter [tilespmem:s16], [sflag:$0x6], $0x80, $0x38;
	[tilespmem:$0x10900] =	vst v63  }
0x5ad: {  	s17 =	sadd.s32 $0x2050, s12;
	s18 =	simm.s32 $0xBF28  }
0x5ae: {  	[hbm4b:s17+s10] =	stream.linear.scatter [tilespmem:s18], [sflag:$0x6], $0x80, $0x38;
	[tilespmem:$0x10900] =	vst v63  }
0x5af: {  	s13 =	sadd.s32 $0x2060, s12;
	s14 =	simm.s32 $0xBFB0  }
0x5b0: {  	[hbm4b:s13+s10] =	stream.linear.scatter [tilespmem:s14], [sflag:$0x6], $0x80, $0x38;
	[tilespmem:$0x10900] =	vst v63  }
0x5b1: {  	s15 =	sadd.s32 $0x2070, s12;
	s16 =	simm.s32 $0xC038  }
0x5b2: {  	[hbm4b:s15+s10] =	stream.linear.scatter [tilespmem:s16], [sflag:$0x6], $0x80, $0x38;
	[tilespmem:$0x10900] =	vst v63  }
0x5b3: {  	s17 =	sadd.s32 $0x3000, s12;
	s18 =	simm.s32 $0xC0C0  }
0x5b4: {  	[hbm4b:s17+s10] =	stream.linear.scatter [tilespmem:s18], [sflag:$0x6], $0x80, $0x38;
	[tilespmem:$0x10900] =	vst v63  }
0x5b5: {  	s13 =	sadd.s32 $0x3010, s12;
	s14 =	simm.s32 $0xC148  }
0x5b6: {  	[hbm4b:s13+s10] =	stream.linear.scatter [tilespmem:s14], [sflag:$0x6], $0x80, $0x38;
	[tilespmem:$0x10900] =	vst v63  }
0x5b7: {  	s15 =	sadd.s32 $0x3020, s12;
	s16 =	simm.s32 $0xC1D0  }
0x5b8: {  	[hbm4b:s15+s10] =	stream.linear.scatter [tilespmem:s16], [sflag:$0x6], $0x80, $0x38;
	[tilespmem:$0x10900] =	vst v63  }
0x5b9: {  	s17 =	sadd.s32 $0x3030, s12;
	s18 =	simm.s32 $0xC258  }
0x5ba: {  	[hbm4b:s17+s10] =	stream.linear.scatter [tilespmem:s18], [sflag:$0x6], $0x80, $0x38;
	[tilespmem:$0x10900] =	vst v63  }
0x5bb: {  	s13 =	sadd.s32 $0x3040, s12;
	s14 =	simm.s32 $0xC2E0  }
0x5bc: {  	[hbm4b:s13+s10] =	stream.linear.scatter [tilespmem:s14], [sflag:$0x6], $0x80, $0x38;
	[tilespmem:$0x10900] =	vst v63  }
0x5bd: {  	s15 =	sadd.s32 $0x3050, s12;
	s16 =	simm.s32 $0xC368  }
0x5be: {  	[hbm4b:s15+s10] =	stream.linear.scatter [tilespmem:s16], [sflag:$0x6], $0x80, $0x38;
	[tilespmem:$0x10900] =	vst v63  }
0x5bf: {  	s17 =	sadd.s32 $0x3060, s12;
	s18 =	simm.s32 $0xC3F0  }
0x5c0: {  	[hbm4b:s17+s10] =	stream.linear.scatter [tilespmem:s18], [sflag:$0x6], $0x80, $0x38;
	[tilespmem:$0x10900] =	vst v63  }
0x5c1: {  	s14 =	sadd.s32 $0x3070, s12;
	s15 =	simm.s32 $0xC478  }
0x5c2: {  	[hbm4b:s14+s10] =	stream.linear.scatter [tilespmem:s15], [sflag:$0x6], $0x80, $0x38;
	[tilespmem:$0x10900] =	vst v63  }
0x5c3: {  	_ =	swait.ge [sflag:s31], $0x1000  }
0x5c4: {  	[sflag:s31] =	ssyncset.done $0x0  }
0x5c5: {  	[sflag:s31] =	ssyncadd.s32 $0xFFFFF000  }
0x5c6: {  	_ =	swait.ge [sflag:s21], $0x1000  }
0x5c7: {  	v2 =	vmov s10;
	[sflag:s21] =	ssyncset.done $0x0  }
0x5c8: {  	v2 =	vand.u32 $0x7C, v2;
	s10 =	simm.s32 $0x7440;
	[sflag:s21] =	ssyncadd.s32 $0xFFFFF000  }
0x5c9: {  	v4 =	vadd.s32 v0, v2;
	v3 =	vld [tilespmem:s10+$0xFFFFFFC0]  }
0x5ca: {  	v2 =	vadd.s32 v1, v2;
	v5 =	vld [tilespmem:s10+$0xFFFFFFD0];
	_ =	sdelay $0x2  }
0x5cb: {  	s16 =	simm.s32 $0x1  }
0x5cc: {  	[tilespmem:v4+s22+$0x0] =	vst.idx.msk $0xffff, v3;
	v3 =	vmov s16  }
0x5cd: {  	[tilespmem:v2+s22+$0x0] =	vst.idx.msk $0xffff, v5;
	v2 =	vand.u32 $0x7D, v3  }
0x5ce: {  	v3 =	vld [tilespmem:s10+$0xFFFFFFE0];
	v4 =	vadd.s32 v0, v2  }
0x5cf: {  	v5 =	vld [tilespmem:s10+$0xFFFFFFF0];
	v2 =	vadd.s32 v1, v2;
	_ =	sdelay $0x2  }
0x5d0: {  	s17 =	simm.s32 $0x2  }
0x5d1: {  	[tilespmem:v4+s22+$0x0] =	vst.idx.msk $0xffff, v3;
	v3 =	vmov s17  }
0x5d2: {  	[tilespmem:v2+s22+$0x0] =	vst.idx.msk $0xffff, v5;
	v2 =	vand.u32 $0x7E, v3  }
0x5d3: {  	v3 =	vld [tilespmem:s10+$0x0];
	v4 =	vadd.s32 v0, v2  }
0x5d4: {  	v5 =	vld [tilespmem:s10+$0x10];
	v2 =	vadd.s32 v1, v2;
	_ =	sdelay $0x2  }
0x5d5: {  	s18 =	simm.s32 $0x3  }
0x5d6: {  	[tilespmem:v4+s22+$0x0] =	vst.idx.msk $0xffff, v3;
	v3 =	vmov s18  }
0x5d7: {  	[tilespmem:v2+s22+$0x0] =	vst.idx.msk $0xffff, v5;
	v3 =	vand.u32 $0x7F, v3  }
0x5d8: {  	v5 =	vld [tilespmem:s10+$0x20];
	v6 =	vadd.s32 v0, v3;
	_ =	sdelay $0x1  }
0x5d9: {  	v2 =	vld [tilespmem:s10+$0x30];
	v3 =	vadd.s32 v1, v3;
	_ =	sdelay $0x1  }
0x5da: {  	s11 =	simm.s32 $0x4  }
0x5db: {  	s12 =	simm.s32 $0x8;
	s15 =	simm.s32 $0x400;
	v4 =	vmov s11;
	[tilespmem:v6+s22+$0x0] =	vst.idx.msk $0xffff, v5  }
.LBB2_26:
0x5dc: {  	p0 =	slt.u32 s12, $0x7C  }
0x5dd: {  	v4 =	vand.u32 $0x7C, v4;
	[tilespmem:v3+s22+$0x0] =	vst.idx.msk $0xffff, v2;
	s10 =	sadd.s32 $0x80, s10;
	s13 =	smov.u32 s12;
	s12 =	sadd.s32 $0x4, s12  }
0x5de: {  	v2 =	vld [tilespmem:s10+$0xFFFFFFC0];
	v3 =	vadd.s32 v0, v4  }
0x5df: {  	v4 =	vadd.s32 v1, v4;
	v5 =	vld [tilespmem:s10+$0xFFFFFFD0];
	_ =	sdelay $0x2  }
0x5e0: {  	s14 =	sadd.s32 $0x1, s11  }
0x5e1: {  	[tilespmem:v3+s22+$0x0] =	vst.idx.msk $0xffff, v2;
	v2 =	vmov s14  }
0x5e2: {  	[tilespmem:v4+s22+$0x0] =	vst.idx.msk $0xffff, v5;
	v2 =	vand.u32 $0x7D, v2  }
0x5e3: {  	v3 =	vld [tilespmem:s10+$0xFFFFFFE0];
	v4 =	vadd.s32 v0, v2  }
0x5e4: {  	v2 =	vadd.s32 v1, v2;
	v5 =	vld [tilespmem:s10+$0xFFFFFFF0];
	_ =	sdelay $0x2  }
0x5e5: {  	s14 =	sadd.s32 $0x2, s11  }
0x5e6: {  	[tilespmem:v4+s22+$0x0] =	vst.idx.msk $0xffff, v3;
	v3 =	vmov s14  }
0x5e7: {  	[tilespmem:v2+s22+$0x0] =	vst.idx.msk $0xffff, v5;
	v2 =	vand.u32 $0x7E, v3  }
0x5e8: {  	v3 =	vld [tilespmem:s10+$0x0];
	v4 =	vadd.s32 v0, v2  }
0x5e9: {  	v2 =	vadd.s32 v1, v2;
	v5 =	vld [tilespmem:s10+$0x10];
	_ =	sdelay $0x2  }
0x5ea: {  	s14 =	sadd.s32 $0x3, s11;
	s11 =	smov.u32 s13  }
0x5eb: {  	[tilespmem:v4+s22+$0x0] =	vst.idx.msk $0xffff, v3;
	v3 =	vmov s14  }
0x5ec: {  	[tilespmem:v2+s22+$0x0] =	vst.idx.msk $0xffff, v5;
	v3 =	vand.u32 $0x7F, v3  }
0x5ed: {  	v5 =	vld [tilespmem:s10+$0x20];
	v6 =	vadd.s32 v0, v3  }
.Ltmp12:
0x5ee: {  	v3 =	vadd.s32 v1, v3;
	v2 =	vld [tilespmem:s10+$0x30];
	(pc) =	sbr.rel @p0 .LBB2_26-.Ltmp12, $2  }
0x5ef: {  	_ =	sdelay $0x2  }
0x5f0: {  	v4 =	vmov s11;
	[tilespmem:v6+s22+$0x0] =	vst.idx.msk $0xffff, v5  }
0x5f1: {  	_ =	sdelay $0x3  }
0x5f2: {  	v4 =	vand.u32 $0x7C, v4;
	[tilespmem:v3+s22+$0x0] =	vst.idx.msk $0xffff, v2;
	s10 =	sadd.s32 $0x80, s10  }
0x5f3: {  	v2 =	vld [tilespmem:s10+$0xFFFFFFC0];
	v3 =	vadd.s32 v0, v4  }
0x5f4: {  	v5 =	vld [tilespmem:s10+$0xFFFFFFD0];
	v4 =	vadd.s32 v1, v4;
	_ =	sdelay $0x2  }
0x5f5: {  	s12 =	sadd.s32 $0x1, s11  }
0x5f6: {  	[tilespmem:v3+s22+$0x0] =	vst.idx.msk $0xffff, v2;
	v2 =	vmov s12  }
0x5f7: {  	[tilespmem:v4+s22+$0x0] =	vst.idx.msk $0xffff, v5;
	v2 =	vand.u32 $0x7D, v2  }
0x5f8: {  	v3 =	vld [tilespmem:s10+$0xFFFFFFE0];
	v4 =	vadd.s32 v0, v2  }
0x5f9: {  	v5 =	vld [tilespmem:s10+$0xFFFFFFF0];
	v2 =	vadd.s32 v1, v2;
	_ =	sdelay $0x2  }
0x5fa: {  	s13 =	sadd.s32 $0x2, s11  }
0x5fb: {  	[tilespmem:v4+s22+$0x0] =	vst.idx.msk $0xffff, v3;
	v3 =	vmov s13  }
0x5fc: {  	[tilespmem:v2+s22+$0x0] =	vst.idx.msk $0xffff, v5;
	v2 =	vand.u32 $0x7E, v3  }
0x5fd: {  	v3 =	vld [tilespmem:s10+$0x0];
	v4 =	vadd.s32 v0, v2  }
0x5fe: {  	v5 =	vld [tilespmem:s10+$0x10];
	v2 =	vadd.s32 v1, v2;
	_ =	sdelay $0x2  }
0x5ff: {  	s14 =	sadd.s32 $0x3, s11  }
0x600: {  	[tilespmem:v4+s22+$0x0] =	vst.idx.msk $0xffff, v3;
	v3 =	vmov s14  }
0x601: {  	[tilespmem:v2+s22+$0x0] =	vst.idx.msk $0xffff, v5;
	v2 =	vand.u32 $0x7F, v3  }
0x602: {  	v3 =	vld [tilespmem:s10+$0x20];
	v4 =	vadd.s32 v0, v2  }
0x603: {  	v5 =	vld [tilespmem:s10+$0x30];
	v2 =	vadd.s32 v1, v2;
	_ =	sdelay $0x3  }
0x604: {  	[tilespmem:v4+s22+$0x0] =	vst.idx.msk $0xffff, v3  }
0x605: {  	s12 =	rddreg [dreg:$0xd];
	s10 =	simm.s32 $0x0;
	[tilespmem:v2+s22+$0x0] =	vst.idx.msk $0xffff, v5  }
0x606: {  	[hbm4b:s12+s10] =	stream.linear.scatter [tilespmem:s22], [sflag:$0x7], $0x80, $0x38;
	[tilespmem:$0x10900] =	vst v63  }
0x607: {  	s16 =	sadd.s32 $0x10, s12;
	s13 =	simm.s32 $0xC588  }
0x608: {  	[hbm4b:s16+s10] =	stream.linear.scatter [tilespmem:s13], [sflag:$0x7], $0x80, $0x38;
	[tilespmem:$0x10900] =	vst v63  }
0x609: {  	s18 =	simm.s32 $0xC610;
	s17 =	sadd.s32 $0x20, s12  }
0x60a: {  	[hbm4b:s17+s10] =	stream.linear.scatter [tilespmem:s18], [sflag:$0x7], $0x80, $0x38;
	[tilespmem:$0x10900] =	vst v63  }
0x60b: {  	s14 =	sadd.s32 $0x30, s12;
	s16 =	simm.s32 $0xC698  }
0x60c: {  	[hbm4b:s14+s10] =	stream.linear.scatter [tilespmem:s16], [sflag:$0x7], $0x80, $0x38;
	[tilespmem:$0x10900] =	vst v63  }
0x60d: {  	s17 =	sadd.s32 $0x40, s12;
	s18 =	simm.s32 $0xC720  }
0x60e: {  	[hbm4b:s17+s10] =	stream.linear.scatter [tilespmem:s18], [sflag:$0x7], $0x80, $0x38;
	[tilespmem:$0x10900] =	vst v63  }
0x60f: {  	s14 =	sadd.s32 $0x50, s12;
	s16 =	simm.s32 $0xC7A8  }
0x610: {  	[hbm4b:s14+s10] =	stream.linear.scatter [tilespmem:s16], [sflag:$0x7], $0x80, $0x38;
	[tilespmem:$0x10900] =	vst v63  }
0x611: {  	s17 =	sadd.s32 $0x60, s12;
	s18 =	simm.s32 $0xC830  }
0x612: {  	[hbm4b:s17+s10] =	stream.linear.scatter [tilespmem:s18], [sflag:$0x7], $0x80, $0x38;
	[tilespmem:$0x10900] =	vst v63  }
0x613: {  	s14 =	sadd.s32 $0x70, s12;
	s16 =	simm.s32 $0xC8B8  }
0x614: {  	[hbm4b:s14+s10] =	stream.linear.scatter [tilespmem:s16], [sflag:$0x7], $0x80, $0x38;
	[tilespmem:$0x10900] =	vst v63  }
0x615: {  	s17 =	sadd.s32 $0x1000, s12;
	s18 =	simm.s32 $0xC940  }
0x616: {  	[hbm4b:s17+s10] =	stream.linear.scatter [tilespmem:s18], [sflag:$0x7], $0x80, $0x38;
	[tilespmem:$0x10900] =	vst v63  }
0x617: {  	s14 =	sadd.s32 $0x1010, s12;
	s16 =	simm.s32 $0xC9C8  }
0x618: {  	[hbm4b:s14+s10] =	stream.linear.scatter [tilespmem:s16], [sflag:$0x7], $0x80, $0x38;
	[tilespmem:$0x10900] =	vst v63  }
0x619: {  	s17 =	sadd.s32 $0x1020, s12;
	s18 =	simm.s32 $0xCA50  }
0x61a: {  	[hbm4b:s17+s10] =	stream.linear.scatter [tilespmem:s18], [sflag:$0x7], $0x80, $0x38;
	[tilespmem:$0x10900] =	vst v63  }
0x61b: {  	s14 =	sadd.s32 $0x1030, s12;
	s16 =	simm.s32 $0xCAD8  }
0x61c: {  	[hbm4b:s14+s10] =	stream.linear.scatter [tilespmem:s16], [sflag:$0x7], $0x80, $0x38;
	[tilespmem:$0x10900] =	vst v63  }
0x61d: {  	s17 =	sadd.s32 $0x1040, s12;
	s18 =	simm.s32 $0xCB60  }
0x61e: {  	[hbm4b:s17+s10] =	stream.linear.scatter [tilespmem:s18], [sflag:$0x7], $0x80, $0x38;
	[tilespmem:$0x10900] =	vst v63  }
0x61f: {  	s14 =	sadd.s32 $0x1050, s12;
	s16 =	simm.s32 $0xCBE8  }
0x620: {  	[hbm4b:s14+s10] =	stream.linear.scatter [tilespmem:s16], [sflag:$0x7], $0x80, $0x38;
	[tilespmem:$0x10900] =	vst v63  }
0x621: {  	s17 =	sadd.s32 $0x1060, s12;
	s18 =	simm.s32 $0xCC70  }
0x622: {  	[hbm4b:s17+s10] =	stream.linear.scatter [tilespmem:s18], [sflag:$0x7], $0x80, $0x38;
	[tilespmem:$0x10900] =	vst v63  }
0x623: {  	s14 =	sadd.s32 $0x1070, s12;
	s16 =	simm.s32 $0xCCF8  }
0x624: {  	[hbm4b:s14+s10] =	stream.linear.scatter [tilespmem:s16], [sflag:$0x7], $0x80, $0x38;
	[tilespmem:$0x10900] =	vst v63  }
0x625: {  	s17 =	sadd.s32 $0x2000, s12;
	s18 =	simm.s32 $0xCD80  }
0x626: {  	[hbm4b:s17+s10] =	stream.linear.scatter [tilespmem:s18], [sflag:$0x7], $0x80, $0x38;
	[tilespmem:$0x10900] =	vst v63  }
0x627: {  	s14 =	sadd.s32 $0x2010, s12;
	s16 =	simm.s32 $0xCE08  }
0x628: {  	[hbm4b:s14+s10] =	stream.linear.scatter [tilespmem:s16], [sflag:$0x7], $0x80, $0x38;
	[tilespmem:$0x10900] =	vst v63  }
0x629: {  	s17 =	sadd.s32 $0x2020, s12;
	s18 =	simm.s32 $0xCE90  }
0x62a: {  	[hbm4b:s17+s10] =	stream.linear.scatter [tilespmem:s18], [sflag:$0x7], $0x80, $0x38;
	[tilespmem:$0x10900] =	vst v63  }
0x62b: {  	s14 =	sadd.s32 $0x2030, s12;
	s16 =	simm.s32 $0xCF18  }
0x62c: {  	[hbm4b:s14+s10] =	stream.linear.scatter [tilespmem:s16], [sflag:$0x7], $0x80, $0x38;
	[tilespmem:$0x10900] =	vst v63  }
0x62d: {  	s17 =	sadd.s32 $0x2040, s12;
	s18 =	simm.s32 $0xCFA0  }
0x62e: {  	[hbm4b:s17+s10] =	stream.linear.scatter [tilespmem:s18], [sflag:$0x7], $0x80, $0x38;
	[tilespmem:$0x10900] =	vst v63  }
0x62f: {  	s14 =	sadd.s32 $0x2050, s12;
	s16 =	simm.s32 $0xD028  }
0x630: {  	[hbm4b:s14+s10] =	stream.linear.scatter [tilespmem:s16], [sflag:$0x7], $0x80, $0x38;
	[tilespmem:$0x10900] =	vst v63  }
0x631: {  	s17 =	sadd.s32 $0x2060, s12;
	s18 =	simm.s32 $0xD0B0  }
0x632: {  	[hbm4b:s17+s10] =	stream.linear.scatter [tilespmem:s18], [sflag:$0x7], $0x80, $0x38;
	[tilespmem:$0x10900] =	vst v63  }
0x633: {  	s14 =	sadd.s32 $0x2070, s12;
	s16 =	simm.s32 $0xD138  }
0x634: {  	[hbm4b:s14+s10] =	stream.linear.scatter [tilespmem:s16], [sflag:$0x7], $0x80, $0x38;
	[tilespmem:$0x10900] =	vst v63  }
0x635: {  	s17 =	sadd.s32 $0x3000, s12;
	s18 =	simm.s32 $0xD1C0  }
0x636: {  	[hbm4b:s17+s10] =	stream.linear.scatter [tilespmem:s18], [sflag:$0x7], $0x80, $0x38;
	[tilespmem:$0x10900] =	vst v63  }
0x637: {  	s14 =	sadd.s32 $0x3010, s12;
	s16 =	simm.s32 $0xD248  }
0x638: {  	[hbm4b:s14+s10] =	stream.linear.scatter [tilespmem:s16], [sflag:$0x7], $0x80, $0x38;
	[tilespmem:$0x10900] =	vst v63  }
0x639: {  	s17 =	sadd.s32 $0x3020, s12;
	s18 =	simm.s32 $0xD2D0  }
0x63a: {  	[hbm4b:s17+s10] =	stream.linear.scatter [tilespmem:s18], [sflag:$0x7], $0x80, $0x38;
	[tilespmem:$0x10900] =	vst v63  }
0x63b: {  	s14 =	sadd.s32 $0x3030, s12;
	s16 =	simm.s32 $0xD358  }
0x63c: {  	[hbm4b:s14+s10] =	stream.linear.scatter [tilespmem:s16], [sflag:$0x7], $0x80, $0x38;
	[tilespmem:$0x10900] =	vst v63  }
0x63d: {  	s17 =	sadd.s32 $0x3040, s12;
	s18 =	simm.s32 $0xD3E0  }
0x63e: {  	[hbm4b:s17+s10] =	stream.linear.scatter [tilespmem:s18], [sflag:$0x7], $0x80, $0x38;
	[tilespmem:$0x10900] =	vst v63  }
0x63f: {  	s14 =	sadd.s32 $0x3050, s12;
	s16 =	simm.s32 $0xD468  }
0x640: {  	[hbm4b:s14+s10] =	stream.linear.scatter [tilespmem:s16], [sflag:$0x7], $0x80, $0x38;
	[tilespmem:$0x10900] =	vst v63  }
0x641: {  	s17 =	sadd.s32 $0x3060, s12;
	s18 =	simm.s32 $0xD4F0  }
0x642: {  	[hbm4b:s17+s10] =	stream.linear.scatter [tilespmem:s18], [sflag:$0x7], $0x80, $0x38;
	[tilespmem:$0x10900] =	vst v63  }
0x643: {  	s13 =	sadd.s32 $0x3070, s12;
	s14 =	simm.s32 $0xD578  }
0x644: {  	[hbm4b:s13+s10] =	stream.linear.scatter [tilespmem:s14], [sflag:$0x7], $0x80, $0x38;
	[tilespmem:$0x10900] =	vst v63  }
0x645: {  	_ =	swait.ge [sflag:s20], $0x1000  }
0x646: {  	[sflag:s20] =	ssyncset.done $0x0  }
0x647: {  	[sflag:s20] =	ssyncadd.s32 $0xFFFFF000  }
0x648: {  	_ =	swait.ge [sflag:s26], $0x1000  }
0x649: {  	v2 =	vmov s10;
	[sflag:s26] =	ssyncset.done $0x0  }
0x64a: {  	v2 =	vand.u32 $0x7C, v2;
	s10 =	simm.s32 $0x8440;
	[sflag:s26] =	ssyncadd.s32 $0xFFFFF000  }
0x64b: {  	v4 =	vadd.s32 v0, v2;
	v3 =	vld [tilespmem:s10+$0xFFFFFFC0]  }
0x64c: {  	v2 =	vadd.s32 v1, v2;
	v5 =	vld [tilespmem:s10+$0xFFFFFFD0];
	_ =	sdelay $0x2  }
0x64d: {  	s16 =	simm.s32 $0x1  }
0x64e: {  	[tilespmem:v4+s23+$0x0] =	vst.idx.msk $0xffff, v3;
	v3 =	vmov s16  }
0x64f: {  	[tilespmem:v2+s23+$0x0] =	vst.idx.msk $0xffff, v5;
	v2 =	vand.u32 $0x7D, v3  }
0x650: {  	v3 =	vld [tilespmem:s10+$0xFFFFFFE0];
	v4 =	vadd.s32 v0, v2  }
0x651: {  	v5 =	vld [tilespmem:s10+$0xFFFFFFF0];
	v2 =	vadd.s32 v1, v2;
	_ =	sdelay $0x2  }
0x652: {  	s17 =	simm.s32 $0x2  }
0x653: {  	[tilespmem:v4+s23+$0x0] =	vst.idx.msk $0xffff, v3;
	v3 =	vmov s17  }
0x654: {  	[tilespmem:v2+s23+$0x0] =	vst.idx.msk $0xffff, v5;
	v2 =	vand.u32 $0x7E, v3  }
0x655: {  	v3 =	vld [tilespmem:s10+$0x0];
	v4 =	vadd.s32 v0, v2  }
0x656: {  	v5 =	vld [tilespmem:s10+$0x10];
	v2 =	vadd.s32 v1, v2;
	_ =	sdelay $0x2  }
0x657: {  	s18 =	simm.s32 $0x3  }
0x658: {  	[tilespmem:v4+s23+$0x0] =	vst.idx.msk $0xffff, v3;
	v3 =	vmov s18  }
0x659: {  	[tilespmem:v2+s23+$0x0] =	vst.idx.msk $0xffff, v5;
	v3 =	vand.u32 $0x7F, v3  }
0x65a: {  	v5 =	vld [tilespmem:s10+$0x20];
	v6 =	vadd.s32 v0, v3;
	_ =	sdelay $0x1  }
0x65b: {  	v2 =	vld [tilespmem:s10+$0x30];
	v3 =	vadd.s32 v1, v3;
	_ =	sdelay $0x1  }
0x65c: {  	s11 =	simm.s32 $0x4  }
0x65d: {  	s12 =	simm.s32 $0x8;
	v4 =	vmov s11;
	[tilespmem:v6+s23+$0x0] =	vst.idx.msk $0xffff, v5  }
.LBB2_28:
0x65e: {  	p0 =	slt.u32 s12, $0x7C  }
0x65f: {  	v4 =	vand.u32 $0x7C, v4;
	[tilespmem:v3+s23+$0x0] =	vst.idx.msk $0xffff, v2;
	s10 =	sadd.s32 $0x80, s10;
	s13 =	smov.u32 s12;
	s12 =	sadd.s32 $0x4, s12  }
0x660: {  	v2 =	vld [tilespmem:s10+$0xFFFFFFC0];
	v3 =	vadd.s32 v0, v4  }
0x661: {  	v4 =	vadd.s32 v1, v4;
	v5 =	vld [tilespmem:s10+$0xFFFFFFD0];
	_ =	sdelay $0x2  }
0x662: {  	s14 =	sadd.s32 $0x1, s11  }
0x663: {  	[tilespmem:v3+s23+$0x0] =	vst.idx.msk $0xffff, v2;
	v2 =	vmov s14  }
0x664: {  	[tilespmem:v4+s23+$0x0] =	vst.idx.msk $0xffff, v5;
	v2 =	vand.u32 $0x7D, v2  }
0x665: {  	v3 =	vld [tilespmem:s10+$0xFFFFFFE0];
	v4 =	vadd.s32 v0, v2  }
0x666: {  	v2 =	vadd.s32 v1, v2;
	v5 =	vld [tilespmem:s10+$0xFFFFFFF0];
	_ =	sdelay $0x2  }
0x667: {  	s14 =	sadd.s32 $0x2, s11  }
0x668: {  	[tilespmem:v4+s23+$0x0] =	vst.idx.msk $0xffff, v3;
	v3 =	vmov s14  }
0x669: {  	[tilespmem:v2+s23+$0x0] =	vst.idx.msk $0xffff, v5;
	v2 =	vand.u32 $0x7E, v3  }
0x66a: {  	v3 =	vld [tilespmem:s10+$0x0];
	v4 =	vadd.s32 v0, v2  }
0x66b: {  	v2 =	vadd.s32 v1, v2;
	v5 =	vld [tilespmem:s10+$0x10];
	_ =	sdelay $0x2  }
0x66c: {  	s14 =	sadd.s32 $0x3, s11;
	s11 =	smov.u32 s13  }
0x66d: {  	[tilespmem:v4+s23+$0x0] =	vst.idx.msk $0xffff, v3;
	v3 =	vmov s14  }
0x66e: {  	[tilespmem:v2+s23+$0x0] =	vst.idx.msk $0xffff, v5;
	v3 =	vand.u32 $0x7F, v3  }
0x66f: {  	v5 =	vld [tilespmem:s10+$0x20];
	v6 =	vadd.s32 v0, v3  }
.Ltmp13:
0x670: {  	v3 =	vadd.s32 v1, v3;
	v2 =	vld [tilespmem:s10+$0x30];
	(pc) =	sbr.rel @p0 .LBB2_28-.Ltmp13, $2  }
0x671: {  	_ =	sdelay $0x2  }
0x672: {  	v4 =	vmov s11;
	[tilespmem:v6+s23+$0x0] =	vst.idx.msk $0xffff, v5  }
0x673: {  	_ =	sdelay $0x3  }
0x674: {  	v4 =	vand.u32 $0x7C, v4;
	[tilespmem:v3+s23+$0x0] =	vst.idx.msk $0xffff, v2;
	s10 =	sadd.s32 $0x80, s10  }
0x675: {  	v2 =	vld [tilespmem:s10+$0xFFFFFFC0];
	v3 =	vadd.s32 v0, v4  }
0x676: {  	v5 =	vld [tilespmem:s10+$0xFFFFFFD0];
	v4 =	vadd.s32 v1, v4;
	_ =	sdelay $0x2  }
0x677: {  	s12 =	sadd.s32 $0x1, s11  }
0x678: {  	[tilespmem:v3+s23+$0x0] =	vst.idx.msk $0xffff, v2;
	v2 =	vmov s12  }
0x679: {  	[tilespmem:v4+s23+$0x0] =	vst.idx.msk $0xffff, v5;
	v2 =	vand.u32 $0x7D, v2  }
0x67a: {  	v3 =	vld [tilespmem:s10+$0xFFFFFFE0];
	v4 =	vadd.s32 v0, v2  }
0x67b: {  	v5 =	vld [tilespmem:s10+$0xFFFFFFF0];
	v2 =	vadd.s32 v1, v2;
	_ =	sdelay $0x2  }
0x67c: {  	s13 =	sadd.s32 $0x2, s11  }
0x67d: {  	[tilespmem:v4+s23+$0x0] =	vst.idx.msk $0xffff, v3;
	v3 =	vmov s13  }
0x67e: {  	[tilespmem:v2+s23+$0x0] =	vst.idx.msk $0xffff, v5;
	v2 =	vand.u32 $0x7E, v3  }
0x67f: {  	v3 =	vld [tilespmem:s10+$0x0];
	v4 =	vadd.s32 v0, v2  }
0x680: {  	v5 =	vld [tilespmem:s10+$0x10];
	v2 =	vadd.s32 v1, v2;
	_ =	sdelay $0x2  }
0x681: {  	s14 =	sadd.s32 $0x3, s11  }
0x682: {  	[tilespmem:v4+s23+$0x0] =	vst.idx.msk $0xffff, v3;
	v3 =	vmov s14  }
0x683: {  	[tilespmem:v2+s23+$0x0] =	vst.idx.msk $0xffff, v5;
	v2 =	vand.u32 $0x7F, v3  }
0x684: {  	v3 =	vld [tilespmem:s10+$0x20];
	v4 =	vadd.s32 v0, v2  }
0x685: {  	v5 =	vld [tilespmem:s10+$0x30];
	v2 =	vadd.s32 v1, v2;
	_ =	sdelay $0x3  }
0x686: {  	[tilespmem:v4+s23+$0x0] =	vst.idx.msk $0xffff, v3  }
0x687: {  	s12 =	rddreg [dreg:$0xe];
	s10 =	simm.s32 $0x0;
	[tilespmem:v2+s23+$0x0] =	vst.idx.msk $0xffff, v5  }
0x688: {  	[hbm4b:s12+s10] =	stream.linear.scatter [tilespmem:s23], [sflag:$0x8], $0x80, $0x38;
	[tilespmem:$0x10900] =	vst v63  }
0x689: {  	s16 =	sadd.s32 $0x10, s12;
	s13 =	simm.s32 $0xD688  }
0x68a: {  	[hbm4b:s16+s10] =	stream.linear.scatter [tilespmem:s13], [sflag:$0x8], $0x80, $0x38;
	[tilespmem:$0x10900] =	vst v63  }
0x68b: {  	s18 =	simm.s32 $0xD710;
	s17 =	sadd.s32 $0x20, s12  }
0x68c: {  	[hbm4b:s17+s10] =	stream.linear.scatter [tilespmem:s18], [sflag:$0x8], $0x80, $0x38;
	[tilespmem:$0x10900] =	vst v63  }
0x68d: {  	s14 =	sadd.s32 $0x30, s12;
	s16 =	simm.s32 $0xD798  }
0x68e: {  	[hbm4b:s14+s10] =	stream.linear.scatter [tilespmem:s16], [sflag:$0x8], $0x80, $0x38;
	[tilespmem:$0x10900] =	vst v63  }
0x68f: {  	s17 =	sadd.s32 $0x40, s12;
	s18 =	simm.s32 $0xD820  }
0x690: {  	[hbm4b:s17+s10] =	stream.linear.scatter [tilespmem:s18], [sflag:$0x8], $0x80, $0x38;
	[tilespmem:$0x10900] =	vst v63  }
0x691: {  	s14 =	sadd.s32 $0x50, s12;
	s16 =	simm.s32 $0xD8A8  }
0x692: {  	[hbm4b:s14+s10] =	stream.linear.scatter [tilespmem:s16], [sflag:$0x8], $0x80, $0x38;
	[tilespmem:$0x10900] =	vst v63  }
0x693: {  	s17 =	sadd.s32 $0x60, s12;
	s18 =	simm.s32 $0xD930  }
0x694: {  	[hbm4b:s17+s10] =	stream.linear.scatter [tilespmem:s18], [sflag:$0x8], $0x80, $0x38;
	[tilespmem:$0x10900] =	vst v63  }
0x695: {  	s14 =	sadd.s32 $0x70, s12;
	s16 =	simm.s32 $0xD9B8  }
0x696: {  	[hbm4b:s14+s10] =	stream.linear.scatter [tilespmem:s16], [sflag:$0x8], $0x80, $0x38;
	[tilespmem:$0x10900] =	vst v63  }
0x697: {  	s17 =	sadd.s32 $0x1000, s12;
	s18 =	simm.s32 $0xDA40  }
0x698: {  	[hbm4b:s17+s10] =	stream.linear.scatter [tilespmem:s18], [sflag:$0x8], $0x80, $0x38;
	[tilespmem:$0x10900] =	vst v63  }
0x699: {  	s14 =	sadd.s32 $0x1010, s12;
	s16 =	simm.s32 $0xDAC8  }
0x69a: {  	[hbm4b:s14+s10] =	stream.linear.scatter [tilespmem:s16], [sflag:$0x8], $0x80, $0x38;
	[tilespmem:$0x10900] =	vst v63  }
0x69b: {  	s17 =	sadd.s32 $0x1020, s12;
	s18 =	simm.s32 $0xDB50  }
0x69c: {  	[hbm4b:s17+s10] =	stream.linear.scatter [tilespmem:s18], [sflag:$0x8], $0x80, $0x38;
	[tilespmem:$0x10900] =	vst v63  }
0x69d: {  	s14 =	sadd.s32 $0x1030, s12;
	s16 =	simm.s32 $0xDBD8  }
0x69e: {  	[hbm4b:s14+s10] =	stream.linear.scatter [tilespmem:s16], [sflag:$0x8], $0x80, $0x38;
	[tilespmem:$0x10900] =	vst v63  }
0x69f: {  	s17 =	sadd.s32 $0x1040, s12;
	s18 =	simm.s32 $0xDC60  }
0x6a0: {  	[hbm4b:s17+s10] =	stream.linear.scatter [tilespmem:s18], [sflag:$0x8], $0x80, $0x38;
	[tilespmem:$0x10900] =	vst v63  }
0x6a1: {  	s14 =	sadd.s32 $0x1050, s12;
	s16 =	simm.s32 $0xDCE8  }
0x6a2: {  	[hbm4b:s14+s10] =	stream.linear.scatter [tilespmem:s16], [sflag:$0x8], $0x80, $0x38;
	[tilespmem:$0x10900] =	vst v63  }
0x6a3: {  	s17 =	sadd.s32 $0x1060, s12;
	s18 =	simm.s32 $0xDD70  }
0x6a4: {  	[hbm4b:s17+s10] =	stream.linear.scatter [tilespmem:s18], [sflag:$0x8], $0x80, $0x38;
	[tilespmem:$0x10900] =	vst v63  }
0x6a5: {  	s14 =	sadd.s32 $0x1070, s12;
	s16 =	simm.s32 $0xDDF8  }
0x6a6: {  	[hbm4b:s14+s10] =	stream.linear.scatter [tilespmem:s16], [sflag:$0x8], $0x80, $0x38;
	[tilespmem:$0x10900] =	vst v63  }
0x6a7: {  	s17 =	sadd.s32 $0x2000, s12;
	s18 =	simm.s32 $0xDE80  }
0x6a8: {  	[hbm4b:s17+s10] =	stream.linear.scatter [tilespmem:s18], [sflag:$0x8], $0x80, $0x38;
	[tilespmem:$0x10900] =	vst v63  }
0x6a9: {  	s14 =	sadd.s32 $0x2010, s12;
	s16 =	simm.s32 $0xDF08  }
0x6aa: {  	[hbm4b:s14+s10] =	stream.linear.scatter [tilespmem:s16], [sflag:$0x8], $0x80, $0x38;
	[tilespmem:$0x10900] =	vst v63  }
0x6ab: {  	s17 =	sadd.s32 $0x2020, s12;
	s18 =	simm.s32 $0xDF90  }
0x6ac: {  	[hbm4b:s17+s10] =	stream.linear.scatter [tilespmem:s18], [sflag:$0x8], $0x80, $0x38;
	[tilespmem:$0x10900] =	vst v63  }
0x6ad: {  	s14 =	sadd.s32 $0x2030, s12;
	s16 =	simm.s32 $0xE018  }
0x6ae: {  	[hbm4b:s14+s10] =	stream.linear.scatter [tilespmem:s16], [sflag:$0x8], $0x80, $0x38;
	[tilespmem:$0x10900] =	vst v63  }
0x6af: {  	s17 =	sadd.s32 $0x2040, s12;
	s18 =	simm.s32 $0xE0A0  }
0x6b0: {  	[hbm4b:s17+s10] =	stream.linear.scatter [tilespmem:s18], [sflag:$0x8], $0x80, $0x38;
	[tilespmem:$0x10900] =	vst v63  }
0x6b1: {  	s14 =	sadd.s32 $0x2050, s12;
	s16 =	simm.s32 $0xE128  }
0x6b2: {  	[hbm4b:s14+s10] =	stream.linear.scatter [tilespmem:s16], [sflag:$0x8], $0x80, $0x38;
	[tilespmem:$0x10900] =	vst v63  }
0x6b3: {  	s17 =	sadd.s32 $0x2060, s12;
	s18 =	simm.s32 $0xE1B0  }
0x6b4: {  	[hbm4b:s17+s10] =	stream.linear.scatter [tilespmem:s18], [sflag:$0x8], $0x80, $0x38;
	[tilespmem:$0x10900] =	vst v63  }
0x6b5: {  	s14 =	sadd.s32 $0x2070, s12;
	s16 =	simm.s32 $0xE238  }
0x6b6: {  	[hbm4b:s14+s10] =	stream.linear.scatter [tilespmem:s16], [sflag:$0x8], $0x80, $0x38;
	[tilespmem:$0x10900] =	vst v63  }
0x6b7: {  	s17 =	sadd.s32 $0x3000, s12;
	s18 =	simm.s32 $0xE2C0  }
0x6b8: {  	[hbm4b:s17+s10] =	stream.linear.scatter [tilespmem:s18], [sflag:$0x8], $0x80, $0x38;
	[tilespmem:$0x10900] =	vst v63  }
0x6b9: {  	s14 =	sadd.s32 $0x3010, s12;
	s16 =	simm.s32 $0xE348  }
0x6ba: {  	[hbm4b:s14+s10] =	stream.linear.scatter [tilespmem:s16], [sflag:$0x8], $0x80, $0x38;
	[tilespmem:$0x10900] =	vst v63  }
0x6bb: {  	s17 =	sadd.s32 $0x3020, s12;
	s18 =	simm.s32 $0xE3D0  }
0x6bc: {  	[hbm4b:s17+s10] =	stream.linear.scatter [tilespmem:s18], [sflag:$0x8], $0x80, $0x38;
	[tilespmem:$0x10900] =	vst v63  }
0x6bd: {  	s14 =	sadd.s32 $0x3030, s12;
	s16 =	simm.s32 $0xE458  }
0x6be: {  	[hbm4b:s14+s10] =	stream.linear.scatter [tilespmem:s16], [sflag:$0x8], $0x80, $0x38;
	[tilespmem:$0x10900] =	vst v63  }
0x6bf: {  	s17 =	sadd.s32 $0x3040, s12;
	s18 =	simm.s32 $0xE4E0  }
0x6c0: {  	[hbm4b:s17+s10] =	stream.linear.scatter [tilespmem:s18], [sflag:$0x8], $0x80, $0x38;
	[tilespmem:$0x10900] =	vst v63  }
0x6c1: {  	s14 =	sadd.s32 $0x3050, s12;
	s16 =	simm.s32 $0xE568  }
0x6c2: {  	[hbm4b:s14+s10] =	stream.linear.scatter [tilespmem:s16], [sflag:$0x8], $0x80, $0x38;
	[tilespmem:$0x10900] =	vst v63  }
0x6c3: {  	s17 =	sadd.s32 $0x3060, s12;
	s18 =	simm.s32 $0xE5F0  }
0x6c4: {  	[hbm4b:s17+s10] =	stream.linear.scatter [tilespmem:s18], [sflag:$0x8], $0x80, $0x38;
	[tilespmem:$0x10900] =	vst v63  }
0x6c5: {  	s13 =	sadd.s32 $0x3070, s12;
	s14 =	simm.s32 $0xE678  }
0x6c6: {  	[hbm4b:s13+s10] =	stream.linear.scatter [tilespmem:s14], [sflag:$0x8], $0x80, $0x38;
	[tilespmem:$0x10900] =	vst v63  }
0x6c7: {  	_ =	swait.ge [sflag:s30], $0x1000  }
0x6c8: {  	[sflag:s30] =	ssyncset.done $0x0  }
0x6c9: {  	[sflag:s30] =	ssyncadd.s32 $0xFFFFF000  }
0x6ca: {  	_ =	swait.ge [sflag:s8], $0x1000  }
0x6cb: {  	v2 =	vmov s10;
	[sflag:s8] =	ssyncset.done $0x0  }
0x6cc: {  	v2 =	vand.u32 $0x7C, v2;
	s10 =	simm.s32 $0x9440;
	[sflag:s8] =	ssyncadd.s32 $0xFFFFF000  }
0x6cd: {  	v4 =	vadd.s32 v0, v2;
	v3 =	vld [tilespmem:s10+$0xFFFFFFC0]  }
0x6ce: {  	v2 =	vadd.s32 v1, v2;
	v5 =	vld [tilespmem:s10+$0xFFFFFFD0];
	_ =	sdelay $0x2  }
0x6cf: {  	s16 =	simm.s32 $0x1  }
0x6d0: {  	[tilespmem:v4+s1+$0x0] =	vst.idx.msk $0xffff, v3;
	v3 =	vmov s16  }
0x6d1: {  	[tilespmem:v2+s1+$0x0] =	vst.idx.msk $0xffff, v5;
	v2 =	vand.u32 $0x7D, v3  }
0x6d2: {  	v3 =	vld [tilespmem:s10+$0xFFFFFFE0];
	v4 =	vadd.s32 v0, v2  }
0x6d3: {  	v5 =	vld [tilespmem:s10+$0xFFFFFFF0];
	v2 =	vadd.s32 v1, v2;
	_ =	sdelay $0x2  }
0x6d4: {  	s17 =	simm.s32 $0x2  }
0x6d5: {  	[tilespmem:v4+s1+$0x0] =	vst.idx.msk $0xffff, v3;
	v3 =	vmov s17  }
0x6d6: {  	[tilespmem:v2+s1+$0x0] =	vst.idx.msk $0xffff, v5;
	v2 =	vand.u32 $0x7E, v3  }
0x6d7: {  	v3 =	vld [tilespmem:s10+$0x0];
	v4 =	vadd.s32 v0, v2  }
0x6d8: {  	v5 =	vld [tilespmem:s10+$0x10];
	v2 =	vadd.s32 v1, v2;
	_ =	sdelay $0x2  }
0x6d9: {  	s18 =	simm.s32 $0x3  }
0x6da: {  	[tilespmem:v4+s1+$0x0] =	vst.idx.msk $0xffff, v3;
	v3 =	vmov s18  }
0x6db: {  	[tilespmem:v2+s1+$0x0] =	vst.idx.msk $0xffff, v5;
	v3 =	vand.u32 $0x7F, v3  }
0x6dc: {  	v5 =	vld [tilespmem:s10+$0x20];
	v6 =	vadd.s32 v0, v3;
	_ =	sdelay $0x1  }
0x6dd: {  	v2 =	vld [tilespmem:s10+$0x30];
	v3 =	vadd.s32 v1, v3;
	_ =	sdelay $0x1  }
0x6de: {  	s11 =	simm.s32 $0x4  }
0x6df: {  	s12 =	simm.s32 $0x8;
	v4 =	vmov s11;
	[tilespmem:v6+s1+$0x0] =	vst.idx.msk $0xffff, v5  }
.LBB2_30:
0x6e0: {  	p0 =	slt.u32 s12, $0x7C  }
0x6e1: {  	v4 =	vand.u32 $0x7C, v4;
	[tilespmem:v3+s1+$0x0] =	vst.idx.msk $0xffff, v2;
	s10 =	sadd.s32 $0x80, s10;
	s13 =	smov.u32 s12;
	s12 =	sadd.s32 $0x4, s12  }
0x6e2: {  	v2 =	vld [tilespmem:s10+$0xFFFFFFC0];
	v3 =	vadd.s32 v0, v4  }
0x6e3: {  	v4 =	vadd.s32 v1, v4;
	v5 =	vld [tilespmem:s10+$0xFFFFFFD0];
	_ =	sdelay $0x2  }
0x6e4: {  	s14 =	sadd.s32 $0x1, s11  }
0x6e5: {  	[tilespmem:v3+s1+$0x0] =	vst.idx.msk $0xffff, v2;
	v2 =	vmov s14  }
0x6e6: {  	[tilespmem:v4+s1+$0x0] =	vst.idx.msk $0xffff, v5;
	v2 =	vand.u32 $0x7D, v2  }
0x6e7: {  	v3 =	vld [tilespmem:s10+$0xFFFFFFE0];
	v4 =	vadd.s32 v0, v2  }
0x6e8: {  	v2 =	vadd.s32 v1, v2;
	v5 =	vld [tilespmem:s10+$0xFFFFFFF0];
	_ =	sdelay $0x2  }
0x6e9: {  	s14 =	sadd.s32 $0x2, s11  }
0x6ea: {  	[tilespmem:v4+s1+$0x0] =	vst.idx.msk $0xffff, v3;
	v3 =	vmov s14  }
0x6eb: {  	[tilespmem:v2+s1+$0x0] =	vst.idx.msk $0xffff, v5;
	v2 =	vand.u32 $0x7E, v3  }
0x6ec: {  	v3 =	vld [tilespmem:s10+$0x0];
	v4 =	vadd.s32 v0, v2  }
0x6ed: {  	v2 =	vadd.s32 v1, v2;
	v5 =	vld [tilespmem:s10+$0x10];
	_ =	sdelay $0x2  }
0x6ee: {  	s14 =	sadd.s32 $0x3, s11;
	s11 =	smov.u32 s13  }
0x6ef: {  	[tilespmem:v4+s1+$0x0] =	vst.idx.msk $0xffff, v3;
	v3 =	vmov s14  }
0x6f0: {  	[tilespmem:v2+s1+$0x0] =	vst.idx.msk $0xffff, v5;
	v3 =	vand.u32 $0x7F, v3  }
0x6f1: {  	v5 =	vld [tilespmem:s10+$0x20];
	v6 =	vadd.s32 v0, v3  }
.Ltmp14:
0x6f2: {  	v3 =	vadd.s32 v1, v3;
	v2 =	vld [tilespmem:s10+$0x30];
	(pc) =	sbr.rel @p0 .LBB2_30-.Ltmp14, $2  }
0x6f3: {  	_ =	sdelay $0x2  }
0x6f4: {  	v4 =	vmov s11;
	[tilespmem:v6+s1+$0x0] =	vst.idx.msk $0xffff, v5  }
0x6f5: {  	_ =	sdelay $0x3  }
0x6f6: {  	v4 =	vand.u32 $0x7C, v4;
	[tilespmem:v3+s1+$0x0] =	vst.idx.msk $0xffff, v2;
	s10 =	sadd.s32 $0x80, s10  }
0x6f7: {  	v2 =	vld [tilespmem:s10+$0xFFFFFFC0];
	v3 =	vadd.s32 v0, v4  }
0x6f8: {  	v5 =	vld [tilespmem:s10+$0xFFFFFFD0];
	v4 =	vadd.s32 v1, v4;
	_ =	sdelay $0x2  }
0x6f9: {  	s12 =	sadd.s32 $0x1, s11  }
0x6fa: {  	[tilespmem:v3+s1+$0x0] =	vst.idx.msk $0xffff, v2;
	v2 =	vmov s12  }
0x6fb: {  	[tilespmem:v4+s1+$0x0] =	vst.idx.msk $0xffff, v5;
	v2 =	vand.u32 $0x7D, v2  }
0x6fc: {  	v3 =	vld [tilespmem:s10+$0xFFFFFFE0];
	v4 =	vadd.s32 v0, v2  }
0x6fd: {  	v5 =	vld [tilespmem:s10+$0xFFFFFFF0];
	v2 =	vadd.s32 v1, v2;
	_ =	sdelay $0x2  }
0x6fe: {  	s13 =	sadd.s32 $0x2, s11  }
0x6ff: {  	[tilespmem:v4+s1+$0x0] =	vst.idx.msk $0xffff, v3;
	v3 =	vmov s13  }
0x700: {  	[tilespmem:v2+s1+$0x0] =	vst.idx.msk $0xffff, v5;
	v2 =	vand.u32 $0x7E, v3  }
0x701: {  	v3 =	vld [tilespmem:s10+$0x0];
	v4 =	vadd.s32 v0, v2  }
0x702: {  	v5 =	vld [tilespmem:s10+$0x10];
	v2 =	vadd.s32 v1, v2;
	_ =	sdelay $0x2  }
0x703: {  	s14 =	sadd.s32 $0x3, s11  }
0x704: {  	[tilespmem:v4+s1+$0x0] =	vst.idx.msk $0xffff, v3;
	v3 =	vmov s14  }
0x705: {  	[tilespmem:v2+s1+$0x0] =	vst.idx.msk $0xffff, v5;
	v2 =	vand.u32 $0x7F, v3  }
0x706: {  	v3 =	vld [tilespmem:s10+$0x20];
	v4 =	vadd.s32 v0, v2  }
0x707: {  	v5 =	vld [tilespmem:s10+$0x30];
	v2 =	vadd.s32 v1, v2;
	_ =	sdelay $0x3  }
0x708: {  	[tilespmem:v4+s1+$0x0] =	vst.idx.msk $0xffff, v3  }
0x709: {  	s12 =	rddreg [dreg:$0xf];
	s10 =	simm.s32 $0x0;
	[tilespmem:v2+s1+$0x0] =	vst.idx.msk $0xffff, v5  }
0x70a: {  	[hbm4b:s12+s10] =	stream.linear.scatter [tilespmem:s1], [sflag:$0x9], $0x80, $0x38;
	[tilespmem:$0x10900] =	vst v63  }
0x70b: {  	s16 =	sadd.s32 $0x10, s12;
	s13 =	simm.s32 $0xE788  }
0x70c: {  	[hbm4b:s16+s10] =	stream.linear.scatter [tilespmem:s13], [sflag:$0x9], $0x80, $0x38;
	[tilespmem:$0x10900] =	vst v63  }
0x70d: {  	s18 =	simm.s32 $0xE810;
	s17 =	sadd.s32 $0x20, s12  }
0x70e: {  	[hbm4b:s17+s10] =	stream.linear.scatter [tilespmem:s18], [sflag:$0x9], $0x80, $0x38;
	[tilespmem:$0x10900] =	vst v63  }
0x70f: {  	s14 =	sadd.s32 $0x30, s12;
	s16 =	simm.s32 $0xE898  }
0x710: {  	[hbm4b:s14+s10] =	stream.linear.scatter [tilespmem:s16], [sflag:$0x9], $0x80, $0x38;
	[tilespmem:$0x10900] =	vst v63  }
0x711: {  	s17 =	sadd.s32 $0x40, s12;
	s18 =	simm.s32 $0xE920  }
0x712: {  	[hbm4b:s17+s10] =	stream.linear.scatter [tilespmem:s18], [sflag:$0x9], $0x80, $0x38;
	[tilespmem:$0x10900] =	vst v63  }
0x713: {  	s14 =	sadd.s32 $0x50, s12;
	s16 =	simm.s32 $0xE9A8  }
0x714: {  	[hbm4b:s14+s10] =	stream.linear.scatter [tilespmem:s16], [sflag:$0x9], $0x80, $0x38;
	[tilespmem:$0x10900] =	vst v63  }
0x715: {  	s17 =	sadd.s32 $0x60, s12;
	s18 =	simm.s32 $0xEA30  }
0x716: {  	[hbm4b:s17+s10] =	stream.linear.scatter [tilespmem:s18], [sflag:$0x9], $0x80, $0x38;
	[tilespmem:$0x10900] =	vst v63  }
0x717: {  	s14 =	sadd.s32 $0x70, s12;
	s16 =	simm.s32 $0xEAB8  }
0x718: {  	[hbm4b:s14+s10] =	stream.linear.scatter [tilespmem:s16], [sflag:$0x9], $0x80, $0x38;
	[tilespmem:$0x10900] =	vst v63  }
0x719: {  	s17 =	sadd.s32 $0x1000, s12;
	s18 =	simm.s32 $0xEB40  }
0x71a: {  	[hbm4b:s17+s10] =	stream.linear.scatter [tilespmem:s18], [sflag:$0x9], $0x80, $0x38;
	[tilespmem:$0x10900] =	vst v63  }
0x71b: {  	s14 =	sadd.s32 $0x1010, s12;
	s16 =	simm.s32 $0xEBC8  }
0x71c: {  	[hbm4b:s14+s10] =	stream.linear.scatter [tilespmem:s16], [sflag:$0x9], $0x80, $0x38;
	[tilespmem:$0x10900] =	vst v63  }
0x71d: {  	s17 =	sadd.s32 $0x1020, s12;
	s18 =	simm.s32 $0xEC50  }
0x71e: {  	[hbm4b:s17+s10] =	stream.linear.scatter [tilespmem:s18], [sflag:$0x9], $0x80, $0x38;
	[tilespmem:$0x10900] =	vst v63  }
0x71f: {  	s14 =	sadd.s32 $0x1030, s12;
	s16 =	simm.s32 $0xECD8  }
0x720: {  	[hbm4b:s14+s10] =	stream.linear.scatter [tilespmem:s16], [sflag:$0x9], $0x80, $0x38;
	[tilespmem:$0x10900] =	vst v63  }
0x721: {  	s17 =	sadd.s32 $0x1040, s12;
	s18 =	simm.s32 $0xED60  }
0x722: {  	[hbm4b:s17+s10] =	stream.linear.scatter [tilespmem:s18], [sflag:$0x9], $0x80, $0x38;
	[tilespmem:$0x10900] =	vst v63  }
0x723: {  	s14 =	sadd.s32 $0x1050, s12;
	s16 =	simm.s32 $0xEDE8  }
0x724: {  	[hbm4b:s14+s10] =	stream.linear.scatter [tilespmem:s16], [sflag:$0x9], $0x80, $0x38;
	[tilespmem:$0x10900] =	vst v63  }
0x725: {  	s17 =	sadd.s32 $0x1060, s12;
	s18 =	simm.s32 $0xEE70  }
0x726: {  	[hbm4b:s17+s10] =	stream.linear.scatter [tilespmem:s18], [sflag:$0x9], $0x80, $0x38;
	[tilespmem:$0x10900] =	vst v63  }
0x727: {  	s14 =	sadd.s32 $0x1070, s12;
	s16 =	simm.s32 $0xEEF8  }
0x728: {  	[hbm4b:s14+s10] =	stream.linear.scatter [tilespmem:s16], [sflag:$0x9], $0x80, $0x38;
	[tilespmem:$0x10900] =	vst v63  }
0x729: {  	s17 =	sadd.s32 $0x2000, s12;
	s18 =	simm.s32 $0xEF80  }
0x72a: {  	[hbm4b:s17+s10] =	stream.linear.scatter [tilespmem:s18], [sflag:$0x9], $0x80, $0x38;
	[tilespmem:$0x10900] =	vst v63  }
0x72b: {  	s14 =	sadd.s32 $0x2010, s12;
	s16 =	simm.s32 $0xF008  }
0x72c: {  	[hbm4b:s14+s10] =	stream.linear.scatter [tilespmem:s16], [sflag:$0x9], $0x80, $0x38;
	[tilespmem:$0x10900] =	vst v63  }
0x72d: {  	s17 =	sadd.s32 $0x2020, s12;
	s18 =	simm.s32 $0xF090  }
0x72e: {  	[hbm4b:s17+s10] =	stream.linear.scatter [tilespmem:s18], [sflag:$0x9], $0x80, $0x38;
	[tilespmem:$0x10900] =	vst v63  }
0x72f: {  	s14 =	sadd.s32 $0x2030, s12;
	s16 =	simm.s32 $0xF118  }
0x730: {  	[hbm4b:s14+s10] =	stream.linear.scatter [tilespmem:s16], [sflag:$0x9], $0x80, $0x38;
	[tilespmem:$0x10900] =	vst v63  }
0x731: {  	s17 =	sadd.s32 $0x2040, s12;
	s18 =	simm.s32 $0xF1A0  }
0x732: {  	[hbm4b:s17+s10] =	stream.linear.scatter [tilespmem:s18], [sflag:$0x9], $0x80, $0x38;
	[tilespmem:$0x10900] =	vst v63  }
0x733: {  	s14 =	sadd.s32 $0x2050, s12;
	s16 =	simm.s32 $0xF228  }
0x734: {  	[hbm4b:s14+s10] =	stream.linear.scatter [tilespmem:s16], [sflag:$0x9], $0x80, $0x38;
	[tilespmem:$0x10900] =	vst v63  }
0x735: {  	s17 =	sadd.s32 $0x2060, s12;
	s18 =	simm.s32 $0xF2B0  }
0x736: {  	[hbm4b:s17+s10] =	stream.linear.scatter [tilespmem:s18], [sflag:$0x9], $0x80, $0x38;
	[tilespmem:$0x10900] =	vst v63  }
0x737: {  	s14 =	sadd.s32 $0x2070, s12;
	s16 =	simm.s32 $0xF338  }
0x738: {  	[hbm4b:s14+s10] =	stream.linear.scatter [tilespmem:s16], [sflag:$0x9], $0x80, $0x38;
	[tilespmem:$0x10900] =	vst v63  }
0x739: {  	s17 =	sadd.s32 $0x3000, s12;
	s18 =	simm.s32 $0xF3C0  }
0x73a: {  	[hbm4b:s17+s10] =	stream.linear.scatter [tilespmem:s18], [sflag:$0x9], $0x80, $0x38;
	[tilespmem:$0x10900] =	vst v63  }
0x73b: {  	s14 =	sadd.s32 $0x3010, s12;
	s16 =	simm.s32 $0xF448  }
0x73c: {  	[hbm4b:s14+s10] =	stream.linear.scatter [tilespmem:s16], [sflag:$0x9], $0x80, $0x38;
	[tilespmem:$0x10900] =	vst v63  }
0x73d: {  	s17 =	sadd.s32 $0x3020, s12;
	s18 =	simm.s32 $0xF4D0  }
0x73e: {  	[hbm4b:s17+s10] =	stream.linear.scatter [tilespmem:s18], [sflag:$0x9], $0x80, $0x38;
	[tilespmem:$0x10900] =	vst v63  }
0x73f: {  	s14 =	sadd.s32 $0x3030, s12;
	s16 =	simm.s32 $0xF558  }
0x740: {  	[hbm4b:s14+s10] =	stream.linear.scatter [tilespmem:s16], [sflag:$0x9], $0x80, $0x38;
	[tilespmem:$0x10900] =	vst v63  }
0x741: {  	s17 =	sadd.s32 $0x3040, s12;
	s18 =	simm.s32 $0xF5E0  }
0x742: {  	[hbm4b:s17+s10] =	stream.linear.scatter [tilespmem:s18], [sflag:$0x9], $0x80, $0x38;
	[tilespmem:$0x10900] =	vst v63  }
0x743: {  	s14 =	sadd.s32 $0x3050, s12;
	s16 =	simm.s32 $0xF668  }
0x744: {  	[hbm4b:s14+s10] =	stream.linear.scatter [tilespmem:s16], [sflag:$0x9], $0x80, $0x38;
	[tilespmem:$0x10900] =	vst v63  }
0x745: {  	s17 =	sadd.s32 $0x3060, s12;
	s18 =	simm.s32 $0xF6F0  }
0x746: {  	[hbm4b:s17+s10] =	stream.linear.scatter [tilespmem:s18], [sflag:$0x9], $0x80, $0x38;
	[tilespmem:$0x10900] =	vst v63  }
0x747: {  	s13 =	sadd.s32 $0x3070, s12;
	s14 =	simm.s32 $0xF778  }
0x748: {  	[hbm4b:s13+s10] =	stream.linear.scatter [tilespmem:s14], [sflag:$0x9], $0x80, $0x38;
	[tilespmem:$0x10900] =	vst v63  }
0x749: {  	_ =	swait.ge [sflag:s7], $0x1000  }
0x74a: {  	[sflag:s7] =	ssyncset.done $0x0  }
0x74b: {  	[sflag:s7] =	ssyncadd.s32 $0xFFFFF000  }
0x74c: {  	_ =	swait.ge [sflag:s9], $0x1000  }
0x74d: {  	v2 =	vmov s10;
	[sflag:s9] =	ssyncset.done $0x0  }
0x74e: {  	v2 =	vand.u32 $0x7C, v2;
	s10 =	simm.s32 $0xA440;
	[sflag:s9] =	ssyncadd.s32 $0xFFFFF000  }
0x74f: {  	v4 =	vadd.s32 v0, v2;
	v3 =	vld [tilespmem:s10+$0xFFFFFFC0]  }
0x750: {  	v2 =	vadd.s32 v1, v2;
	v5 =	vld [tilespmem:s10+$0xFFFFFFD0];
	_ =	sdelay $0x2  }
0x751: {  	s16 =	simm.s32 $0x1  }
0x752: {  	[tilespmem:v4+s25+$0x0] =	vst.idx.msk $0xffff, v3;
	v3 =	vmov s16  }
0x753: {  	[tilespmem:v2+s25+$0x0] =	vst.idx.msk $0xffff, v5;
	v2 =	vand.u32 $0x7D, v3  }
0x754: {  	v3 =	vld [tilespmem:s10+$0xFFFFFFE0];
	v4 =	vadd.s32 v0, v2  }
0x755: {  	v5 =	vld [tilespmem:s10+$0xFFFFFFF0];
	v2 =	vadd.s32 v1, v2;
	_ =	sdelay $0x2  }
0x756: {  	s17 =	simm.s32 $0x2  }
0x757: {  	[tilespmem:v4+s25+$0x0] =	vst.idx.msk $0xffff, v3;
	v3 =	vmov s17  }
0x758: {  	[tilespmem:v2+s25+$0x0] =	vst.idx.msk $0xffff, v5;
	v2 =	vand.u32 $0x7E, v3  }
0x759: {  	v3 =	vld [tilespmem:s10+$0x0];
	v4 =	vadd.s32 v0, v2  }
0x75a: {  	v5 =	vld [tilespmem:s10+$0x10];
	v2 =	vadd.s32 v1, v2;
	_ =	sdelay $0x2  }
0x75b: {  	s18 =	simm.s32 $0x3  }
0x75c: {  	[tilespmem:v4+s25+$0x0] =	vst.idx.msk $0xffff, v3;
	v3 =	vmov s18  }
0x75d: {  	[tilespmem:v2+s25+$0x0] =	vst.idx.msk $0xffff, v5;
	v3 =	vand.u32 $0x7F, v3  }
0x75e: {  	v5 =	vld [tilespmem:s10+$0x20];
	v6 =	vadd.s32 v0, v3;
	_ =	sdelay $0x1  }
0x75f: {  	v2 =	vld [tilespmem:s10+$0x30];
	v3 =	vadd.s32 v1, v3;
	_ =	sdelay $0x1  }
0x760: {  	s11 =	simm.s32 $0x4  }
0x761: {  	s12 =	simm.s32 $0x8;
	v4 =	vmov s11;
	[tilespmem:v6+s25+$0x0] =	vst.idx.msk $0xffff, v5  }
.LBB2_32:
0x762: {  	p0 =	slt.u32 s12, $0x7C  }
0x763: {  	v4 =	vand.u32 $0x7C, v4;
	[tilespmem:v3+s25+$0x0] =	vst.idx.msk $0xffff, v2;
	s10 =	sadd.s32 $0x80, s10;
	s13 =	smov.u32 s12;
	s12 =	sadd.s32 $0x4, s12  }
0x764: {  	v2 =	vld [tilespmem:s10+$0xFFFFFFC0];
	v3 =	vadd.s32 v0, v4  }
0x765: {  	v4 =	vadd.s32 v1, v4;
	v5 =	vld [tilespmem:s10+$0xFFFFFFD0];
	_ =	sdelay $0x2  }
0x766: {  	s14 =	sadd.s32 $0x1, s11  }
0x767: {  	[tilespmem:v3+s25+$0x0] =	vst.idx.msk $0xffff, v2;
	v2 =	vmov s14  }
0x768: {  	[tilespmem:v4+s25+$0x0] =	vst.idx.msk $0xffff, v5;
	v2 =	vand.u32 $0x7D, v2  }
0x769: {  	v3 =	vld [tilespmem:s10+$0xFFFFFFE0];
	v4 =	vadd.s32 v0, v2  }
0x76a: {  	v2 =	vadd.s32 v1, v2;
	v5 =	vld [tilespmem:s10+$0xFFFFFFF0];
	_ =	sdelay $0x2  }
0x76b: {  	s14 =	sadd.s32 $0x2, s11  }
0x76c: {  	[tilespmem:v4+s25+$0x0] =	vst.idx.msk $0xffff, v3;
	v3 =	vmov s14  }
0x76d: {  	[tilespmem:v2+s25+$0x0] =	vst.idx.msk $0xffff, v5;
	v2 =	vand.u32 $0x7E, v3  }
0x76e: {  	v3 =	vld [tilespmem:s10+$0x0];
	v4 =	vadd.s32 v0, v2  }
0x76f: {  	v2 =	vadd.s32 v1, v2;
	v5 =	vld [tilespmem:s10+$0x10];
	_ =	sdelay $0x2  }
0x770: {  	s14 =	sadd.s32 $0x3, s11;
	s11 =	smov.u32 s13  }
0x771: {  	[tilespmem:v4+s25+$0x0] =	vst.idx.msk $0xffff, v3;
	v3 =	vmov s14  }
0x772: {  	[tilespmem:v2+s25+$0x0] =	vst.idx.msk $0xffff, v5;
	v3 =	vand.u32 $0x7F, v3  }
0x773: {  	v5 =	vld [tilespmem:s10+$0x20];
	v6 =	vadd.s32 v0, v3  }
.Ltmp15:
0x774: {  	v3 =	vadd.s32 v1, v3;
	v2 =	vld [tilespmem:s10+$0x30];
	(pc) =	sbr.rel @p0 .LBB2_32-.Ltmp15, $2  }
0x775: {  	_ =	sdelay $0x2  }
0x776: {  	v4 =	vmov s11;
	[tilespmem:v6+s25+$0x0] =	vst.idx.msk $0xffff, v5  }
0x777: {  	_ =	sdelay $0x3  }
0x778: {  	v4 =	vand.u32 $0x7C, v4;
	[tilespmem:v3+s25+$0x0] =	vst.idx.msk $0xffff, v2;
	s10 =	sadd.s32 $0x80, s10  }
0x779: {  	v2 =	vld [tilespmem:s10+$0xFFFFFFC0];
	v3 =	vadd.s32 v0, v4  }
0x77a: {  	v5 =	vld [tilespmem:s10+$0xFFFFFFD0];
	v4 =	vadd.s32 v1, v4;
	_ =	sdelay $0x2  }
0x77b: {  	s12 =	sadd.s32 $0x1, s11  }
0x77c: {  	[tilespmem:v3+s25+$0x0] =	vst.idx.msk $0xffff, v2;
	v2 =	vmov s12  }
0x77d: {  	[tilespmem:v4+s25+$0x0] =	vst.idx.msk $0xffff, v5;
	v2 =	vand.u32 $0x7D, v2  }
0x77e: {  	v3 =	vld [tilespmem:s10+$0xFFFFFFE0];
	v60 =	vadd.s32 v0, v2  }
0x77f: {  	v5 =	vld [tilespmem:s10+$0xFFFFFFF0];
	v2 =	vadd.s32 v1, v2;
	_ =	sdelay $0x2  }
0x780: {  	s18 =	sadd.s32 $0x2, s11  }
0x781: {  	v6 =	vmov s18;
	[tilespmem:v60+s25+$0x0] =	vst.idx.msk $0xffff, v3  }
0x782: {  	[tilespmem:v2+s25+$0x0] =	vst.idx.msk $0xffff, v5;
	v2 =	vand.u32 $0x7E, v6  }
0x783: {  	v3 =	vld [tilespmem:s10+$0x0];
	v61 =	vadd.s32 v0, v2  }
0x784: {  	v5 =	vld [tilespmem:s10+$0x10];
	v2 =	vadd.s32 v1, v2;
	_ =	sdelay $0x2  }
0x785: {  	s13 =	sadd.s32 $0x3, s11  }
0x786: {  	v62 =	vmov s13;
	[tilespmem:v61+s25+$0x0] =	vst.idx.msk $0xffff, v3  }
0x787: {  	[tilespmem:v2+s25+$0x0] =	vst.idx.msk $0xffff, v5;
	v2 =	vand.u32 $0x7F, v62  }
0x788: {  	v3 =	vld [tilespmem:s10+$0x20];
	v63 =	vadd.s32 v0, v2  }
0x789: {  	v5 =	vld [tilespmem:s10+$0x30];
	v2 =	vadd.s32 v1, v2;
	_ =	sdelay $0x3  }
0x78a: {  	[tilespmem:v63+s25+$0x0] =	vst.idx.msk $0xffff, v3  }
0x78b: {  	[tilespmem:v2+s25+$0x0] =	vst.idx.msk $0xffff, v5  }
0x78c: {  	[hbm4b:s19+s3] =	stream.linear.scatter [tilespmem:s25], [sflag:$0xA], $0x80, $0x38;
	[tilespmem:$0x10900] =	vst v63  }
0x78d: {  	s14 =	sadd.s32 $0x10, s19;
	s16 =	simm.s32 $0xF888  }
0x78e: {  	[hbm4b:s14+s3] =	stream.linear.scatter [tilespmem:s16], [sflag:$0xA], $0x80, $0x38;
	[tilespmem:$0x10900] =	vst v63  }
0x78f: {  	s17 =	sadd.s32 $0x20, s19;
	s18 =	simm.s32 $0xF910  }
0x790: {  	[hbm4b:s17+s3] =	stream.linear.scatter [tilespmem:s18], [sflag:$0xA], $0x80, $0x38;
	[tilespmem:$0x10900] =	vst v63  }
0x791: {  	s13 =	simm.s32 $0xF998;
	s12 =	sadd.s32 $0x30, s19  }
0x792: {  	[hbm4b:s12+s3] =	stream.linear.scatter [tilespmem:s13], [sflag:$0xA], $0x80, $0x38;
	[tilespmem:$0x10900] =	vst v63  }
0x793: {  	s14 =	sadd.s32 $0x40, s19;
	s16 =	simm.s32 $0xFA20  }
0x794: {  	[hbm4b:s14+s3] =	stream.linear.scatter [tilespmem:s16], [sflag:$0xA], $0x80, $0x38;
	[tilespmem:$0x10900] =	vst v63  }
0x795: {  	s17 =	sadd.s32 $0x50, s19;
	s18 =	simm.s32 $0xFAA8  }
0x796: {  	[hbm4b:s17+s3] =	stream.linear.scatter [tilespmem:s18], [sflag:$0xA], $0x80, $0x38;
	[tilespmem:$0x10900] =	vst v63  }
0x797: {  	s12 =	sadd.s32 $0x60, s19;
	s13 =	simm.s32 $0xFB30  }
0x798: {  	[hbm4b:s12+s3] =	stream.linear.scatter [tilespmem:s13], [sflag:$0xA], $0x80, $0x38;
	[tilespmem:$0x10900] =	vst v63  }
0x799: {  	s14 =	sadd.s32 $0x70, s19;
	s16 =	simm.s32 $0xFBB8  }
0x79a: {  	[hbm4b:s14+s3] =	stream.linear.scatter [tilespmem:s16], [sflag:$0xA], $0x80, $0x38;
	[tilespmem:$0x10900] =	vst v63  }
0x79b: {  	s17 =	sadd.s32 $0x1000, s19;
	s18 =	simm.s32 $0xFC40  }
0x79c: {  	[hbm4b:s17+s3] =	stream.linear.scatter [tilespmem:s18], [sflag:$0xA], $0x80, $0x38;
	[tilespmem:$0x10900] =	vst v63  }
0x79d: {  	s12 =	sadd.s32 $0x1010, s19;
	s13 =	simm.s32 $0xFCC8  }
0x79e: {  	[hbm4b:s12+s3] =	stream.linear.scatter [tilespmem:s13], [sflag:$0xA], $0x80, $0x38;
	[tilespmem:$0x10900] =	vst v63  }
0x79f: {  	s14 =	sadd.s32 $0x1020, s19;
	s16 =	simm.s32 $0xFD50  }
0x7a0: {  	[hbm4b:s14+s3] =	stream.linear.scatter [tilespmem:s16], [sflag:$0xA], $0x80, $0x38;
	[tilespmem:$0x10900] =	vst v63  }
0x7a1: {  	s17 =	sadd.s32 $0x1030, s19;
	s18 =	simm.s32 $0xFDD8  }
0x7a2: {  	[hbm4b:s17+s3] =	stream.linear.scatter [tilespmem:s18], [sflag:$0xA], $0x80, $0x38;
	[tilespmem:$0x10900] =	vst v63  }
0x7a3: {  	s12 =	sadd.s32 $0x1040, s19;
	s13 =	simm.s32 $0xFE60  }
0x7a4: {  	[hbm4b:s12+s3] =	stream.linear.scatter [tilespmem:s13], [sflag:$0xA], $0x80, $0x38;
	[tilespmem:$0x10900] =	vst v63  }
0x7a5: {  	s14 =	sadd.s32 $0x1050, s19;
	s16 =	simm.s32 $0xFEE8  }
0x7a6: {  	[hbm4b:s14+s3] =	stream.linear.scatter [tilespmem:s16], [sflag:$0xA], $0x80, $0x38;
	[tilespmem:$0x10900] =	vst v63  }
0x7a7: {  	s17 =	sadd.s32 $0x1060, s19;
	s18 =	simm.s32 $0xFF70  }
0x7a8: {  	[hbm4b:s17+s3] =	stream.linear.scatter [tilespmem:s18], [sflag:$0xA], $0x80, $0x38;
	[tilespmem:$0x10900] =	vst v63  }
0x7a9: {  	s12 =	sadd.s32 $0x1070, s19;
	s13 =	simm.s32 $0xFFF8  }
0x7aa: {  	[hbm4b:s12+s3] =	stream.linear.scatter [tilespmem:s13], [sflag:$0xA], $0x80, $0x38;
	[tilespmem:$0x10900] =	vst v63  }
0x7ab: {  	s14 =	sadd.s32 $0x2000, s19;
	s16 =	simm.s32 $0x10080  }
0x7ac: {  	[hbm4b:s14+s3] =	stream.linear.scatter [tilespmem:s16], [sflag:$0xA], $0x80, $0x38;
	[tilespmem:$0x10900] =	vst v63  }
0x7ad: {  	s17 =	sadd.s32 $0x2010, s19;
	s18 =	simm.s32 $0x10108  }
0x7ae: {  	[hbm4b:s17+s3] =	stream.linear.scatter [tilespmem:s18], [sflag:$0xA], $0x80, $0x38;
	[tilespmem:$0x10900] =	vst v63  }
0x7af: {  	s12 =	sadd.s32 $0x2020, s19;
	s13 =	simm.s32 $0x10190  }
0x7b0: {  	[hbm4b:s12+s3] =	stream.linear.scatter [tilespmem:s13], [sflag:$0xA], $0x80, $0x38;
	[tilespmem:$0x10900] =	vst v63  }
0x7b1: {  	s14 =	sadd.s32 $0x2030, s19;
	s16 =	simm.s32 $0x10218  }
0x7b2: {  	[hbm4b:s14+s3] =	stream.linear.scatter [tilespmem:s16], [sflag:$0xA], $0x80, $0x38;
	[tilespmem:$0x10900] =	vst v63  }
0x7b3: {  	s17 =	sadd.s32 $0x2040, s19;
	s18 =	simm.s32 $0x102A0  }
0x7b4: {  	[hbm4b:s17+s3] =	stream.linear.scatter [tilespmem:s18], [sflag:$0xA], $0x80, $0x38;
	[tilespmem:$0x10900] =	vst v63  }
0x7b5: {  	s12 =	sadd.s32 $0x2050, s19;
	s13 =	simm.s32 $0x10328  }
0x7b6: {  	[hbm4b:s12+s3] =	stream.linear.scatter [tilespmem:s13], [sflag:$0xA], $0x80, $0x38;
	[tilespmem:$0x10900] =	vst v63  }
0x7b7: {  	s14 =	sadd.s32 $0x2060, s19;
	s16 =	simm.s32 $0x103B0  }
0x7b8: {  	[hbm4b:s14+s3] =	stream.linear.scatter [tilespmem:s16], [sflag:$0xA], $0x80, $0x38;
	[tilespmem:$0x10900] =	vst v63  }
0x7b9: {  	s17 =	sadd.s32 $0x2070, s19;
	s18 =	simm.s32 $0x10438  }
0x7ba: {  	[hbm4b:s17+s3] =	stream.linear.scatter [tilespmem:s18], [sflag:$0xA], $0x80, $0x38;
	[tilespmem:$0x10900] =	vst v63  }
0x7bb: {  	s12 =	sadd.s32 $0x3000, s19;
	s13 =	simm.s32 $0x104C0  }
0x7bc: {  	[hbm4b:s12+s3] =	stream.linear.scatter [tilespmem:s13], [sflag:$0xA], $0x80, $0x38;
	[tilespmem:$0x10900] =	vst v63  }
0x7bd: {  	s14 =	sadd.s32 $0x3010, s19;
	s16 =	simm.s32 $0x10548  }
0x7be: {  	[hbm4b:s14+s3] =	stream.linear.scatter [tilespmem:s16], [sflag:$0xA], $0x80, $0x38;
	[tilespmem:$0x10900] =	vst v63  }
0x7bf: {  	s17 =	sadd.s32 $0x3020, s19;
	s18 =	simm.s32 $0x105D0  }
0x7c0: {  	[hbm4b:s17+s3] =	stream.linear.scatter [tilespmem:s18], [sflag:$0xA], $0x80, $0x38;
	[tilespmem:$0x10900] =	vst v63  }
0x7c1: {  	s12 =	sadd.s32 $0x3030, s19;
	s13 =	simm.s32 $0x10658  }
0x7c2: {  	[hbm4b:s12+s3] =	stream.linear.scatter [tilespmem:s13], [sflag:$0xA], $0x80, $0x38;
	[tilespmem:$0x10900] =	vst v63  }
0x7c3: {  	s14 =	sadd.s32 $0x3040, s19;
	s16 =	simm.s32 $0x106E0  }
0x7c4: {  	[hbm4b:s14+s3] =	stream.linear.scatter [tilespmem:s16], [sflag:$0xA], $0x80, $0x38;
	[tilespmem:$0x10900] =	vst v63  }
0x7c5: {  	s17 =	sadd.s32 $0x3050, s19;
	s18 =	simm.s32 $0x10768  }
0x7c6: {  	[hbm4b:s17+s3] =	stream.linear.scatter [tilespmem:s18], [sflag:$0xA], $0x80, $0x38;
	[tilespmem:$0x10900] =	vst v63  }
0x7c7: {  	s12 =	sadd.s32 $0x3060, s19;
	s13 =	simm.s32 $0x107F0  }
0x7c8: {  	[hbm4b:s12+s3] =	stream.linear.scatter [tilespmem:s13], [sflag:$0xA], $0x80, $0x38;
	[tilespmem:$0x10900] =	vst v63  }
0x7c9: {  	s14 =	sadd.s32 $0x3070, s19;
	s16 =	simm.s32 $0x10878  }
0x7ca: {  	[hbm4b:s14+s3] =	stream.linear.scatter [tilespmem:s16], [sflag:$0xA], $0x80, $0x38;
	[tilespmem:$0x10900] =	vst v63  }
0x7cb: {  	_ =	swait.ge [sflag:s29], $0x1000  }
0x7cc: {  	[sflag:s29] =	ssyncset.done $0x0  }
0x7cd: {  	[sflag:s29] =	ssyncadd.s32 $0xFFFFF000  }
0x7ce: {  	_ =	swait.ge [sflag:s21], $0x1000  }
0x7cf: {  	[sflag:s21] =	ssyncset.done $0x0  }
0x7d0: {  	[sflag:s21] =	ssyncadd.s32 $0xFFFFF000  }
0x7d1: {  	_ =	swait.ge [sflag:s26], $0x1000  }
0x7d2: {  	[sflag:s26] =	ssyncset.done $0x0  }
0x7d3: {  	[sflag:s26] =	ssyncadd.s32 $0xFFFFF000  }
0x7d4: {  	_ =	swait.ge [sflag:s8], $0x1000  }
0x7d5: {  	[sflag:s8] =	ssyncset.done $0x0  }
0x7d6: {  	[sflag:s8] =	ssyncadd.s32 $0xFFFFF000  }
0x7d7: {  	_ =	swait.ge [sflag:s9], $0x1000  }
0x7d8: {  	s17 =	rddreg [dreg:$0x11]  }
0x7d9: {  	s18 =	rddreg [dreg:$0x10];
	s11 =	sadd.s32 $0x1, s17  }
0x7da: {  	p0 =	sne.s32 s11, s18  }
.Ltmp16:
0x7db: {  	_ = 	snop;
	(pc) =	sbr.rel @p0 .LBB2_1-.Ltmp16, $3  }
0x7dc: {  	_ =	sdelay $0x1  }
0x7dd: {  	[sflag:s9] =	ssyncset.done $0x0  }
0x7de: {  	[sflag:s9] =	ssyncadd.s32 $0xFFFFF000  }
0x7df: {  	_ =	sfence.sel $0x180000  }
0x7e0: {  	[bflag:$0x0] =	sbarrier.arrive $0xFFFF  }
0x7e1: {  	_ =	strace $0x90000047  }
0x7e2: {  	s0 =	stileid.u32;
	[bflag:$0x2] =	sbarrier.arrive $0xFFFF  }
0x7e3: {  	p0 =	sne.s32 s0, $0x0;
	s0 =	rddreg [dreg:$0x3]  }
0x7e4: {  	s0 =	sadd.s32 @!p0 $0x100000, s0  }
0x7e5: {  	[sflag:s0] =	ssyncadd.tile.s32 @!p0 $0x1;
	_ =	shalt  }
.Lfunc_end2:
_tile_overlayer_lowered:
.L_overlay_start_2:
0x7e6: {  	(tag) =	ssettag $0x2  }
0x7e7: {  	s0 =	rddreg [dreg:$0x0];
	s2 =	stileid.u32  }
0x7e8: {  	s1 =	rddreg [dreg:$0x1];
	p0 =	sne.s32 s2, $0x0  }
0x7e9: {  	s3 =	rddreg [dreg:$0x2];
	[bflag:$0x3] =	sbarrier.arrive $0xFFFF;
	s2 =	simm.s32 @!p0 $0x1C0C  }
0x7ea: {  	[timem:s3], [sflag:s2] =	dma.local @!p0 [hbm:s0], s1  }
0x7eb: {  	s0 =	simm.s32 @!p0 $0xC  }
0x7ec: {  	_ =	swait.ge @!p0 [sflag:s0], s1  }
0x7ed: {  	s1 =	ssub.s32 @!p0 $0x0, s1;
	[sflag:s0] =	ssyncset.done @!p0 $0x0  }
0x7ee: {  	[sflag:s0] =	ssyncadd.s32 @!p0 s1  }
0x7ef: {  	[bflag:$0x3] =	sbarrier.arrive $0xFFFF  }
0x7f0: {  	_ =	shalt  }

</sc_bundles>
